<compile_context>
chip_gen: v7x
topology: tpu7x:2x2x1
jax: 0.10.2.dev20260603
libtpu: 0.0.44.dev20260713+nightly
codegen_flags: <defaults>
</compile_context>

<pallas_src>
import jax
import jax.numpy as jnp
from jax.experimental import pallas as pl
from jax.experimental.pallas import tpu as pltpu
from jax.experimental.pallas import tpu_sc as plsc

NUM_K = 8192
DIM = 64
BATCH = 8
TOKENS_PER_ROW = 1024
N_TOKENS = BATCH * TOKENS_PER_ROW
KBLK = 2048
NK = NUM_K // KBLK
TBLK0 = TOKENS_PER_ROW
N1 = N_TOKENS - TBLK0
TBLK1 = N1 // 2


def _dot2(u_ref, wt2_ref):
    return jax.lax.dot_general(
        u_ref[...], wt2_ref[...], (((1,), (0,)), ((), ())),
        preferred_element_type=jnp.float32)


def _block_argmin(dist, bmin, k):
    iota = jax.lax.broadcasted_iota(
        jnp.int32, dist.shape, 1).astype(jnp.float32)
    barg_f = jnp.min(jnp.where(dist == bmin, iota, jnp.float32(2.0 ** 30)),
                     axis=1, keepdims=True)
    return barg_f.astype(jnp.int32) + k * KBLK




def _a0_fast_body(u_ref, wt2_ref, a_ref, min_ref, arg_ref):
    k = pl.program_id(0)
    nk = pl.num_programs(0)
    c2 = _dot2(u_ref, wt2_ref)
    a = a_ref[...]
    bmax = jnp.max(c2, axis=1, keepdims=True)
    bmin_d = a - bmax
    dist = a - c2
    barg = _block_argmin(dist, bmin_d, k)

    @pl.when(k == 0)
    def _():
        arg_ref[...] = barg
        min_ref[...] = bmax

    @pl.when(k != 0)
    def _():
        run_d = a - min_ref[...]
        arg_ref[...] = jnp.where(bmin_d < run_d, barg, arg_ref[...])
        min_ref[...] = jnp.maximum(min_ref[...], bmax)

    @pl.when(k == nk - 1)
    def _():
        min_ref[...] = a - min_ref[...]


def _a0_exact_body(u_ref, wt2_ref, a_ref, b_ref, min_ref, arg_ref):
    k = pl.program_id(0)
    c2 = _dot2(u_ref, wt2_ref)
    dist = (a_ref[...] + b_ref[...]) - c2
    bmin = jnp.min(dist, axis=1, keepdims=True)
    barg = _block_argmin(dist, bmin, k)

    @pl.when(k == 0)
    def _():
        arg_ref[...] = barg
        min_ref[...] = bmin

    @pl.when(k != 0)
    def _():
        arg_ref[...] = jnp.where(bmin < min_ref[...], barg, arg_ref[...])
        min_ref[...] = jnp.minimum(min_ref[...], bmin)


def _a1_fast_body(u_ref, wt2_ref, a_ref, min_ref):
    k = pl.program_id(1)
    nk = pl.num_programs(1)
    c2 = _dot2(u_ref, wt2_ref)
    bmax = jnp.max(c2, axis=1, keepdims=True)

    @pl.when(k == 0)
    def _():
        min_ref[...] = bmax

    @pl.when(k != 0)
    def _():
        min_ref[...] = jnp.maximum(min_ref[...], bmax)

    @pl.when(k == nk - 1)
    def _():
        min_ref[...] = a_ref[...] - min_ref[...]


def _a1_exact_body(u_ref, wt2_ref, a_ref, b_ref, min_ref):
    k = pl.program_id(1)
    c2 = _dot2(u_ref, wt2_ref)
    dist = (a_ref[...] + b_ref[...]) - c2
    bmin = jnp.min(dist, axis=1, keepdims=True)

    @pl.when(k == 0)
    def _():
        min_ref[...] = bmin

    @pl.when(k != 0)
    def _():
        min_ref[...] = jnp.minimum(min_ref[...], bmin)


def _sort_body(key_ref, out_ref):
    keys = key_ref[...]
    n = keys.shape[1]
    pos = jax.lax.broadcasted_iota(jnp.int32, keys.shape, 1)
    i = pos

    def partner(x, j, lower):
        fwd = jnp.roll(x, -j, axis=1)
        bwd = jnp.roll(x, j, axis=1)
        return jnp.where(lower, fwd, bwd)

    k = 2
    while k <= n:
        j = k // 2
        while j >= 1:
            lower = (i & j) == 0
            pk = partner(keys, j, lower)
            pp = partner(pos, j, lower)
            asc = (i & k) == 0
            lt = (pk < keys) | ((pk == keys) & (pp < pos))
            take = lt == (lower == asc)
            keys = jnp.where(take, pk, keys)
            pos = jnp.where(take, pp, pos)
            j //= 2
        k *= 2
    out_ref[...] = pos


def _permute_body(ord_ref, w0_ref, o_ref):
    oh = (jax.lax.broadcasted_iota(jnp.int32,
                                   (ord_ref.shape[0], TOKENS_PER_ROW), 1)
          == ord_ref[...]).astype(jnp.float32)
    o_ref[...] = jnp.dot(oh, w0_ref[...], preferred_element_type=jnp.float32)


def _sc_gather(weight, idx2d, n_rows):
    mesh = plsc.VectorSubcoreMesh(core_axis_name="core",
                                  subcore_axis_name="subcore")
    window = max(128, min(256, n_rows // 32))
    wpad = jnp.pad(weight, ((0, 0), (0, 128 - DIM)))

    @pl.kernel(out_type=jax.ShapeDtypeStruct((n_rows, 128), weight.dtype),
               mesh=mesh)
    def kern(x_hbm, i_hbm, o_hbm):
        def body(i_vmem, o_vmem):
            pltpu.sync_copy(x_hbm.at[i_vmem.at[0]], o_vmem)

        pltpu.emit_pipeline(
            body,
            grid=(n_rows // window,),
            in_specs=[pl.BlockSpec((1, window), lambda i: (0, i))],
            out_specs=[pl.BlockSpec((window, 128), lambda i: (i, 0))],
            core_axis_name=("core", "subcore"),
            dimension_semantics=(pltpu.PARALLEL,),
        )(i_hbm, o_hbm)

    return kern(wpad, idx2d)[:, :DIM]


def kernel(inputs, weight):
    input_shape = inputs.shape
    flat = inputs.reshape(-1, DIM)
    wt2 = 2.0 * weight.T
    a = jnp.sum(flat ** 2, axis=1, keepdims=True)
    b = jnp.sum(weight ** 2, axis=1)[None, :]
    all_fast = (jnp.min(a) >= 16.0) & (jnp.max(b) < 2.0 ** -20)

    flat0, flat1 = flat[:TBLK0], flat[TBLK0:]
    a0, a1 = a[:TBLK0], a[TBLK0:]

    a0_specs = dict(
        grid=(NK,),
        out_specs=[
            pl.BlockSpec((TBLK0, 1), lambda k: (0, 0)),
            pl.BlockSpec((TBLK0, 1), lambda k: (0, 0)),
        ],
        out_shape=[
            jax.ShapeDtypeStruct((TBLK0, 1), jnp.float32),
            jax.ShapeDtypeStruct((TBLK0, 1), jnp.int32),
        ],
    )
    a1_specs = dict(
        grid=(N1 // TBLK1, NK),
        out_specs=pl.BlockSpec((TBLK1, 1), lambda t, k: (t, 0)),
        out_shape=jax.ShapeDtypeStruct((N1, 1), jnp.float32),
        compiler_params=pltpu.CompilerParams(
            dimension_semantics=("parallel", "arbitrary")),
    )

    def _run_fast(ops):
        flat0, flat1, wt2, a0, a1, _ = ops
        mins0, args = pl.pallas_call(
            _a0_fast_body,
            in_specs=[
                pl.BlockSpec((TBLK0, DIM), lambda k: (0, 0)),
                pl.BlockSpec((DIM, KBLK), lambda k: (0, k)),
                pl.BlockSpec((TBLK0, 1), lambda k: (0, 0)),
            ],
            **a0_specs,
        )(flat0, wt2, a0)
        mins1 = pl.pallas_call(
            _a1_fast_body,
            in_specs=[
                pl.BlockSpec((TBLK1, DIM), lambda t, k: (t, 0)),
                pl.BlockSpec((DIM, KBLK), lambda t, k: (0, k)),
                pl.BlockSpec((TBLK1, 1), lambda t, k: (t, 0)),
            ],
            **a1_specs,
        )(flat1, wt2, a1)
        return mins0, args, mins1

    def _run_exact(ops):
        flat0, flat1, wt2, a0, a1, b = ops
        mins0, args = pl.pallas_call(
            _a0_exact_body,
            in_specs=[
                pl.BlockSpec((TBLK0, DIM), lambda k: (0, 0)),
                pl.BlockSpec((DIM, KBLK), lambda k: (0, k)),
                pl.BlockSpec((TBLK0, 1), lambda k: (0, 0)),
                pl.BlockSpec((1, KBLK), lambda k: (0, k)),
            ],
            **a0_specs,
        )(flat0, wt2, a0, b)
        mins1 = pl.pallas_call(
            _a1_exact_body,
            in_specs=[
                pl.BlockSpec((TBLK1, DIM), lambda t, k: (t, 0)),
                pl.BlockSpec((DIM, KBLK), lambda t, k: (0, k)),
                pl.BlockSpec((TBLK1, 1), lambda t, k: (t, 0)),
                pl.BlockSpec((1, KBLK), lambda t, k: (0, k)),
            ],
            **a1_specs,
        )(flat1, wt2, a1, b)
        return mins0, args, mins1

    mins0, args, mins1 = jax.lax.cond(all_fast, _run_fast, _run_exact,
                                      (flat0, flat1, wt2, a0, a1, b))

    enc0 = args[:, 0]
    w0 = _sc_gather(weight, enc0.reshape(1, TOKENS_PER_ROW), TOKENS_PER_ROW)

    keys = jnp.concatenate([mins0, mins1], axis=0)[:, 0].reshape(
        BATCH, TOKENS_PER_ROW)
    order = pl.pallas_call(
        _sort_body,
        in_specs=[
            pl.BlockSpec((BATCH, TOKENS_PER_ROW), lambda: (0, 0)),
        ],
        out_specs=pl.BlockSpec((BATCH, TOKENS_PER_ROW), lambda: (0, 0)),
        out_shape=jax.ShapeDtypeStruct((BATCH, TOKENS_PER_ROW), jnp.int32),
    )(keys)

    pblk = 2048
    gathered = pl.pallas_call(
        _permute_body,
        grid=(N_TOKENS // pblk,),
        in_specs=[
            pl.BlockSpec((pblk, 1), lambda i: (i, 0)),
            pl.BlockSpec((TOKENS_PER_ROW, DIM), lambda i: (0, 0)),
        ],
        out_specs=pl.BlockSpec((pblk, DIM), lambda i: (i, 0)),
        out_shape=jax.ShapeDtypeStruct((N_TOKENS, DIM), jnp.float32),
        compiler_params=pltpu.CompilerParams(
            dimension_semantics=("parallel",)),
    )(order.reshape(N_TOKENS, 1), w0)
    return gathered.reshape(input_shape)

# --- scband reference (transcript-rebuilt; emitter-appended) ---
"""Pipeline reference for scband-vector-quantizer-ema-30631706755895 (READ-ONLY COPY).

The authoritative reference and input builder live on the scoring server;
editing this copy changes nothing except your own understanding.
"""

import jax, jax.numpy as jnp
import numpy as np

NUM_EMBEDDINGS = 8192
EMBEDDING_DIM = 64
B, T = 8, 1024


def setup_inputs(seed: int = 0) -> dict:
    key = jax.random.key(seed)
    k1, k2 = jax.random.split(key)
    inputs = jax.random.normal(k1, (B, T, EMBEDDING_DIM), dtype=jnp.float32)
    # embedding initialized uniform(-1/K, 1/K) as in the torch module
    weight = jax.random.uniform(k2, (NUM_EMBEDDINGS, EMBEDDING_DIM),
                                minval=-1.0 / NUM_EMBEDDINGS,
                                maxval=1.0 / NUM_EMBEDDINGS,
                                dtype=jnp.float32)
    return {"inputs": inputs, "weight": weight}


def _euclidian_distance(u, v):
    # ||u||^2 + ||v||^2 - 2 u v^T  -> [N, K]
    return (jnp.sum(u ** 2, axis=1, keepdims=True)
            + jnp.sum(v ** 2, axis=1)
            - 2.0 * (u @ v.T))


def reference(inputs, weight):
    input_shape = inputs.shape
    d = weight.shape[1]
    K = weight.shape[0]
    flat = inputs.reshape(-1, d)
    distances = _euclidian_distance(flat, weight)
    # sample(): non-unique path
    sampled_dist = jnp.min(distances, axis=1)
    encoding_indices = jnp.argmin(distances, axis=1)
    encoding_indices = encoding_indices.reshape(input_shape[0], -1)
    sampled_dist = sampled_dist.reshape(input_shape[0], -1)
    encoding_indices = encoding_indices.reshape(-1)
    # faithful replication of: idx = idx[argsort(sampled_dist, dim=1).view(-1)]
    order = jnp.argsort(sampled_dist, axis=1).reshape(-1)
    encoding_indices = encoding_indices[order]
    # one-hot encodings + matmul with codebook (as in torch scatter_ + matmul)
    encodings = jax.nn.one_hot(encoding_indices, K, dtype=flat.dtype)
    quantized = (encodings @ weight).reshape(input_shape)
    return quantized

if __name__ == "__main__":
    import jax
    _d = setup_inputs()
    print(jax.jit(kernel)(*tuple(_d.values())))

</pallas_src>

<mosaic_0001>
#map = affine_map<(d0, d1) -> (0, 0)>
module attributes {stable_mosaic.version = 14 : i64} {
  func.func @kern(%arg0: i32, %arg1: i32, %arg2: memref<8192x128xf32, #tpu.memory_space<hbm>>, %arg3: memref<1x1024xi32, #tpu.memory_space<hbm>>, %arg4: memref<1024x128xf32, #tpu.memory_space<hbm>>) attributes {dimension_semantics = [#tpu.dimension_semantics<core_parallel>, #tpu.dimension_semantics<subcore_parallel>], iteration_bounds = array<i64: 2, 16>, scalar_prefetch = 0 : i64, scratch_operands = 0 : i64, tpu.core_type = #tpu.core_type<sc_vector_subcore>, window_params = [{transform_indices = #map}, {transform_indices = #map}, {transform_indices = #map}]} {
    %mul3A = arith.constant 1 : i32
    %mul3A_0 = arith.muli %arg1, %mul3A : i32
    %add3A = arith.constant 0 : i32
    %add3A_1 = arith.addi %add3A, %mul3A_0 : i32
    %mul3A_2 = arith.constant 16 : i32
    %mul3A_3 = arith.muli %arg0, %mul3A_2 : i32
    %add3A_4 = arith.addi %add3A_1, %mul3A_3 : i32
    %lt3A = arith.constant 8 : i32
    %lt3A_5 = arith.cmpi slt, %add3A_4, %lt3A : i32
    %jit3A = arith.constant 1 : i32
    %jit3A_6 = arith.constant 0 : i32
    %select_n3A = arith.select %lt3A_5, %jit3A, %jit3A_6 : i32
    %lt3A_7 = arith.constant 8 : i32
    %lt3A_8 = arith.cmpi slt, %add3A_4, %lt3A_7 : i32
    %mul3A_9 = arith.muli %add3A_4, %select_n3A : i32
    %mul3A_10 = arith.constant 0 : i32
    %mul3A_11 = arith.muli %add3A_4, %mul3A_10 : i32
    %add3A_12 = arith.constant 8 : i32
    %add3A_13 = arith.addi %mul3A_11, %add3A_12 : i32
    %select_n3A_14 = arith.select %lt3A_8, %mul3A_9, %add3A_13 : i32
    %mul3A_15 = arith.constant 1 : i32
    %mul3A_16 = arith.muli %mul3A_15, %select_n3A : i32
    "tpu.region"() ({
      %run_scoped3A = memref.alloca() : memref<2x1x128xi32, #tpu.memory_space<vmem>>
      %run_scoped3A_17 = tpu.sem_alloc : memref<2x!tpu.dma_semaphore, #tpu.memory_space<semaphore_mem>>
      %run_scoped3A_18 = memref.alloca() : memref<2x128x128xf32, #tpu.memory_space<vmem>>
      %run_scoped3A_19 = tpu.sem_alloc : memref<2x!tpu.dma_semaphore, #tpu.memory_space<semaphore_mem>>
      %gt3A = arith.constant 0 : i32
      %gt3A_20 = arith.cmpi sgt, %mul3A_16, %gt3A : i32
      %convert_element_type3A = arith.extui %gt3A_20 : i1 to i32
      %cond3A = arith.constant 0 : i32
      %cond3A_21 = arith.cmpi ne, %convert_element_type3A, %cond3A : i32
      scf.if %cond3A_21 {
        %mul3A_22 = arith.constant 1 : i32
        %mul3A_23 = arith.muli %mul3A_22, %select_n3A : i32
        %sub3A = arith.constant 1 : i32
        %sub3A_24 = arith.subi %mul3A_23, %sub3A : i32
        %eq3A = arith.constant 0 : i32
        %eq3A_25 = arith.cmpi eq, %sub3A_24, %eq3A : i32
        %add3A_26 = arith.constant 0 : i32
        %add3A_27 = arith.addi %add3A_26, %select_n3A_14 : i32
        %select_n3A_28 = arith.constant true
        %select_n3A_29 = arith.constant 0 : i32
        %select_n3A_30 = arith.constant -1 : i32
        %select_n3A_31 = arith.select %select_n3A_28, %select_n3A_30, %select_n3A_29 : i32
        %eq3A_32 = arith.constant -1 : i32
        %eq3A_33 = arith.cmpi eq, %select_n3A_31, %eq3A_32 : i32
        %sub3A_34 = arith.constant 1 : i32
        %sub3A_35 = arith.subi %select_n3A, %sub3A_34 : i32
        %select_n3A_36 = arith.select %eq3A_33, %sub3A_35, %select_n3A_31 : i32
        %add3A_37 = arith.addi %select_n3A_36, %select_n3A_14 : i32
        %select_n3A_38 = arith.constant true
        %select_n3A_39 = arith.constant 0 : i32
        %select_n3A_40 = arith.constant 1 : i32
        %select_n3A_41 = arith.select %select_n3A_38, %select_n3A_40, %select_n3A_39 : i32
        %eq3A_42 = arith.cmpi eq, %select_n3A_41, %select_n3A : i32
        %select_n3A_43 = arith.constant 0 : i32
        %select_n3A_44 = arith.select %eq3A_42, %select_n3A_43, %select_n3A_41 : i32
        %add3A_45 = arith.addi %select_n3A_44, %select_n3A_14 : i32
        %add3A_46 = arith.constant 1 : i32
        %add3A_47 = arith.addi %select_n3A_44, %add3A_46 : i32
        %select_n3A_48 = arith.constant true
        %select_n3A_49 = arith.select %select_n3A_48, %add3A_47, %select_n3A_44 : i32
        %eq3A_50 = arith.cmpi eq, %select_n3A_49, %select_n3A : i32
        %select_n3A_51 = arith.constant 0 : i32
        %select_n3A_52 = arith.select %eq3A_50, %select_n3A_51, %select_n3A_49 : i32
        %add3A_53 = arith.addi %select_n3A_52, %select_n3A_14 : i32
        "tpu.trace_start"() <{level = 10 : i32, message = "ep_initialize_0"}> : () -> ()
        %rem3A = arith.constant 0 : i32
        %rem3A_54 = arith.constant 2 : i32
        %rem3A_55 = arith.remui %rem3A, %rem3A_54 : i32
        %mul3A_56 = arith.constant 128 : i32
        %mul3A_57 = arith.muli %mul3A_56, %add3A_27 : i32
        %dma_start3A = arith.constant 0 : i32
        %dma_start3A_58 = arith.constant 0 : i32
        %dma_start3A_59 = tpu.memref_slice %run_scoped3A[%rem3A_55, %dma_start3A, %dma_start3A_58] : memref<2x1x128xi32, #tpu.memory_space<vmem>> -> memref<1x1x128xi32, #tpu.memory_space<vmem>>
        %dma_start3A_60 = tpu.memref_squeeze %dma_start3A_59 : memref<1x1x128xi32, #tpu.memory_space<vmem>> -> memref<1x128xi32, #tpu.memory_space<vmem>>
        %dma_start3A_61 = arith.constant 0 : i32
        %dma_start3A_62 = tpu.memref_slice %arg3[%dma_start3A_61, %mul3A_57] : memref<1x1024xi32, #tpu.memory_space<hbm>> -> memref<1x128xi32, #tpu.memory_space<hbm>>
        %dma_start3A_63 = tpu.memref_slice %run_scoped3A_17[%rem3A_55] : memref<2x!tpu.dma_semaphore, #tpu.memory_space<semaphore_mem>> -> memref<1x!tpu.dma_semaphore, #tpu.memory_space<semaphore_mem>>
        %dma_start3A_64 = tpu.memref_squeeze %dma_start3A_63 : memref<1x!tpu.dma_semaphore, #tpu.memory_space<semaphore_mem>> -> memref<!tpu.dma_semaphore, #tpu.memory_space<semaphore_mem>>
        %dma_start3A_65 = arith.constant 0 : i32
        %dma_start3A_66 = arith.constant 0 : i32
        %dma_start3A_67 = tpu.memref_slice %run_scoped3A[%rem3A_55, %dma_start3A_65, %dma_start3A_66] : memref<2x1x128xi32, #tpu.memory_space<vmem>> -> memref<1x1x128xi32, #tpu.memory_space<vmem>>
        %dma_start3A_68 = tpu.memref_squeeze %dma_start3A_67 : memref<1x1x128xi32, #tpu.memory_space<vmem>> -> memref<1x128xi32, #tpu.memory_space<vmem>>
        %dma_start3A_69 = arith.constant 0 : i32
        %dma_start3A_70 = tpu.memref_slice %arg3[%dma_start3A_69, %mul3A_57] : memref<1x1024xi32, #tpu.memory_space<hbm>> -> memref<1x128xi32, #tpu.memory_space<hbm>>
        tpu.enqueue_dma source(%dma_start3A_70 : memref<1x128xi32, #tpu.memory_space<hbm>>) target(%dma_start3A_68 : memref<1x128xi32, #tpu.memory_space<vmem>>) target_semaphore(%dma_start3A_64 : memref<!tpu.dma_semaphore, #tpu.memory_space<semaphore_mem>>)
        %add3A_71 = arith.constant 0 : i32
        %add3A_72 = arith.constant 1 : i32
        %add3A_73 = arith.addi %add3A_71, %add3A_72 : i32
        %select_n3A_74 = arith.constant true
        %select_n3A_75 = arith.constant 0 : i32
        %select_n3A_76 = arith.select %select_n3A_74, %add3A_73, %select_n3A_75 : i32
        %while3A = arith.constant 0 : i32
        %while3A_77 = arith.constant 0 : i32
        %while3A_78 = arith.constant 0 : i32
        %while3A_79 = arith.constant 0 : i32
        %while3A_80 = arith.constant 0 : i32
        "tpu.trace_stop"() : () -> ()
        %while3A_81 = arith.subi %mul3A_16, %while3A : i32
        %while3A_82 = arith.addi %while3A, %while3A_81 : i32
        %while3A_83 = arith.constant 1 : i32
        %while3A_84 = arith.divsi %while3A_81, %while3A_83 : i32
        %while3A_85 = arith.muli %while3A_84, %while3A_83 : i32
        %while3A_86 = arith.addi %while3A, %while3A_85 : i32
        %while3A_87 = arith.constant 1 : i32
        %while3A_88:5 = scf.for %while3A_142 = %while3A to %while3A_86 step %while3A_87 iter_args(%while3A_143 = %select_n3A_76, %while3A_144 = %while3A_77, %while3A_145 = %while3A_78, %while3A_146 = %while3A_79, %while3A_147 = %while3A_80) -> (i32, i32, i32, i32, i32)  : i32 {
          %mul3A_148 = arith.constant 1 : i32
          %mul3A_149 = arith.muli %mul3A_148, %select_n3A : i32
          %eq3A_150 = arith.constant 0 : i32
          %eq3A_151 = arith.cmpi eq, %while3A_142, %eq3A_150 : i32
          %sub3A_152 = arith.constant 1 : i32
          %sub3A_153 = arith.subi %mul3A_149, %sub3A_152 : i32
          %eq3A_154 = arith.cmpi eq, %while3A_142, %sub3A_153 : i32
          %add3A_155 = arith.addi %while3A_147, %select_n3A_14 : i32
          %sub3A_156 = arith.constant 1 : i32
          %sub3A_157 = arith.subi %while3A_147, %sub3A_156 : i32
          %select_n3A_158 = arith.constant true
          %select_n3A_159 = arith.select %select_n3A_158, %sub3A_157, %while3A_147 : i32
          %eq3A_160 = arith.constant -1 : i32
          %eq3A_161 = arith.cmpi eq, %select_n3A_159, %eq3A_160 : i32
          %sub3A_162 = arith.constant 1 : i32
          %sub3A_163 = arith.subi %select_n3A, %sub3A_162 : i32
          %select_n3A_164 = arith.select %eq3A_161, %sub3A_163, %select_n3A_159 : i32
          %add3A_165 = arith.addi %select_n3A_164, %select_n3A_14 : i32
          %add3A_166 = arith.constant 1 : i32
          %add3A_167 = arith.addi %while3A_147, %add3A_166 : i32
          %select_n3A_168 = arith.constant true
          %select_n3A_169 = arith.select %select_n3A_168, %add3A_167, %while3A_147 : i32
          %eq3A_170 = arith.cmpi eq, %select_n3A_169, %select_n3A : i32
          %select_n3A_171 = arith.constant 0 : i32
          %select_n3A_172 = arith.select %eq3A_170, %select_n3A_171, %select_n3A_169 : i32
          %add3A_173 = arith.addi %select_n3A_172, %select_n3A_14 : i32
          %add3A_174 = arith.constant 1 : i32
          %add3A_175 = arith.addi %select_n3A_172, %add3A_174 : i32
          %select_n3A_176 = arith.constant true
          %select_n3A_177 = arith.select %select_n3A_176, %add3A_175, %select_n3A_172 : i32
          %eq3A_178 = arith.cmpi eq, %select_n3A_177, %select_n3A : i32
          %select_n3A_179 = arith.constant 0 : i32
          %select_n3A_180 = arith.select %eq3A_178, %select_n3A_179, %select_n3A_177 : i32
          %add3A_181 = arith.addi %select_n3A_180, %select_n3A_14 : i32
          %ne3A = arith.cmpi ne, %add3A_155, %add3A_173 : i32
          %or3A = arith.constant false
          %or3A_182 = arith.ori %or3A, %ne3A : i1
          %sub3A_183 = arith.constant 2 : i32
          %sub3A_184 = arith.subi %mul3A_149, %sub3A_183 : i32
          %add3A_185 = arith.constant 1 : i32
          %add3A_186 = arith.addi %sub3A_184, %add3A_185 : i32
          %ge3A = arith.cmpi sge, %while3A_142, %add3A_186 : i32
          %not3A = arith.constant true
          %not3A_187 = arith.xori %ge3A, %not3A : i1
          %and3A = arith.andi %or3A_182, %not3A_187 : i1
          %convert_element_type3A_188 = arith.extui %and3A : i1 to i32
          %cond3A_189 = arith.constant 0 : i32
          %cond3A_190 = arith.cmpi ne, %convert_element_type3A_188, %cond3A_189 : i32
          scf.if %cond3A_190 {
            "tpu.trace_start"() <{level = 10 : i32, message = "ep_copy_in"}> : () -> ()
            %rem3A_294 = arith.constant 2 : i32
            %rem3A_295 = arith.remui %while3A_143, %rem3A_294 : i32
            %mul3A_296 = arith.constant 128 : i32
            %mul3A_297 = arith.muli %mul3A_296, %add3A_173 : i32
            %dma_start3A_298 = arith.constant 0 : i32
            %dma_start3A_299 = arith.constant 0 : i32
            %dma_start3A_300 = tpu.memref_slice %run_scoped3A[%rem3A_295, %dma_start3A_298, %dma_start3A_299] : memref<2x1x128xi32, #tpu.memory_space<vmem>> -> memref<1x1x128xi32, #tpu.memory_space<vmem>>
            %dma_start3A_301 = tpu.memref_squeeze %dma_start3A_300 : memref<1x1x128xi32, #tpu.memory_space<vmem>> -> memref<1x128xi32, #tpu.memory_space<vmem>>
            %dma_start3A_302 = arith.constant 0 : i32
            %dma_start3A_303 = tpu.memref_slice %arg3[%dma_start3A_302, %mul3A_297] : memref<1x1024xi32, #tpu.memory_space<hbm>> -> memref<1x128xi32, #tpu.memory_space<hbm>>
            %dma_start3A_304 = tpu.memref_slice %run_scoped3A_17[%rem3A_295] : memref<2x!tpu.dma_semaphore, #tpu.memory_space<semaphore_mem>> -> memref<1x!tpu.dma_semaphore, #tpu.memory_space<semaphore_mem>>
            %dma_start3A_305 = tpu.memref_squeeze %dma_start3A_304 : memref<1x!tpu.dma_semaphore, #tpu.memory_space<semaphore_mem>> -> memref<!tpu.dma_semaphore, #tpu.memory_space<semaphore_mem>>
            %dma_start3A_306 = arith.constant 0 : i32
            %dma_start3A_307 = arith.constant 0 : i32
            %dma_start3A_308 = tpu.memref_slice %run_scoped3A[%rem3A_295, %dma_start3A_306, %dma_start3A_307] : memref<2x1x128xi32, #tpu.memory_space<vmem>> -> memref<1x1x128xi32, #tpu.memory_space<vmem>>
            %dma_start3A_309 = tpu.memref_squeeze %dma_start3A_308 : memref<1x1x128xi32, #tpu.memory_space<vmem>> -> memref<1x128xi32, #tpu.memory_space<vmem>>
            %dma_start3A_310 = arith.constant 0 : i32
            %dma_start3A_311 = tpu.memref_slice %arg3[%dma_start3A_310, %mul3A_297] : memref<1x1024xi32, #tpu.memory_space<hbm>> -> memref<1x128xi32, #tpu.memory_space<hbm>>
            tpu.enqueue_dma source(%dma_start3A_311 : memref<1x128xi32, #tpu.memory_space<hbm>>) target(%dma_start3A_309 : memref<1x128xi32, #tpu.memory_space<vmem>>) target_semaphore(%dma_start3A_305 : memref<!tpu.dma_semaphore, #tpu.memory_space<semaphore_mem>>)
            "tpu.trace_stop"() : () -> ()
          } else {
          }
          %and3A_191 = arith.constant true
          %and3A_192 = arith.andi %and3A, %and3A_191 : i1
          %add3A_193 = arith.constant 1 : i32
          %add3A_194 = arith.addi %while3A_143, %add3A_193 : i32
          %select_n3A_195 = arith.select %and3A_192, %add3A_194, %while3A_143 : i32
          %ne3A_196 = arith.cmpi ne, %add3A_155, %add3A_173 : i32
          %or3A_197 = arith.constant false
          %or3A_198 = arith.ori %or3A_197, %ne3A_196 : i1
          %or3A_199 = arith.constant false
          %or3A_200 = arith.ori %or3A_198, %or3A_199 : i1
          %sub3A_201 = arith.constant 2 : i32
          %sub3A_202 = arith.subi %mul3A_149, %sub3A_201 : i32
          %add3A_203 = arith.constant 1 : i32
          %add3A_204 = arith.addi %sub3A_202, %add3A_203 : i32
          %ge3A_205 = arith.cmpi sge, %while3A_142, %add3A_204 : i32
          %not3A_206 = arith.constant true
          %not3A_207 = arith.xori %ge3A_205, %not3A_206 : i1
          %and3A_208 = arith.andi %or3A_200, %not3A_207 : i1
          %ne3A_209 = arith.cmpi ne, %add3A_155, %add3A_165 : i32
          %or3A_210 = arith.constant false
          %or3A_211 = arith.ori %or3A_210, %ne3A_209 : i1
          %or3A_212 = arith.ori %or3A_211, %eq3A_151 : i1
          %convert_element_type3A_213 = arith.extui %or3A_212 : i1 to i32
          %cond3A_214 = arith.constant 0 : i32
          %cond3A_215 = arith.cmpi ne, %convert_element_type3A_213, %cond3A_214 : i32
          scf.if %cond3A_215 {
            "tpu.trace_start"() <{level = 10 : i32, message = "ep_wait_in"}> : () -> ()
            %mul3A_294 = arith.constant 128 : i32
            %mul3A_295 = arith.muli %mul3A_294, %add3A_155 : i32
            %rem3A_296 = arith.constant 2 : i32
            %rem3A_297 = arith.remui %while3A_144, %rem3A_296 : i32
            %dma_wait3A = arith.constant 0 : i32
            %dma_wait3A_298 = arith.constant 0 : i32
            %dma_wait3A_299 = tpu.memref_slice %run_scoped3A[%rem3A_297, %dma_wait3A, %dma_wait3A_298] : memref<2x1x128xi32, #tpu.memory_space<vmem>> -> memref<1x1x128xi32, #tpu.memory_space<vmem>>
            %dma_wait3A_300 = tpu.memref_squeeze %dma_wait3A_299 : memref<1x1x128xi32, #tpu.memory_space<vmem>> -> memref<1x128xi32, #tpu.memory_space<vmem>>
            %dma_wait3A_301 = arith.constant 0 : i32
            %dma_wait3A_302 = tpu.memref_slice %arg3[%dma_wait3A_301, %mul3A_295] : memref<1x1024xi32, #tpu.memory_space<hbm>> -> memref<1x128xi32, #tpu.memory_space<hbm>>
            %dma_wait3A_303 = tpu.memref_slice %run_scoped3A_17[%rem3A_297] : memref<2x!tpu.dma_semaphore, #tpu.memory_space<semaphore_mem>> -> memref<1x!tpu.dma_semaphore, #tpu.memory_space<semaphore_mem>>
            %dma_wait3A_304 = tpu.memref_squeeze %dma_wait3A_303 : memref<1x!tpu.dma_semaphore, #tpu.memory_space<semaphore_mem>> -> memref<!tpu.dma_semaphore, #tpu.memory_space<semaphore_mem>>
            %dma_wait3A_305 = arith.constant 0 : i32
            %dma_wait3A_306 = arith.constant 0 : i32
            %dma_wait3A_307 = tpu.memref_slice %run_scoped3A[%rem3A_297, %dma_wait3A_305, %dma_wait3A_306] : memref<2x1x128xi32, #tpu.memory_space<vmem>> -> memref<1x1x128xi32, #tpu.memory_space<vmem>>
            %dma_wait3A_308 = tpu.memref_squeeze %dma_wait3A_307 : memref<1x1x128xi32, #tpu.memory_space<vmem>> -> memref<1x128xi32, #tpu.memory_space<vmem>>
            %dma_wait3A_309 = arith.constant 0 : i32
            %dma_wait3A_310 = tpu.memref_slice %arg3[%dma_wait3A_309, %mul3A_295] : memref<1x1024xi32, #tpu.memory_space<hbm>> -> memref<1x128xi32, #tpu.memory_space<hbm>>
            tpu.wait_dma2 semaphore(%dma_wait3A_304 : memref<!tpu.dma_semaphore, #tpu.memory_space<semaphore_mem>>) src(%dma_wait3A_310 : memref<1x128xi32, #tpu.memory_space<hbm>>) dst(%dma_wait3A_308 : memref<1x128xi32, #tpu.memory_space<vmem>>)
            "tpu.trace_stop"() : () -> ()
          } else {
          }
          %ne3A_216 = arith.cmpi ne, %add3A_155, %add3A_165 : i32
          %or3A_217 = arith.constant false
          %or3A_218 = arith.ori %or3A_217, %ne3A_216 : i1
          %or3A_219 = arith.constant false
          %or3A_220 = arith.ori %or3A_218, %or3A_219 : i1
          %or3A_221 = arith.ori %or3A_220, %eq3A_151 : i1
          %convert_element_type3A_222 = arith.extui %or3A_221 : i1 to i32
          %cond3A_223 = arith.constant 0 : i32
          %cond3A_224 = arith.cmpi ne, %convert_element_type3A_222, %cond3A_223 : i32
          scf.if %cond3A_224 {
          } else {
          }
          %rem3A_225 = arith.constant 2 : i32
          %rem3A_226 = arith.remui %while3A_144, %rem3A_225 : i32
          %rem3A_227 = arith.constant 2 : i32
          %rem3A_228 = arith.remui %while3A_145, %rem3A_227 : i32
          %run_scoped3A_229 = arith.constant 0 : i32
          "tpu.trace_start"() <{level = 10 : i32, message = "ep_run_kernel"}> : () -> ()
          "tpu.region"() ({
            %run_scoped3A_294 = tpu.sem_alloc : memref<!tpu.dma_semaphore, #tpu.memory_space<semaphore_mem>>
            %dma_start3A_295 = arith.constant 0 : i32
            %dma_start3A_296 = arith.constant 0 : i32
            %dma_start3A_297 = tpu.memref_slice %run_scoped3A_18[%rem3A_228, %dma_start3A_295, %dma_start3A_296] : memref<2x128x128xf32, #tpu.memory_space<vmem>> -> memref<1x128x128xf32, #tpu.memory_space<vmem>>
            %dma_start3A_298 = tpu.memref_squeeze %dma_start3A_297 : memref<1x128x128xf32, #tpu.memory_space<vmem>> -> memref<128x128xf32, #tpu.memory_space<vmem>>
            %dma_start3A_299 = arith.constant 0 : i32
            %dma_start3A_300 = arith.constant 0 : i32
            %dma_start3A_301 = tpu.memref_slice %run_scoped3A[%rem3A_226, %dma_start3A_299, %dma_start3A_300] : memref<2x1x128xi32, #tpu.memory_space<vmem>> -> memref<1x1x128xi32, #tpu.memory_space<vmem>>
            %dma_start3A_302 = tpu.memref_squeeze %dma_start3A_301 : memref<1x1x128xi32, #tpu.memory_space<vmem>> -> memref<1x128xi32, #tpu.memory_space<vmem>>
            %dma_start3A_303 = arith.constant 0 : i32
            %dma_start3A_304 = tpu.memref_slice %dma_start3A_302[%run_scoped3A_229, %dma_start3A_303] : memref<1x128xi32, #tpu.memory_space<vmem>> -> memref<1x128xi32, #tpu.memory_space<vmem>>
            %dma_start3A_305 = tpu.memref_squeeze %dma_start3A_304 : memref<1x128xi32, #tpu.memory_space<vmem>> -> memref<128xi32, #tpu.memory_space<vmem>>
            %dma_start3A_306 = arith.constant 0 : i32
            %dma_start3A_307 = arith.constant 0 : i32
            %dma_start3A_308 = tpu.memref_slice %arg2[%dma_start3A_306, %dma_start3A_307] : memref<8192x128xf32, #tpu.memory_space<hbm>> -> memref<8192x128xf32, #tpu.memory_space<hbm>>
            tpu.enqueue_indirect_dma source(%dma_start3A_308 : memref<8192x128xf32, #tpu.memory_space<hbm>>) target(%dma_start3A_298 : memref<128x128xf32, #tpu.memory_space<vmem>>) offsets(%dma_start3A_305 : memref<128xi32, #tpu.memory_space<vmem>>) semaphore(%run_scoped3A_294 : memref<!tpu.dma_semaphore, #tpu.memory_space<semaphore_mem>>)
            %dma_wait3A = arith.constant 0 : i32
            %dma_wait3A_309 = arith.constant 0 : i32
            %dma_wait3A_310 = tpu.memref_slice %run_scoped3A_18[%rem3A_228, %dma_wait3A, %dma_wait3A_309] : memref<2x128x128xf32, #tpu.memory_space<vmem>> -> memref<1x128x128xf32, #tpu.memory_space<vmem>>
            %dma_wait3A_311 = tpu.memref_squeeze %dma_wait3A_310 : memref<1x128x128xf32, #tpu.memory_space<vmem>> -> memref<128x128xf32, #tpu.memory_space<vmem>>
            %dma_wait3A_312 = arith.constant 0 : i32
            %dma_wait3A_313 = arith.constant 0 : i32
            %dma_wait3A_314 = tpu.memref_slice %run_scoped3A[%rem3A_226, %dma_wait3A_312, %dma_wait3A_313] : memref<2x1x128xi32, #tpu.memory_space<vmem>> -> memref<1x1x128xi32, #tpu.memory_space<vmem>>
            %dma_wait3A_315 = tpu.memref_squeeze %dma_wait3A_314 : memref<1x1x128xi32, #tpu.memory_space<vmem>> -> memref<1x128xi32, #tpu.memory_space<vmem>>
            %dma_wait3A_316 = arith.constant 0 : i32
            %dma_wait3A_317 = tpu.memref_slice %dma_wait3A_315[%run_scoped3A_229, %dma_wait3A_316] : memref<1x128xi32, #tpu.memory_space<vmem>> -> memref<1x128xi32, #tpu.memory_space<vmem>>
            %dma_wait3A_318 = tpu.memref_squeeze %dma_wait3A_317 : memref<1x128xi32, #tpu.memory_space<vmem>> -> memref<128xi32, #tpu.memory_space<vmem>>
            %dma_wait3A_319 = arith.constant 0 : i32
            %dma_wait3A_320 = arith.constant 0 : i32
            %dma_wait3A_321 = tpu.memref_slice %arg2[%dma_wait3A_319, %dma_wait3A_320] : memref<8192x128xf32, #tpu.memory_space<hbm>> -> memref<8192x128xf32, #tpu.memory_space<hbm>>
            tpu.wait_indirect_dma semaphore(%run_scoped3A_294 : memref<!tpu.dma_semaphore, #tpu.memory_space<semaphore_mem>>) src(%dma_wait3A_321 : memref<8192x128xf32, #tpu.memory_space<hbm>>) dst(%dma_wait3A_311 : memref<128x128xf32, #tpu.memory_space<vmem>>)
            tpu.yield
          }) : () -> ()
          "tpu.trace_stop"() : () -> ()
          %ne3A_230 = arith.cmpi ne, %add3A_155, %add3A_173 : i32
          %or3A_231 = arith.constant false
          %or3A_232 = arith.ori %or3A_231, %ne3A_230 : i1
          %or3A_233 = arith.ori %or3A_232, %eq3A_154 : i1
          %convert_element_type3A_234 = arith.extui %or3A_233 : i1 to i32
          %cond3A_235 = arith.constant 0 : i32
          %cond3A_236 = arith.cmpi ne, %convert_element_type3A_234, %cond3A_235 : i32
          scf.if %cond3A_236 {
          } else {
          }
          %and3A_237 = arith.constant false
          %and3A_238 = arith.andi %or3A_233, %and3A_237 : i1
          %ne3A_239 = arith.cmpi ne, %add3A_155, %add3A_173 : i32
          %or3A_240 = arith.constant false
          %or3A_241 = arith.ori %or3A_240, %ne3A_239 : i1
          %or3A_242 = arith.constant false
          %or3A_243 = arith.ori %or3A_241, %or3A_242 : i1
          %or3A_244 = arith.ori %or3A_243, %eq3A_154 : i1
          %convert_element_type3A_245 = arith.extui %or3A_244 : i1 to i32
          %cond3A_246 = arith.constant 0 : i32
          %cond3A_247 = arith.cmpi ne, %convert_element_type3A_245, %cond3A_246 : i32
          scf.if %cond3A_247 {
            "tpu.trace_start"() <{level = 10 : i32, message = "ep_copy_out"}> : () -> ()
            %rem3A_294 = arith.constant 2 : i32
            %rem3A_295 = arith.remui %while3A_145, %rem3A_294 : i32
            %mul3A_296 = arith.constant 128 : i32
            %mul3A_297 = arith.muli %mul3A_296, %add3A_155 : i32
            %dma_start3A_298 = arith.constant 0 : i32
            %dma_start3A_299 = arith.constant 0 : i32
            %dma_start3A_300 = tpu.memref_slice %run_scoped3A_18[%rem3A_295, %dma_start3A_298, %dma_start3A_299] : memref<2x128x128xf32, #tpu.memory_space<vmem>> -> memref<1x128x128xf32, #tpu.memory_space<vmem>>
            %dma_start3A_301 = tpu.memref_squeeze %dma_start3A_300 : memref<1x128x128xf32, #tpu.memory_space<vmem>> -> memref<128x128xf32, #tpu.memory_space<vmem>>
            %dma_start3A_302 = arith.constant 0 : i32
            %dma_start3A_303 = tpu.memref_slice %arg4[%mul3A_297, %dma_start3A_302] : memref<1024x128xf32, #tpu.memory_space<hbm>> -> memref<128x128xf32, #tpu.memory_space<hbm>>
            %dma_start3A_304 = tpu.memref_slice %run_scoped3A_19[%rem3A_295] : memref<2x!tpu.dma_semaphore, #tpu.memory_space<semaphore_mem>> -> memref<1x!tpu.dma_semaphore, #tpu.memory_space<semaphore_mem>>
            %dma_start3A_305 = tpu.memref_squeeze %dma_start3A_304 : memref<1x!tpu.dma_semaphore, #tpu.memory_space<semaphore_mem>> -> memref<!tpu.dma_semaphore, #tpu.memory_space<semaphore_mem>>
            %dma_start3A_306 = arith.constant 0 : i32
            %dma_start3A_307 = tpu.memref_slice %arg4[%mul3A_297, %dma_start3A_306] : memref<1024x128xf32, #tpu.memory_space<hbm>> -> memref<128x128xf32, #tpu.memory_space<hbm>>
            %dma_start3A_308 = arith.constant 0 : i32
            %dma_start3A_309 = arith.constant 0 : i32
            %dma_start3A_310 = tpu.memref_slice %run_scoped3A_18[%rem3A_295, %dma_start3A_308, %dma_start3A_309] : memref<2x128x128xf32, #tpu.memory_space<vmem>> -> memref<1x128x128xf32, #tpu.memory_space<vmem>>
            %dma_start3A_311 = tpu.memref_squeeze %dma_start3A_310 : memref<1x128x128xf32, #tpu.memory_space<vmem>> -> memref<128x128xf32, #tpu.memory_space<vmem>>
            tpu.enqueue_dma source(%dma_start3A_311 : memref<128x128xf32, #tpu.memory_space<vmem>>) target(%dma_start3A_307 : memref<128x128xf32, #tpu.memory_space<hbm>>) target_semaphore(%dma_start3A_305 : memref<!tpu.dma_semaphore, #tpu.memory_space<semaphore_mem>>)
            "tpu.trace_stop"() : () -> ()
          } else {
          }
          %and3A_248 = arith.constant true
          %and3A_249 = arith.andi %or3A_244, %and3A_248 : i1
          %add3A_250 = arith.constant 1 : i32
          %add3A_251 = arith.addi %while3A_145, %add3A_250 : i32
          %select_n3A_252 = arith.select %and3A_249, %add3A_251, %while3A_145 : i32
          %ne3A_253 = arith.cmpi ne, %add3A_155, %add3A_165 : i32
          %or3A_254 = arith.constant false
          %or3A_255 = arith.ori %or3A_254, %ne3A_253 : i1
          %not3A_256 = arith.constant true
          %not3A_257 = arith.xori %eq3A_151, %not3A_256 : i1
          %and3A_258 = arith.andi %or3A_255, %not3A_257 : i1
          %convert_element_type3A_259 = arith.extui %and3A_258 : i1 to i32
          %cond3A_260 = arith.constant 0 : i32
          %cond3A_261 = arith.cmpi ne, %convert_element_type3A_259, %cond3A_260 : i32
          scf.if %cond3A_261 {
          } else {
          }
          %and3A_262 = arith.constant false
          %and3A_263 = arith.andi %and3A_258, %and3A_262 : i1
          %ne3A_264 = arith.cmpi ne, %add3A_155, %add3A_165 : i32
          %or3A_265 = arith.constant false
          %or3A_266 = arith.ori %or3A_265, %ne3A_264 : i1
          %or3A_267 = arith.constant false
          %or3A_268 = arith.ori %or3A_266, %or3A_267 : i1
          %not3A_269 = arith.constant true
          %not3A_270 = arith.xori %eq3A_151, %not3A_269 : i1
          %and3A_271 = arith.andi %or3A_268, %not3A_270 : i1
          %convert_element_type3A_272 = arith.extui %and3A_271 : i1 to i32
          %cond3A_273 = arith.constant 0 : i32
          %cond3A_274 = arith.cmpi ne, %convert_element_type3A_272, %cond3A_273 : i32
          scf.if %cond3A_274 {
            "tpu.trace_start"() <{level = 10 : i32, message = "ep_wait_out"}> : () -> ()
            %rem3A_294 = arith.constant 2 : i32
            %rem3A_295 = arith.remui %while3A_146, %rem3A_294 : i32
            %mul3A_296 = arith.constant 128 : i32
            %mul3A_297 = arith.muli %mul3A_296, %add3A_165 : i32
            %dma_wait3A = arith.constant 0 : i32
            %dma_wait3A_298 = arith.constant 0 : i32
            %dma_wait3A_299 = tpu.memref_slice %run_scoped3A_18[%rem3A_295, %dma_wait3A, %dma_wait3A_298] : memref<2x128x128xf32, #tpu.memory_space<vmem>> -> memref<1x128x128xf32, #tpu.memory_space<vmem>>
            %dma_wait3A_300 = tpu.memref_squeeze %dma_wait3A_299 : memref<1x128x128xf32, #tpu.memory_space<vmem>> -> memref<128x128xf32, #tpu.memory_space<vmem>>
            %dma_wait3A_301 = arith.constant 0 : i32
            %dma_wait3A_302 = tpu.memref_slice %arg4[%mul3A_297, %dma_wait3A_301] : memref<1024x128xf32, #tpu.memory_space<hbm>> -> memref<128x128xf32, #tpu.memory_space<hbm>>
            %dma_wait3A_303 = tpu.memref_slice %run_scoped3A_19[%rem3A_295] : memref<2x!tpu.dma_semaphore, #tpu.memory_space<semaphore_mem>> -> memref<1x!tpu.dma_semaphore, #tpu.memory_space<semaphore_mem>>
            %dma_wait3A_304 = tpu.memref_squeeze %dma_wait3A_303 : memref<1x!tpu.dma_semaphore, #tpu.memory_space<semaphore_mem>> -> memref<!tpu.dma_semaphore, #tpu.memory_space<semaphore_mem>>
            %dma_wait3A_305 = arith.constant 0 : i32
            %dma_wait3A_306 = tpu.memref_slice %arg4[%mul3A_297, %dma_wait3A_305] : memref<1024x128xf32, #tpu.memory_space<hbm>> -> memref<128x128xf32, #tpu.memory_space<hbm>>
            %dma_wait3A_307 = arith.constant 0 : i32
            %dma_wait3A_308 = arith.constant 0 : i32
            %dma_wait3A_309 = tpu.memref_slice %run_scoped3A_18[%rem3A_295, %dma_wait3A_307, %dma_wait3A_308] : memref<2x128x128xf32, #tpu.memory_space<vmem>> -> memref<1x128x128xf32, #tpu.memory_space<vmem>>
            %dma_wait3A_310 = tpu.memref_squeeze %dma_wait3A_309 : memref<1x128x128xf32, #tpu.memory_space<vmem>> -> memref<128x128xf32, #tpu.memory_space<vmem>>
            tpu.wait_dma2 semaphore(%dma_wait3A_304 : memref<!tpu.dma_semaphore, #tpu.memory_space<semaphore_mem>>) src(%dma_wait3A_310 : memref<128x128xf32, #tpu.memory_space<vmem>>) dst(%dma_wait3A_306 : memref<128x128xf32, #tpu.memory_space<hbm>>)
            "tpu.trace_stop"() : () -> ()
          } else {
          }
          %and3A_275 = arith.constant true
          %and3A_276 = arith.andi %and3A_271, %and3A_275 : i1
          %add3A_277 = arith.constant 1 : i32
          %add3A_278 = arith.addi %while3A_146, %add3A_277 : i32
          %select_n3A_279 = arith.select %and3A_276, %add3A_278, %while3A_146 : i32
          %ne3A_280 = arith.cmpi ne, %add3A_155, %add3A_173 : i32
          %or3A_281 = arith.constant false
          %or3A_282 = arith.ori %or3A_281, %ne3A_280 : i1
          %or3A_283 = arith.ori %or3A_282, %eq3A_154 : i1
          %add3A_284 = arith.constant 1 : i32
          %add3A_285 = arith.addi %while3A_144, %add3A_284 : i32
          %select_n3A_286 = arith.select %or3A_283, %add3A_285, %while3A_144 : i32
          %add3A_287 = arith.constant 1 : i32
          %add3A_288 = arith.addi %while3A_147, %add3A_287 : i32
          %select_n3A_289 = arith.constant true
          %select_n3A_290 = arith.select %select_n3A_289, %add3A_288, %while3A_147 : i32
          %eq3A_291 = arith.cmpi eq, %select_n3A_290, %select_n3A : i32
          %select_n3A_292 = arith.constant 0 : i32
          %select_n3A_293 = arith.select %eq3A_291, %select_n3A_292, %select_n3A_290 : i32
          scf.yield %select_n3A_195, %select_n3A_286, %select_n3A_252, %select_n3A_279, %select_n3A_293 : i32, i32, i32, i32, i32
        }
        %while3A_89 = arith.constant 1 : i32
        %while3A_90:5 = scf.for %while3A_142 = %while3A_86 to %while3A_82 step %while3A_89 iter_args(%while3A_143 = %while3A_88#0, %while3A_144 = %while3A_88#1, %while3A_145 = %while3A_88#2, %while3A_146 = %while3A_88#3, %while3A_147 = %while3A_88#4) -> (i32, i32, i32, i32, i32)  : i32 {
          %mul3A_148 = arith.constant 1 : i32
          %mul3A_149 = arith.muli %mul3A_148, %select_n3A : i32
          %eq3A_150 = arith.constant 0 : i32
          %eq3A_151 = arith.cmpi eq, %while3A_142, %eq3A_150 : i32
          %sub3A_152 = arith.constant 1 : i32
          %sub3A_153 = arith.subi %mul3A_149, %sub3A_152 : i32
          %eq3A_154 = arith.cmpi eq, %while3A_142, %sub3A_153 : i32
          %add3A_155 = arith.addi %while3A_147, %select_n3A_14 : i32
          %sub3A_156 = arith.constant 1 : i32
          %sub3A_157 = arith.subi %while3A_147, %sub3A_156 : i32
          %select_n3A_158 = arith.constant true
          %select_n3A_159 = arith.select %select_n3A_158, %sub3A_157, %while3A_147 : i32
          %eq3A_160 = arith.constant -1 : i32
          %eq3A_161 = arith.cmpi eq, %select_n3A_159, %eq3A_160 : i32
          %sub3A_162 = arith.constant 1 : i32
          %sub3A_163 = arith.subi %select_n3A, %sub3A_162 : i32
          %select_n3A_164 = arith.select %eq3A_161, %sub3A_163, %select_n3A_159 : i32
          %add3A_165 = arith.addi %select_n3A_164, %select_n3A_14 : i32
          %add3A_166 = arith.constant 1 : i32
          %add3A_167 = arith.addi %while3A_147, %add3A_166 : i32
          %select_n3A_168 = arith.constant true
          %select_n3A_169 = arith.select %select_n3A_168, %add3A_167, %while3A_147 : i32
          %eq3A_170 = arith.cmpi eq, %select_n3A_169, %select_n3A : i32
          %select_n3A_171 = arith.constant 0 : i32
          %select_n3A_172 = arith.select %eq3A_170, %select_n3A_171, %select_n3A_169 : i32
          %add3A_173 = arith.addi %select_n3A_172, %select_n3A_14 : i32
          %add3A_174 = arith.constant 1 : i32
          %add3A_175 = arith.addi %select_n3A_172, %add3A_174 : i32
          %select_n3A_176 = arith.constant true
          %select_n3A_177 = arith.select %select_n3A_176, %add3A_175, %select_n3A_172 : i32
          %eq3A_178 = arith.cmpi eq, %select_n3A_177, %select_n3A : i32
          %select_n3A_179 = arith.constant 0 : i32
          %select_n3A_180 = arith.select %eq3A_178, %select_n3A_179, %select_n3A_177 : i32
          %add3A_181 = arith.addi %select_n3A_180, %select_n3A_14 : i32
          %ne3A = arith.cmpi ne, %add3A_155, %add3A_173 : i32
          %or3A = arith.constant false
          %or3A_182 = arith.ori %or3A, %ne3A : i1
          %sub3A_183 = arith.constant 2 : i32
          %sub3A_184 = arith.subi %mul3A_149, %sub3A_183 : i32
          %add3A_185 = arith.constant 1 : i32
          %add3A_186 = arith.addi %sub3A_184, %add3A_185 : i32
          %ge3A = arith.cmpi sge, %while3A_142, %add3A_186 : i32
          %not3A = arith.constant true
          %not3A_187 = arith.xori %ge3A, %not3A : i1
          %and3A = arith.andi %or3A_182, %not3A_187 : i1
          %convert_element_type3A_188 = arith.extui %and3A : i1 to i32
          %cond3A_189 = arith.constant 0 : i32
          %cond3A_190 = arith.cmpi ne, %convert_element_type3A_188, %cond3A_189 : i32
          scf.if %cond3A_190 {
            "tpu.trace_start"() <{level = 10 : i32, message = "ep_copy_in"}> : () -> ()
            %rem3A_294 = arith.constant 2 : i32
            %rem3A_295 = arith.remui %while3A_143, %rem3A_294 : i32
            %mul3A_296 = arith.constant 128 : i32
            %mul3A_297 = arith.muli %mul3A_296, %add3A_173 : i32
            %dma_start3A_298 = arith.constant 0 : i32
            %dma_start3A_299 = arith.constant 0 : i32
            %dma_start3A_300 = tpu.memref_slice %run_scoped3A[%rem3A_295, %dma_start3A_298, %dma_start3A_299] : memref<2x1x128xi32, #tpu.memory_space<vmem>> -> memref<1x1x128xi32, #tpu.memory_space<vmem>>
            %dma_start3A_301 = tpu.memref_squeeze %dma_start3A_300 : memref<1x1x128xi32, #tpu.memory_space<vmem>> -> memref<1x128xi32, #tpu.memory_space<vmem>>
            %dma_start3A_302 = arith.constant 0 : i32
            %dma_start3A_303 = tpu.memref_slice %arg3[%dma_start3A_302, %mul3A_297] : memref<1x1024xi32, #tpu.memory_space<hbm>> -> memref<1x128xi32, #tpu.memory_space<hbm>>
            %dma_start3A_304 = tpu.memref_slice %run_scoped3A_17[%rem3A_295] : memref<2x!tpu.dma_semaphore, #tpu.memory_space<semaphore_mem>> -> memref<1x!tpu.dma_semaphore, #tpu.memory_space<semaphore_mem>>
            %dma_start3A_305 = tpu.memref_squeeze %dma_start3A_304 : memref<1x!tpu.dma_semaphore, #tpu.memory_space<semaphore_mem>> -> memref<!tpu.dma_semaphore, #tpu.memory_space<semaphore_mem>>
            %dma_start3A_306 = arith.constant 0 : i32
            %dma_start3A_307 = arith.constant 0 : i32
            %dma_start3A_308 = tpu.memref_slice %run_scoped3A[%rem3A_295, %dma_start3A_306, %dma_start3A_307] : memref<2x1x128xi32, #tpu.memory_space<vmem>> -> memref<1x1x128xi32, #tpu.memory_space<vmem>>
            %dma_start3A_309 = tpu.memref_squeeze %dma_start3A_308 : memref<1x1x128xi32, #tpu.memory_space<vmem>> -> memref<1x128xi32, #tpu.memory_space<vmem>>
            %dma_start3A_310 = arith.constant 0 : i32
            %dma_start3A_311 = tpu.memref_slice %arg3[%dma_start3A_310, %mul3A_297] : memref<1x1024xi32, #tpu.memory_space<hbm>> -> memref<1x128xi32, #tpu.memory_space<hbm>>
            tpu.enqueue_dma source(%dma_start3A_311 : memref<1x128xi32, #tpu.memory_space<hbm>>) target(%dma_start3A_309 : memref<1x128xi32, #tpu.memory_space<vmem>>) target_semaphore(%dma_start3A_305 : memref<!tpu.dma_semaphore, #tpu.memory_space<semaphore_mem>>)
            "tpu.trace_stop"() : () -> ()
          } else {
          }
          %and3A_191 = arith.constant true
          %and3A_192 = arith.andi %and3A, %and3A_191 : i1
          %add3A_193 = arith.constant 1 : i32
          %add3A_194 = arith.addi %while3A_143, %add3A_193 : i32
          %select_n3A_195 = arith.select %and3A_192, %add3A_194, %while3A_143 : i32
          %ne3A_196 = arith.cmpi ne, %add3A_155, %add3A_173 : i32
          %or3A_197 = arith.constant false
          %or3A_198 = arith.ori %or3A_197, %ne3A_196 : i1
          %or3A_199 = arith.constant false
          %or3A_200 = arith.ori %or3A_198, %or3A_199 : i1
          %sub3A_201 = arith.constant 2 : i32
          %sub3A_202 = arith.subi %mul3A_149, %sub3A_201 : i32
          %add3A_203 = arith.constant 1 : i32
          %add3A_204 = arith.addi %sub3A_202, %add3A_203 : i32
          %ge3A_205 = arith.cmpi sge, %while3A_142, %add3A_204 : i32
          %not3A_206 = arith.constant true
          %not3A_207 = arith.xori %ge3A_205, %not3A_206 : i1
          %and3A_208 = arith.andi %or3A_200, %not3A_207 : i1
          %ne3A_209 = arith.cmpi ne, %add3A_155, %add3A_165 : i32
          %or3A_210 = arith.constant false
          %or3A_211 = arith.ori %or3A_210, %ne3A_209 : i1
          %or3A_212 = arith.ori %or3A_211, %eq3A_151 : i1
          %convert_element_type3A_213 = arith.extui %or3A_212 : i1 to i32
          %cond3A_214 = arith.constant 0 : i32
          %cond3A_215 = arith.cmpi ne, %convert_element_type3A_213, %cond3A_214 : i32
          scf.if %cond3A_215 {
            "tpu.trace_start"() <{level = 10 : i32, message = "ep_wait_in"}> : () -> ()
            %mul3A_294 = arith.constant 128 : i32
            %mul3A_295 = arith.muli %mul3A_294, %add3A_155 : i32
            %rem3A_296 = arith.constant 2 : i32
            %rem3A_297 = arith.remui %while3A_144, %rem3A_296 : i32
            %dma_wait3A = arith.constant 0 : i32
            %dma_wait3A_298 = arith.constant 0 : i32
            %dma_wait3A_299 = tpu.memref_slice %run_scoped3A[%rem3A_297, %dma_wait3A, %dma_wait3A_298] : memref<2x1x128xi32, #tpu.memory_space<vmem>> -> memref<1x1x128xi32, #tpu.memory_space<vmem>>
            %dma_wait3A_300 = tpu.memref_squeeze %dma_wait3A_299 : memref<1x1x128xi32, #tpu.memory_space<vmem>> -> memref<1x128xi32, #tpu.memory_space<vmem>>
            %dma_wait3A_301 = arith.constant 0 : i32
            %dma_wait3A_302 = tpu.memref_slice %arg3[%dma_wait3A_301, %mul3A_295] : memref<1x1024xi32, #tpu.memory_space<hbm>> -> memref<1x128xi32, #tpu.memory_space<hbm>>
            %dma_wait3A_303 = tpu.memref_slice %run_scoped3A_17[%rem3A_297] : memref<2x!tpu.dma_semaphore, #tpu.memory_space<semaphore_mem>> -> memref<1x!tpu.dma_semaphore, #tpu.memory_space<semaphore_mem>>
            %dma_wait3A_304 = tpu.memref_squeeze %dma_wait3A_303 : memref<1x!tpu.dma_semaphore, #tpu.memory_space<semaphore_mem>> -> memref<!tpu.dma_semaphore, #tpu.memory_space<semaphore_mem>>
            %dma_wait3A_305 = arith.constant 0 : i32
            %dma_wait3A_306 = arith.constant 0 : i32
            %dma_wait3A_307 = tpu.memref_slice %run_scoped3A[%rem3A_297, %dma_wait3A_305, %dma_wait3A_306] : memref<2x1x128xi32, #tpu.memory_space<vmem>> -> memref<1x1x128xi32, #tpu.memory_space<vmem>>
            %dma_wait3A_308 = tpu.memref_squeeze %dma_wait3A_307 : memref<1x1x128xi32, #tpu.memory_space<vmem>> -> memref<1x128xi32, #tpu.memory_space<vmem>>
            %dma_wait3A_309 = arith.constant 0 : i32
            %dma_wait3A_310 = tpu.memref_slice %arg3[%dma_wait3A_309, %mul3A_295] : memref<1x1024xi32, #tpu.memory_space<hbm>> -> memref<1x128xi32, #tpu.memory_space<hbm>>
            tpu.wait_dma2 semaphore(%dma_wait3A_304 : memref<!tpu.dma_semaphore, #tpu.memory_space<semaphore_mem>>) src(%dma_wait3A_310 : memref<1x128xi32, #tpu.memory_space<hbm>>) dst(%dma_wait3A_308 : memref<1x128xi32, #tpu.memory_space<vmem>>)
            "tpu.trace_stop"() : () -> ()
          } else {
          }
          %ne3A_216 = arith.cmpi ne, %add3A_155, %add3A_165 : i32
          %or3A_217 = arith.constant false
          %or3A_218 = arith.ori %or3A_217, %ne3A_216 : i1
          %or3A_219 = arith.constant false
          %or3A_220 = arith.ori %or3A_218, %or3A_219 : i1
          %or3A_221 = arith.ori %or3A_220, %eq3A_151 : i1
          %convert_element_type3A_222 = arith.extui %or3A_221 : i1 to i32
          %cond3A_223 = arith.constant 0 : i32
          %cond3A_224 = arith.cmpi ne, %convert_element_type3A_222, %cond3A_223 : i32
          scf.if %cond3A_224 {
          } else {
          }
          %rem3A_225 = arith.constant 2 : i32
          %rem3A_226 = arith.remui %while3A_144, %rem3A_225 : i32
          %rem3A_227 = arith.constant 2 : i32
          %rem3A_228 = arith.remui %while3A_145, %rem3A_227 : i32
          %run_scoped3A_229 = arith.constant 0 : i32
          "tpu.trace_start"() <{level = 10 : i32, message = "ep_run_kernel"}> : () -> ()
          "tpu.region"() ({
            %run_scoped3A_294 = tpu.sem_alloc : memref<!tpu.dma_semaphore, #tpu.memory_space<semaphore_mem>>
            %dma_start3A_295 = arith.constant 0 : i32
            %dma_start3A_296 = arith.constant 0 : i32
            %dma_start3A_297 = tpu.memref_slice %run_scoped3A_18[%rem3A_228, %dma_start3A_295, %dma_start3A_296] : memref<2x128x128xf32, #tpu.memory_space<vmem>> -> memref<1x128x128xf32, #tpu.memory_space<vmem>>
            %dma_start3A_298 = tpu.memref_squeeze %dma_start3A_297 : memref<1x128x128xf32, #tpu.memory_space<vmem>> -> memref<128x128xf32, #tpu.memory_space<vmem>>
            %dma_start3A_299 = arith.constant 0 : i32
            %dma_start3A_300 = arith.constant 0 : i32
            %dma_start3A_301 = tpu.memref_slice %run_scoped3A[%rem3A_226, %dma_start3A_299, %dma_start3A_300] : memref<2x1x128xi32, #tpu.memory_space<vmem>> -> memref<1x1x128xi32, #tpu.memory_space<vmem>>
            %dma_start3A_302 = tpu.memref_squeeze %dma_start3A_301 : memref<1x1x128xi32, #tpu.memory_space<vmem>> -> memref<1x128xi32, #tpu.memory_space<vmem>>
            %dma_start3A_303 = arith.constant 0 : i32
            %dma_start3A_304 = tpu.memref_slice %dma_start3A_302[%run_scoped3A_229, %dma_start3A_303] : memref<1x128xi32, #tpu.memory_space<vmem>> -> memref<1x128xi32, #tpu.memory_space<vmem>>
            %dma_start3A_305 = tpu.memref_squeeze %dma_start3A_304 : memref<1x128xi32, #tpu.memory_space<vmem>> -> memref<128xi32, #tpu.memory_space<vmem>>
            %dma_start3A_306 = arith.constant 0 : i32
            %dma_start3A_307 = arith.constant 0 : i32
            %dma_start3A_308 = tpu.memref_slice %arg2[%dma_start3A_306, %dma_start3A_307] : memref<8192x128xf32, #tpu.memory_space<hbm>> -> memref<8192x128xf32, #tpu.memory_space<hbm>>
            tpu.enqueue_indirect_dma source(%dma_start3A_308 : memref<8192x128xf32, #tpu.memory_space<hbm>>) target(%dma_start3A_298 : memref<128x128xf32, #tpu.memory_space<vmem>>) offsets(%dma_start3A_305 : memref<128xi32, #tpu.memory_space<vmem>>) semaphore(%run_scoped3A_294 : memref<!tpu.dma_semaphore, #tpu.memory_space<semaphore_mem>>)
            %dma_wait3A = arith.constant 0 : i32
            %dma_wait3A_309 = arith.constant 0 : i32
            %dma_wait3A_310 = tpu.memref_slice %run_scoped3A_18[%rem3A_228, %dma_wait3A, %dma_wait3A_309] : memref<2x128x128xf32, #tpu.memory_space<vmem>> -> memref<1x128x128xf32, #tpu.memory_space<vmem>>
            %dma_wait3A_311 = tpu.memref_squeeze %dma_wait3A_310 : memref<1x128x128xf32, #tpu.memory_space<vmem>> -> memref<128x128xf32, #tpu.memory_space<vmem>>
            %dma_wait3A_312 = arith.constant 0 : i32
            %dma_wait3A_313 = arith.constant 0 : i32
            %dma_wait3A_314 = tpu.memref_slice %run_scoped3A[%rem3A_226, %dma_wait3A_312, %dma_wait3A_313] : memref<2x1x128xi32, #tpu.memory_space<vmem>> -> memref<1x1x128xi32, #tpu.memory_space<vmem>>
            %dma_wait3A_315 = tpu.memref_squeeze %dma_wait3A_314 : memref<1x1x128xi32, #tpu.memory_space<vmem>> -> memref<1x128xi32, #tpu.memory_space<vmem>>
            %dma_wait3A_316 = arith.constant 0 : i32
            %dma_wait3A_317 = tpu.memref_slice %dma_wait3A_315[%run_scoped3A_229, %dma_wait3A_316] : memref<1x128xi32, #tpu.memory_space<vmem>> -> memref<1x128xi32, #tpu.memory_space<vmem>>
            %dma_wait3A_318 = tpu.memref_squeeze %dma_wait3A_317 : memref<1x128xi32, #tpu.memory_space<vmem>> -> memref<128xi32, #tpu.memory_space<vmem>>
            %dma_wait3A_319 = arith.constant 0 : i32
            %dma_wait3A_320 = arith.constant 0 : i32
            %dma_wait3A_321 = tpu.memref_slice %arg2[%dma_wait3A_319, %dma_wait3A_320] : memref<8192x128xf32, #tpu.memory_space<hbm>> -> memref<8192x128xf32, #tpu.memory_space<hbm>>
            tpu.wait_indirect_dma semaphore(%run_scoped3A_294 : memref<!tpu.dma_semaphore, #tpu.memory_space<semaphore_mem>>) src(%dma_wait3A_321 : memref<8192x128xf32, #tpu.memory_space<hbm>>) dst(%dma_wait3A_311 : memref<128x128xf32, #tpu.memory_space<vmem>>)
            tpu.yield
          }) : () -> ()
          "tpu.trace_stop"() : () -> ()
          %ne3A_230 = arith.cmpi ne, %add3A_155, %add3A_173 : i32
          %or3A_231 = arith.constant false
          %or3A_232 = arith.ori %or3A_231, %ne3A_230 : i1
          %or3A_233 = arith.ori %or3A_232, %eq3A_154 : i1
          %convert_element_type3A_234 = arith.extui %or3A_233 : i1 to i32
          %cond3A_235 = arith.constant 0 : i32
          %cond3A_236 = arith.cmpi ne, %convert_element_type3A_234, %cond3A_235 : i32
          scf.if %cond3A_236 {
          } else {
          }
          %and3A_237 = arith.constant false
          %and3A_238 = arith.andi %or3A_233, %and3A_237 : i1
          %ne3A_239 = arith.cmpi ne, %add3A_155, %add3A_173 : i32
          %or3A_240 = arith.constant false
          %or3A_241 = arith.ori %or3A_240, %ne3A_239 : i1
          %or3A_242 = arith.constant false
          %or3A_243 = arith.ori %or3A_241, %or3A_242 : i1
          %or3A_244 = arith.ori %or3A_243, %eq3A_154 : i1
          %convert_element_type3A_245 = arith.extui %or3A_244 : i1 to i32
          %cond3A_246 = arith.constant 0 : i32
          %cond3A_247 = arith.cmpi ne, %convert_element_type3A_245, %cond3A_246 : i32
          scf.if %cond3A_247 {
            "tpu.trace_start"() <{level = 10 : i32, message = "ep_copy_out"}> : () -> ()
            %rem3A_294 = arith.constant 2 : i32
            %rem3A_295 = arith.remui %while3A_145, %rem3A_294 : i32
            %mul3A_296 = arith.constant 128 : i32
            %mul3A_297 = arith.muli %mul3A_296, %add3A_155 : i32
            %dma_start3A_298 = arith.constant 0 : i32
            %dma_start3A_299 = arith.constant 0 : i32
            %dma_start3A_300 = tpu.memref_slice %run_scoped3A_18[%rem3A_295, %dma_start3A_298, %dma_start3A_299] : memref<2x128x128xf32, #tpu.memory_space<vmem>> -> memref<1x128x128xf32, #tpu.memory_space<vmem>>
            %dma_start3A_301 = tpu.memref_squeeze %dma_start3A_300 : memref<1x128x128xf32, #tpu.memory_space<vmem>> -> memref<128x128xf32, #tpu.memory_space<vmem>>
            %dma_start3A_302 = arith.constant 0 : i32
            %dma_start3A_303 = tpu.memref_slice %arg4[%mul3A_297, %dma_start3A_302] : memref<1024x128xf32, #tpu.memory_space<hbm>> -> memref<128x128xf32, #tpu.memory_space<hbm>>
            %dma_start3A_304 = tpu.memref_slice %run_scoped3A_19[%rem3A_295] : memref<2x!tpu.dma_semaphore, #tpu.memory_space<semaphore_mem>> -> memref<1x!tpu.dma_semaphore, #tpu.memory_space<semaphore_mem>>
            %dma_start3A_305 = tpu.memref_squeeze %dma_start3A_304 : memref<1x!tpu.dma_semaphore, #tpu.memory_space<semaphore_mem>> -> memref<!tpu.dma_semaphore, #tpu.memory_space<semaphore_mem>>
            %dma_start3A_306 = arith.constant 0 : i32
            %dma_start3A_307 = tpu.memref_slice %arg4[%mul3A_297, %dma_start3A_306] : memref<1024x128xf32, #tpu.memory_space<hbm>> -> memref<128x128xf32, #tpu.memory_space<hbm>>
            %dma_start3A_308 = arith.constant 0 : i32
            %dma_start3A_309 = arith.constant 0 : i32
            %dma_start3A_310 = tpu.memref_slice %run_scoped3A_18[%rem3A_295, %dma_start3A_308, %dma_start3A_309] : memref<2x128x128xf32, #tpu.memory_space<vmem>> -> memref<1x128x128xf32, #tpu.memory_space<vmem>>
            %dma_start3A_311 = tpu.memref_squeeze %dma_start3A_310 : memref<1x128x128xf32, #tpu.memory_space<vmem>> -> memref<128x128xf32, #tpu.memory_space<vmem>>
            tpu.enqueue_dma source(%dma_start3A_311 : memref<128x128xf32, #tpu.memory_space<vmem>>) target(%dma_start3A_307 : memref<128x128xf32, #tpu.memory_space<hbm>>) target_semaphore(%dma_start3A_305 : memref<!tpu.dma_semaphore, #tpu.memory_space<semaphore_mem>>)
            "tpu.trace_stop"() : () -> ()
          } else {
          }
          %and3A_248 = arith.constant true
          %and3A_249 = arith.andi %or3A_244, %and3A_248 : i1
          %add3A_250 = arith.constant 1 : i32
          %add3A_251 = arith.addi %while3A_145, %add3A_250 : i32
          %select_n3A_252 = arith.select %and3A_249, %add3A_251, %while3A_145 : i32
          %ne3A_253 = arith.cmpi ne, %add3A_155, %add3A_165 : i32
          %or3A_254 = arith.constant false
          %or3A_255 = arith.ori %or3A_254, %ne3A_253 : i1
          %not3A_256 = arith.constant true
          %not3A_257 = arith.xori %eq3A_151, %not3A_256 : i1
          %and3A_258 = arith.andi %or3A_255, %not3A_257 : i1
          %convert_element_type3A_259 = arith.extui %and3A_258 : i1 to i32
          %cond3A_260 = arith.constant 0 : i32
          %cond3A_261 = arith.cmpi ne, %convert_element_type3A_259, %cond3A_260 : i32
          scf.if %cond3A_261 {
          } else {
          }
          %and3A_262 = arith.constant false
          %and3A_263 = arith.andi %and3A_258, %and3A_262 : i1
          %ne3A_264 = arith.cmpi ne, %add3A_155, %add3A_165 : i32
          %or3A_265 = arith.constant false
          %or3A_266 = arith.ori %or3A_265, %ne3A_264 : i1
          %or3A_267 = arith.constant false
          %or3A_268 = arith.ori %or3A_266, %or3A_267 : i1
          %not3A_269 = arith.constant true
          %not3A_270 = arith.xori %eq3A_151, %not3A_269 : i1
          %and3A_271 = arith.andi %or3A_268, %not3A_270 : i1
          %convert_element_type3A_272 = arith.extui %and3A_271 : i1 to i32
          %cond3A_273 = arith.constant 0 : i32
          %cond3A_274 = arith.cmpi ne, %convert_element_type3A_272, %cond3A_273 : i32
          scf.if %cond3A_274 {
            "tpu.trace_start"() <{level = 10 : i32, message = "ep_wait_out"}> : () -> ()
            %rem3A_294 = arith.constant 2 : i32
            %rem3A_295 = arith.remui %while3A_146, %rem3A_294 : i32
            %mul3A_296 = arith.constant 128 : i32
            %mul3A_297 = arith.muli %mul3A_296, %add3A_165 : i32
            %dma_wait3A = arith.constant 0 : i32
            %dma_wait3A_298 = arith.constant 0 : i32
            %dma_wait3A_299 = tpu.memref_slice %run_scoped3A_18[%rem3A_295, %dma_wait3A, %dma_wait3A_298] : memref<2x128x128xf32, #tpu.memory_space<vmem>> -> memref<1x128x128xf32, #tpu.memory_space<vmem>>
            %dma_wait3A_300 = tpu.memref_squeeze %dma_wait3A_299 : memref<1x128x128xf32, #tpu.memory_space<vmem>> -> memref<128x128xf32, #tpu.memory_space<vmem>>
            %dma_wait3A_301 = arith.constant 0 : i32
            %dma_wait3A_302 = tpu.memref_slice %arg4[%mul3A_297, %dma_wait3A_301] : memref<1024x128xf32, #tpu.memory_space<hbm>> -> memref<128x128xf32, #tpu.memory_space<hbm>>
            %dma_wait3A_303 = tpu.memref_slice %run_scoped3A_19[%rem3A_295] : memref<2x!tpu.dma_semaphore, #tpu.memory_space<semaphore_mem>> -> memref<1x!tpu.dma_semaphore, #tpu.memory_space<semaphore_mem>>
            %dma_wait3A_304 = tpu.memref_squeeze %dma_wait3A_303 : memref<1x!tpu.dma_semaphore, #tpu.memory_space<semaphore_mem>> -> memref<!tpu.dma_semaphore, #tpu.memory_space<semaphore_mem>>
            %dma_wait3A_305 = arith.constant 0 : i32
            %dma_wait3A_306 = tpu.memref_slice %arg4[%mul3A_297, %dma_wait3A_305] : memref<1024x128xf32, #tpu.memory_space<hbm>> -> memref<128x128xf32, #tpu.memory_space<hbm>>
            %dma_wait3A_307 = arith.constant 0 : i32
            %dma_wait3A_308 = arith.constant 0 : i32
            %dma_wait3A_309 = tpu.memref_slice %run_scoped3A_18[%rem3A_295, %dma_wait3A_307, %dma_wait3A_308] : memref<2x128x128xf32, #tpu.memory_space<vmem>> -> memref<1x128x128xf32, #tpu.memory_space<vmem>>
            %dma_wait3A_310 = tpu.memref_squeeze %dma_wait3A_309 : memref<1x128x128xf32, #tpu.memory_space<vmem>> -> memref<128x128xf32, #tpu.memory_space<vmem>>
            tpu.wait_dma2 semaphore(%dma_wait3A_304 : memref<!tpu.dma_semaphore, #tpu.memory_space<semaphore_mem>>) src(%dma_wait3A_310 : memref<128x128xf32, #tpu.memory_space<vmem>>) dst(%dma_wait3A_306 : memref<128x128xf32, #tpu.memory_space<hbm>>)
            "tpu.trace_stop"() : () -> ()
          } else {
          }
          %and3A_275 = arith.constant true
          %and3A_276 = arith.andi %and3A_271, %and3A_275 : i1
          %add3A_277 = arith.constant 1 : i32
          %add3A_278 = arith.addi %while3A_146, %add3A_277 : i32
          %select_n3A_279 = arith.select %and3A_276, %add3A_278, %while3A_146 : i32
          %ne3A_280 = arith.cmpi ne, %add3A_155, %add3A_173 : i32
          %or3A_281 = arith.constant false
          %or3A_282 = arith.ori %or3A_281, %ne3A_280 : i1
          %or3A_283 = arith.ori %or3A_282, %eq3A_154 : i1
          %add3A_284 = arith.constant 1 : i32
          %add3A_285 = arith.addi %while3A_144, %add3A_284 : i32
          %select_n3A_286 = arith.select %or3A_283, %add3A_285, %while3A_144 : i32
          %add3A_287 = arith.constant 1 : i32
          %add3A_288 = arith.addi %while3A_147, %add3A_287 : i32
          %select_n3A_289 = arith.constant true
          %select_n3A_290 = arith.select %select_n3A_289, %add3A_288, %while3A_147 : i32
          %eq3A_291 = arith.cmpi eq, %select_n3A_290, %select_n3A : i32
          %select_n3A_292 = arith.constant 0 : i32
          %select_n3A_293 = arith.select %eq3A_291, %select_n3A_292, %select_n3A_290 : i32
          scf.yield %select_n3A_195, %select_n3A_286, %select_n3A_252, %select_n3A_279, %select_n3A_293 : i32, i32, i32, i32, i32
        }
        %sub3A_91 = arith.constant 1 : i32
        %sub3A_92 = arith.subi %while3A_90#4, %sub3A_91 : i32
        %select_n3A_93 = arith.constant true
        %select_n3A_94 = arith.select %select_n3A_93, %sub3A_92, %while3A_90#4 : i32
        %eq3A_95 = arith.constant -1 : i32
        %eq3A_96 = arith.cmpi eq, %select_n3A_94, %eq3A_95 : i32
        %sub3A_97 = arith.constant 1 : i32
        %sub3A_98 = arith.subi %select_n3A, %sub3A_97 : i32
        %select_n3A_99 = arith.select %eq3A_96, %sub3A_98, %select_n3A_94 : i32
        %sub3A_100 = arith.constant 1 : i32
        %sub3A_101 = arith.subi %mul3A_16, %sub3A_100 : i32
        %mul3A_102 = arith.constant 1 : i32
        %mul3A_103 = arith.muli %mul3A_102, %select_n3A : i32
        %eq3A_104 = arith.constant 0 : i32
        %eq3A_105 = arith.cmpi eq, %sub3A_101, %eq3A_104 : i32
        %sub3A_106 = arith.constant 1 : i32
        %sub3A_107 = arith.subi %mul3A_103, %sub3A_106 : i32
        %eq3A_108 = arith.cmpi eq, %sub3A_101, %sub3A_107 : i32
        %add3A_109 = arith.addi %select_n3A_99, %select_n3A_14 : i32
        %sub3A_110 = arith.constant 1 : i32
        %sub3A_111 = arith.subi %select_n3A_99, %sub3A_110 : i32
        %select_n3A_112 = arith.constant true
        %select_n3A_113 = arith.select %select_n3A_112, %sub3A_111, %select_n3A_99 : i32
        %eq3A_114 = arith.constant -1 : i32
        %eq3A_115 = arith.cmpi eq, %select_n3A_113, %eq3A_114 : i32
        %sub3A_116 = arith.constant 1 : i32
        %sub3A_117 = arith.subi %select_n3A, %sub3A_116 : i32
        %select_n3A_118 = arith.select %eq3A_115, %sub3A_117, %select_n3A_113 : i32
        %add3A_119 = arith.addi %select_n3A_118, %select_n3A_14 : i32
        %add3A_120 = arith.constant 1 : i32
        %add3A_121 = arith.addi %select_n3A_99, %add3A_120 : i32
        %select_n3A_122 = arith.constant true
        %select_n3A_123 = arith.select %select_n3A_122, %add3A_121, %select_n3A_99 : i32
        %eq3A_124 = arith.cmpi eq, %select_n3A_123, %select_n3A : i32
        %select_n3A_125 = arith.constant 0 : i32
        %select_n3A_126 = arith.select %eq3A_124, %select_n3A_125, %select_n3A_123 : i32
        %add3A_127 = arith.addi %select_n3A_126, %select_n3A_14 : i32
        %add3A_128 = arith.constant 1 : i32
        %add3A_129 = arith.addi %select_n3A_126, %add3A_128 : i32
        %select_n3A_130 = arith.constant true
        %select_n3A_131 = arith.select %select_n3A_130, %add3A_129, %select_n3A_126 : i32
        %eq3A_132 = arith.cmpi eq, %select_n3A_131, %select_n3A : i32
        %select_n3A_133 = arith.constant 0 : i32
        %select_n3A_134 = arith.select %eq3A_132, %select_n3A_133, %select_n3A_131 : i32
        %add3A_135 = arith.addi %select_n3A_134, %select_n3A_14 : i32
        %convert_element_type3A_136 = arith.extui %eq3A_108 : i1 to i32
        %cond3A_137 = arith.constant 0 : i32
        %cond3A_138 = arith.cmpi ne, %convert_element_type3A_136, %cond3A_137 : i32
        scf.if %cond3A_138 {
        } else {
        }
        %convert_element_type3A_139 = arith.extui %eq3A_108 : i1 to i32
        %cond3A_140 = arith.constant 0 : i32
        %cond3A_141 = arith.cmpi ne, %convert_element_type3A_139, %cond3A_140 : i32
        scf.if %cond3A_141 {
          "tpu.trace_start"() <{level = 10 : i32, message = "ep_finalize"}> : () -> ()
          %rem3A_142 = arith.constant 2 : i32
          %rem3A_143 = arith.remui %while3A_90#3, %rem3A_142 : i32
          %mul3A_144 = arith.constant 128 : i32
          %mul3A_145 = arith.muli %mul3A_144, %add3A_109 : i32
          %dma_wait3A = arith.constant 0 : i32
          %dma_wait3A_146 = arith.constant 0 : i32
          %dma_wait3A_147 = tpu.memref_slice %run_scoped3A_18[%rem3A_143, %dma_wait3A, %dma_wait3A_146] : memref<2x128x128xf32, #tpu.memory_space<vmem>> -> memref<1x128x128xf32, #tpu.memory_space<vmem>>
          %dma_wait3A_148 = tpu.memref_squeeze %dma_wait3A_147 : memref<1x128x128xf32, #tpu.memory_space<vmem>> -> memref<128x128xf32, #tpu.memory_space<vmem>>
          %dma_wait3A_149 = arith.constant 0 : i32
          %dma_wait3A_150 = tpu.memref_slice %arg4[%mul3A_145, %dma_wait3A_149] : memref<1024x128xf32, #tpu.memory_space<hbm>> -> memref<128x128xf32, #tpu.memory_space<hbm>>
          %dma_wait3A_151 = tpu.memref_slice %run_scoped3A_19[%rem3A_143] : memref<2x!tpu.dma_semaphore, #tpu.memory_space<semaphore_mem>> -> memref<1x!tpu.dma_semaphore, #tpu.memory_space<semaphore_mem>>
          %dma_wait3A_152 = tpu.memref_squeeze %dma_wait3A_151 : memref<1x!tpu.dma_semaphore, #tpu.memory_space<semaphore_mem>> -> memref<!tpu.dma_semaphore, #tpu.memory_space<semaphore_mem>>
          %dma_wait3A_153 = arith.constant 0 : i32
          %dma_wait3A_154 = tpu.memref_slice %arg4[%mul3A_145, %dma_wait3A_153] : memref<1024x128xf32, #tpu.memory_space<hbm>> -> memref<128x128xf32, #tpu.memory_space<hbm>>
          %dma_wait3A_155 = arith.constant 0 : i32
          %dma_wait3A_156 = arith.constant 0 : i32
          %dma_wait3A_157 = tpu.memref_slice %run_scoped3A_18[%rem3A_143, %dma_wait3A_155, %dma_wait3A_156] : memref<2x128x128xf32, #tpu.memory_space<vmem>> -> memref<1x128x128xf32, #tpu.memory_space<vmem>>
          %dma_wait3A_158 = tpu.memref_squeeze %dma_wait3A_157 : memref<1x128x128xf32, #tpu.memory_space<vmem>> -> memref<128x128xf32, #tpu.memory_space<vmem>>
          tpu.wait_dma2 semaphore(%dma_wait3A_152 : memref<!tpu.dma_semaphore, #tpu.memory_space<semaphore_mem>>) src(%dma_wait3A_158 : memref<128x128xf32, #tpu.memory_space<vmem>>) dst(%dma_wait3A_154 : memref<128x128xf32, #tpu.memory_space<hbm>>)
          "tpu.trace_stop"() : () -> ()
        } else {
        }
      } else {
      }
      tpu.yield
    }) : () -> ()
    return
  }
}

module attributes {stable_mosaic.version = 14 : i64} {
  func.func @_a0_exact_body(%arg0: i32, %arg1: memref<1024x64xf32, #tpu.memory_space<vmem>>, %arg2: memref<64x2048xf32, #tpu.memory_space<vmem>>, %arg3: memref<1024x1xf32, #tpu.memory_space<vmem>>, %arg4: memref<1x2048xf32, #tpu.memory_space<vmem>>, %arg5: memref<1024x1xf32, #tpu.memory_space<vmem>>, %arg6: memref<1024x1xi32, #tpu.memory_space<vmem>>) attributes {dimension_semantics = [#tpu.dimension_semantics<arbitrary>], iteration_bounds = array<i64: 4>, scalar_prefetch = 0 : i64, scratch_operands = 0 : i64, tpu.core_type = #tpu.core_type<tc>, window_params = [{pipeline_mode = #tpu.pipeline_mode<synchronous>, transform_indices = @transform_0, window_bounds = array<i64: 1024, 64>}, {transform_indices = @transform_1, window_bounds = array<i64: 64, 2048>}, {pipeline_mode = #tpu.pipeline_mode<synchronous>, transform_indices = @transform_2, window_bounds = array<i64: 1024, 1>}, {transform_indices = @transform_3, window_bounds = array<i64: 1, 2048>}, {pipeline_mode = #tpu.pipeline_mode<synchronous>, transform_indices = @transform_4, window_bounds = array<i64: 1024, 1>}, {pipeline_mode = #tpu.pipeline_mode<synchronous>, transform_indices = @transform_5, window_bounds = array<i64: 1024, 1>}]} {
    %get3A = arith.constant 0 : index
    %get3A_0 = arith.constant 0 : index
    %get3A_1 = vector.load %arg1[%get3A, %get3A_0] : memref<1024x64xf32, #tpu.memory_space<vmem>>, vector<1024x64xf32>
    %get3A_2 = arith.constant 0 : index
    %get3A_3 = arith.constant 0 : index
    %get3A_4 = vector.load %arg2[%get3A_2, %get3A_3] : memref<64x2048xf32, #tpu.memory_space<vmem>>, vector<64x2048xf32>
    %dot_general3A = arith.constant dense<0.000000e+00> : vector<1024x2048xf32>
    %dot_general3A_5 = tpu.matmul %get3A_1, %get3A_4, %dot_general3A {dimension_numbers = #tpu.dot_dimension_numbers<[1], [0], [0], [1], [0, 0, 1, 1], [], []>, transpose_lhs_hint = false} : vector<1024x64xf32>, vector<64x2048xf32>, vector<1024x2048xf32> -> vector<1024x2048xf32>
    %get3A_6 = arith.constant 0 : index
    %get3A_7 = arith.constant 0 : index
    %get3A_8 = vector.load %arg3[%get3A_6, %get3A_7] : memref<1024x1xf32, #tpu.memory_space<vmem>>, vector<1024x1xf32>
    %get3A_9 = arith.constant 0 : index
    %get3A_10 = arith.constant 0 : index
    %get3A_11 = vector.load %arg4[%get3A_9, %get3A_10] : memref<1x2048xf32, #tpu.memory_space<vmem>>, vector<1x2048xf32>
    %add3A = vector.broadcast %get3A_8 : vector<1024x1xf32> to vector<1024x2048xf32>
    %add3A_12 = vector.broadcast %get3A_11 : vector<1x2048xf32> to vector<1024x2048xf32>
    %add3A_13 = arith.addf %add3A, %add3A_12 : vector<1024x2048xf32>
    %sub3A = arith.subf %add3A_13, %dot_general3A_5 : vector<1024x2048xf32>
    %reduce_min3A = arith.constant dense<0x7F800000> : vector<1024xf32>
    %reduce_min3A_14 = vector.multi_reduction <minimumf>, %sub3A, %reduce_min3A [1] : vector<1024x2048xf32> to vector<1024xf32>
    %broadcast_in_dim3A = vector.shape_cast %reduce_min3A_14 : vector<1024xf32> to vector<1024x1xf32>
    %iota3A = tpu.iota {dimensions = array<i32: 1>} : vector<1024x2048xi32>
    %convert_element_type3A = arith.sitofp %iota3A : vector<1024x2048xi32> to vector<1024x2048xf32>
    %eq3A = vector.broadcast %broadcast_in_dim3A : vector<1024x1xf32> to vector<1024x2048xf32>
    %eq3A_15 = arith.cmpf oeq, %sub3A, %eq3A : vector<1024x2048xf32>
    %jit3A = arith.constant 1.07374182E+9 : f32
    %broadcast_in_dim3A_16 = vector.broadcast %jit3A : f32 to vector<1024x2048xf32>
    %select_n3A = arith.select %eq3A_15, %convert_element_type3A, %broadcast_in_dim3A_16 : vector<1024x2048xi1>, vector<1024x2048xf32>
    %reduce_min3A_17 = arith.constant dense<0x7F800000> : vector<1024xf32>
    %reduce_min3A_18 = vector.multi_reduction <minimumf>, %select_n3A, %reduce_min3A_17 [1] : vector<1024x2048xf32> to vector<1024xf32>
    %broadcast_in_dim3A_19 = vector.shape_cast %reduce_min3A_18 : vector<1024xf32> to vector<1024x1xf32>
    %convert_element_type3A_20 = arith.fptosi %broadcast_in_dim3A_19 : vector<1024x1xf32> to vector<1024x1xi32>
    %mul3A = arith.constant 2048 : i32
    %mul3A_21 = arith.muli %arg0, %mul3A : i32
    %add3A_22 = vector.broadcast %mul3A_21 : i32 to vector<1024x1xi32>
    %add3A_23 = arith.addi %convert_element_type3A_20, %add3A_22 : vector<1024x1xi32>
    %eq3A_24 = arith.constant 0 : i32
    %eq3A_25 = arith.cmpi eq, %arg0, %eq3A_24 : i32
    %convert_element_type3A_26 = arith.extui %eq3A_25 : i1 to i32
    %cond3A = arith.constant 0 : i32
    %cond3A_27 = arith.cmpi ne, %convert_element_type3A_26, %cond3A : i32
    scf.if %cond3A_27 {
      %swap3A = arith.constant 0 : index
      %swap3A_32 = arith.constant 0 : index
      %swap3A_33 = vector.load %arg6[%swap3A, %swap3A_32] : memref<1024x1xi32, #tpu.memory_space<vmem>>, vector<1024x1xi32>
      tpu.vector_store %arg6[%swap3A, %swap3A_32], %add3A_23 {strides = array<i32>} : memref<1024x1xi32, #tpu.memory_space<vmem>>, vector<1024x1xi32>,
      %swap3A_34 = arith.constant 0 : index
      %swap3A_35 = arith.constant 0 : index
      %swap3A_36 = vector.load %arg5[%swap3A_34, %swap3A_35] : memref<1024x1xf32, #tpu.memory_space<vmem>>, vector<1024x1xf32>
      tpu.vector_store %arg5[%swap3A_34, %swap3A_35], %broadcast_in_dim3A {strides = array<i32>} : memref<1024x1xf32, #tpu.memory_space<vmem>>, vector<1024x1xf32>,
    } else {
    }
    %ne3A = arith.constant 0 : i32
    %ne3A_28 = arith.cmpi ne, %arg0, %ne3A : i32
    %convert_element_type3A_29 = arith.extui %ne3A_28 : i1 to i32
    %cond3A_30 = arith.constant 0 : i32
    %cond3A_31 = arith.cmpi ne, %convert_element_type3A_29, %cond3A_30 : i32
    scf.if %cond3A_31 {
      %get3A_32 = arith.constant 0 : index
      %get3A_33 = arith.constant 0 : index
      %get3A_34 = vector.load %arg5[%get3A_32, %get3A_33] : memref<1024x1xf32, #tpu.memory_space<vmem>>, vector<1024x1xf32>
      %lt3A = arith.cmpf olt, %broadcast_in_dim3A, %get3A_34 : vector<1024x1xf32>
      %get3A_35 = arith.constant 0 : index
      %get3A_36 = arith.constant 0 : index
      %get3A_37 = vector.load %arg6[%get3A_35, %get3A_36] : memref<1024x1xi32, #tpu.memory_space<vmem>>, vector<1024x1xi32>
      %select_n3A_38 = arith.select %lt3A, %add3A_23, %get3A_37 : vector<1024x1xi1>, vector<1024x1xi32>
      %swap3A = arith.constant 0 : index
      %swap3A_39 = arith.constant 0 : index
      %swap3A_40 = vector.load %arg6[%swap3A, %swap3A_39] : memref<1024x1xi32, #tpu.memory_space<vmem>>, vector<1024x1xi32>
      tpu.vector_store %arg6[%swap3A, %swap3A_39], %select_n3A_38 {strides = array<i32>} : memref<1024x1xi32, #tpu.memory_space<vmem>>, vector<1024x1xi32>,
      %get3A_41 = arith.constant 0 : index
      %get3A_42 = arith.constant 0 : index
      %get3A_43 = vector.load %arg5[%get3A_41, %get3A_42] : memref<1024x1xf32, #tpu.memory_space<vmem>>, vector<1024x1xf32>
      %min3A = arith.minimumf %get3A_43, %broadcast_in_dim3A : vector<1024x1xf32>
      %swap3A_44 = arith.constant 0 : index
      %swap3A_45 = arith.constant 0 : index
      %swap3A_46 = vector.load %arg5[%swap3A_44, %swap3A_45] : memref<1024x1xf32, #tpu.memory_space<vmem>>, vector<1024x1xf32>
      tpu.vector_store %arg5[%swap3A_44, %swap3A_45], %min3A {strides = array<i32>} : memref<1024x1xf32, #tpu.memory_space<vmem>>, vector<1024x1xf32>,
    } else {
    }
    return
  }
  func.func @transform_0(%arg0: i32) -> (i32, i32) {
    %c0_i32 = arith.constant 0 : i32
    %c0_i32_0 = arith.constant 0 : i32
    %c0_i32_1 = arith.constant 0 : i32
    return %c0_i32, %c0_i32_0 : i32, i32
  }
  func.func @transform_1(%arg0: i32) -> (i32, i32) {
    %c0_i32 = arith.constant 0 : i32
    %c0_i32_0 = arith.constant 0 : i32
    return %c0_i32, %arg0 : i32, i32
  }
  func.func @transform_2(%arg0: i32) -> (i32, i32) {
    %c0_i32 = arith.constant 0 : i32
    %c0_i32_0 = arith.constant 0 : i32
    %c0_i32_1 = arith.constant 0 : i32
    return %c0_i32, %c0_i32_0 : i32, i32
  }
  func.func @transform_3(%arg0: i32) -> (i32, i32) {
    %c0_i32 = arith.constant 0 : i32
    %c0_i32_0 = arith.constant 0 : i32
    return %c0_i32, %arg0 : i32, i32
  }
  func.func @transform_4(%arg0: i32) -> (i32, i32) {
    %c0_i32 = arith.constant 0 : i32
    %c0_i32_0 = arith.constant 0 : i32
    %c0_i32_1 = arith.constant 0 : i32
    return %c0_i32, %c0_i32_0 : i32, i32
  }
  func.func @transform_5(%arg0: i32) -> (i32, i32) {
    %c0_i32 = arith.constant 0 : i32
    %c0_i32_0 = arith.constant 0 : i32
    %c0_i32_1 = arith.constant 0 : i32
    return %c0_i32, %c0_i32_0 : i32, i32
  }
}

module attributes {stable_mosaic.version = 14 : i64} {
  func.func @_a1_exact_body(%arg0: i32, %arg1: i32, %arg2: memref<3584x64xf32, #tpu.memory_space<vmem>>, %arg3: memref<64x2048xf32, #tpu.memory_space<vmem>>, %arg4: memref<3584x1xf32, #tpu.memory_space<vmem>>, %arg5: memref<1x2048xf32, #tpu.memory_space<vmem>>, %arg6: memref<3584x1xf32, #tpu.memory_space<vmem>>) attributes {dimension_semantics = [#tpu.dimension_semantics<parallel>, #tpu.dimension_semantics<arbitrary>], iteration_bounds = array<i64: 2, 4>, scalar_prefetch = 0 : i64, scratch_operands = 0 : i64, tpu.core_type = #tpu.core_type<tc>, window_params = [{transform_indices = @transform_0, window_bounds = array<i64: 3584, 64>}, {transform_indices = @transform_1, window_bounds = array<i64: 64, 2048>}, {transform_indices = @transform_2, window_bounds = array<i64: 3584, 1>}, {transform_indices = @transform_3, window_bounds = array<i64: 1, 2048>}, {transform_indices = @transform_4, window_bounds = array<i64: 3584, 1>}]} {
    %get3A = arith.constant 0 : index
    %get3A_0 = arith.constant 0 : index
    %get3A_1 = vector.load %arg2[%get3A, %get3A_0] : memref<3584x64xf32, #tpu.memory_space<vmem>>, vector<3584x64xf32>
    %get3A_2 = arith.constant 0 : index
    %get3A_3 = arith.constant 0 : index
    %get3A_4 = vector.load %arg3[%get3A_2, %get3A_3] : memref<64x2048xf32, #tpu.memory_space<vmem>>, vector<64x2048xf32>
    %dot_general3A = arith.constant dense<0.000000e+00> : vector<3584x2048xf32>
    %dot_general3A_5 = tpu.matmul %get3A_1, %get3A_4, %dot_general3A {dimension_numbers = #tpu.dot_dimension_numbers<[1], [0], [0], [1], [0, 0, 1, 1], [], []>, transpose_lhs_hint = false} : vector<3584x64xf32>, vector<64x2048xf32>, vector<3584x2048xf32> -> vector<3584x2048xf32>
    %get3A_6 = arith.constant 0 : index
    %get3A_7 = arith.constant 0 : index
    %get3A_8 = vector.load %arg4[%get3A_6, %get3A_7] : memref<3584x1xf32, #tpu.memory_space<vmem>>, vector<3584x1xf32>
    %get3A_9 = arith.constant 0 : index
    %get3A_10 = arith.constant 0 : index
    %get3A_11 = vector.load %arg5[%get3A_9, %get3A_10] : memref<1x2048xf32, #tpu.memory_space<vmem>>, vector<1x2048xf32>
    %add3A = vector.broadcast %get3A_8 : vector<3584x1xf32> to vector<3584x2048xf32>
    %add3A_12 = vector.broadcast %get3A_11 : vector<1x2048xf32> to vector<3584x2048xf32>
    %add3A_13 = arith.addf %add3A, %add3A_12 : vector<3584x2048xf32>
    %sub3A = arith.subf %add3A_13, %dot_general3A_5 : vector<3584x2048xf32>
    %reduce_min3A = arith.constant dense<0x7F800000> : vector<3584xf32>
    %reduce_min3A_14 = vector.multi_reduction <minimumf>, %sub3A, %reduce_min3A [1] : vector<3584x2048xf32> to vector<3584xf32>
    %broadcast_in_dim3A = vector.shape_cast %reduce_min3A_14 : vector<3584xf32> to vector<3584x1xf32>
    %eq3A = arith.constant 0 : i32
    %eq3A_15 = arith.cmpi eq, %arg1, %eq3A : i32
    %convert_element_type3A = arith.extui %eq3A_15 : i1 to i32
    %cond3A = arith.constant 0 : i32
    %cond3A_16 = arith.cmpi ne, %convert_element_type3A, %cond3A : i32
    scf.if %cond3A_16 {
      %swap3A = arith.constant 0 : index
      %swap3A_21 = arith.constant 0 : index
      %swap3A_22 = vector.load %arg6[%swap3A, %swap3A_21] : memref<3584x1xf32, #tpu.memory_space<vmem>>, vector<3584x1xf32>
      tpu.vector_store %arg6[%swap3A, %swap3A_21], %broadcast_in_dim3A {strides = array<i32>} : memref<3584x1xf32, #tpu.memory_space<vmem>>, vector<3584x1xf32>,
    } else {
    }
    %ne3A = arith.constant 0 : i32
    %ne3A_17 = arith.cmpi ne, %arg1, %ne3A : i32
    %convert_element_type3A_18 = arith.extui %ne3A_17 : i1 to i32
    %cond3A_19 = arith.constant 0 : i32
    %cond3A_20 = arith.cmpi ne, %convert_element_type3A_18, %cond3A_19 : i32
    scf.if %cond3A_20 {
      %get3A_21 = arith.constant 0 : index
      %get3A_22 = arith.constant 0 : index
      %get3A_23 = vector.load %arg6[%get3A_21, %get3A_22] : memref<3584x1xf32, #tpu.memory_space<vmem>>, vector<3584x1xf32>
      %min3A = arith.minimumf %get3A_23, %broadcast_in_dim3A : vector<3584x1xf32>
      %swap3A = arith.constant 0 : index
      %swap3A_24 = arith.constant 0 : index
      %swap3A_25 = vector.load %arg6[%swap3A, %swap3A_24] : memref<3584x1xf32, #tpu.memory_space<vmem>>, vector<3584x1xf32>
      tpu.vector_store %arg6[%swap3A, %swap3A_24], %min3A {strides = array<i32>} : memref<3584x1xf32, #tpu.memory_space<vmem>>, vector<3584x1xf32>,
    } else {
    }
    return
  }
  func.func @transform_0(%arg0: i32, %arg1: i32) -> (i32, i32) {
    %c0_i32 = arith.constant 0 : i32
    %c0_i32_0 = arith.constant 0 : i32
    return %arg0, %c0_i32 : i32, i32
  }
  func.func @transform_1(%arg0: i32, %arg1: i32) -> (i32, i32) {
    %c0_i32 = arith.constant 0 : i32
    %c0_i32_0 = arith.constant 0 : i32
    return %c0_i32, %arg1 : i32, i32
  }
  func.func @transform_2(%arg0: i32, %arg1: i32) -> (i32, i32) {
    %c0_i32 = arith.constant 0 : i32
    %c0_i32_0 = arith.constant 0 : i32
    return %arg0, %c0_i32 : i32, i32
  }
  func.func @transform_3(%arg0: i32, %arg1: i32) -> (i32, i32) {
    %c0_i32 = arith.constant 0 : i32
    %c0_i32_0 = arith.constant 0 : i32
    return %c0_i32, %arg1 : i32, i32
  }
  func.func @transform_4(%arg0: i32, %arg1: i32) -> (i32, i32) {
    %c0_i32 = arith.constant 0 : i32
    %c0_i32_0 = arith.constant 0 : i32
    return %arg0, %c0_i32 : i32, i32
  }
}

module attributes {stable_mosaic.version = 14 : i64} {
  func.func @_a0_fast_body(%arg0: i32, %arg1: memref<1024x64xf32, #tpu.memory_space<vmem>>, %arg2: memref<64x2048xf32, #tpu.memory_space<vmem>>, %arg3: memref<1024x1xf32, #tpu.memory_space<vmem>>, %arg4: memref<1024x1xf32, #tpu.memory_space<vmem>>, %arg5: memref<1024x1xi32, #tpu.memory_space<vmem>>) attributes {dimension_semantics = [#tpu.dimension_semantics<arbitrary>], iteration_bounds = array<i64: 4>, scalar_prefetch = 0 : i64, scratch_operands = 0 : i64, tpu.core_type = #tpu.core_type<tc>, window_params = [{pipeline_mode = #tpu.pipeline_mode<synchronous>, transform_indices = @transform_0, window_bounds = array<i64: 1024, 64>}, {transform_indices = @transform_1, window_bounds = array<i64: 64, 2048>}, {pipeline_mode = #tpu.pipeline_mode<synchronous>, transform_indices = @transform_2, window_bounds = array<i64: 1024, 1>}, {pipeline_mode = #tpu.pipeline_mode<synchronous>, transform_indices = @transform_3, window_bounds = array<i64: 1024, 1>}, {pipeline_mode = #tpu.pipeline_mode<synchronous>, transform_indices = @transform_4, window_bounds = array<i64: 1024, 1>}]} {
    %get3A = arith.constant 0 : index
    %get3A_0 = arith.constant 0 : index
    %get3A_1 = vector.load %arg1[%get3A, %get3A_0] : memref<1024x64xf32, #tpu.memory_space<vmem>>, vector<1024x64xf32>
    %get3A_2 = arith.constant 0 : index
    %get3A_3 = arith.constant 0 : index
    %get3A_4 = vector.load %arg2[%get3A_2, %get3A_3] : memref<64x2048xf32, #tpu.memory_space<vmem>>, vector<64x2048xf32>
    %dot_general3A = arith.constant dense<0.000000e+00> : vector<1024x2048xf32>
    %dot_general3A_5 = tpu.matmul %get3A_1, %get3A_4, %dot_general3A {dimension_numbers = #tpu.dot_dimension_numbers<[1], [0], [0], [1], [0, 0, 1, 1], [], []>, transpose_lhs_hint = false} : vector<1024x64xf32>, vector<64x2048xf32>, vector<1024x2048xf32> -> vector<1024x2048xf32>
    %get3A_6 = arith.constant 0 : index
    %get3A_7 = arith.constant 0 : index
    %get3A_8 = vector.load %arg3[%get3A_6, %get3A_7] : memref<1024x1xf32, #tpu.memory_space<vmem>>, vector<1024x1xf32>
    %reduce_max3A = arith.constant dense<0xFF800000> : vector<1024xf32>
    %reduce_max3A_9 = vector.multi_reduction <maximumf>, %dot_general3A_5, %reduce_max3A [1] : vector<1024x2048xf32> to vector<1024xf32>
    %broadcast_in_dim3A = vector.shape_cast %reduce_max3A_9 : vector<1024xf32> to vector<1024x1xf32>
    %sub3A = arith.subf %get3A_8, %broadcast_in_dim3A : vector<1024x1xf32>
    %sub3A_10 = vector.broadcast %get3A_8 : vector<1024x1xf32> to vector<1024x2048xf32>
    %sub3A_11 = arith.subf %sub3A_10, %dot_general3A_5 : vector<1024x2048xf32>
    %iota3A = tpu.iota {dimensions = array<i32: 1>} : vector<1024x2048xi32>
    %convert_element_type3A = arith.sitofp %iota3A : vector<1024x2048xi32> to vector<1024x2048xf32>
    %eq3A = vector.broadcast %sub3A : vector<1024x1xf32> to vector<1024x2048xf32>
    %eq3A_12 = arith.cmpf oeq, %sub3A_11, %eq3A : vector<1024x2048xf32>
    %jit3A = arith.constant 1.07374182E+9 : f32
    %broadcast_in_dim3A_13 = vector.broadcast %jit3A : f32 to vector<1024x2048xf32>
    %select_n3A = arith.select %eq3A_12, %convert_element_type3A, %broadcast_in_dim3A_13 : vector<1024x2048xi1>, vector<1024x2048xf32>
    %reduce_min3A = arith.constant dense<0x7F800000> : vector<1024xf32>
    %reduce_min3A_14 = vector.multi_reduction <minimumf>, %select_n3A, %reduce_min3A [1] : vector<1024x2048xf32> to vector<1024xf32>
    %broadcast_in_dim3A_15 = vector.shape_cast %reduce_min3A_14 : vector<1024xf32> to vector<1024x1xf32>
    %convert_element_type3A_16 = arith.fptosi %broadcast_in_dim3A_15 : vector<1024x1xf32> to vector<1024x1xi32>
    %mul3A = arith.constant 2048 : i32
    %mul3A_17 = arith.muli %arg0, %mul3A : i32
    %add3A = vector.broadcast %mul3A_17 : i32 to vector<1024x1xi32>
    %add3A_18 = arith.addi %convert_element_type3A_16, %add3A : vector<1024x1xi32>
    %eq3A_19 = arith.constant 0 : i32
    %eq3A_20 = arith.cmpi eq, %arg0, %eq3A_19 : i32
    %convert_element_type3A_21 = arith.extui %eq3A_20 : i1 to i32
    %cond3A = arith.constant 0 : i32
    %cond3A_22 = arith.cmpi ne, %convert_element_type3A_21, %cond3A : i32
    scf.if %cond3A_22 {
      %swap3A = arith.constant 0 : index
      %swap3A_32 = arith.constant 0 : index
      %swap3A_33 = vector.load %arg5[%swap3A, %swap3A_32] : memref<1024x1xi32, #tpu.memory_space<vmem>>, vector<1024x1xi32>
      tpu.vector_store %arg5[%swap3A, %swap3A_32], %add3A_18 {strides = array<i32>} : memref<1024x1xi32, #tpu.memory_space<vmem>>, vector<1024x1xi32>,
      %swap3A_34 = arith.constant 0 : index
      %swap3A_35 = arith.constant 0 : index
      %swap3A_36 = vector.load %arg4[%swap3A_34, %swap3A_35] : memref<1024x1xf32, #tpu.memory_space<vmem>>, vector<1024x1xf32>
      tpu.vector_store %arg4[%swap3A_34, %swap3A_35], %broadcast_in_dim3A {strides = array<i32>} : memref<1024x1xf32, #tpu.memory_space<vmem>>, vector<1024x1xf32>,
    } else {
    }
    %ne3A = arith.constant 0 : i32
    %ne3A_23 = arith.cmpi ne, %arg0, %ne3A : i32
    %convert_element_type3A_24 = arith.extui %ne3A_23 : i1 to i32
    %cond3A_25 = arith.constant 0 : i32
    %cond3A_26 = arith.cmpi ne, %convert_element_type3A_24, %cond3A_25 : i32
    scf.if %cond3A_26 {
      %get3A_32 = arith.constant 0 : index
      %get3A_33 = arith.constant 0 : index
      %get3A_34 = vector.load %arg4[%get3A_32, %get3A_33] : memref<1024x1xf32, #tpu.memory_space<vmem>>, vector<1024x1xf32>
      %sub3A_35 = arith.subf %get3A_8, %get3A_34 : vector<1024x1xf32>
      %lt3A = arith.cmpf olt, %sub3A, %sub3A_35 : vector<1024x1xf32>
      %get3A_36 = arith.constant 0 : index
      %get3A_37 = arith.constant 0 : index
      %get3A_38 = vector.load %arg5[%get3A_36, %get3A_37] : memref<1024x1xi32, #tpu.memory_space<vmem>>, vector<1024x1xi32>
      %select_n3A_39 = arith.select %lt3A, %add3A_18, %get3A_38 : vector<1024x1xi1>, vector<1024x1xi32>
      %swap3A = arith.constant 0 : index
      %swap3A_40 = arith.constant 0 : index
      %swap3A_41 = vector.load %arg5[%swap3A, %swap3A_40] : memref<1024x1xi32, #tpu.memory_space<vmem>>, vector<1024x1xi32>
      tpu.vector_store %arg5[%swap3A, %swap3A_40], %select_n3A_39 {strides = array<i32>} : memref<1024x1xi32, #tpu.memory_space<vmem>>, vector<1024x1xi32>,
      %get3A_42 = arith.constant 0 : index
      %get3A_43 = arith.constant 0 : index
      %get3A_44 = vector.load %arg4[%get3A_42, %get3A_43] : memref<1024x1xf32, #tpu.memory_space<vmem>>, vector<1024x1xf32>
      %max3A = arith.maximumf %get3A_44, %broadcast_in_dim3A : vector<1024x1xf32>
      %swap3A_45 = arith.constant 0 : index
      %swap3A_46 = arith.constant 0 : index
      %swap3A_47 = vector.load %arg4[%swap3A_45, %swap3A_46] : memref<1024x1xf32, #tpu.memory_space<vmem>>, vector<1024x1xf32>
      tpu.vector_store %arg4[%swap3A_45, %swap3A_46], %max3A {strides = array<i32>} : memref<1024x1xf32, #tpu.memory_space<vmem>>, vector<1024x1xf32>,
    } else {
    }
    %eq3A_27 = arith.constant 3 : i32
    %eq3A_28 = arith.cmpi eq, %arg0, %eq3A_27 : i32
    %convert_element_type3A_29 = arith.extui %eq3A_28 : i1 to i32
    %cond3A_30 = arith.constant 0 : i32
    %cond3A_31 = arith.cmpi ne, %convert_element_type3A_29, %cond3A_30 : i32
    scf.if %cond3A_31 {
      %get3A_32 = arith.constant 0 : index
      %get3A_33 = arith.constant 0 : index
      %get3A_34 = vector.load %arg4[%get3A_32, %get3A_33] : memref<1024x1xf32, #tpu.memory_space<vmem>>, vector<1024x1xf32>
      %sub3A_35 = arith.subf %get3A_8, %get3A_34 : vector<1024x1xf32>
      %swap3A = arith.constant 0 : index
      %swap3A_36 = arith.constant 0 : index
      %swap3A_37 = vector.load %arg4[%swap3A, %swap3A_36] : memref<1024x1xf32, #tpu.memory_space<vmem>>, vector<1024x1xf32>
      tpu.vector_store %arg4[%swap3A, %swap3A_36], %sub3A_35 {strides = array<i32>} : memref<1024x1xf32, #tpu.memory_space<vmem>>, vector<1024x1xf32>,
    } else {
    }
    return
  }
  func.func @transform_0(%arg0: i32) -> (i32, i32) {
    %c0_i32 = arith.constant 0 : i32
    %c0_i32_0 = arith.constant 0 : i32
    %c0_i32_1 = arith.constant 0 : i32
    return %c0_i32, %c0_i32_0 : i32, i32
  }
  func.func @transform_1(%arg0: i32) -> (i32, i32) {
    %c0_i32 = arith.constant 0 : i32
    %c0_i32_0 = arith.constant 0 : i32
    return %c0_i32, %arg0 : i32, i32
  }
  func.func @transform_2(%arg0: i32) -> (i32, i32) {
    %c0_i32 = arith.constant 0 : i32
    %c0_i32_0 = arith.constant 0 : i32
    %c0_i32_1 = arith.constant 0 : i32
    return %c0_i32, %c0_i32_0 : i32, i32
  }
  func.func @transform_3(%arg0: i32) -> (i32, i32) {
    %c0_i32 = arith.constant 0 : i32
    %c0_i32_0 = arith.constant 0 : i32
    %c0_i32_1 = arith.constant 0 : i32
    return %c0_i32, %c0_i32_0 : i32, i32
  }
  func.func @transform_4(%arg0: i32) -> (i32, i32) {
    %c0_i32 = arith.constant 0 : i32
    %c0_i32_0 = arith.constant 0 : i32
    %c0_i32_1 = arith.constant 0 : i32
    return %c0_i32, %c0_i32_0 : i32, i32
  }
}

module attributes {stable_mosaic.version = 14 : i64} {
  func.func @_a1_fast_body(%arg0: i32, %arg1: i32, %arg2: memref<3584x64xf32, #tpu.memory_space<vmem>>, %arg3: memref<64x2048xf32, #tpu.memory_space<vmem>>, %arg4: memref<3584x1xf32, #tpu.memory_space<vmem>>, %arg5: memref<3584x1xf32, #tpu.memory_space<vmem>>) attributes {dimension_semantics = [#tpu.dimension_semantics<parallel>, #tpu.dimension_semantics<arbitrary>], iteration_bounds = array<i64: 2, 4>, scalar_prefetch = 0 : i64, scratch_operands = 0 : i64, tpu.core_type = #tpu.core_type<tc>, window_params = [{transform_indices = @transform_0, window_bounds = array<i64: 3584, 64>}, {transform_indices = @transform_1, window_bounds = array<i64: 64, 2048>}, {transform_indices = @transform_2, window_bounds = array<i64: 3584, 1>}, {transform_indices = @transform_3, window_bounds = array<i64: 3584, 1>}]} {
    %get3A = arith.constant 0 : index
    %get3A_0 = arith.constant 0 : index
    %get3A_1 = vector.load %arg2[%get3A, %get3A_0] : memref<3584x64xf32, #tpu.memory_space<vmem>>, vector<3584x64xf32>
    %get3A_2 = arith.constant 0 : index
    %get3A_3 = arith.constant 0 : index
    %get3A_4 = vector.load %arg3[%get3A_2, %get3A_3] : memref<64x2048xf32, #tpu.memory_space<vmem>>, vector<64x2048xf32>
    %dot_general3A = arith.constant dense<0.000000e+00> : vector<3584x2048xf32>
    %dot_general3A_5 = tpu.matmul %get3A_1, %get3A_4, %dot_general3A {dimension_numbers = #tpu.dot_dimension_numbers<[1], [0], [0], [1], [0, 0, 1, 1], [], []>, transpose_lhs_hint = false} : vector<3584x64xf32>, vector<64x2048xf32>, vector<3584x2048xf32> -> vector<3584x2048xf32>
    %reduce_max3A = arith.constant dense<0xFF800000> : vector<3584xf32>
    %reduce_max3A_6 = vector.multi_reduction <maximumf>, %dot_general3A_5, %reduce_max3A [1] : vector<3584x2048xf32> to vector<3584xf32>
    %broadcast_in_dim3A = vector.shape_cast %reduce_max3A_6 : vector<3584xf32> to vector<3584x1xf32>
    %eq3A = arith.constant 0 : i32
    %eq3A_7 = arith.cmpi eq, %arg1, %eq3A : i32
    %convert_element_type3A = arith.extui %eq3A_7 : i1 to i32
    %cond3A = arith.constant 0 : i32
    %cond3A_8 = arith.cmpi ne, %convert_element_type3A, %cond3A : i32
    scf.if %cond3A_8 {
      %swap3A = arith.constant 0 : index
      %swap3A_18 = arith.constant 0 : index
      %swap3A_19 = vector.load %arg5[%swap3A, %swap3A_18] : memref<3584x1xf32, #tpu.memory_space<vmem>>, vector<3584x1xf32>
      tpu.vector_store %arg5[%swap3A, %swap3A_18], %broadcast_in_dim3A {strides = array<i32>} : memref<3584x1xf32, #tpu.memory_space<vmem>>, vector<3584x1xf32>,
    } else {
    }
    %ne3A = arith.constant 0 : i32
    %ne3A_9 = arith.cmpi ne, %arg1, %ne3A : i32
    %convert_element_type3A_10 = arith.extui %ne3A_9 : i1 to i32
    %cond3A_11 = arith.constant 0 : i32
    %cond3A_12 = arith.cmpi ne, %convert_element_type3A_10, %cond3A_11 : i32
    scf.if %cond3A_12 {
      %get3A_18 = arith.constant 0 : index
      %get3A_19 = arith.constant 0 : index
      %get3A_20 = vector.load %arg5[%get3A_18, %get3A_19] : memref<3584x1xf32, #tpu.memory_space<vmem>>, vector<3584x1xf32>
      %max3A = arith.maximumf %get3A_20, %broadcast_in_dim3A : vector<3584x1xf32>
      %swap3A = arith.constant 0 : index
      %swap3A_21 = arith.constant 0 : index
      %swap3A_22 = vector.load %arg5[%swap3A, %swap3A_21] : memref<3584x1xf32, #tpu.memory_space<vmem>>, vector<3584x1xf32>
      tpu.vector_store %arg5[%swap3A, %swap3A_21], %max3A {strides = array<i32>} : memref<3584x1xf32, #tpu.memory_space<vmem>>, vector<3584x1xf32>,
    } else {
    }
    %eq3A_13 = arith.constant 3 : i32
    %eq3A_14 = arith.cmpi eq, %arg1, %eq3A_13 : i32
    %convert_element_type3A_15 = arith.extui %eq3A_14 : i1 to i32
    %cond3A_16 = arith.constant 0 : i32
    %cond3A_17 = arith.cmpi ne, %convert_element_type3A_15, %cond3A_16 : i32
    scf.if %cond3A_17 {
      %get3A_18 = arith.constant 0 : index
      %get3A_19 = arith.constant 0 : index
      %get3A_20 = vector.load %arg4[%get3A_18, %get3A_19] : memref<3584x1xf32, #tpu.memory_space<vmem>>, vector<3584x1xf32>
      %get3A_21 = arith.constant 0 : index
      %get3A_22 = arith.constant 0 : index
      %get3A_23 = vector.load %arg5[%get3A_21, %get3A_22] : memref<3584x1xf32, #tpu.memory_space<vmem>>, vector<3584x1xf32>
      %sub3A = arith.subf %get3A_20, %get3A_23 : vector<3584x1xf32>
      %swap3A = arith.constant 0 : index
      %swap3A_24 = arith.constant 0 : index
      %swap3A_25 = vector.load %arg5[%swap3A, %swap3A_24] : memref<3584x1xf32, #tpu.memory_space<vmem>>, vector<3584x1xf32>
      tpu.vector_store %arg5[%swap3A, %swap3A_24], %sub3A {strides = array<i32>} : memref<3584x1xf32, #tpu.memory_space<vmem>>, vector<3584x1xf32>,
    } else {
    }
    return
  }
  func.func @transform_0(%arg0: i32, %arg1: i32) -> (i32, i32) {
    %c0_i32 = arith.constant 0 : i32
    %c0_i32_0 = arith.constant 0 : i32
    return %arg0, %c0_i32 : i32, i32
  }
  func.func @transform_1(%arg0: i32, %arg1: i32) -> (i32, i32) {
    %c0_i32 = arith.constant 0 : i32
    %c0_i32_0 = arith.constant 0 : i32
    return %c0_i32, %arg1 : i32, i32
  }
  func.func @transform_2(%arg0: i32, %arg1: i32) -> (i32, i32) {
    %c0_i32 = arith.constant 0 : i32
    %c0_i32_0 = arith.constant 0 : i32
    return %arg0, %c0_i32 : i32, i32
  }
  func.func @transform_3(%arg0: i32, %arg1: i32) -> (i32, i32) {
    %c0_i32 = arith.constant 0 : i32
    %c0_i32_0 = arith.constant 0 : i32
    return %arg0, %c0_i32 : i32, i32
  }
}

module attributes {stable_mosaic.version = 14 : i64} {
  func.func @_sort_body(%arg0: memref<8x1024xf32, #tpu.memory_space<vmem>>, %arg1: memref<8x1024xi32, #tpu.memory_space<vmem>>) attributes {dimension_semantics = [], scalar_prefetch = 0 : i64, scratch_operands = 0 : i64, tpu.core_type = #tpu.core_type<tc>} {
    %get3A = arith.constant 0 : index
    %get3A_0 = arith.constant 0 : index
    %get3A_1 = vector.load %arg0[%get3A, %get3A_0] : memref<8x1024xf32, #tpu.memory_space<vmem>>, vector<8x1024xf32>
    %iota3A = tpu.iota {dimensions = array<i32: 1>} : vector<8x1024xi32>
    %and3A = arith.constant 1 : i32
    %and3A_2 = vector.broadcast %and3A : i32 to vector<8x1024xi32>
    %and3A_3 = arith.andi %iota3A, %and3A_2 : vector<8x1024xi32>
    %eq3A = arith.constant 0 : i32
    %eq3A_4 = vector.broadcast %eq3A : i32 to vector<8x1024xi32>
    %eq3A_5 = arith.cmpi eq, %and3A_3, %eq3A_4 : vector<8x1024xi32>
    %slice3A = vector.extract_strided_slice %get3A_1 {offsets = [0, 1], sizes = [8, 1023], strides = [1, 1]} : vector<8x1024xf32> to vector<8x1023xf32>
    %slice3A_6 = vector.extract_strided_slice %get3A_1 {offsets = [0, 0], sizes = [8, 1], strides = [1, 1]} : vector<8x1024xf32> to vector<8x1xf32>
    %concatenate3A = tpu.concatenate %slice3A, %slice3A_6 in 1 : vector<8x1023xf32>, vector<8x1xf32> -> vector<8x1024xf32>
    %slice3A_7 = vector.extract_strided_slice %get3A_1 {offsets = [0, 1023], sizes = [8, 1], strides = [1, 1]} : vector<8x1024xf32> to vector<8x1xf32>
    %slice3A_8 = vector.extract_strided_slice %get3A_1 {offsets = [0, 0], sizes = [8, 1023], strides = [1, 1]} : vector<8x1024xf32> to vector<8x1023xf32>
    %concatenate3A_9 = tpu.concatenate %slice3A_7, %slice3A_8 in 1 : vector<8x1xf32>, vector<8x1023xf32> -> vector<8x1024xf32>
    %select_n3A = arith.select %eq3A_5, %concatenate3A, %concatenate3A_9 : vector<8x1024xi1>, vector<8x1024xf32>
    %slice3A_10 = vector.extract_strided_slice %iota3A {offsets = [0, 1], sizes = [8, 1023], strides = [1, 1]} : vector<8x1024xi32> to vector<8x1023xi32>
    %slice3A_11 = vector.extract_strided_slice %iota3A {offsets = [0, 0], sizes = [8, 1], strides = [1, 1]} : vector<8x1024xi32> to vector<8x1xi32>
    %concatenate3A_12 = tpu.concatenate %slice3A_10, %slice3A_11 in 1 : vector<8x1023xi32>, vector<8x1xi32> -> vector<8x1024xi32>
    %slice3A_13 = vector.extract_strided_slice %iota3A {offsets = [0, 1023], sizes = [8, 1], strides = [1, 1]} : vector<8x1024xi32> to vector<8x1xi32>
    %slice3A_14 = vector.extract_strided_slice %iota3A {offsets = [0, 0], sizes = [8, 1023], strides = [1, 1]} : vector<8x1024xi32> to vector<8x1023xi32>
    %concatenate3A_15 = tpu.concatenate %slice3A_13, %slice3A_14 in 1 : vector<8x1xi32>, vector<8x1023xi32> -> vector<8x1024xi32>
    %select_n3A_16 = arith.select %eq3A_5, %concatenate3A_12, %concatenate3A_15 : vector<8x1024xi1>, vector<8x1024xi32>
    %and3A_17 = arith.constant 2 : i32
    %and3A_18 = vector.broadcast %and3A_17 : i32 to vector<8x1024xi32>
    %and3A_19 = arith.andi %iota3A, %and3A_18 : vector<8x1024xi32>
    %eq3A_20 = arith.constant 0 : i32
    %eq3A_21 = vector.broadcast %eq3A_20 : i32 to vector<8x1024xi32>
    %eq3A_22 = arith.cmpi eq, %and3A_19, %eq3A_21 : vector<8x1024xi32>
    %lt3A = arith.cmpf olt, %select_n3A, %get3A_1 : vector<8x1024xf32>
    %eq3A_23 = arith.cmpf oeq, %select_n3A, %get3A_1 : vector<8x1024xf32>
    %lt3A_24 = arith.cmpi slt, %select_n3A_16, %iota3A : vector<8x1024xi32>
    %and3A_25 = arith.andi %eq3A_23, %lt3A_24 : vector<8x1024xi1>
    %or3A = arith.ori %lt3A, %and3A_25 : vector<8x1024xi1>
    %eq3A_26 = arith.xori %eq3A_5, %eq3A_22 : vector<8x1024xi1>
    %eq3A_27 = arith.constant dense<true> : vector<8x1024xi1>
    %eq3A_28 = arith.xori %eq3A_26, %eq3A_27 : vector<8x1024xi1>
    %eq3A_29 = arith.xori %or3A, %eq3A_28 : vector<8x1024xi1>
    %eq3A_30 = arith.constant dense<true> : vector<8x1024xi1>
    %eq3A_31 = arith.xori %eq3A_29, %eq3A_30 : vector<8x1024xi1>
    %select_n3A_32 = arith.select %eq3A_31, %select_n3A, %get3A_1 : vector<8x1024xi1>, vector<8x1024xf32>
    %select_n3A_33 = arith.select %eq3A_31, %select_n3A_16, %iota3A : vector<8x1024xi1>, vector<8x1024xi32>
    %and3A_34 = arith.constant 2 : i32
    %and3A_35 = vector.broadcast %and3A_34 : i32 to vector<8x1024xi32>
    %and3A_36 = arith.andi %iota3A, %and3A_35 : vector<8x1024xi32>
    %eq3A_37 = arith.constant 0 : i32
    %eq3A_38 = vector.broadcast %eq3A_37 : i32 to vector<8x1024xi32>
    %eq3A_39 = arith.cmpi eq, %and3A_36, %eq3A_38 : vector<8x1024xi32>
    %slice3A_40 = vector.extract_strided_slice %select_n3A_32 {offsets = [0, 2], sizes = [8, 1022], strides = [1, 1]} : vector<8x1024xf32> to vector<8x1022xf32>
    %slice3A_41 = vector.extract_strided_slice %select_n3A_32 {offsets = [0, 0], sizes = [8, 2], strides = [1, 1]} : vector<8x1024xf32> to vector<8x2xf32>
    %concatenate3A_42 = tpu.concatenate %slice3A_40, %slice3A_41 in 1 : vector<8x1022xf32>, vector<8x2xf32> -> vector<8x1024xf32>
    %slice3A_43 = vector.extract_strided_slice %select_n3A_32 {offsets = [0, 1022], sizes = [8, 2], strides = [1, 1]} : vector<8x1024xf32> to vector<8x2xf32>
    %slice3A_44 = vector.extract_strided_slice %select_n3A_32 {offsets = [0, 0], sizes = [8, 1022], strides = [1, 1]} : vector<8x1024xf32> to vector<8x1022xf32>
    %concatenate3A_45 = tpu.concatenate %slice3A_43, %slice3A_44 in 1 : vector<8x2xf32>, vector<8x1022xf32> -> vector<8x1024xf32>
    %select_n3A_46 = arith.select %eq3A_39, %concatenate3A_42, %concatenate3A_45 : vector<8x1024xi1>, vector<8x1024xf32>
    %slice3A_47 = vector.extract_strided_slice %select_n3A_33 {offsets = [0, 2], sizes = [8, 1022], strides = [1, 1]} : vector<8x1024xi32> to vector<8x1022xi32>
    %slice3A_48 = vector.extract_strided_slice %select_n3A_33 {offsets = [0, 0], sizes = [8, 2], strides = [1, 1]} : vector<8x1024xi32> to vector<8x2xi32>
    %concatenate3A_49 = tpu.concatenate %slice3A_47, %slice3A_48 in 1 : vector<8x1022xi32>, vector<8x2xi32> -> vector<8x1024xi32>
    %slice3A_50 = vector.extract_strided_slice %select_n3A_33 {offsets = [0, 1022], sizes = [8, 2], strides = [1, 1]} : vector<8x1024xi32> to vector<8x2xi32>
    %slice3A_51 = vector.extract_strided_slice %select_n3A_33 {offsets = [0, 0], sizes = [8, 1022], strides = [1, 1]} : vector<8x1024xi32> to vector<8x1022xi32>
    %concatenate3A_52 = tpu.concatenate %slice3A_50, %slice3A_51 in 1 : vector<8x2xi32>, vector<8x1022xi32> -> vector<8x1024xi32>
    %select_n3A_53 = arith.select %eq3A_39, %concatenate3A_49, %concatenate3A_52 : vector<8x1024xi1>, vector<8x1024xi32>
    %and3A_54 = arith.constant 4 : i32
    %and3A_55 = vector.broadcast %and3A_54 : i32 to vector<8x1024xi32>
    %and3A_56 = arith.andi %iota3A, %and3A_55 : vector<8x1024xi32>
    %eq3A_57 = arith.constant 0 : i32
    %eq3A_58 = vector.broadcast %eq3A_57 : i32 to vector<8x1024xi32>
    %eq3A_59 = arith.cmpi eq, %and3A_56, %eq3A_58 : vector<8x1024xi32>
    %lt3A_60 = arith.cmpf olt, %select_n3A_46, %select_n3A_32 : vector<8x1024xf32>
    %eq3A_61 = arith.cmpf oeq, %select_n3A_46, %select_n3A_32 : vector<8x1024xf32>
    %lt3A_62 = arith.cmpi slt, %select_n3A_53, %select_n3A_33 : vector<8x1024xi32>
    %and3A_63 = arith.andi %eq3A_61, %lt3A_62 : vector<8x1024xi1>
    %or3A_64 = arith.ori %lt3A_60, %and3A_63 : vector<8x1024xi1>
    %eq3A_65 = arith.xori %eq3A_39, %eq3A_59 : vector<8x1024xi1>
    %eq3A_66 = arith.constant dense<true> : vector<8x1024xi1>
    %eq3A_67 = arith.xori %eq3A_65, %eq3A_66 : vector<8x1024xi1>
    %eq3A_68 = arith.xori %or3A_64, %eq3A_67 : vector<8x1024xi1>
    %eq3A_69 = arith.constant dense<true> : vector<8x1024xi1>
    %eq3A_70 = arith.xori %eq3A_68, %eq3A_69 : vector<8x1024xi1>
    %select_n3A_71 = arith.select %eq3A_70, %select_n3A_46, %select_n3A_32 : vector<8x1024xi1>, vector<8x1024xf32>
    %select_n3A_72 = arith.select %eq3A_70, %select_n3A_53, %select_n3A_33 : vector<8x1024xi1>, vector<8x1024xi32>
    %and3A_73 = arith.constant 1 : i32
    %and3A_74 = vector.broadcast %and3A_73 : i32 to vector<8x1024xi32>
    %and3A_75 = arith.andi %iota3A, %and3A_74 : vector<8x1024xi32>
    %eq3A_76 = arith.constant 0 : i32
    %eq3A_77 = vector.broadcast %eq3A_76 : i32 to vector<8x1024xi32>
    %eq3A_78 = arith.cmpi eq, %and3A_75, %eq3A_77 : vector<8x1024xi32>
    %slice3A_79 = vector.extract_strided_slice %select_n3A_71 {offsets = [0, 1], sizes = [8, 1023], strides = [1, 1]} : vector<8x1024xf32> to vector<8x1023xf32>
    %slice3A_80 = vector.extract_strided_slice %select_n3A_71 {offsets = [0, 0], sizes = [8, 1], strides = [1, 1]} : vector<8x1024xf32> to vector<8x1xf32>
    %concatenate3A_81 = tpu.concatenate %slice3A_79, %slice3A_80 in 1 : vector<8x1023xf32>, vector<8x1xf32> -> vector<8x1024xf32>
    %slice3A_82 = vector.extract_strided_slice %select_n3A_71 {offsets = [0, 1023], sizes = [8, 1], strides = [1, 1]} : vector<8x1024xf32> to vector<8x1xf32>
    %slice3A_83 = vector.extract_strided_slice %select_n3A_71 {offsets = [0, 0], sizes = [8, 1023], strides = [1, 1]} : vector<8x1024xf32> to vector<8x1023xf32>
    %concatenate3A_84 = tpu.concatenate %slice3A_82, %slice3A_83 in 1 : vector<8x1xf32>, vector<8x1023xf32> -> vector<8x1024xf32>
    %select_n3A_85 = arith.select %eq3A_78, %concatenate3A_81, %concatenate3A_84 : vector<8x1024xi1>, vector<8x1024xf32>
    %slice3A_86 = vector.extract_strided_slice %select_n3A_72 {offsets = [0, 1], sizes = [8, 1023], strides = [1, 1]} : vector<8x1024xi32> to vector<8x1023xi32>
    %slice3A_87 = vector.extract_strided_slice %select_n3A_72 {offsets = [0, 0], sizes = [8, 1], strides = [1, 1]} : vector<8x1024xi32> to vector<8x1xi32>
    %concatenate3A_88 = tpu.concatenate %slice3A_86, %slice3A_87 in 1 : vector<8x1023xi32>, vector<8x1xi32> -> vector<8x1024xi32>
    %slice3A_89 = vector.extract_strided_slice %select_n3A_72 {offsets = [0, 1023], sizes = [8, 1], strides = [1, 1]} : vector<8x1024xi32> to vector<8x1xi32>
    %slice3A_90 = vector.extract_strided_slice %select_n3A_72 {offsets = [0, 0], sizes = [8, 1023], strides = [1, 1]} : vector<8x1024xi32> to vector<8x1023xi32>
    %concatenate3A_91 = tpu.concatenate %slice3A_89, %slice3A_90 in 1 : vector<8x1xi32>, vector<8x1023xi32> -> vector<8x1024xi32>
    %select_n3A_92 = arith.select %eq3A_78, %concatenate3A_88, %concatenate3A_91 : vector<8x1024xi1>, vector<8x1024xi32>
    %and3A_93 = arith.constant 4 : i32
    %and3A_94 = vector.broadcast %and3A_93 : i32 to vector<8x1024xi32>
    %and3A_95 = arith.andi %iota3A, %and3A_94 : vector<8x1024xi32>
    %eq3A_96 = arith.constant 0 : i32
    %eq3A_97 = vector.broadcast %eq3A_96 : i32 to vector<8x1024xi32>
    %eq3A_98 = arith.cmpi eq, %and3A_95, %eq3A_97 : vector<8x1024xi32>
    %lt3A_99 = arith.cmpf olt, %select_n3A_85, %select_n3A_71 : vector<8x1024xf32>
    %eq3A_100 = arith.cmpf oeq, %select_n3A_85, %select_n3A_71 : vector<8x1024xf32>
    %lt3A_101 = arith.cmpi slt, %select_n3A_92, %select_n3A_72 : vector<8x1024xi32>
    %and3A_102 = arith.andi %eq3A_100, %lt3A_101 : vector<8x1024xi1>
    %or3A_103 = arith.ori %lt3A_99, %and3A_102 : vector<8x1024xi1>
    %eq3A_104 = arith.xori %eq3A_78, %eq3A_98 : vector<8x1024xi1>
    %eq3A_105 = arith.constant dense<true> : vector<8x1024xi1>
    %eq3A_106 = arith.xori %eq3A_104, %eq3A_105 : vector<8x1024xi1>
    %eq3A_107 = arith.xori %or3A_103, %eq3A_106 : vector<8x1024xi1>
    %eq3A_108 = arith.constant dense<true> : vector<8x1024xi1>
    %eq3A_109 = arith.xori %eq3A_107, %eq3A_108 : vector<8x1024xi1>
    %select_n3A_110 = arith.select %eq3A_109, %select_n3A_85, %select_n3A_71 : vector<8x1024xi1>, vector<8x1024xf32>
    %select_n3A_111 = arith.select %eq3A_109, %select_n3A_92, %select_n3A_72 : vector<8x1024xi1>, vector<8x1024xi32>
    %and3A_112 = arith.constant 4 : i32
    %and3A_113 = vector.broadcast %and3A_112 : i32 to vector<8x1024xi32>
    %and3A_114 = arith.andi %iota3A, %and3A_113 : vector<8x1024xi32>
    %eq3A_115 = arith.constant 0 : i32
    %eq3A_116 = vector.broadcast %eq3A_115 : i32 to vector<8x1024xi32>
    %eq3A_117 = arith.cmpi eq, %and3A_114, %eq3A_116 : vector<8x1024xi32>
    %slice3A_118 = vector.extract_strided_slice %select_n3A_110 {offsets = [0, 4], sizes = [8, 1020], strides = [1, 1]} : vector<8x1024xf32> to vector<8x1020xf32>
    %slice3A_119 = vector.extract_strided_slice %select_n3A_110 {offsets = [0, 0], sizes = [8, 4], strides = [1, 1]} : vector<8x1024xf32> to vector<8x4xf32>
    %concatenate3A_120 = tpu.concatenate %slice3A_118, %slice3A_119 in 1 : vector<8x1020xf32>, vector<8x4xf32> -> vector<8x1024xf32>
    %slice3A_121 = vector.extract_strided_slice %select_n3A_110 {offsets = [0, 1020], sizes = [8, 4], strides = [1, 1]} : vector<8x1024xf32> to vector<8x4xf32>
    %slice3A_122 = vector.extract_strided_slice %select_n3A_110 {offsets = [0, 0], sizes = [8, 1020], strides = [1, 1]} : vector<8x1024xf32> to vector<8x1020xf32>
    %concatenate3A_123 = tpu.concatenate %slice3A_121, %slice3A_122 in 1 : vector<8x4xf32>, vector<8x1020xf32> -> vector<8x1024xf32>
    %select_n3A_124 = arith.select %eq3A_117, %concatenate3A_120, %concatenate3A_123 : vector<8x1024xi1>, vector<8x1024xf32>
    %slice3A_125 = vector.extract_strided_slice %select_n3A_111 {offsets = [0, 4], sizes = [8, 1020], strides = [1, 1]} : vector<8x1024xi32> to vector<8x1020xi32>
    %slice3A_126 = vector.extract_strided_slice %select_n3A_111 {offsets = [0, 0], sizes = [8, 4], strides = [1, 1]} : vector<8x1024xi32> to vector<8x4xi32>
    %concatenate3A_127 = tpu.concatenate %slice3A_125, %slice3A_126 in 1 : vector<8x1020xi32>, vector<8x4xi32> -> vector<8x1024xi32>
    %slice3A_128 = vector.extract_strided_slice %select_n3A_111 {offsets = [0, 1020], sizes = [8, 4], strides = [1, 1]} : vector<8x1024xi32> to vector<8x4xi32>
    %slice3A_129 = vector.extract_strided_slice %select_n3A_111 {offsets = [0, 0], sizes = [8, 1020], strides = [1, 1]} : vector<8x1024xi32> to vector<8x1020xi32>
    %concatenate3A_130 = tpu.concatenate %slice3A_128, %slice3A_129 in 1 : vector<8x4xi32>, vector<8x1020xi32> -> vector<8x1024xi32>
    %select_n3A_131 = arith.select %eq3A_117, %concatenate3A_127, %concatenate3A_130 : vector<8x1024xi1>, vector<8x1024xi32>
    %and3A_132 = arith.constant 8 : i32
    %and3A_133 = vector.broadcast %and3A_132 : i32 to vector<8x1024xi32>
    %and3A_134 = arith.andi %iota3A, %and3A_133 : vector<8x1024xi32>
    %eq3A_135 = arith.constant 0 : i32
    %eq3A_136 = vector.broadcast %eq3A_135 : i32 to vector<8x1024xi32>
    %eq3A_137 = arith.cmpi eq, %and3A_134, %eq3A_136 : vector<8x1024xi32>
    %lt3A_138 = arith.cmpf olt, %select_n3A_124, %select_n3A_110 : vector<8x1024xf32>
    %eq3A_139 = arith.cmpf oeq, %select_n3A_124, %select_n3A_110 : vector<8x1024xf32>
    %lt3A_140 = arith.cmpi slt, %select_n3A_131, %select_n3A_111 : vector<8x1024xi32>
    %and3A_141 = arith.andi %eq3A_139, %lt3A_140 : vector<8x1024xi1>
    %or3A_142 = arith.ori %lt3A_138, %and3A_141 : vector<8x1024xi1>
    %eq3A_143 = arith.xori %eq3A_117, %eq3A_137 : vector<8x1024xi1>
    %eq3A_144 = arith.constant dense<true> : vector<8x1024xi1>
    %eq3A_145 = arith.xori %eq3A_143, %eq3A_144 : vector<8x1024xi1>
    %eq3A_146 = arith.xori %or3A_142, %eq3A_145 : vector<8x1024xi1>
    %eq3A_147 = arith.constant dense<true> : vector<8x1024xi1>
    %eq3A_148 = arith.xori %eq3A_146, %eq3A_147 : vector<8x1024xi1>
    %select_n3A_149 = arith.select %eq3A_148, %select_n3A_124, %select_n3A_110 : vector<8x1024xi1>, vector<8x1024xf32>
    %select_n3A_150 = arith.select %eq3A_148, %select_n3A_131, %select_n3A_111 : vector<8x1024xi1>, vector<8x1024xi32>
    %and3A_151 = arith.constant 2 : i32
    %and3A_152 = vector.broadcast %and3A_151 : i32 to vector<8x1024xi32>
    %and3A_153 = arith.andi %iota3A, %and3A_152 : vector<8x1024xi32>
    %eq3A_154 = arith.constant 0 : i32
    %eq3A_155 = vector.broadcast %eq3A_154 : i32 to vector<8x1024xi32>
    %eq3A_156 = arith.cmpi eq, %and3A_153, %eq3A_155 : vector<8x1024xi32>
    %slice3A_157 = vector.extract_strided_slice %select_n3A_149 {offsets = [0, 2], sizes = [8, 1022], strides = [1, 1]} : vector<8x1024xf32> to vector<8x1022xf32>
    %slice3A_158 = vector.extract_strided_slice %select_n3A_149 {offsets = [0, 0], sizes = [8, 2], strides = [1, 1]} : vector<8x1024xf32> to vector<8x2xf32>
    %concatenate3A_159 = tpu.concatenate %slice3A_157, %slice3A_158 in 1 : vector<8x1022xf32>, vector<8x2xf32> -> vector<8x1024xf32>
    %slice3A_160 = vector.extract_strided_slice %select_n3A_149 {offsets = [0, 1022], sizes = [8, 2], strides = [1, 1]} : vector<8x1024xf32> to vector<8x2xf32>
    %slice3A_161 = vector.extract_strided_slice %select_n3A_149 {offsets = [0, 0], sizes = [8, 1022], strides = [1, 1]} : vector<8x1024xf32> to vector<8x1022xf32>
    %concatenate3A_162 = tpu.concatenate %slice3A_160, %slice3A_161 in 1 : vector<8x2xf32>, vector<8x1022xf32> -> vector<8x1024xf32>
    %select_n3A_163 = arith.select %eq3A_156, %concatenate3A_159, %concatenate3A_162 : vector<8x1024xi1>, vector<8x1024xf32>
    %slice3A_164 = vector.extract_strided_slice %select_n3A_150 {offsets = [0, 2], sizes = [8, 1022], strides = [1, 1]} : vector<8x1024xi32> to vector<8x1022xi32>
    %slice3A_165 = vector.extract_strided_slice %select_n3A_150 {offsets = [0, 0], sizes = [8, 2], strides = [1, 1]} : vector<8x1024xi32> to vector<8x2xi32>
    %concatenate3A_166 = tpu.concatenate %slice3A_164, %slice3A_165 in 1 : vector<8x1022xi32>, vector<8x2xi32> -> vector<8x1024xi32>
    %slice3A_167 = vector.extract_strided_slice %select_n3A_150 {offsets = [0, 1022], sizes = [8, 2], strides = [1, 1]} : vector<8x1024xi32> to vector<8x2xi32>
    %slice3A_168 = vector.extract_strided_slice %select_n3A_150 {offsets = [0, 0], sizes = [8, 1022], strides = [1, 1]} : vector<8x1024xi32> to vector<8x1022xi32>
    %concatenate3A_169 = tpu.concatenate %slice3A_167, %slice3A_168 in 1 : vector<8x2xi32>, vector<8x1022xi32> -> vector<8x1024xi32>
    %select_n3A_170 = arith.select %eq3A_156, %concatenate3A_166, %concatenate3A_169 : vector<8x1024xi1>, vector<8x1024xi32>
    %and3A_171 = arith.constant 8 : i32
    %and3A_172 = vector.broadcast %and3A_171 : i32 to vector<8x1024xi32>
    %and3A_173 = arith.andi %iota3A, %and3A_172 : vector<8x1024xi32>
    %eq3A_174 = arith.constant 0 : i32
    %eq3A_175 = vector.broadcast %eq3A_174 : i32 to vector<8x1024xi32>
    %eq3A_176 = arith.cmpi eq, %and3A_173, %eq3A_175 : vector<8x1024xi32>
    %lt3A_177 = arith.cmpf olt, %select_n3A_163, %select_n3A_149 : vector<8x1024xf32>
    %eq3A_178 = arith.cmpf oeq, %select_n3A_163, %select_n3A_149 : vector<8x1024xf32>
    %lt3A_179 = arith.cmpi slt, %select_n3A_170, %select_n3A_150 : vector<8x1024xi32>
    %and3A_180 = arith.andi %eq3A_178, %lt3A_179 : vector<8x1024xi1>
    %or3A_181 = arith.ori %lt3A_177, %and3A_180 : vector<8x1024xi1>
    %eq3A_182 = arith.xori %eq3A_156, %eq3A_176 : vector<8x1024xi1>
    %eq3A_183 = arith.constant dense<true> : vector<8x1024xi1>
    %eq3A_184 = arith.xori %eq3A_182, %eq3A_183 : vector<8x1024xi1>
    %eq3A_185 = arith.xori %or3A_181, %eq3A_184 : vector<8x1024xi1>
    %eq3A_186 = arith.constant dense<true> : vector<8x1024xi1>
    %eq3A_187 = arith.xori %eq3A_185, %eq3A_186 : vector<8x1024xi1>
    %select_n3A_188 = arith.select %eq3A_187, %select_n3A_163, %select_n3A_149 : vector<8x1024xi1>, vector<8x1024xf32>
    %select_n3A_189 = arith.select %eq3A_187, %select_n3A_170, %select_n3A_150 : vector<8x1024xi1>, vector<8x1024xi32>
    %and3A_190 = arith.constant 1 : i32
    %and3A_191 = vector.broadcast %and3A_190 : i32 to vector<8x1024xi32>
    %and3A_192 = arith.andi %iota3A, %and3A_191 : vector<8x1024xi32>
    %eq3A_193 = arith.constant 0 : i32
    %eq3A_194 = vector.broadcast %eq3A_193 : i32 to vector<8x1024xi32>
    %eq3A_195 = arith.cmpi eq, %and3A_192, %eq3A_194 : vector<8x1024xi32>
    %slice3A_196 = vector.extract_strided_slice %select_n3A_188 {offsets = [0, 1], sizes = [8, 1023], strides = [1, 1]} : vector<8x1024xf32> to vector<8x1023xf32>
    %slice3A_197 = vector.extract_strided_slice %select_n3A_188 {offsets = [0, 0], sizes = [8, 1], strides = [1, 1]} : vector<8x1024xf32> to vector<8x1xf32>
    %concatenate3A_198 = tpu.concatenate %slice3A_196, %slice3A_197 in 1 : vector<8x1023xf32>, vector<8x1xf32> -> vector<8x1024xf32>
    %slice3A_199 = vector.extract_strided_slice %select_n3A_188 {offsets = [0, 1023], sizes = [8, 1], strides = [1, 1]} : vector<8x1024xf32> to vector<8x1xf32>
    %slice3A_200 = vector.extract_strided_slice %select_n3A_188 {offsets = [0, 0], sizes = [8, 1023], strides = [1, 1]} : vector<8x1024xf32> to vector<8x1023xf32>
    %concatenate3A_201 = tpu.concatenate %slice3A_199, %slice3A_200 in 1 : vector<8x1xf32>, vector<8x1023xf32> -> vector<8x1024xf32>
    %select_n3A_202 = arith.select %eq3A_195, %concatenate3A_198, %concatenate3A_201 : vector<8x1024xi1>, vector<8x1024xf32>
    %slice3A_203 = vector.extract_strided_slice %select_n3A_189 {offsets = [0, 1], sizes = [8, 1023], strides = [1, 1]} : vector<8x1024xi32> to vector<8x1023xi32>
    %slice3A_204 = vector.extract_strided_slice %select_n3A_189 {offsets = [0, 0], sizes = [8, 1], strides = [1, 1]} : vector<8x1024xi32> to vector<8x1xi32>
    %concatenate3A_205 = tpu.concatenate %slice3A_203, %slice3A_204 in 1 : vector<8x1023xi32>, vector<8x1xi32> -> vector<8x1024xi32>
    %slice3A_206 = vector.extract_strided_slice %select_n3A_189 {offsets = [0, 1023], sizes = [8, 1], strides = [1, 1]} : vector<8x1024xi32> to vector<8x1xi32>
    %slice3A_207 = vector.extract_strided_slice %select_n3A_189 {offsets = [0, 0], sizes = [8, 1023], strides = [1, 1]} : vector<8x1024xi32> to vector<8x1023xi32>
    %concatenate3A_208 = tpu.concatenate %slice3A_206, %slice3A_207 in 1 : vector<8x1xi32>, vector<8x1023xi32> -> vector<8x1024xi32>
    %select_n3A_209 = arith.select %eq3A_195, %concatenate3A_205, %concatenate3A_208 : vector<8x1024xi1>, vector<8x1024xi32>
    %and3A_210 = arith.constant 8 : i32
    %and3A_211 = vector.broadcast %and3A_210 : i32 to vector<8x1024xi32>
    %and3A_212 = arith.andi %iota3A, %and3A_211 : vector<8x1024xi32>
    %eq3A_213 = arith.constant 0 : i32
    %eq3A_214 = vector.broadcast %eq3A_213 : i32 to vector<8x1024xi32>
    %eq3A_215 = arith.cmpi eq, %and3A_212, %eq3A_214 : vector<8x1024xi32>
    %lt3A_216 = arith.cmpf olt, %select_n3A_202, %select_n3A_188 : vector<8x1024xf32>
    %eq3A_217 = arith.cmpf oeq, %select_n3A_202, %select_n3A_188 : vector<8x1024xf32>
    %lt3A_218 = arith.cmpi slt, %select_n3A_209, %select_n3A_189 : vector<8x1024xi32>
    %and3A_219 = arith.andi %eq3A_217, %lt3A_218 : vector<8x1024xi1>
    %or3A_220 = arith.ori %lt3A_216, %and3A_219 : vector<8x1024xi1>
    %eq3A_221 = arith.xori %eq3A_195, %eq3A_215 : vector<8x1024xi1>
    %eq3A_222 = arith.constant dense<true> : vector<8x1024xi1>
    %eq3A_223 = arith.xori %eq3A_221, %eq3A_222 : vector<8x1024xi1>
    %eq3A_224 = arith.xori %or3A_220, %eq3A_223 : vector<8x1024xi1>
    %eq3A_225 = arith.constant dense<true> : vector<8x1024xi1>
    %eq3A_226 = arith.xori %eq3A_224, %eq3A_225 : vector<8x1024xi1>
    %select_n3A_227 = arith.select %eq3A_226, %select_n3A_202, %select_n3A_188 : vector<8x1024xi1>, vector<8x1024xf32>
    %select_n3A_228 = arith.select %eq3A_226, %select_n3A_209, %select_n3A_189 : vector<8x1024xi1>, vector<8x1024xi32>
    %and3A_229 = arith.constant 8 : i32
    %and3A_230 = vector.broadcast %and3A_229 : i32 to vector<8x1024xi32>
    %and3A_231 = arith.andi %iota3A, %and3A_230 : vector<8x1024xi32>
    %eq3A_232 = arith.constant 0 : i32
    %eq3A_233 = vector.broadcast %eq3A_232 : i32 to vector<8x1024xi32>
    %eq3A_234 = arith.cmpi eq, %and3A_231, %eq3A_233 : vector<8x1024xi32>
    %slice3A_235 = vector.extract_strided_slice %select_n3A_227 {offsets = [0, 8], sizes = [8, 1016], strides = [1, 1]} : vector<8x1024xf32> to vector<8x1016xf32>
    %slice3A_236 = vector.extract_strided_slice %select_n3A_227 {offsets = [0, 0], sizes = [8, 8], strides = [1, 1]} : vector<8x1024xf32> to vector<8x8xf32>
    %concatenate3A_237 = tpu.concatenate %slice3A_235, %slice3A_236 in 1 : vector<8x1016xf32>, vector<8x8xf32> -> vector<8x1024xf32>
    %slice3A_238 = vector.extract_strided_slice %select_n3A_227 {offsets = [0, 1016], sizes = [8, 8], strides = [1, 1]} : vector<8x1024xf32> to vector<8x8xf32>
    %slice3A_239 = vector.extract_strided_slice %select_n3A_227 {offsets = [0, 0], sizes = [8, 1016], strides = [1, 1]} : vector<8x1024xf32> to vector<8x1016xf32>
    %concatenate3A_240 = tpu.concatenate %slice3A_238, %slice3A_239 in 1 : vector<8x8xf32>, vector<8x1016xf32> -> vector<8x1024xf32>
    %select_n3A_241 = arith.select %eq3A_234, %concatenate3A_237, %concatenate3A_240 : vector<8x1024xi1>, vector<8x1024xf32>
    %slice3A_242 = vector.extract_strided_slice %select_n3A_228 {offsets = [0, 8], sizes = [8, 1016], strides = [1, 1]} : vector<8x1024xi32> to vector<8x1016xi32>
    %slice3A_243 = vector.extract_strided_slice %select_n3A_228 {offsets = [0, 0], sizes = [8, 8], strides = [1, 1]} : vector<8x1024xi32> to vector<8x8xi32>
    %concatenate3A_244 = tpu.concatenate %slice3A_242, %slice3A_243 in 1 : vector<8x1016xi32>, vector<8x8xi32> -> vector<8x1024xi32>
    %slice3A_245 = vector.extract_strided_slice %select_n3A_228 {offsets = [0, 1016], sizes = [8, 8], strides = [1, 1]} : vector<8x1024xi32> to vector<8x8xi32>
    %slice3A_246 = vector.extract_strided_slice %select_n3A_228 {offsets = [0, 0], sizes = [8, 1016], strides = [1, 1]} : vector<8x1024xi32> to vector<8x1016xi32>
    %concatenate3A_247 = tpu.concatenate %slice3A_245, %slice3A_246 in 1 : vector<8x8xi32>, vector<8x1016xi32> -> vector<8x1024xi32>
    %select_n3A_248 = arith.select %eq3A_234, %concatenate3A_244, %concatenate3A_247 : vector<8x1024xi1>, vector<8x1024xi32>
    %and3A_249 = arith.constant 16 : i32
    %and3A_250 = vector.broadcast %and3A_249 : i32 to vector<8x1024xi32>
    %and3A_251 = arith.andi %iota3A, %and3A_250 : vector<8x1024xi32>
    %eq3A_252 = arith.constant 0 : i32
    %eq3A_253 = vector.broadcast %eq3A_252 : i32 to vector<8x1024xi32>
    %eq3A_254 = arith.cmpi eq, %and3A_251, %eq3A_253 : vector<8x1024xi32>
    %lt3A_255 = arith.cmpf olt, %select_n3A_241, %select_n3A_227 : vector<8x1024xf32>
    %eq3A_256 = arith.cmpf oeq, %select_n3A_241, %select_n3A_227 : vector<8x1024xf32>
    %lt3A_257 = arith.cmpi slt, %select_n3A_248, %select_n3A_228 : vector<8x1024xi32>
    %and3A_258 = arith.andi %eq3A_256, %lt3A_257 : vector<8x1024xi1>
    %or3A_259 = arith.ori %lt3A_255, %and3A_258 : vector<8x1024xi1>
    %eq3A_260 = arith.xori %eq3A_234, %eq3A_254 : vector<8x1024xi1>
    %eq3A_261 = arith.constant dense<true> : vector<8x1024xi1>
    %eq3A_262 = arith.xori %eq3A_260, %eq3A_261 : vector<8x1024xi1>
    %eq3A_263 = arith.xori %or3A_259, %eq3A_262 : vector<8x1024xi1>
    %eq3A_264 = arith.constant dense<true> : vector<8x1024xi1>
    %eq3A_265 = arith.xori %eq3A_263, %eq3A_264 : vector<8x1024xi1>
    %select_n3A_266 = arith.select %eq3A_265, %select_n3A_241, %select_n3A_227 : vector<8x1024xi1>, vector<8x1024xf32>
    %select_n3A_267 = arith.select %eq3A_265, %select_n3A_248, %select_n3A_228 : vector<8x1024xi1>, vector<8x1024xi32>
    %and3A_268 = arith.constant 4 : i32
    %and3A_269 = vector.broadcast %and3A_268 : i32 to vector<8x1024xi32>
    %and3A_270 = arith.andi %iota3A, %and3A_269 : vector<8x1024xi32>
    %eq3A_271 = arith.constant 0 : i32
    %eq3A_272 = vector.broadcast %eq3A_271 : i32 to vector<8x1024xi32>
    %eq3A_273 = arith.cmpi eq, %and3A_270, %eq3A_272 : vector<8x1024xi32>
    %slice3A_274 = vector.extract_strided_slice %select_n3A_266 {offsets = [0, 4], sizes = [8, 1020], strides = [1, 1]} : vector<8x1024xf32> to vector<8x1020xf32>
    %slice3A_275 = vector.extract_strided_slice %select_n3A_266 {offsets = [0, 0], sizes = [8, 4], strides = [1, 1]} : vector<8x1024xf32> to vector<8x4xf32>
    %concatenate3A_276 = tpu.concatenate %slice3A_274, %slice3A_275 in 1 : vector<8x1020xf32>, vector<8x4xf32> -> vector<8x1024xf32>
    %slice3A_277 = vector.extract_strided_slice %select_n3A_266 {offsets = [0, 1020], sizes = [8, 4], strides = [1, 1]} : vector<8x1024xf32> to vector<8x4xf32>
    %slice3A_278 = vector.extract_strided_slice %select_n3A_266 {offsets = [0, 0], sizes = [8, 1020], strides = [1, 1]} : vector<8x1024xf32> to vector<8x1020xf32>
    %concatenate3A_279 = tpu.concatenate %slice3A_277, %slice3A_278 in 1 : vector<8x4xf32>, vector<8x1020xf32> -> vector<8x1024xf32>
    %select_n3A_280 = arith.select %eq3A_273, %concatenate3A_276, %concatenate3A_279 : vector<8x1024xi1>, vector<8x1024xf32>
    %slice3A_281 = vector.extract_strided_slice %select_n3A_267 {offsets = [0, 4], sizes = [8, 1020], strides = [1, 1]} : vector<8x1024xi32> to vector<8x1020xi32>
    %slice3A_282 = vector.extract_strided_slice %select_n3A_267 {offsets = [0, 0], sizes = [8, 4], strides = [1, 1]} : vector<8x1024xi32> to vector<8x4xi32>
    %concatenate3A_283 = tpu.concatenate %slice3A_281, %slice3A_282 in 1 : vector<8x1020xi32>, vector<8x4xi32> -> vector<8x1024xi32>
    %slice3A_284 = vector.extract_strided_slice %select_n3A_267 {offsets = [0, 1020], sizes = [8, 4], strides = [1, 1]} : vector<8x1024xi32> to vector<8x4xi32>
    %slice3A_285 = vector.extract_strided_slice %select_n3A_267 {offsets = [0, 0], sizes = [8, 1020], strides = [1, 1]} : vector<8x1024xi32> to vector<8x1020xi32>
    %concatenate3A_286 = tpu.concatenate %slice3A_284, %slice3A_285 in 1 : vector<8x4xi32>, vector<8x1020xi32> -> vector<8x1024xi32>
    %select_n3A_287 = arith.select %eq3A_273, %concatenate3A_283, %concatenate3A_286 : vector<8x1024xi1>, vector<8x1024xi32>
    %and3A_288 = arith.constant 16 : i32
    %and3A_289 = vector.broadcast %and3A_288 : i32 to vector<8x1024xi32>
    %and3A_290 = arith.andi %iota3A, %and3A_289 : vector<8x1024xi32>
    %eq3A_291 = arith.constant 0 : i32
    %eq3A_292 = vector.broadcast %eq3A_291 : i32 to vector<8x1024xi32>
    %eq3A_293 = arith.cmpi eq, %and3A_290, %eq3A_292 : vector<8x1024xi32>
    %lt3A_294 = arith.cmpf olt, %select_n3A_280, %select_n3A_266 : vector<8x1024xf32>
    %eq3A_295 = arith.cmpf oeq, %select_n3A_280, %select_n3A_266 : vector<8x1024xf32>
    %lt3A_296 = arith.cmpi slt, %select_n3A_287, %select_n3A_267 : vector<8x1024xi32>
    %and3A_297 = arith.andi %eq3A_295, %lt3A_296 : vector<8x1024xi1>
    %or3A_298 = arith.ori %lt3A_294, %and3A_297 : vector<8x1024xi1>
    %eq3A_299 = arith.xori %eq3A_273, %eq3A_293 : vector<8x1024xi1>
    %eq3A_300 = arith.constant dense<true> : vector<8x1024xi1>
    %eq3A_301 = arith.xori %eq3A_299, %eq3A_300 : vector<8x1024xi1>
    %eq3A_302 = arith.xori %or3A_298, %eq3A_301 : vector<8x1024xi1>
    %eq3A_303 = arith.constant dense<true> : vector<8x1024xi1>
    %eq3A_304 = arith.xori %eq3A_302, %eq3A_303 : vector<8x1024xi1>
    %select_n3A_305 = arith.select %eq3A_304, %select_n3A_280, %select_n3A_266 : vector<8x1024xi1>, vector<8x1024xf32>
    %select_n3A_306 = arith.select %eq3A_304, %select_n3A_287, %select_n3A_267 : vector<8x1024xi1>, vector<8x1024xi32>
    %and3A_307 = arith.constant 2 : i32
    %and3A_308 = vector.broadcast %and3A_307 : i32 to vector<8x1024xi32>
    %and3A_309 = arith.andi %iota3A, %and3A_308 : vector<8x1024xi32>
    %eq3A_310 = arith.constant 0 : i32
    %eq3A_311 = vector.broadcast %eq3A_310 : i32 to vector<8x1024xi32>
    %eq3A_312 = arith.cmpi eq, %and3A_309, %eq3A_311 : vector<8x1024xi32>
    %slice3A_313 = vector.extract_strided_slice %select_n3A_305 {offsets = [0, 2], sizes = [8, 1022], strides = [1, 1]} : vector<8x1024xf32> to vector<8x1022xf32>
    %slice3A_314 = vector.extract_strided_slice %select_n3A_305 {offsets = [0, 0], sizes = [8, 2], strides = [1, 1]} : vector<8x1024xf32> to vector<8x2xf32>
    %concatenate3A_315 = tpu.concatenate %slice3A_313, %slice3A_314 in 1 : vector<8x1022xf32>, vector<8x2xf32> -> vector<8x1024xf32>
    %slice3A_316 = vector.extract_strided_slice %select_n3A_305 {offsets = [0, 1022], sizes = [8, 2], strides = [1, 1]} : vector<8x1024xf32> to vector<8x2xf32>
    %slice3A_317 = vector.extract_strided_slice %select_n3A_305 {offsets = [0, 0], sizes = [8, 1022], strides = [1, 1]} : vector<8x1024xf32> to vector<8x1022xf32>
    %concatenate3A_318 = tpu.concatenate %slice3A_316, %slice3A_317 in 1 : vector<8x2xf32>, vector<8x1022xf32> -> vector<8x1024xf32>
    %select_n3A_319 = arith.select %eq3A_312, %concatenate3A_315, %concatenate3A_318 : vector<8x1024xi1>, vector<8x1024xf32>
    %slice3A_320 = vector.extract_strided_slice %select_n3A_306 {offsets = [0, 2], sizes = [8, 1022], strides = [1, 1]} : vector<8x1024xi32> to vector<8x1022xi32>
    %slice3A_321 = vector.extract_strided_slice %select_n3A_306 {offsets = [0, 0], sizes = [8, 2], strides = [1, 1]} : vector<8x1024xi32> to vector<8x2xi32>
    %concatenate3A_322 = tpu.concatenate %slice3A_320, %slice3A_321 in 1 : vector<8x1022xi32>, vector<8x2xi32> -> vector<8x1024xi32>
    %slice3A_323 = vector.extract_strided_slice %select_n3A_306 {offsets = [0, 1022], sizes = [8, 2], strides = [1, 1]} : vector<8x1024xi32> to vector<8x2xi32>
    %slice3A_324 = vector.extract_strided_slice %select_n3A_306 {offsets = [0, 0], sizes = [8, 1022], strides = [1, 1]} : vector<8x1024xi32> to vector<8x1022xi32>
    %concatenate3A_325 = tpu.concatenate %slice3A_323, %slice3A_324 in 1 : vector<8x2xi32>, vector<8x1022xi32> -> vector<8x1024xi32>
    %select_n3A_326 = arith.select %eq3A_312, %concatenate3A_322, %concatenate3A_325 : vector<8x1024xi1>, vector<8x1024xi32>
    %and3A_327 = arith.constant 16 : i32
    %and3A_328 = vector.broadcast %and3A_327 : i32 to vector<8x1024xi32>
    %and3A_329 = arith.andi %iota3A, %and3A_328 : vector<8x1024xi32>
    %eq3A_330 = arith.constant 0 : i32
    %eq3A_331 = vector.broadcast %eq3A_330 : i32 to vector<8x1024xi32>
    %eq3A_332 = arith.cmpi eq, %and3A_329, %eq3A_331 : vector<8x1024xi32>
    %lt3A_333 = arith.cmpf olt, %select_n3A_319, %select_n3A_305 : vector<8x1024xf32>
    %eq3A_334 = arith.cmpf oeq, %select_n3A_319, %select_n3A_305 : vector<8x1024xf32>
    %lt3A_335 = arith.cmpi slt, %select_n3A_326, %select_n3A_306 : vector<8x1024xi32>
    %and3A_336 = arith.andi %eq3A_334, %lt3A_335 : vector<8x1024xi1>
    %or3A_337 = arith.ori %lt3A_333, %and3A_336 : vector<8x1024xi1>
    %eq3A_338 = arith.xori %eq3A_312, %eq3A_332 : vector<8x1024xi1>
    %eq3A_339 = arith.constant dense<true> : vector<8x1024xi1>
    %eq3A_340 = arith.xori %eq3A_338, %eq3A_339 : vector<8x1024xi1>
    %eq3A_341 = arith.xori %or3A_337, %eq3A_340 : vector<8x1024xi1>
    %eq3A_342 = arith.constant dense<true> : vector<8x1024xi1>
    %eq3A_343 = arith.xori %eq3A_341, %eq3A_342 : vector<8x1024xi1>
    %select_n3A_344 = arith.select %eq3A_343, %select_n3A_319, %select_n3A_305 : vector<8x1024xi1>, vector<8x1024xf32>
    %select_n3A_345 = arith.select %eq3A_343, %select_n3A_326, %select_n3A_306 : vector<8x1024xi1>, vector<8x1024xi32>
    %and3A_346 = arith.constant 1 : i32
    %and3A_347 = vector.broadcast %and3A_346 : i32 to vector<8x1024xi32>
    %and3A_348 = arith.andi %iota3A, %and3A_347 : vector<8x1024xi32>
    %eq3A_349 = arith.constant 0 : i32
    %eq3A_350 = vector.broadcast %eq3A_349 : i32 to vector<8x1024xi32>
    %eq3A_351 = arith.cmpi eq, %and3A_348, %eq3A_350 : vector<8x1024xi32>
    %slice3A_352 = vector.extract_strided_slice %select_n3A_344 {offsets = [0, 1], sizes = [8, 1023], strides = [1, 1]} : vector<8x1024xf32> to vector<8x1023xf32>
    %slice3A_353 = vector.extract_strided_slice %select_n3A_344 {offsets = [0, 0], sizes = [8, 1], strides = [1, 1]} : vector<8x1024xf32> to vector<8x1xf32>
    %concatenate3A_354 = tpu.concatenate %slice3A_352, %slice3A_353 in 1 : vector<8x1023xf32>, vector<8x1xf32> -> vector<8x1024xf32>
    %slice3A_355 = vector.extract_strided_slice %select_n3A_344 {offsets = [0, 1023], sizes = [8, 1], strides = [1, 1]} : vector<8x1024xf32> to vector<8x1xf32>
    %slice3A_356 = vector.extract_strided_slice %select_n3A_344 {offsets = [0, 0], sizes = [8, 1023], strides = [1, 1]} : vector<8x1024xf32> to vector<8x1023xf32>
    %concatenate3A_357 = tpu.concatenate %slice3A_355, %slice3A_356 in 1 : vector<8x1xf32>, vector<8x1023xf32> -> vector<8x1024xf32>
    %select_n3A_358 = arith.select %eq3A_351, %concatenate3A_354, %concatenate3A_357 : vector<8x1024xi1>, vector<8x1024xf32>
    %slice3A_359 = vector.extract_strided_slice %select_n3A_345 {offsets = [0, 1], sizes = [8, 1023], strides = [1, 1]} : vector<8x1024xi32> to vector<8x1023xi32>
    %slice3A_360 = vector.extract_strided_slice %select_n3A_345 {offsets = [0, 0], sizes = [8, 1], strides = [1, 1]} : vector<8x1024xi32> to vector<8x1xi32>
    %concatenate3A_361 = tpu.concatenate %slice3A_359, %slice3A_360 in 1 : vector<8x1023xi32>, vector<8x1xi32> -> vector<8x1024xi32>
    %slice3A_362 = vector.extract_strided_slice %select_n3A_345 {offsets = [0, 1023], sizes = [8, 1], strides = [1, 1]} : vector<8x1024xi32> to vector<8x1xi32>
    %slice3A_363 = vector.extract_strided_slice %select_n3A_345 {offsets = [0, 0], sizes = [8, 1023], strides = [1, 1]} : vector<8x1024xi32> to vector<8x1023xi32>
    %concatenate3A_364 = tpu.concatenate %slice3A_362, %slice3A_363 in 1 : vector<8x1xi32>, vector<8x1023xi32> -> vector<8x1024xi32>
    %select_n3A_365 = arith.select %eq3A_351, %concatenate3A_361, %concatenate3A_364 : vector<8x1024xi1>, vector<8x1024xi32>
    %and3A_366 = arith.constant 16 : i32
    %and3A_367 = vector.broadcast %and3A_366 : i32 to vector<8x1024xi32>
    %and3A_368 = arith.andi %iota3A, %and3A_367 : vector<8x1024xi32>
    %eq3A_369 = arith.constant 0 : i32
    %eq3A_370 = vector.broadcast %eq3A_369 : i32 to vector<8x1024xi32>
    %eq3A_371 = arith.cmpi eq, %and3A_368, %eq3A_370 : vector<8x1024xi32>
    %lt3A_372 = arith.cmpf olt, %select_n3A_358, %select_n3A_344 : vector<8x1024xf32>
    %eq3A_373 = arith.cmpf oeq, %select_n3A_358, %select_n3A_344 : vector<8x1024xf32>
    %lt3A_374 = arith.cmpi slt, %select_n3A_365, %select_n3A_345 : vector<8x1024xi32>
    %and3A_375 = arith.andi %eq3A_373, %lt3A_374 : vector<8x1024xi1>
    %or3A_376 = arith.ori %lt3A_372, %and3A_375 : vector<8x1024xi1>
    %eq3A_377 = arith.xori %eq3A_351, %eq3A_371 : vector<8x1024xi1>
    %eq3A_378 = arith.constant dense<true> : vector<8x1024xi1>
    %eq3A_379 = arith.xori %eq3A_377, %eq3A_378 : vector<8x1024xi1>
    %eq3A_380 = arith.xori %or3A_376, %eq3A_379 : vector<8x1024xi1>
    %eq3A_381 = arith.constant dense<true> : vector<8x1024xi1>
    %eq3A_382 = arith.xori %eq3A_380, %eq3A_381 : vector<8x1024xi1>
    %select_n3A_383 = arith.select %eq3A_382, %select_n3A_358, %select_n3A_344 : vector<8x1024xi1>, vector<8x1024xf32>
    %select_n3A_384 = arith.select %eq3A_382, %select_n3A_365, %select_n3A_345 : vector<8x1024xi1>, vector<8x1024xi32>
    %and3A_385 = arith.constant 16 : i32
    %and3A_386 = vector.broadcast %and3A_385 : i32 to vector<8x1024xi32>
    %and3A_387 = arith.andi %iota3A, %and3A_386 : vector<8x1024xi32>
    %eq3A_388 = arith.constant 0 : i32
    %eq3A_389 = vector.broadcast %eq3A_388 : i32 to vector<8x1024xi32>
    %eq3A_390 = arith.cmpi eq, %and3A_387, %eq3A_389 : vector<8x1024xi32>
    %slice3A_391 = vector.extract_strided_slice %select_n3A_383 {offsets = [0, 16], sizes = [8, 1008], strides = [1, 1]} : vector<8x1024xf32> to vector<8x1008xf32>
    %slice3A_392 = vector.extract_strided_slice %select_n3A_383 {offsets = [0, 0], sizes = [8, 16], strides = [1, 1]} : vector<8x1024xf32> to vector<8x16xf32>
    %concatenate3A_393 = tpu.concatenate %slice3A_391, %slice3A_392 in 1 : vector<8x1008xf32>, vector<8x16xf32> -> vector<8x1024xf32>
    %slice3A_394 = vector.extract_strided_slice %select_n3A_383 {offsets = [0, 1008], sizes = [8, 16], strides = [1, 1]} : vector<8x1024xf32> to vector<8x16xf32>
    %slice3A_395 = vector.extract_strided_slice %select_n3A_383 {offsets = [0, 0], sizes = [8, 1008], strides = [1, 1]} : vector<8x1024xf32> to vector<8x1008xf32>
    %concatenate3A_396 = tpu.concatenate %slice3A_394, %slice3A_395 in 1 : vector<8x16xf32>, vector<8x1008xf32> -> vector<8x1024xf32>
    %select_n3A_397 = arith.select %eq3A_390, %concatenate3A_393, %concatenate3A_396 : vector<8x1024xi1>, vector<8x1024xf32>
    %slice3A_398 = vector.extract_strided_slice %select_n3A_384 {offsets = [0, 16], sizes = [8, 1008], strides = [1, 1]} : vector<8x1024xi32> to vector<8x1008xi32>
    %slice3A_399 = vector.extract_strided_slice %select_n3A_384 {offsets = [0, 0], sizes = [8, 16], strides = [1, 1]} : vector<8x1024xi32> to vector<8x16xi32>
    %concatenate3A_400 = tpu.concatenate %slice3A_398, %slice3A_399 in 1 : vector<8x1008xi32>, vector<8x16xi32> -> vector<8x1024xi32>
    %slice3A_401 = vector.extract_strided_slice %select_n3A_384 {offsets = [0, 1008], sizes = [8, 16], strides = [1, 1]} : vector<8x1024xi32> to vector<8x16xi32>
    %slice3A_402 = vector.extract_strided_slice %select_n3A_384 {offsets = [0, 0], sizes = [8, 1008], strides = [1, 1]} : vector<8x1024xi32> to vector<8x1008xi32>
    %concatenate3A_403 = tpu.concatenate %slice3A_401, %slice3A_402 in 1 : vector<8x16xi32>, vector<8x1008xi32> -> vector<8x1024xi32>
    %select_n3A_404 = arith.select %eq3A_390, %concatenate3A_400, %concatenate3A_403 : vector<8x1024xi1>, vector<8x1024xi32>
    %and3A_405 = arith.constant 32 : i32
    %and3A_406 = vector.broadcast %and3A_405 : i32 to vector<8x1024xi32>
    %and3A_407 = arith.andi %iota3A, %and3A_406 : vector<8x1024xi32>
    %eq3A_408 = arith.constant 0 : i32
    %eq3A_409 = vector.broadcast %eq3A_408 : i32 to vector<8x1024xi32>
    %eq3A_410 = arith.cmpi eq, %and3A_407, %eq3A_409 : vector<8x1024xi32>
    %lt3A_411 = arith.cmpf olt, %select_n3A_397, %select_n3A_383 : vector<8x1024xf32>
    %eq3A_412 = arith.cmpf oeq, %select_n3A_397, %select_n3A_383 : vector<8x1024xf32>
    %lt3A_413 = arith.cmpi slt, %select_n3A_404, %select_n3A_384 : vector<8x1024xi32>
    %and3A_414 = arith.andi %eq3A_412, %lt3A_413 : vector<8x1024xi1>
    %or3A_415 = arith.ori %lt3A_411, %and3A_414 : vector<8x1024xi1>
    %eq3A_416 = arith.xori %eq3A_390, %eq3A_410 : vector<8x1024xi1>
    %eq3A_417 = arith.constant dense<true> : vector<8x1024xi1>
    %eq3A_418 = arith.xori %eq3A_416, %eq3A_417 : vector<8x1024xi1>
    %eq3A_419 = arith.xori %or3A_415, %eq3A_418 : vector<8x1024xi1>
    %eq3A_420 = arith.constant dense<true> : vector<8x1024xi1>
    %eq3A_421 = arith.xori %eq3A_419, %eq3A_420 : vector<8x1024xi1>
    %select_n3A_422 = arith.select %eq3A_421, %select_n3A_397, %select_n3A_383 : vector<8x1024xi1>, vector<8x1024xf32>
    %select_n3A_423 = arith.select %eq3A_421, %select_n3A_404, %select_n3A_384 : vector<8x1024xi1>, vector<8x1024xi32>
    %and3A_424 = arith.constant 8 : i32
    %and3A_425 = vector.broadcast %and3A_424 : i32 to vector<8x1024xi32>
    %and3A_426 = arith.andi %iota3A, %and3A_425 : vector<8x1024xi32>
    %eq3A_427 = arith.constant 0 : i32
    %eq3A_428 = vector.broadcast %eq3A_427 : i32 to vector<8x1024xi32>
    %eq3A_429 = arith.cmpi eq, %and3A_426, %eq3A_428 : vector<8x1024xi32>
    %slice3A_430 = vector.extract_strided_slice %select_n3A_422 {offsets = [0, 8], sizes = [8, 1016], strides = [1, 1]} : vector<8x1024xf32> to vector<8x1016xf32>
    %slice3A_431 = vector.extract_strided_slice %select_n3A_422 {offsets = [0, 0], sizes = [8, 8], strides = [1, 1]} : vector<8x1024xf32> to vector<8x8xf32>
    %concatenate3A_432 = tpu.concatenate %slice3A_430, %slice3A_431 in 1 : vector<8x1016xf32>, vector<8x8xf32> -> vector<8x1024xf32>
    %slice3A_433 = vector.extract_strided_slice %select_n3A_422 {offsets = [0, 1016], sizes = [8, 8], strides = [1, 1]} : vector<8x1024xf32> to vector<8x8xf32>
    %slice3A_434 = vector.extract_strided_slice %select_n3A_422 {offsets = [0, 0], sizes = [8, 1016], strides = [1, 1]} : vector<8x1024xf32> to vector<8x1016xf32>
    %concatenate3A_435 = tpu.concatenate %slice3A_433, %slice3A_434 in 1 : vector<8x8xf32>, vector<8x1016xf32> -> vector<8x1024xf32>
    %select_n3A_436 = arith.select %eq3A_429, %concatenate3A_432, %concatenate3A_435 : vector<8x1024xi1>, vector<8x1024xf32>
    %slice3A_437 = vector.extract_strided_slice %select_n3A_423 {offsets = [0, 8], sizes = [8, 1016], strides = [1, 1]} : vector<8x1024xi32> to vector<8x1016xi32>
    %slice3A_438 = vector.extract_strided_slice %select_n3A_423 {offsets = [0, 0], sizes = [8, 8], strides = [1, 1]} : vector<8x1024xi32> to vector<8x8xi32>
    %concatenate3A_439 = tpu.concatenate %slice3A_437, %slice3A_438 in 1 : vector<8x1016xi32>, vector<8x8xi32> -> vector<8x1024xi32>
    %slice3A_440 = vector.extract_strided_slice %select_n3A_423 {offsets = [0, 1016], sizes = [8, 8], strides = [1, 1]} : vector<8x1024xi32> to vector<8x8xi32>
    %slice3A_441 = vector.extract_strided_slice %select_n3A_423 {offsets = [0, 0], sizes = [8, 1016], strides = [1, 1]} : vector<8x1024xi32> to vector<8x1016xi32>
    %concatenate3A_442 = tpu.concatenate %slice3A_440, %slice3A_441 in 1 : vector<8x8xi32>, vector<8x1016xi32> -> vector<8x1024xi32>
    %select_n3A_443 = arith.select %eq3A_429, %concatenate3A_439, %concatenate3A_442 : vector<8x1024xi1>, vector<8x1024xi32>
    %and3A_444 = arith.constant 32 : i32
    %and3A_445 = vector.broadcast %and3A_444 : i32 to vector<8x1024xi32>
    %and3A_446 = arith.andi %iota3A, %and3A_445 : vector<8x1024xi32>
    %eq3A_447 = arith.constant 0 : i32
    %eq3A_448 = vector.broadcast %eq3A_447 : i32 to vector<8x1024xi32>
    %eq3A_449 = arith.cmpi eq, %and3A_446, %eq3A_448 : vector<8x1024xi32>
    %lt3A_450 = arith.cmpf olt, %select_n3A_436, %select_n3A_422 : vector<8x1024xf32>
    %eq3A_451 = arith.cmpf oeq, %select_n3A_436, %select_n3A_422 : vector<8x1024xf32>
    %lt3A_452 = arith.cmpi slt, %select_n3A_443, %select_n3A_423 : vector<8x1024xi32>
    %and3A_453 = arith.andi %eq3A_451, %lt3A_452 : vector<8x1024xi1>
    %or3A_454 = arith.ori %lt3A_450, %and3A_453 : vector<8x1024xi1>
    %eq3A_455 = arith.xori %eq3A_429, %eq3A_449 : vector<8x1024xi1>
    %eq3A_456 = arith.constant dense<true> : vector<8x1024xi1>
    %eq3A_457 = arith.xori %eq3A_455, %eq3A_456 : vector<8x1024xi1>
    %eq3A_458 = arith.xori %or3A_454, %eq3A_457 : vector<8x1024xi1>
    %eq3A_459 = arith.constant dense<true> : vector<8x1024xi1>
    %eq3A_460 = arith.xori %eq3A_458, %eq3A_459 : vector<8x1024xi1>
    %select_n3A_461 = arith.select %eq3A_460, %select_n3A_436, %select_n3A_422 : vector<8x1024xi1>, vector<8x1024xf32>
    %select_n3A_462 = arith.select %eq3A_460, %select_n3A_443, %select_n3A_423 : vector<8x1024xi1>, vector<8x1024xi32>
    %and3A_463 = arith.constant 4 : i32
    %and3A_464 = vector.broadcast %and3A_463 : i32 to vector<8x1024xi32>
    %and3A_465 = arith.andi %iota3A, %and3A_464 : vector<8x1024xi32>
    %eq3A_466 = arith.constant 0 : i32
    %eq3A_467 = vector.broadcast %eq3A_466 : i32 to vector<8x1024xi32>
    %eq3A_468 = arith.cmpi eq, %and3A_465, %eq3A_467 : vector<8x1024xi32>
    %slice3A_469 = vector.extract_strided_slice %select_n3A_461 {offsets = [0, 4], sizes = [8, 1020], strides = [1, 1]} : vector<8x1024xf32> to vector<8x1020xf32>
    %slice3A_470 = vector.extract_strided_slice %select_n3A_461 {offsets = [0, 0], sizes = [8, 4], strides = [1, 1]} : vector<8x1024xf32> to vector<8x4xf32>
    %concatenate3A_471 = tpu.concatenate %slice3A_469, %slice3A_470 in 1 : vector<8x1020xf32>, vector<8x4xf32> -> vector<8x1024xf32>
    %slice3A_472 = vector.extract_strided_slice %select_n3A_461 {offsets = [0, 1020], sizes = [8, 4], strides = [1, 1]} : vector<8x1024xf32> to vector<8x4xf32>
    %slice3A_473 = vector.extract_strided_slice %select_n3A_461 {offsets = [0, 0], sizes = [8, 1020], strides = [1, 1]} : vector<8x1024xf32> to vector<8x1020xf32>
    %concatenate3A_474 = tpu.concatenate %slice3A_472, %slice3A_473 in 1 : vector<8x4xf32>, vector<8x1020xf32> -> vector<8x1024xf32>
    %select_n3A_475 = arith.select %eq3A_468, %concatenate3A_471, %concatenate3A_474 : vector<8x1024xi1>, vector<8x1024xf32>
    %slice3A_476 = vector.extract_strided_slice %select_n3A_462 {offsets = [0, 4], sizes = [8, 1020], strides = [1, 1]} : vector<8x1024xi32> to vector<8x1020xi32>
    %slice3A_477 = vector.extract_strided_slice %select_n3A_462 {offsets = [0, 0], sizes = [8, 4], strides = [1, 1]} : vector<8x1024xi32> to vector<8x4xi32>
    %concatenate3A_478 = tpu.concatenate %slice3A_476, %slice3A_477 in 1 : vector<8x1020xi32>, vector<8x4xi32> -> vector<8x1024xi32>
    %slice3A_479 = vector.extract_strided_slice %select_n3A_462 {offsets = [0, 1020], sizes = [8, 4], strides = [1, 1]} : vector<8x1024xi32> to vector<8x4xi32>
    %slice3A_480 = vector.extract_strided_slice %select_n3A_462 {offsets = [0, 0], sizes = [8, 1020], strides = [1, 1]} : vector<8x1024xi32> to vector<8x1020xi32>
    %concatenate3A_481 = tpu.concatenate %slice3A_479, %slice3A_480 in 1 : vector<8x4xi32>, vector<8x1020xi32> -> vector<8x1024xi32>
    %select_n3A_482 = arith.select %eq3A_468, %concatenate3A_478, %concatenate3A_481 : vector<8x1024xi1>, vector<8x1024xi32>
    %and3A_483 = arith.constant 32 : i32
    %and3A_484 = vector.broadcast %and3A_483 : i32 to vector<8x1024xi32>
    %and3A_485 = arith.andi %iota3A, %and3A_484 : vector<8x1024xi32>
    %eq3A_486 = arith.constant 0 : i32
    %eq3A_487 = vector.broadcast %eq3A_486 : i32 to vector<8x1024xi32>
    %eq3A_488 = arith.cmpi eq, %and3A_485, %eq3A_487 : vector<8x1024xi32>
    %lt3A_489 = arith.cmpf olt, %select_n3A_475, %select_n3A_461 : vector<8x1024xf32>
    %eq3A_490 = arith.cmpf oeq, %select_n3A_475, %select_n3A_461 : vector<8x1024xf32>
    %lt3A_491 = arith.cmpi slt, %select_n3A_482, %select_n3A_462 : vector<8x1024xi32>
    %and3A_492 = arith.andi %eq3A_490, %lt3A_491 : vector<8x1024xi1>
    %or3A_493 = arith.ori %lt3A_489, %and3A_492 : vector<8x1024xi1>
    %eq3A_494 = arith.xori %eq3A_468, %eq3A_488 : vector<8x1024xi1>
    %eq3A_495 = arith.constant dense<true> : vector<8x1024xi1>
    %eq3A_496 = arith.xori %eq3A_494, %eq3A_495 : vector<8x1024xi1>
    %eq3A_497 = arith.xori %or3A_493, %eq3A_496 : vector<8x1024xi1>
    %eq3A_498 = arith.constant dense<true> : vector<8x1024xi1>
    %eq3A_499 = arith.xori %eq3A_497, %eq3A_498 : vector<8x1024xi1>
    %select_n3A_500 = arith.select %eq3A_499, %select_n3A_475, %select_n3A_461 : vector<8x1024xi1>, vector<8x1024xf32>
    %select_n3A_501 = arith.select %eq3A_499, %select_n3A_482, %select_n3A_462 : vector<8x1024xi1>, vector<8x1024xi32>
    %and3A_502 = arith.constant 2 : i32
    %and3A_503 = vector.broadcast %and3A_502 : i32 to vector<8x1024xi32>
    %and3A_504 = arith.andi %iota3A, %and3A_503 : vector<8x1024xi32>
    %eq3A_505 = arith.constant 0 : i32
    %eq3A_506 = vector.broadcast %eq3A_505 : i32 to vector<8x1024xi32>
    %eq3A_507 = arith.cmpi eq, %and3A_504, %eq3A_506 : vector<8x1024xi32>
    %slice3A_508 = vector.extract_strided_slice %select_n3A_500 {offsets = [0, 2], sizes = [8, 1022], strides = [1, 1]} : vector<8x1024xf32> to vector<8x1022xf32>
    %slice3A_509 = vector.extract_strided_slice %select_n3A_500 {offsets = [0, 0], sizes = [8, 2], strides = [1, 1]} : vector<8x1024xf32> to vector<8x2xf32>
    %concatenate3A_510 = tpu.concatenate %slice3A_508, %slice3A_509 in 1 : vector<8x1022xf32>, vector<8x2xf32> -> vector<8x1024xf32>
    %slice3A_511 = vector.extract_strided_slice %select_n3A_500 {offsets = [0, 1022], sizes = [8, 2], strides = [1, 1]} : vector<8x1024xf32> to vector<8x2xf32>
    %slice3A_512 = vector.extract_strided_slice %select_n3A_500 {offsets = [0, 0], sizes = [8, 1022], strides = [1, 1]} : vector<8x1024xf32> to vector<8x1022xf32>
    %concatenate3A_513 = tpu.concatenate %slice3A_511, %slice3A_512 in 1 : vector<8x2xf32>, vector<8x1022xf32> -> vector<8x1024xf32>
    %select_n3A_514 = arith.select %eq3A_507, %concatenate3A_510, %concatenate3A_513 : vector<8x1024xi1>, vector<8x1024xf32>
    %slice3A_515 = vector.extract_strided_slice %select_n3A_501 {offsets = [0, 2], sizes = [8, 1022], strides = [1, 1]} : vector<8x1024xi32> to vector<8x1022xi32>
    %slice3A_516 = vector.extract_strided_slice %select_n3A_501 {offsets = [0, 0], sizes = [8, 2], strides = [1, 1]} : vector<8x1024xi32> to vector<8x2xi32>
    %concatenate3A_517 = tpu.concatenate %slice3A_515, %slice3A_516 in 1 : vector<8x1022xi32>, vector<8x2xi32> -> vector<8x1024xi32>
    %slice3A_518 = vector.extract_strided_slice %select_n3A_501 {offsets = [0, 1022], sizes = [8, 2], strides = [1, 1]} : vector<8x1024xi32> to vector<8x2xi32>
    %slice3A_519 = vector.extract_strided_slice %select_n3A_501 {offsets = [0, 0], sizes = [8, 1022], strides = [1, 1]} : vector<8x1024xi32> to vector<8x1022xi32>
    %concatenate3A_520 = tpu.concatenate %slice3A_518, %slice3A_519 in 1 : vector<8x2xi32>, vector<8x1022xi32> -> vector<8x1024xi32>
    %select_n3A_521 = arith.select %eq3A_507, %concatenate3A_517, %concatenate3A_520 : vector<8x1024xi1>, vector<8x1024xi32>
    %and3A_522 = arith.constant 32 : i32
    %and3A_523 = vector.broadcast %and3A_522 : i32 to vector<8x1024xi32>
    %and3A_524 = arith.andi %iota3A, %and3A_523 : vector<8x1024xi32>
    %eq3A_525 = arith.constant 0 : i32
    %eq3A_526 = vector.broadcast %eq3A_525 : i32 to vector<8x1024xi32>
    %eq3A_527 = arith.cmpi eq, %and3A_524, %eq3A_526 : vector<8x1024xi32>
    %lt3A_528 = arith.cmpf olt, %select_n3A_514, %select_n3A_500 : vector<8x1024xf32>
    %eq3A_529 = arith.cmpf oeq, %select_n3A_514, %select_n3A_500 : vector<8x1024xf32>
    %lt3A_530 = arith.cmpi slt, %select_n3A_521, %select_n3A_501 : vector<8x1024xi32>
    %and3A_531 = arith.andi %eq3A_529, %lt3A_530 : vector<8x1024xi1>
    %or3A_532 = arith.ori %lt3A_528, %and3A_531 : vector<8x1024xi1>
    %eq3A_533 = arith.xori %eq3A_507, %eq3A_527 : vector<8x1024xi1>
    %eq3A_534 = arith.constant dense<true> : vector<8x1024xi1>
    %eq3A_535 = arith.xori %eq3A_533, %eq3A_534 : vector<8x1024xi1>
    %eq3A_536 = arith.xori %or3A_532, %eq3A_535 : vector<8x1024xi1>
    %eq3A_537 = arith.constant dense<true> : vector<8x1024xi1>
    %eq3A_538 = arith.xori %eq3A_536, %eq3A_537 : vector<8x1024xi1>
    %select_n3A_539 = arith.select %eq3A_538, %select_n3A_514, %select_n3A_500 : vector<8x1024xi1>, vector<8x1024xf32>
    %select_n3A_540 = arith.select %eq3A_538, %select_n3A_521, %select_n3A_501 : vector<8x1024xi1>, vector<8x1024xi32>
    %and3A_541 = arith.constant 1 : i32
    %and3A_542 = vector.broadcast %and3A_541 : i32 to vector<8x1024xi32>
    %and3A_543 = arith.andi %iota3A, %and3A_542 : vector<8x1024xi32>
    %eq3A_544 = arith.constant 0 : i32
    %eq3A_545 = vector.broadcast %eq3A_544 : i32 to vector<8x1024xi32>
    %eq3A_546 = arith.cmpi eq, %and3A_543, %eq3A_545 : vector<8x1024xi32>
    %slice3A_547 = vector.extract_strided_slice %select_n3A_539 {offsets = [0, 1], sizes = [8, 1023], strides = [1, 1]} : vector<8x1024xf32> to vector<8x1023xf32>
    %slice3A_548 = vector.extract_strided_slice %select_n3A_539 {offsets = [0, 0], sizes = [8, 1], strides = [1, 1]} : vector<8x1024xf32> to vector<8x1xf32>
    %concatenate3A_549 = tpu.concatenate %slice3A_547, %slice3A_548 in 1 : vector<8x1023xf32>, vector<8x1xf32> -> vector<8x1024xf32>
    %slice3A_550 = vector.extract_strided_slice %select_n3A_539 {offsets = [0, 1023], sizes = [8, 1], strides = [1, 1]} : vector<8x1024xf32> to vector<8x1xf32>
    %slice3A_551 = vector.extract_strided_slice %select_n3A_539 {offsets = [0, 0], sizes = [8, 1023], strides = [1, 1]} : vector<8x1024xf32> to vector<8x1023xf32>
    %concatenate3A_552 = tpu.concatenate %slice3A_550, %slice3A_551 in 1 : vector<8x1xf32>, vector<8x1023xf32> -> vector<8x1024xf32>
    %select_n3A_553 = arith.select %eq3A_546, %concatenate3A_549, %concatenate3A_552 : vector<8x1024xi1>, vector<8x1024xf32>
    %slice3A_554 = vector.extract_strided_slice %select_n3A_540 {offsets = [0, 1], sizes = [8, 1023], strides = [1, 1]} : vector<8x1024xi32> to vector<8x1023xi32>
    %slice3A_555 = vector.extract_strided_slice %select_n3A_540 {offsets = [0, 0], sizes = [8, 1], strides = [1, 1]} : vector<8x1024xi32> to vector<8x1xi32>
    %concatenate3A_556 = tpu.concatenate %slice3A_554, %slice3A_555 in 1 : vector<8x1023xi32>, vector<8x1xi32> -> vector<8x1024xi32>
    %slice3A_557 = vector.extract_strided_slice %select_n3A_540 {offsets = [0, 1023], sizes = [8, 1], strides = [1, 1]} : vector<8x1024xi32> to vector<8x1xi32>
    %slice3A_558 = vector.extract_strided_slice %select_n3A_540 {offsets = [0, 0], sizes = [8, 1023], strides = [1, 1]} : vector<8x1024xi32> to vector<8x1023xi32>
    %concatenate3A_559 = tpu.concatenate %slice3A_557, %slice3A_558 in 1 : vector<8x1xi32>, vector<8x1023xi32> -> vector<8x1024xi32>
    %select_n3A_560 = arith.select %eq3A_546, %concatenate3A_556, %concatenate3A_559 : vector<8x1024xi1>, vector<8x1024xi32>
    %and3A_561 = arith.constant 32 : i32
    %and3A_562 = vector.broadcast %and3A_561 : i32 to vector<8x1024xi32>
    %and3A_563 = arith.andi %iota3A, %and3A_562 : vector<8x1024xi32>
    %eq3A_564 = arith.constant 0 : i32
    %eq3A_565 = vector.broadcast %eq3A_564 : i32 to vector<8x1024xi32>
    %eq3A_566 = arith.cmpi eq, %and3A_563, %eq3A_565 : vector<8x1024xi32>
    %lt3A_567 = arith.cmpf olt, %select_n3A_553, %select_n3A_539 : vector<8x1024xf32>
    %eq3A_568 = arith.cmpf oeq, %select_n3A_553, %select_n3A_539 : vector<8x1024xf32>
    %lt3A_569 = arith.cmpi slt, %select_n3A_560, %select_n3A_540 : vector<8x1024xi32>
    %and3A_570 = arith.andi %eq3A_568, %lt3A_569 : vector<8x1024xi1>
    %or3A_571 = arith.ori %lt3A_567, %and3A_570 : vector<8x1024xi1>
    %eq3A_572 = arith.xori %eq3A_546, %eq3A_566 : vector<8x1024xi1>
    %eq3A_573 = arith.constant dense<true> : vector<8x1024xi1>
    %eq3A_574 = arith.xori %eq3A_572, %eq3A_573 : vector<8x1024xi1>
    %eq3A_575 = arith.xori %or3A_571, %eq3A_574 : vector<8x1024xi1>
    %eq3A_576 = arith.constant dense<true> : vector<8x1024xi1>
    %eq3A_577 = arith.xori %eq3A_575, %eq3A_576 : vector<8x1024xi1>
    %select_n3A_578 = arith.select %eq3A_577, %select_n3A_553, %select_n3A_539 : vector<8x1024xi1>, vector<8x1024xf32>
    %select_n3A_579 = arith.select %eq3A_577, %select_n3A_560, %select_n3A_540 : vector<8x1024xi1>, vector<8x1024xi32>
    %and3A_580 = arith.constant 32 : i32
    %and3A_581 = vector.broadcast %and3A_580 : i32 to vector<8x1024xi32>
    %and3A_582 = arith.andi %iota3A, %and3A_581 : vector<8x1024xi32>
    %eq3A_583 = arith.constant 0 : i32
    %eq3A_584 = vector.broadcast %eq3A_583 : i32 to vector<8x1024xi32>
    %eq3A_585 = arith.cmpi eq, %and3A_582, %eq3A_584 : vector<8x1024xi32>
    %slice3A_586 = vector.extract_strided_slice %select_n3A_578 {offsets = [0, 32], sizes = [8, 992], strides = [1, 1]} : vector<8x1024xf32> to vector<8x992xf32>
    %slice3A_587 = vector.extract_strided_slice %select_n3A_578 {offsets = [0, 0], sizes = [8, 32], strides = [1, 1]} : vector<8x1024xf32> to vector<8x32xf32>
    %concatenate3A_588 = tpu.concatenate %slice3A_586, %slice3A_587 in 1 : vector<8x992xf32>, vector<8x32xf32> -> vector<8x1024xf32>
    %slice3A_589 = vector.extract_strided_slice %select_n3A_578 {offsets = [0, 992], sizes = [8, 32], strides = [1, 1]} : vector<8x1024xf32> to vector<8x32xf32>
    %slice3A_590 = vector.extract_strided_slice %select_n3A_578 {offsets = [0, 0], sizes = [8, 992], strides = [1, 1]} : vector<8x1024xf32> to vector<8x992xf32>
    %concatenate3A_591 = tpu.concatenate %slice3A_589, %slice3A_590 in 1 : vector<8x32xf32>, vector<8x992xf32> -> vector<8x1024xf32>
    %select_n3A_592 = arith.select %eq3A_585, %concatenate3A_588, %concatenate3A_591 : vector<8x1024xi1>, vector<8x1024xf32>
    %slice3A_593 = vector.extract_strided_slice %select_n3A_579 {offsets = [0, 32], sizes = [8, 992], strides = [1, 1]} : vector<8x1024xi32> to vector<8x992xi32>
    %slice3A_594 = vector.extract_strided_slice %select_n3A_579 {offsets = [0, 0], sizes = [8, 32], strides = [1, 1]} : vector<8x1024xi32> to vector<8x32xi32>
    %concatenate3A_595 = tpu.concatenate %slice3A_593, %slice3A_594 in 1 : vector<8x992xi32>, vector<8x32xi32> -> vector<8x1024xi32>
    %slice3A_596 = vector.extract_strided_slice %select_n3A_579 {offsets = [0, 992], sizes = [8, 32], strides = [1, 1]} : vector<8x1024xi32> to vector<8x32xi32>
    %slice3A_597 = vector.extract_strided_slice %select_n3A_579 {offsets = [0, 0], sizes = [8, 992], strides = [1, 1]} : vector<8x1024xi32> to vector<8x992xi32>
    %concatenate3A_598 = tpu.concatenate %slice3A_596, %slice3A_597 in 1 : vector<8x32xi32>, vector<8x992xi32> -> vector<8x1024xi32>
    %select_n3A_599 = arith.select %eq3A_585, %concatenate3A_595, %concatenate3A_598 : vector<8x1024xi1>, vector<8x1024xi32>
    %and3A_600 = arith.constant 64 : i32
    %and3A_601 = vector.broadcast %and3A_600 : i32 to vector<8x1024xi32>
    %and3A_602 = arith.andi %iota3A, %and3A_601 : vector<8x1024xi32>
    %eq3A_603 = arith.constant 0 : i32
    %eq3A_604 = vector.broadcast %eq3A_603 : i32 to vector<8x1024xi32>
    %eq3A_605 = arith.cmpi eq, %and3A_602, %eq3A_604 : vector<8x1024xi32>
    %lt3A_606 = arith.cmpf olt, %select_n3A_592, %select_n3A_578 : vector<8x1024xf32>
    %eq3A_607 = arith.cmpf oeq, %select_n3A_592, %select_n3A_578 : vector<8x1024xf32>
    %lt3A_608 = arith.cmpi slt, %select_n3A_599, %select_n3A_579 : vector<8x1024xi32>
    %and3A_609 = arith.andi %eq3A_607, %lt3A_608 : vector<8x1024xi1>
    %or3A_610 = arith.ori %lt3A_606, %and3A_609 : vector<8x1024xi1>
    %eq3A_611 = arith.xori %eq3A_585, %eq3A_605 : vector<8x1024xi1>
    %eq3A_612 = arith.constant dense<true> : vector<8x1024xi1>
    %eq3A_613 = arith.xori %eq3A_611, %eq3A_612 : vector<8x1024xi1>
    %eq3A_614 = arith.xori %or3A_610, %eq3A_613 : vector<8x1024xi1>
    %eq3A_615 = arith.constant dense<true> : vector<8x1024xi1>
    %eq3A_616 = arith.xori %eq3A_614, %eq3A_615 : vector<8x1024xi1>
    %select_n3A_617 = arith.select %eq3A_616, %select_n3A_592, %select_n3A_578 : vector<8x1024xi1>, vector<8x1024xf32>
    %select_n3A_618 = arith.select %eq3A_616, %select_n3A_599, %select_n3A_579 : vector<8x1024xi1>, vector<8x1024xi32>
    %and3A_619 = arith.constant 16 : i32
    %and3A_620 = vector.broadcast %and3A_619 : i32 to vector<8x1024xi32>
    %and3A_621 = arith.andi %iota3A, %and3A_620 : vector<8x1024xi32>
    %eq3A_622 = arith.constant 0 : i32
    %eq3A_623 = vector.broadcast %eq3A_622 : i32 to vector<8x1024xi32>
    %eq3A_624 = arith.cmpi eq, %and3A_621, %eq3A_623 : vector<8x1024xi32>
    %slice3A_625 = vector.extract_strided_slice %select_n3A_617 {offsets = [0, 16], sizes = [8, 1008], strides = [1, 1]} : vector<8x1024xf32> to vector<8x1008xf32>
    %slice3A_626 = vector.extract_strided_slice %select_n3A_617 {offsets = [0, 0], sizes = [8, 16], strides = [1, 1]} : vector<8x1024xf32> to vector<8x16xf32>
    %concatenate3A_627 = tpu.concatenate %slice3A_625, %slice3A_626 in 1 : vector<8x1008xf32>, vector<8x16xf32> -> vector<8x1024xf32>
    %slice3A_628 = vector.extract_strided_slice %select_n3A_617 {offsets = [0, 1008], sizes = [8, 16], strides = [1, 1]} : vector<8x1024xf32> to vector<8x16xf32>
    %slice3A_629 = vector.extract_strided_slice %select_n3A_617 {offsets = [0, 0], sizes = [8, 1008], strides = [1, 1]} : vector<8x1024xf32> to vector<8x1008xf32>
    %concatenate3A_630 = tpu.concatenate %slice3A_628, %slice3A_629 in 1 : vector<8x16xf32>, vector<8x1008xf32> -> vector<8x1024xf32>
    %select_n3A_631 = arith.select %eq3A_624, %concatenate3A_627, %concatenate3A_630 : vector<8x1024xi1>, vector<8x1024xf32>
    %slice3A_632 = vector.extract_strided_slice %select_n3A_618 {offsets = [0, 16], sizes = [8, 1008], strides = [1, 1]} : vector<8x1024xi32> to vector<8x1008xi32>
    %slice3A_633 = vector.extract_strided_slice %select_n3A_618 {offsets = [0, 0], sizes = [8, 16], strides = [1, 1]} : vector<8x1024xi32> to vector<8x16xi32>
    %concatenate3A_634 = tpu.concatenate %slice3A_632, %slice3A_633 in 1 : vector<8x1008xi32>, vector<8x16xi32> -> vector<8x1024xi32>
    %slice3A_635 = vector.extract_strided_slice %select_n3A_618 {offsets = [0, 1008], sizes = [8, 16], strides = [1, 1]} : vector<8x1024xi32> to vector<8x16xi32>
    %slice3A_636 = vector.extract_strided_slice %select_n3A_618 {offsets = [0, 0], sizes = [8, 1008], strides = [1, 1]} : vector<8x1024xi32> to vector<8x1008xi32>
    %concatenate3A_637 = tpu.concatenate %slice3A_635, %slice3A_636 in 1 : vector<8x16xi32>, vector<8x1008xi32> -> vector<8x1024xi32>
    %select_n3A_638 = arith.select %eq3A_624, %concatenate3A_634, %concatenate3A_637 : vector<8x1024xi1>, vector<8x1024xi32>
    %and3A_639 = arith.constant 64 : i32
    %and3A_640 = vector.broadcast %and3A_639 : i32 to vector<8x1024xi32>
    %and3A_641 = arith.andi %iota3A, %and3A_640 : vector<8x1024xi32>
    %eq3A_642 = arith.constant 0 : i32
    %eq3A_643 = vector.broadcast %eq3A_642 : i32 to vector<8x1024xi32>
    %eq3A_644 = arith.cmpi eq, %and3A_641, %eq3A_643 : vector<8x1024xi32>
    %lt3A_645 = arith.cmpf olt, %select_n3A_631, %select_n3A_617 : vector<8x1024xf32>
    %eq3A_646 = arith.cmpf oeq, %select_n3A_631, %select_n3A_617 : vector<8x1024xf32>
    %lt3A_647 = arith.cmpi slt, %select_n3A_638, %select_n3A_618 : vector<8x1024xi32>
    %and3A_648 = arith.andi %eq3A_646, %lt3A_647 : vector<8x1024xi1>
    %or3A_649 = arith.ori %lt3A_645, %and3A_648 : vector<8x1024xi1>
    %eq3A_650 = arith.xori %eq3A_624, %eq3A_644 : vector<8x1024xi1>
    %eq3A_651 = arith.constant dense<true> : vector<8x1024xi1>
    %eq3A_652 = arith.xori %eq3A_650, %eq3A_651 : vector<8x1024xi1>
    %eq3A_653 = arith.xori %or3A_649, %eq3A_652 : vector<8x1024xi1>
    %eq3A_654 = arith.constant dense<true> : vector<8x1024xi1>
    %eq3A_655 = arith.xori %eq3A_653, %eq3A_654 : vector<8x1024xi1>
    %select_n3A_656 = arith.select %eq3A_655, %select_n3A_631, %select_n3A_617 : vector<8x1024xi1>, vector<8x1024xf32>
    %select_n3A_657 = arith.select %eq3A_655, %select_n3A_638, %select_n3A_618 : vector<8x1024xi1>, vector<8x1024xi32>
    %and3A_658 = arith.constant 8 : i32
    %and3A_659 = vector.broadcast %and3A_658 : i32 to vector<8x1024xi32>
    %and3A_660 = arith.andi %iota3A, %and3A_659 : vector<8x1024xi32>
    %eq3A_661 = arith.constant 0 : i32
    %eq3A_662 = vector.broadcast %eq3A_661 : i32 to vector<8x1024xi32>
    %eq3A_663 = arith.cmpi eq, %and3A_660, %eq3A_662 : vector<8x1024xi32>
    %slice3A_664 = vector.extract_strided_slice %select_n3A_656 {offsets = [0, 8], sizes = [8, 1016], strides = [1, 1]} : vector<8x1024xf32> to vector<8x1016xf32>
    %slice3A_665 = vector.extract_strided_slice %select_n3A_656 {offsets = [0, 0], sizes = [8, 8], strides = [1, 1]} : vector<8x1024xf32> to vector<8x8xf32>
    %concatenate3A_666 = tpu.concatenate %slice3A_664, %slice3A_665 in 1 : vector<8x1016xf32>, vector<8x8xf32> -> vector<8x1024xf32>
    %slice3A_667 = vector.extract_strided_slice %select_n3A_656 {offsets = [0, 1016], sizes = [8, 8], strides = [1, 1]} : vector<8x1024xf32> to vector<8x8xf32>
    %slice3A_668 = vector.extract_strided_slice %select_n3A_656 {offsets = [0, 0], sizes = [8, 1016], strides = [1, 1]} : vector<8x1024xf32> to vector<8x1016xf32>
    %concatenate3A_669 = tpu.concatenate %slice3A_667, %slice3A_668 in 1 : vector<8x8xf32>, vector<8x1016xf32> -> vector<8x1024xf32>
    %select_n3A_670 = arith.select %eq3A_663, %concatenate3A_666, %concatenate3A_669 : vector<8x1024xi1>, vector<8x1024xf32>
    %slice3A_671 = vector.extract_strided_slice %select_n3A_657 {offsets = [0, 8], sizes = [8, 1016], strides = [1, 1]} : vector<8x1024xi32> to vector<8x1016xi32>
    %slice3A_672 = vector.extract_strided_slice %select_n3A_657 {offsets = [0, 0], sizes = [8, 8], strides = [1, 1]} : vector<8x1024xi32> to vector<8x8xi32>
    %concatenate3A_673 = tpu.concatenate %slice3A_671, %slice3A_672 in 1 : vector<8x1016xi32>, vector<8x8xi32> -> vector<8x1024xi32>
    %slice3A_674 = vector.extract_strided_slice %select_n3A_657 {offsets = [0, 1016], sizes = [8, 8], strides = [1, 1]} : vector<8x1024xi32> to vector<8x8xi32>
    %slice3A_675 = vector.extract_strided_slice %select_n3A_657 {offsets = [0, 0], sizes = [8, 1016], strides = [1, 1]} : vector<8x1024xi32> to vector<8x1016xi32>
    %concatenate3A_676 = tpu.concatenate %slice3A_674, %slice3A_675 in 1 : vector<8x8xi32>, vector<8x1016xi32> -> vector<8x1024xi32>
    %select_n3A_677 = arith.select %eq3A_663, %concatenate3A_673, %concatenate3A_676 : vector<8x1024xi1>, vector<8x1024xi32>
    %and3A_678 = arith.constant 64 : i32
    %and3A_679 = vector.broadcast %and3A_678 : i32 to vector<8x1024xi32>
    %and3A_680 = arith.andi %iota3A, %and3A_679 : vector<8x1024xi32>
    %eq3A_681 = arith.constant 0 : i32
    %eq3A_682 = vector.broadcast %eq3A_681 : i32 to vector<8x1024xi32>
    %eq3A_683 = arith.cmpi eq, %and3A_680, %eq3A_682 : vector<8x1024xi32>
    %lt3A_684 = arith.cmpf olt, %select_n3A_670, %select_n3A_656 : vector<8x1024xf32>
    %eq3A_685 = arith.cmpf oeq, %select_n3A_670, %select_n3A_656 : vector<8x1024xf32>
    %lt3A_686 = arith.cmpi slt, %select_n3A_677, %select_n3A_657 : vector<8x1024xi32>
    %and3A_687 = arith.andi %eq3A_685, %lt3A_686 : vector<8x1024xi1>
    %or3A_688 = arith.ori %lt3A_684, %and3A_687 : vector<8x1024xi1>
    %eq3A_689 = arith.xori %eq3A_663, %eq3A_683 : vector<8x1024xi1>
    %eq3A_690 = arith.constant dense<true> : vector<8x1024xi1>
    %eq3A_691 = arith.xori %eq3A_689, %eq3A_690 : vector<8x1024xi1>
    %eq3A_692 = arith.xori %or3A_688, %eq3A_691 : vector<8x1024xi1>
    %eq3A_693 = arith.constant dense<true> : vector<8x1024xi1>
    %eq3A_694 = arith.xori %eq3A_692, %eq3A_693 : vector<8x1024xi1>
    %select_n3A_695 = arith.select %eq3A_694, %select_n3A_670, %select_n3A_656 : vector<8x1024xi1>, vector<8x1024xf32>
    %select_n3A_696 = arith.select %eq3A_694, %select_n3A_677, %select_n3A_657 : vector<8x1024xi1>, vector<8x1024xi32>
    %and3A_697 = arith.constant 4 : i32
    %and3A_698 = vector.broadcast %and3A_697 : i32 to vector<8x1024xi32>
    %and3A_699 = arith.andi %iota3A, %and3A_698 : vector<8x1024xi32>
    %eq3A_700 = arith.constant 0 : i32
    %eq3A_701 = vector.broadcast %eq3A_700 : i32 to vector<8x1024xi32>
    %eq3A_702 = arith.cmpi eq, %and3A_699, %eq3A_701 : vector<8x1024xi32>
    %slice3A_703 = vector.extract_strided_slice %select_n3A_695 {offsets = [0, 4], sizes = [8, 1020], strides = [1, 1]} : vector<8x1024xf32> to vector<8x1020xf32>
    %slice3A_704 = vector.extract_strided_slice %select_n3A_695 {offsets = [0, 0], sizes = [8, 4], strides = [1, 1]} : vector<8x1024xf32> to vector<8x4xf32>
    %concatenate3A_705 = tpu.concatenate %slice3A_703, %slice3A_704 in 1 : vector<8x1020xf32>, vector<8x4xf32> -> vector<8x1024xf32>
    %slice3A_706 = vector.extract_strided_slice %select_n3A_695 {offsets = [0, 1020], sizes = [8, 4], strides = [1, 1]} : vector<8x1024xf32> to vector<8x4xf32>
    %slice3A_707 = vector.extract_strided_slice %select_n3A_695 {offsets = [0, 0], sizes = [8, 1020], strides = [1, 1]} : vector<8x1024xf32> to vector<8x1020xf32>
    %concatenate3A_708 = tpu.concatenate %slice3A_706, %slice3A_707 in 1 : vector<8x4xf32>, vector<8x1020xf32> -> vector<8x1024xf32>
    %select_n3A_709 = arith.select %eq3A_702, %concatenate3A_705, %concatenate3A_708 : vector<8x1024xi1>, vector<8x1024xf32>
    %slice3A_710 = vector.extract_strided_slice %select_n3A_696 {offsets = [0, 4], sizes = [8, 1020], strides = [1, 1]} : vector<8x1024xi32> to vector<8x1020xi32>
    %slice3A_711 = vector.extract_strided_slice %select_n3A_696 {offsets = [0, 0], sizes = [8, 4], strides = [1, 1]} : vector<8x1024xi32> to vector<8x4xi32>
    %concatenate3A_712 = tpu.concatenate %slice3A_710, %slice3A_711 in 1 : vector<8x1020xi32>, vector<8x4xi32> -> vector<8x1024xi32>
    %slice3A_713 = vector.extract_strided_slice %select_n3A_696 {offsets = [0, 1020], sizes = [8, 4], strides = [1, 1]} : vector<8x1024xi32> to vector<8x4xi32>
    %slice3A_714 = vector.extract_strided_slice %select_n3A_696 {offsets = [0, 0], sizes = [8, 1020], strides = [1, 1]} : vector<8x1024xi32> to vector<8x1020xi32>
    %concatenate3A_715 = tpu.concatenate %slice3A_713, %slice3A_714 in 1 : vector<8x4xi32>, vector<8x1020xi32> -> vector<8x1024xi32>
    %select_n3A_716 = arith.select %eq3A_702, %concatenate3A_712, %concatenate3A_715 : vector<8x1024xi1>, vector<8x1024xi32>
    %and3A_717 = arith.constant 64 : i32
    %and3A_718 = vector.broadcast %and3A_717 : i32 to vector<8x1024xi32>
    %and3A_719 = arith.andi %iota3A, %and3A_718 : vector<8x1024xi32>
    %eq3A_720 = arith.constant 0 : i32
    %eq3A_721 = vector.broadcast %eq3A_720 : i32 to vector<8x1024xi32>
    %eq3A_722 = arith.cmpi eq, %and3A_719, %eq3A_721 : vector<8x1024xi32>
    %lt3A_723 = arith.cmpf olt, %select_n3A_709, %select_n3A_695 : vector<8x1024xf32>
    %eq3A_724 = arith.cmpf oeq, %select_n3A_709, %select_n3A_695 : vector<8x1024xf32>
    %lt3A_725 = arith.cmpi slt, %select_n3A_716, %select_n3A_696 : vector<8x1024xi32>
    %and3A_726 = arith.andi %eq3A_724, %lt3A_725 : vector<8x1024xi1>
    %or3A_727 = arith.ori %lt3A_723, %and3A_726 : vector<8x1024xi1>
    %eq3A_728 = arith.xori %eq3A_702, %eq3A_722 : vector<8x1024xi1>
    %eq3A_729 = arith.constant dense<true> : vector<8x1024xi1>
    %eq3A_730 = arith.xori %eq3A_728, %eq3A_729 : vector<8x1024xi1>
    %eq3A_731 = arith.xori %or3A_727, %eq3A_730 : vector<8x1024xi1>
    %eq3A_732 = arith.constant dense<true> : vector<8x1024xi1>
    %eq3A_733 = arith.xori %eq3A_731, %eq3A_732 : vector<8x1024xi1>
    %select_n3A_734 = arith.select %eq3A_733, %select_n3A_709, %select_n3A_695 : vector<8x1024xi1>, vector<8x1024xf32>
    %select_n3A_735 = arith.select %eq3A_733, %select_n3A_716, %select_n3A_696 : vector<8x1024xi1>, vector<8x1024xi32>
    %and3A_736 = arith.constant 2 : i32
    %and3A_737 = vector.broadcast %and3A_736 : i32 to vector<8x1024xi32>
    %and3A_738 = arith.andi %iota3A, %and3A_737 : vector<8x1024xi32>
    %eq3A_739 = arith.constant 0 : i32
    %eq3A_740 = vector.broadcast %eq3A_739 : i32 to vector<8x1024xi32>
    %eq3A_741 = arith.cmpi eq, %and3A_738, %eq3A_740 : vector<8x1024xi32>
    %slice3A_742 = vector.extract_strided_slice %select_n3A_734 {offsets = [0, 2], sizes = [8, 1022], strides = [1, 1]} : vector<8x1024xf32> to vector<8x1022xf32>
    %slice3A_743 = vector.extract_strided_slice %select_n3A_734 {offsets = [0, 0], sizes = [8, 2], strides = [1, 1]} : vector<8x1024xf32> to vector<8x2xf32>
    %concatenate3A_744 = tpu.concatenate %slice3A_742, %slice3A_743 in 1 : vector<8x1022xf32>, vector<8x2xf32> -> vector<8x1024xf32>
    %slice3A_745 = vector.extract_strided_slice %select_n3A_734 {offsets = [0, 1022], sizes = [8, 2], strides = [1, 1]} : vector<8x1024xf32> to vector<8x2xf32>
    %slice3A_746 = vector.extract_strided_slice %select_n3A_734 {offsets = [0, 0], sizes = [8, 1022], strides = [1, 1]} : vector<8x1024xf32> to vector<8x1022xf32>
    %concatenate3A_747 = tpu.concatenate %slice3A_745, %slice3A_746 in 1 : vector<8x2xf32>, vector<8x1022xf32> -> vector<8x1024xf32>
    %select_n3A_748 = arith.select %eq3A_741, %concatenate3A_744, %concatenate3A_747 : vector<8x1024xi1>, vector<8x1024xf32>
    %slice3A_749 = vector.extract_strided_slice %select_n3A_735 {offsets = [0, 2], sizes = [8, 1022], strides = [1, 1]} : vector<8x1024xi32> to vector<8x1022xi32>
    %slice3A_750 = vector.extract_strided_slice %select_n3A_735 {offsets = [0, 0], sizes = [8, 2], strides = [1, 1]} : vector<8x1024xi32> to vector<8x2xi32>
    %concatenate3A_751 = tpu.concatenate %slice3A_749, %slice3A_750 in 1 : vector<8x1022xi32>, vector<8x2xi32> -> vector<8x1024xi32>
    %slice3A_752 = vector.extract_strided_slice %select_n3A_735 {offsets = [0, 1022], sizes = [8, 2], strides = [1, 1]} : vector<8x1024xi32> to vector<8x2xi32>
    %slice3A_753 = vector.extract_strided_slice %select_n3A_735 {offsets = [0, 0], sizes = [8, 1022], strides = [1, 1]} : vector<8x1024xi32> to vector<8x1022xi32>
    %concatenate3A_754 = tpu.concatenate %slice3A_752, %slice3A_753 in 1 : vector<8x2xi32>, vector<8x1022xi32> -> vector<8x1024xi32>
    %select_n3A_755 = arith.select %eq3A_741, %concatenate3A_751, %concatenate3A_754 : vector<8x1024xi1>, vector<8x1024xi32>
    %and3A_756 = arith.constant 64 : i32
    %and3A_757 = vector.broadcast %and3A_756 : i32 to vector<8x1024xi32>
    %and3A_758 = arith.andi %iota3A, %and3A_757 : vector<8x1024xi32>
    %eq3A_759 = arith.constant 0 : i32
    %eq3A_760 = vector.broadcast %eq3A_759 : i32 to vector<8x1024xi32>
    %eq3A_761 = arith.cmpi eq, %and3A_758, %eq3A_760 : vector<8x1024xi32>
    %lt3A_762 = arith.cmpf olt, %select_n3A_748, %select_n3A_734 : vector<8x1024xf32>
    %eq3A_763 = arith.cmpf oeq, %select_n3A_748, %select_n3A_734 : vector<8x1024xf32>
    %lt3A_764 = arith.cmpi slt, %select_n3A_755, %select_n3A_735 : vector<8x1024xi32>
    %and3A_765 = arith.andi %eq3A_763, %lt3A_764 : vector<8x1024xi1>
    %or3A_766 = arith.ori %lt3A_762, %and3A_765 : vector<8x1024xi1>
    %eq3A_767 = arith.xori %eq3A_741, %eq3A_761 : vector<8x1024xi1>
    %eq3A_768 = arith.constant dense<true> : vector<8x1024xi1>
    %eq3A_769 = arith.xori %eq3A_767, %eq3A_768 : vector<8x1024xi1>
    %eq3A_770 = arith.xori %or3A_766, %eq3A_769 : vector<8x1024xi1>
    %eq3A_771 = arith.constant dense<true> : vector<8x1024xi1>
    %eq3A_772 = arith.xori %eq3A_770, %eq3A_771 : vector<8x1024xi1>
    %select_n3A_773 = arith.select %eq3A_772, %select_n3A_748, %select_n3A_734 : vector<8x1024xi1>, vector<8x1024xf32>
    %select_n3A_774 = arith.select %eq3A_772, %select_n3A_755, %select_n3A_735 : vector<8x1024xi1>, vector<8x1024xi32>
    %and3A_775 = arith.constant 1 : i32
    %and3A_776 = vector.broadcast %and3A_775 : i32 to vector<8x1024xi32>
    %and3A_777 = arith.andi %iota3A, %and3A_776 : vector<8x1024xi32>
    %eq3A_778 = arith.constant 0 : i32
    %eq3A_779 = vector.broadcast %eq3A_778 : i32 to vector<8x1024xi32>
    %eq3A_780 = arith.cmpi eq, %and3A_777, %eq3A_779 : vector<8x1024xi32>
    %slice3A_781 = vector.extract_strided_slice %select_n3A_773 {offsets = [0, 1], sizes = [8, 1023], strides = [1, 1]} : vector<8x1024xf32> to vector<8x1023xf32>
    %slice3A_782 = vector.extract_strided_slice %select_n3A_773 {offsets = [0, 0], sizes = [8, 1], strides = [1, 1]} : vector<8x1024xf32> to vector<8x1xf32>
    %concatenate3A_783 = tpu.concatenate %slice3A_781, %slice3A_782 in 1 : vector<8x1023xf32>, vector<8x1xf32> -> vector<8x1024xf32>
    %slice3A_784 = vector.extract_strided_slice %select_n3A_773 {offsets = [0, 1023], sizes = [8, 1], strides = [1, 1]} : vector<8x1024xf32> to vector<8x1xf32>
    %slice3A_785 = vector.extract_strided_slice %select_n3A_773 {offsets = [0, 0], sizes = [8, 1023], strides = [1, 1]} : vector<8x1024xf32> to vector<8x1023xf32>
    %concatenate3A_786 = tpu.concatenate %slice3A_784, %slice3A_785 in 1 : vector<8x1xf32>, vector<8x1023xf32> -> vector<8x1024xf32>
    %select_n3A_787 = arith.select %eq3A_780, %concatenate3A_783, %concatenate3A_786 : vector<8x1024xi1>, vector<8x1024xf32>
    %slice3A_788 = vector.extract_strided_slice %select_n3A_774 {offsets = [0, 1], sizes = [8, 1023], strides = [1, 1]} : vector<8x1024xi32> to vector<8x1023xi32>
    %slice3A_789 = vector.extract_strided_slice %select_n3A_774 {offsets = [0, 0], sizes = [8, 1], strides = [1, 1]} : vector<8x1024xi32> to vector<8x1xi32>
    %concatenate3A_790 = tpu.concatenate %slice3A_788, %slice3A_789 in 1 : vector<8x1023xi32>, vector<8x1xi32> -> vector<8x1024xi32>
    %slice3A_791 = vector.extract_strided_slice %select_n3A_774 {offsets = [0, 1023], sizes = [8, 1], strides = [1, 1]} : vector<8x1024xi32> to vector<8x1xi32>
    %slice3A_792 = vector.extract_strided_slice %select_n3A_774 {offsets = [0, 0], sizes = [8, 1023], strides = [1, 1]} : vector<8x1024xi32> to vector<8x1023xi32>
    %concatenate3A_793 = tpu.concatenate %slice3A_791, %slice3A_792 in 1 : vector<8x1xi32>, vector<8x1023xi32> -> vector<8x1024xi32>
    %select_n3A_794 = arith.select %eq3A_780, %concatenate3A_790, %concatenate3A_793 : vector<8x1024xi1>, vector<8x1024xi32>
    %and3A_795 = arith.constant 64 : i32
    %and3A_796 = vector.broadcast %and3A_795 : i32 to vector<8x1024xi32>
    %and3A_797 = arith.andi %iota3A, %and3A_796 : vector<8x1024xi32>
    %eq3A_798 = arith.constant 0 : i32
    %eq3A_799 = vector.broadcast %eq3A_798 : i32 to vector<8x1024xi32>
    %eq3A_800 = arith.cmpi eq, %and3A_797, %eq3A_799 : vector<8x1024xi32>
    %lt3A_801 = arith.cmpf olt, %select_n3A_787, %select_n3A_773 : vector<8x1024xf32>
    %eq3A_802 = arith.cmpf oeq, %select_n3A_787, %select_n3A_773 : vector<8x1024xf32>
    %lt3A_803 = arith.cmpi slt, %select_n3A_794, %select_n3A_774 : vector<8x1024xi32>
    %and3A_804 = arith.andi %eq3A_802, %lt3A_803 : vector<8x1024xi1>
    %or3A_805 = arith.ori %lt3A_801, %and3A_804 : vector<8x1024xi1>
    %eq3A_806 = arith.xori %eq3A_780, %eq3A_800 : vector<8x1024xi1>
    %eq3A_807 = arith.constant dense<true> : vector<8x1024xi1>
    %eq3A_808 = arith.xori %eq3A_806, %eq3A_807 : vector<8x1024xi1>
    %eq3A_809 = arith.xori %or3A_805, %eq3A_808 : vector<8x1024xi1>
    %eq3A_810 = arith.constant dense<true> : vector<8x1024xi1>
    %eq3A_811 = arith.xori %eq3A_809, %eq3A_810 : vector<8x1024xi1>
    %select_n3A_812 = arith.select %eq3A_811, %select_n3A_787, %select_n3A_773 : vector<8x1024xi1>, vector<8x1024xf32>
    %select_n3A_813 = arith.select %eq3A_811, %select_n3A_794, %select_n3A_774 : vector<8x1024xi1>, vector<8x1024xi32>
    %and3A_814 = arith.constant 64 : i32
    %and3A_815 = vector.broadcast %and3A_814 : i32 to vector<8x1024xi32>
    %and3A_816 = arith.andi %iota3A, %and3A_815 : vector<8x1024xi32>
    %eq3A_817 = arith.constant 0 : i32
    %eq3A_818 = vector.broadcast %eq3A_817 : i32 to vector<8x1024xi32>
    %eq3A_819 = arith.cmpi eq, %and3A_816, %eq3A_818 : vector<8x1024xi32>
    %slice3A_820 = vector.extract_strided_slice %select_n3A_812 {offsets = [0, 64], sizes = [8, 960], strides = [1, 1]} : vector<8x1024xf32> to vector<8x960xf32>
    %slice3A_821 = vector.extract_strided_slice %select_n3A_812 {offsets = [0, 0], sizes = [8, 64], strides = [1, 1]} : vector<8x1024xf32> to vector<8x64xf32>
    %concatenate3A_822 = tpu.concatenate %slice3A_820, %slice3A_821 in 1 : vector<8x960xf32>, vector<8x64xf32> -> vector<8x1024xf32>
    %slice3A_823 = vector.extract_strided_slice %select_n3A_812 {offsets = [0, 960], sizes = [8, 64], strides = [1, 1]} : vector<8x1024xf32> to vector<8x64xf32>
    %slice3A_824 = vector.extract_strided_slice %select_n3A_812 {offsets = [0, 0], sizes = [8, 960], strides = [1, 1]} : vector<8x1024xf32> to vector<8x960xf32>
    %concatenate3A_825 = tpu.concatenate %slice3A_823, %slice3A_824 in 1 : vector<8x64xf32>, vector<8x960xf32> -> vector<8x1024xf32>
    %select_n3A_826 = arith.select %eq3A_819, %concatenate3A_822, %concatenate3A_825 : vector<8x1024xi1>, vector<8x1024xf32>
    %slice3A_827 = vector.extract_strided_slice %select_n3A_813 {offsets = [0, 64], sizes = [8, 960], strides = [1, 1]} : vector<8x1024xi32> to vector<8x960xi32>
    %slice3A_828 = vector.extract_strided_slice %select_n3A_813 {offsets = [0, 0], sizes = [8, 64], strides = [1, 1]} : vector<8x1024xi32> to vector<8x64xi32>
    %concatenate3A_829 = tpu.concatenate %slice3A_827, %slice3A_828 in 1 : vector<8x960xi32>, vector<8x64xi32> -> vector<8x1024xi32>
    %slice3A_830 = vector.extract_strided_slice %select_n3A_813 {offsets = [0, 960], sizes = [8, 64], strides = [1, 1]} : vector<8x1024xi32> to vector<8x64xi32>
    %slice3A_831 = vector.extract_strided_slice %select_n3A_813 {offsets = [0, 0], sizes = [8, 960], strides = [1, 1]} : vector<8x1024xi32> to vector<8x960xi32>
    %concatenate3A_832 = tpu.concatenate %slice3A_830, %slice3A_831 in 1 : vector<8x64xi32>, vector<8x960xi32> -> vector<8x1024xi32>
    %select_n3A_833 = arith.select %eq3A_819, %concatenate3A_829, %concatenate3A_832 : vector<8x1024xi1>, vector<8x1024xi32>
    %and3A_834 = arith.constant 128 : i32
    %and3A_835 = vector.broadcast %and3A_834 : i32 to vector<8x1024xi32>
    %and3A_836 = arith.andi %iota3A, %and3A_835 : vector<8x1024xi32>
    %eq3A_837 = arith.constant 0 : i32
    %eq3A_838 = vector.broadcast %eq3A_837 : i32 to vector<8x1024xi32>
    %eq3A_839 = arith.cmpi eq, %and3A_836, %eq3A_838 : vector<8x1024xi32>
    %lt3A_840 = arith.cmpf olt, %select_n3A_826, %select_n3A_812 : vector<8x1024xf32>
    %eq3A_841 = arith.cmpf oeq, %select_n3A_826, %select_n3A_812 : vector<8x1024xf32>
    %lt3A_842 = arith.cmpi slt, %select_n3A_833, %select_n3A_813 : vector<8x1024xi32>
    %and3A_843 = arith.andi %eq3A_841, %lt3A_842 : vector<8x1024xi1>
    %or3A_844 = arith.ori %lt3A_840, %and3A_843 : vector<8x1024xi1>
    %eq3A_845 = arith.xori %eq3A_819, %eq3A_839 : vector<8x1024xi1>
    %eq3A_846 = arith.constant dense<true> : vector<8x1024xi1>
    %eq3A_847 = arith.xori %eq3A_845, %eq3A_846 : vector<8x1024xi1>
    %eq3A_848 = arith.xori %or3A_844, %eq3A_847 : vector<8x1024xi1>
    %eq3A_849 = arith.constant dense<true> : vector<8x1024xi1>
    %eq3A_850 = arith.xori %eq3A_848, %eq3A_849 : vector<8x1024xi1>
    %select_n3A_851 = arith.select %eq3A_850, %select_n3A_826, %select_n3A_812 : vector<8x1024xi1>, vector<8x1024xf32>
    %select_n3A_852 = arith.select %eq3A_850, %select_n3A_833, %select_n3A_813 : vector<8x1024xi1>, vector<8x1024xi32>
    %and3A_853 = arith.constant 32 : i32
    %and3A_854 = vector.broadcast %and3A_853 : i32 to vector<8x1024xi32>
    %and3A_855 = arith.andi %iota3A, %and3A_854 : vector<8x1024xi32>
    %eq3A_856 = arith.constant 0 : i32
    %eq3A_857 = vector.broadcast %eq3A_856 : i32 to vector<8x1024xi32>
    %eq3A_858 = arith.cmpi eq, %and3A_855, %eq3A_857 : vector<8x1024xi32>
    %slice3A_859 = vector.extract_strided_slice %select_n3A_851 {offsets = [0, 32], sizes = [8, 992], strides = [1, 1]} : vector<8x1024xf32> to vector<8x992xf32>
    %slice3A_860 = vector.extract_strided_slice %select_n3A_851 {offsets = [0, 0], sizes = [8, 32], strides = [1, 1]} : vector<8x1024xf32> to vector<8x32xf32>
    %concatenate3A_861 = tpu.concatenate %slice3A_859, %slice3A_860 in 1 : vector<8x992xf32>, vector<8x32xf32> -> vector<8x1024xf32>
    %slice3A_862 = vector.extract_strided_slice %select_n3A_851 {offsets = [0, 992], sizes = [8, 32], strides = [1, 1]} : vector<8x1024xf32> to vector<8x32xf32>
    %slice3A_863 = vector.extract_strided_slice %select_n3A_851 {offsets = [0, 0], sizes = [8, 992], strides = [1, 1]} : vector<8x1024xf32> to vector<8x992xf32>
    %concatenate3A_864 = tpu.concatenate %slice3A_862, %slice3A_863 in 1 : vector<8x32xf32>, vector<8x992xf32> -> vector<8x1024xf32>
    %select_n3A_865 = arith.select %eq3A_858, %concatenate3A_861, %concatenate3A_864 : vector<8x1024xi1>, vector<8x1024xf32>
    %slice3A_866 = vector.extract_strided_slice %select_n3A_852 {offsets = [0, 32], sizes = [8, 992], strides = [1, 1]} : vector<8x1024xi32> to vector<8x992xi32>
    %slice3A_867 = vector.extract_strided_slice %select_n3A_852 {offsets = [0, 0], sizes = [8, 32], strides = [1, 1]} : vector<8x1024xi32> to vector<8x32xi32>
    %concatenate3A_868 = tpu.concatenate %slice3A_866, %slice3A_867 in 1 : vector<8x992xi32>, vector<8x32xi32> -> vector<8x1024xi32>
    %slice3A_869 = vector.extract_strided_slice %select_n3A_852 {offsets = [0, 992], sizes = [8, 32], strides = [1, 1]} : vector<8x1024xi32> to vector<8x32xi32>
    %slice3A_870 = vector.extract_strided_slice %select_n3A_852 {offsets = [0, 0], sizes = [8, 992], strides = [1, 1]} : vector<8x1024xi32> to vector<8x992xi32>
    %concatenate3A_871 = tpu.concatenate %slice3A_869, %slice3A_870 in 1 : vector<8x32xi32>, vector<8x992xi32> -> vector<8x1024xi32>
    %select_n3A_872 = arith.select %eq3A_858, %concatenate3A_868, %concatenate3A_871 : vector<8x1024xi1>, vector<8x1024xi32>
    %and3A_873 = arith.constant 128 : i32
    %and3A_874 = vector.broadcast %and3A_873 : i32 to vector<8x1024xi32>
    %and3A_875 = arith.andi %iota3A, %and3A_874 : vector<8x1024xi32>
    %eq3A_876 = arith.constant 0 : i32
    %eq3A_877 = vector.broadcast %eq3A_876 : i32 to vector<8x1024xi32>
    %eq3A_878 = arith.cmpi eq, %and3A_875, %eq3A_877 : vector<8x1024xi32>
    %lt3A_879 = arith.cmpf olt, %select_n3A_865, %select_n3A_851 : vector<8x1024xf32>
    %eq3A_880 = arith.cmpf oeq, %select_n3A_865, %select_n3A_851 : vector<8x1024xf32>
    %lt3A_881 = arith.cmpi slt, %select_n3A_872, %select_n3A_852 : vector<8x1024xi32>
    %and3A_882 = arith.andi %eq3A_880, %lt3A_881 : vector<8x1024xi1>
    %or3A_883 = arith.ori %lt3A_879, %and3A_882 : vector<8x1024xi1>
    %eq3A_884 = arith.xori %eq3A_858, %eq3A_878 : vector<8x1024xi1>
    %eq3A_885 = arith.constant dense<true> : vector<8x1024xi1>
    %eq3A_886 = arith.xori %eq3A_884, %eq3A_885 : vector<8x1024xi1>
    %eq3A_887 = arith.xori %or3A_883, %eq3A_886 : vector<8x1024xi1>
    %eq3A_888 = arith.constant dense<true> : vector<8x1024xi1>
    %eq3A_889 = arith.xori %eq3A_887, %eq3A_888 : vector<8x1024xi1>
    %select_n3A_890 = arith.select %eq3A_889, %select_n3A_865, %select_n3A_851 : vector<8x1024xi1>, vector<8x1024xf32>
    %select_n3A_891 = arith.select %eq3A_889, %select_n3A_872, %select_n3A_852 : vector<8x1024xi1>, vector<8x1024xi32>
    %and3A_892 = arith.constant 16 : i32
    %and3A_893 = vector.broadcast %and3A_892 : i32 to vector<8x1024xi32>
    %and3A_894 = arith.andi %iota3A, %and3A_893 : vector<8x1024xi32>
    %eq3A_895 = arith.constant 0 : i32
    %eq3A_896 = vector.broadcast %eq3A_895 : i32 to vector<8x1024xi32>
    %eq3A_897 = arith.cmpi eq, %and3A_894, %eq3A_896 : vector<8x1024xi32>
    %slice3A_898 = vector.extract_strided_slice %select_n3A_890 {offsets = [0, 16], sizes = [8, 1008], strides = [1, 1]} : vector<8x1024xf32> to vector<8x1008xf32>
    %slice3A_899 = vector.extract_strided_slice %select_n3A_890 {offsets = [0, 0], sizes = [8, 16], strides = [1, 1]} : vector<8x1024xf32> to vector<8x16xf32>
    %concatenate3A_900 = tpu.concatenate %slice3A_898, %slice3A_899 in 1 : vector<8x1008xf32>, vector<8x16xf32> -> vector<8x1024xf32>
    %slice3A_901 = vector.extract_strided_slice %select_n3A_890 {offsets = [0, 1008], sizes = [8, 16], strides = [1, 1]} : vector<8x1024xf32> to vector<8x16xf32>
    %slice3A_902 = vector.extract_strided_slice %select_n3A_890 {offsets = [0, 0], sizes = [8, 1008], strides = [1, 1]} : vector<8x1024xf32> to vector<8x1008xf32>
    %concatenate3A_903 = tpu.concatenate %slice3A_901, %slice3A_902 in 1 : vector<8x16xf32>, vector<8x1008xf32> -> vector<8x1024xf32>
    %select_n3A_904 = arith.select %eq3A_897, %concatenate3A_900, %concatenate3A_903 : vector<8x1024xi1>, vector<8x1024xf32>
    %slice3A_905 = vector.extract_strided_slice %select_n3A_891 {offsets = [0, 16], sizes = [8, 1008], strides = [1, 1]} : vector<8x1024xi32> to vector<8x1008xi32>
    %slice3A_906 = vector.extract_strided_slice %select_n3A_891 {offsets = [0, 0], sizes = [8, 16], strides = [1, 1]} : vector<8x1024xi32> to vector<8x16xi32>
    %concatenate3A_907 = tpu.concatenate %slice3A_905, %slice3A_906 in 1 : vector<8x1008xi32>, vector<8x16xi32> -> vector<8x1024xi32>
    %slice3A_908 = vector.extract_strided_slice %select_n3A_891 {offsets = [0, 1008], sizes = [8, 16], strides = [1, 1]} : vector<8x1024xi32> to vector<8x16xi32>
    %slice3A_909 = vector.extract_strided_slice %select_n3A_891 {offsets = [0, 0], sizes = [8, 1008], strides = [1, 1]} : vector<8x1024xi32> to vector<8x1008xi32>
    %concatenate3A_910 = tpu.concatenate %slice3A_908, %slice3A_909 in 1 : vector<8x16xi32>, vector<8x1008xi32> -> vector<8x1024xi32>
    %select_n3A_911 = arith.select %eq3A_897, %concatenate3A_907, %concatenate3A_910 : vector<8x1024xi1>, vector<8x1024xi32>
    %and3A_912 = arith.constant 128 : i32
    %and3A_913 = vector.broadcast %and3A_912 : i32 to vector<8x1024xi32>
    %and3A_914 = arith.andi %iota3A, %and3A_913 : vector<8x1024xi32>
    %eq3A_915 = arith.constant 0 : i32
    %eq3A_916 = vector.broadcast %eq3A_915 : i32 to vector<8x1024xi32>
    %eq3A_917 = arith.cmpi eq, %and3A_914, %eq3A_916 : vector<8x1024xi32>
    %lt3A_918 = arith.cmpf olt, %select_n3A_904, %select_n3A_890 : vector<8x1024xf32>
    %eq3A_919 = arith.cmpf oeq, %select_n3A_904, %select_n3A_890 : vector<8x1024xf32>
    %lt3A_920 = arith.cmpi slt, %select_n3A_911, %select_n3A_891 : vector<8x1024xi32>
    %and3A_921 = arith.andi %eq3A_919, %lt3A_920 : vector<8x1024xi1>
    %or3A_922 = arith.ori %lt3A_918, %and3A_921 : vector<8x1024xi1>
    %eq3A_923 = arith.xori %eq3A_897, %eq3A_917 : vector<8x1024xi1>
    %eq3A_924 = arith.constant dense<true> : vector<8x1024xi1>
    %eq3A_925 = arith.xori %eq3A_923, %eq3A_924 : vector<8x1024xi1>
    %eq3A_926 = arith.xori %or3A_922, %eq3A_925 : vector<8x1024xi1>
    %eq3A_927 = arith.constant dense<true> : vector<8x1024xi1>
    %eq3A_928 = arith.xori %eq3A_926, %eq3A_927 : vector<8x1024xi1>
    %select_n3A_929 = arith.select %eq3A_928, %select_n3A_904, %select_n3A_890 : vector<8x1024xi1>, vector<8x1024xf32>
    %select_n3A_930 = arith.select %eq3A_928, %select_n3A_911, %select_n3A_891 : vector<8x1024xi1>, vector<8x1024xi32>
    %and3A_931 = arith.constant 8 : i32
    %and3A_932 = vector.broadcast %and3A_931 : i32 to vector<8x1024xi32>
    %and3A_933 = arith.andi %iota3A, %and3A_932 : vector<8x1024xi32>
    %eq3A_934 = arith.constant 0 : i32
    %eq3A_935 = vector.broadcast %eq3A_934 : i32 to vector<8x1024xi32>
    %eq3A_936 = arith.cmpi eq, %and3A_933, %eq3A_935 : vector<8x1024xi32>
    %slice3A_937 = vector.extract_strided_slice %select_n3A_929 {offsets = [0, 8], sizes = [8, 1016], strides = [1, 1]} : vector<8x1024xf32> to vector<8x1016xf32>
    %slice3A_938 = vector.extract_strided_slice %select_n3A_929 {offsets = [0, 0], sizes = [8, 8], strides = [1, 1]} : vector<8x1024xf32> to vector<8x8xf32>
    %concatenate3A_939 = tpu.concatenate %slice3A_937, %slice3A_938 in 1 : vector<8x1016xf32>, vector<8x8xf32> -> vector<8x1024xf32>
    %slice3A_940 = vector.extract_strided_slice %select_n3A_929 {offsets = [0, 1016], sizes = [8, 8], strides = [1, 1]} : vector<8x1024xf32> to vector<8x8xf32>
    %slice3A_941 = vector.extract_strided_slice %select_n3A_929 {offsets = [0, 0], sizes = [8, 1016], strides = [1, 1]} : vector<8x1024xf32> to vector<8x1016xf32>
    %concatenate3A_942 = tpu.concatenate %slice3A_940, %slice3A_941 in 1 : vector<8x8xf32>, vector<8x1016xf32> -> vector<8x1024xf32>
    %select_n3A_943 = arith.select %eq3A_936, %concatenate3A_939, %concatenate3A_942 : vector<8x1024xi1>, vector<8x1024xf32>
    %slice3A_944 = vector.extract_strided_slice %select_n3A_930 {offsets = [0, 8], sizes = [8, 1016], strides = [1, 1]} : vector<8x1024xi32> to vector<8x1016xi32>
    %slice3A_945 = vector.extract_strided_slice %select_n3A_930 {offsets = [0, 0], sizes = [8, 8], strides = [1, 1]} : vector<8x1024xi32> to vector<8x8xi32>
    %concatenate3A_946 = tpu.concatenate %slice3A_944, %slice3A_945 in 1 : vector<8x1016xi32>, vector<8x8xi32> -> vector<8x1024xi32>
    %slice3A_947 = vector.extract_strided_slice %select_n3A_930 {offsets = [0, 1016], sizes = [8, 8], strides = [1, 1]} : vector<8x1024xi32> to vector<8x8xi32>
    %slice3A_948 = vector.extract_strided_slice %select_n3A_930 {offsets = [0, 0], sizes = [8, 1016], strides = [1, 1]} : vector<8x1024xi32> to vector<8x1016xi32>
    %concatenate3A_949 = tpu.concatenate %slice3A_947, %slice3A_948 in 1 : vector<8x8xi32>, vector<8x1016xi32> -> vector<8x1024xi32>
    %select_n3A_950 = arith.select %eq3A_936, %concatenate3A_946, %concatenate3A_949 : vector<8x1024xi1>, vector<8x1024xi32>
    %and3A_951 = arith.constant 128 : i32
    %and3A_952 = vector.broadcast %and3A_951 : i32 to vector<8x1024xi32>
    %and3A_953 = arith.andi %iota3A, %and3A_952 : vector<8x1024xi32>
    %eq3A_954 = arith.constant 0 : i32
    %eq3A_955 = vector.broadcast %eq3A_954 : i32 to vector<8x1024xi32>
    %eq3A_956 = arith.cmpi eq, %and3A_953, %eq3A_955 : vector<8x1024xi32>
    %lt3A_957 = arith.cmpf olt, %select_n3A_943, %select_n3A_929 : vector<8x1024xf32>
    %eq3A_958 = arith.cmpf oeq, %select_n3A_943, %select_n3A_929 : vector<8x1024xf32>
    %lt3A_959 = arith.cmpi slt, %select_n3A_950, %select_n3A_930 : vector<8x1024xi32>
    %and3A_960 = arith.andi %eq3A_958, %lt3A_959 : vector<8x1024xi1>
    %or3A_961 = arith.ori %lt3A_957, %and3A_960 : vector<8x1024xi1>
    %eq3A_962 = arith.xori %eq3A_936, %eq3A_956 : vector<8x1024xi1>
    %eq3A_963 = arith.constant dense<true> : vector<8x1024xi1>
    %eq3A_964 = arith.xori %eq3A_962, %eq3A_963 : vector<8x1024xi1>
    %eq3A_965 = arith.xori %or3A_961, %eq3A_964 : vector<8x1024xi1>
    %eq3A_966 = arith.constant dense<true> : vector<8x1024xi1>
    %eq3A_967 = arith.xori %eq3A_965, %eq3A_966 : vector<8x1024xi1>
    %select_n3A_968 = arith.select %eq3A_967, %select_n3A_943, %select_n3A_929 : vector<8x1024xi1>, vector<8x1024xf32>
    %select_n3A_969 = arith.select %eq3A_967, %select_n3A_950, %select_n3A_930 : vector<8x1024xi1>, vector<8x1024xi32>
    %and3A_970 = arith.constant 4 : i32
    %and3A_971 = vector.broadcast %and3A_970 : i32 to vector<8x1024xi32>
    %and3A_972 = arith.andi %iota3A, %and3A_971 : vector<8x1024xi32>
    %eq3A_973 = arith.constant 0 : i32
    %eq3A_974 = vector.broadcast %eq3A_973 : i32 to vector<8x1024xi32>
    %eq3A_975 = arith.cmpi eq, %and3A_972, %eq3A_974 : vector<8x1024xi32>
    %slice3A_976 = vector.extract_strided_slice %select_n3A_968 {offsets = [0, 4], sizes = [8, 1020], strides = [1, 1]} : vector<8x1024xf32> to vector<8x1020xf32>
    %slice3A_977 = vector.extract_strided_slice %select_n3A_968 {offsets = [0, 0], sizes = [8, 4], strides = [1, 1]} : vector<8x1024xf32> to vector<8x4xf32>
    %concatenate3A_978 = tpu.concatenate %slice3A_976, %slice3A_977 in 1 : vector<8x1020xf32>, vector<8x4xf32> -> vector<8x1024xf32>
    %slice3A_979 = vector.extract_strided_slice %select_n3A_968 {offsets = [0, 1020], sizes = [8, 4], strides = [1, 1]} : vector<8x1024xf32> to vector<8x4xf32>
    %slice3A_980 = vector.extract_strided_slice %select_n3A_968 {offsets = [0, 0], sizes = [8, 1020], strides = [1, 1]} : vector<8x1024xf32> to vector<8x1020xf32>
    %concatenate3A_981 = tpu.concatenate %slice3A_979, %slice3A_980 in 1 : vector<8x4xf32>, vector<8x1020xf32> -> vector<8x1024xf32>
    %select_n3A_982 = arith.select %eq3A_975, %concatenate3A_978, %concatenate3A_981 : vector<8x1024xi1>, vector<8x1024xf32>
    %slice3A_983 = vector.extract_strided_slice %select_n3A_969 {offsets = [0, 4], sizes = [8, 1020], strides = [1, 1]} : vector<8x1024xi32> to vector<8x1020xi32>
    %slice3A_984 = vector.extract_strided_slice %select_n3A_969 {offsets = [0, 0], sizes = [8, 4], strides = [1, 1]} : vector<8x1024xi32> to vector<8x4xi32>
    %concatenate3A_985 = tpu.concatenate %slice3A_983, %slice3A_984 in 1 : vector<8x1020xi32>, vector<8x4xi32> -> vector<8x1024xi32>
    %slice3A_986 = vector.extract_strided_slice %select_n3A_969 {offsets = [0, 1020], sizes = [8, 4], strides = [1, 1]} : vector<8x1024xi32> to vector<8x4xi32>
    %slice3A_987 = vector.extract_strided_slice %select_n3A_969 {offsets = [0, 0], sizes = [8, 1020], strides = [1, 1]} : vector<8x1024xi32> to vector<8x1020xi32>
    %concatenate3A_988 = tpu.concatenate %slice3A_986, %slice3A_987 in 1 : vector<8x4xi32>, vector<8x1020xi32> -> vector<8x1024xi32>
    %select_n3A_989 = arith.select %eq3A_975, %concatenate3A_985, %concatenate3A_988 : vector<8x1024xi1>, vector<8x1024xi32>
    %and3A_990 = arith.constant 128 : i32
    %and3A_991 = vector.broadcast %and3A_990 : i32 to vector<8x1024xi32>
    %and3A_992 = arith.andi %iota3A, %and3A_991 : vector<8x1024xi32>
    %eq3A_993 = arith.constant 0 : i32
    %eq3A_994 = vector.broadcast %eq3A_993 : i32 to vector<8x1024xi32>
    %eq3A_995 = arith.cmpi eq, %and3A_992, %eq3A_994 : vector<8x1024xi32>
    %lt3A_996 = arith.cmpf olt, %select_n3A_982, %select_n3A_968 : vector<8x1024xf32>
    %eq3A_997 = arith.cmpf oeq, %select_n3A_982, %select_n3A_968 : vector<8x1024xf32>
    %lt3A_998 = arith.cmpi slt, %select_n3A_989, %select_n3A_969 : vector<8x1024xi32>
    %and3A_999 = arith.andi %eq3A_997, %lt3A_998 : vector<8x1024xi1>
    %or3A_1000 = arith.ori %lt3A_996, %and3A_999 : vector<8x1024xi1>
    %eq3A_1001 = arith.xori %eq3A_975, %eq3A_995 : vector<8x1024xi1>
    %eq3A_1002 = arith.constant dense<true> : vector<8x1024xi1>
    %eq3A_1003 = arith.xori %eq3A_1001, %eq3A_1002 : vector<8x1024xi1>
    %eq3A_1004 = arith.xori %or3A_1000, %eq3A_1003 : vector<8x1024xi1>
    %eq3A_1005 = arith.constant dense<true> : vector<8x1024xi1>
    %eq3A_1006 = arith.xori %eq3A_1004, %eq3A_1005 : vector<8x1024xi1>
    %select_n3A_1007 = arith.select %eq3A_1006, %select_n3A_982, %select_n3A_968 : vector<8x1024xi1>, vector<8x1024xf32>
    %select_n3A_1008 = arith.select %eq3A_1006, %select_n3A_989, %select_n3A_969 : vector<8x1024xi1>, vector<8x1024xi32>
    %and3A_1009 = arith.constant 2 : i32
    %and3A_1010 = vector.broadcast %and3A_1009 : i32 to vector<8x1024xi32>
    %and3A_1011 = arith.andi %iota3A, %and3A_1010 : vector<8x1024xi32>
    %eq3A_1012 = arith.constant 0 : i32
    %eq3A_1013 = vector.broadcast %eq3A_1012 : i32 to vector<8x1024xi32>
    %eq3A_1014 = arith.cmpi eq, %and3A_1011, %eq3A_1013 : vector<8x1024xi32>
    %slice3A_1015 = vector.extract_strided_slice %select_n3A_1007 {offsets = [0, 2], sizes = [8, 1022], strides = [1, 1]} : vector<8x1024xf32> to vector<8x1022xf32>
    %slice3A_1016 = vector.extract_strided_slice %select_n3A_1007 {offsets = [0, 0], sizes = [8, 2], strides = [1, 1]} : vector<8x1024xf32> to vector<8x2xf32>
    %concatenate3A_1017 = tpu.concatenate %slice3A_1015, %slice3A_1016 in 1 : vector<8x1022xf32>, vector<8x2xf32> -> vector<8x1024xf32>
    %slice3A_1018 = vector.extract_strided_slice %select_n3A_1007 {offsets = [0, 1022], sizes = [8, 2], strides = [1, 1]} : vector<8x1024xf32> to vector<8x2xf32>
    %slice3A_1019 = vector.extract_strided_slice %select_n3A_1007 {offsets = [0, 0], sizes = [8, 1022], strides = [1, 1]} : vector<8x1024xf32> to vector<8x1022xf32>
    %concatenate3A_1020 = tpu.concatenate %slice3A_1018, %slice3A_1019 in 1 : vector<8x2xf32>, vector<8x1022xf32> -> vector<8x1024xf32>
    %select_n3A_1021 = arith.select %eq3A_1014, %concatenate3A_1017, %concatenate3A_1020 : vector<8x1024xi1>, vector<8x1024xf32>
    %slice3A_1022 = vector.extract_strided_slice %select_n3A_1008 {offsets = [0, 2], sizes = [8, 1022], strides = [1, 1]} : vector<8x1024xi32> to vector<8x1022xi32>
    %slice3A_1023 = vector.extract_strided_slice %select_n3A_1008 {offsets = [0, 0], sizes = [8, 2], strides = [1, 1]} : vector<8x1024xi32> to vector<8x2xi32>
    %concatenate3A_1024 = tpu.concatenate %slice3A_1022, %slice3A_1023 in 1 : vector<8x1022xi32>, vector<8x2xi32> -> vector<8x1024xi32>
    %slice3A_1025 = vector.extract_strided_slice %select_n3A_1008 {offsets = [0, 1022], sizes = [8, 2], strides = [1, 1]} : vector<8x1024xi32> to vector<8x2xi32>
    %slice3A_1026 = vector.extract_strided_slice %select_n3A_1008 {offsets = [0, 0], sizes = [8, 1022], strides = [1, 1]} : vector<8x1024xi32> to vector<8x1022xi32>
    %concatenate3A_1027 = tpu.concatenate %slice3A_1025, %slice3A_1026 in 1 : vector<8x2xi32>, vector<8x1022xi32> -> vector<8x1024xi32>
    %select_n3A_1028 = arith.select %eq3A_1014, %concatenate3A_1024, %concatenate3A_1027 : vector<8x1024xi1>, vector<8x1024xi32>
    %and3A_1029 = arith.constant 128 : i32
    %and3A_1030 = vector.broadcast %and3A_1029 : i32 to vector<8x1024xi32>
    %and3A_1031 = arith.andi %iota3A, %and3A_1030 : vector<8x1024xi32>
    %eq3A_1032 = arith.constant 0 : i32
    %eq3A_1033 = vector.broadcast %eq3A_1032 : i32 to vector<8x1024xi32>
    %eq3A_1034 = arith.cmpi eq, %and3A_1031, %eq3A_1033 : vector<8x1024xi32>
    %lt3A_1035 = arith.cmpf olt, %select_n3A_1021, %select_n3A_1007 : vector<8x1024xf32>
    %eq3A_1036 = arith.cmpf oeq, %select_n3A_1021, %select_n3A_1007 : vector<8x1024xf32>
    %lt3A_1037 = arith.cmpi slt, %select_n3A_1028, %select_n3A_1008 : vector<8x1024xi32>
    %and3A_1038 = arith.andi %eq3A_1036, %lt3A_1037 : vector<8x1024xi1>
    %or3A_1039 = arith.ori %lt3A_1035, %and3A_1038 : vector<8x1024xi1>
    %eq3A_1040 = arith.xori %eq3A_1014, %eq3A_1034 : vector<8x1024xi1>
    %eq3A_1041 = arith.constant dense<true> : vector<8x1024xi1>
    %eq3A_1042 = arith.xori %eq3A_1040, %eq3A_1041 : vector<8x1024xi1>
    %eq3A_1043 = arith.xori %or3A_1039, %eq3A_1042 : vector<8x1024xi1>
    %eq3A_1044 = arith.constant dense<true> : vector<8x1024xi1>
    %eq3A_1045 = arith.xori %eq3A_1043, %eq3A_1044 : vector<8x1024xi1>
    %select_n3A_1046 = arith.select %eq3A_1045, %select_n3A_1021, %select_n3A_1007 : vector<8x1024xi1>, vector<8x1024xf32>
    %select_n3A_1047 = arith.select %eq3A_1045, %select_n3A_1028, %select_n3A_1008 : vector<8x1024xi1>, vector<8x1024xi32>
    %and3A_1048 = arith.constant 1 : i32
    %and3A_1049 = vector.broadcast %and3A_1048 : i32 to vector<8x1024xi32>
    %and3A_1050 = arith.andi %iota3A, %and3A_1049 : vector<8x1024xi32>
    %eq3A_1051 = arith.constant 0 : i32
    %eq3A_1052 = vector.broadcast %eq3A_1051 : i32 to vector<8x1024xi32>
    %eq3A_1053 = arith.cmpi eq, %and3A_1050, %eq3A_1052 : vector<8x1024xi32>
    %slice3A_1054 = vector.extract_strided_slice %select_n3A_1046 {offsets = [0, 1], sizes = [8, 1023], strides = [1, 1]} : vector<8x1024xf32> to vector<8x1023xf32>
    %slice3A_1055 = vector.extract_strided_slice %select_n3A_1046 {offsets = [0, 0], sizes = [8, 1], strides = [1, 1]} : vector<8x1024xf32> to vector<8x1xf32>
    %concatenate3A_1056 = tpu.concatenate %slice3A_1054, %slice3A_1055 in 1 : vector<8x1023xf32>, vector<8x1xf32> -> vector<8x1024xf32>
    %slice3A_1057 = vector.extract_strided_slice %select_n3A_1046 {offsets = [0, 1023], sizes = [8, 1], strides = [1, 1]} : vector<8x1024xf32> to vector<8x1xf32>
    %slice3A_1058 = vector.extract_strided_slice %select_n3A_1046 {offsets = [0, 0], sizes = [8, 1023], strides = [1, 1]} : vector<8x1024xf32> to vector<8x1023xf32>
    %concatenate3A_1059 = tpu.concatenate %slice3A_1057, %slice3A_1058 in 1 : vector<8x1xf32>, vector<8x1023xf32> -> vector<8x1024xf32>
    %select_n3A_1060 = arith.select %eq3A_1053, %concatenate3A_1056, %concatenate3A_1059 : vector<8x1024xi1>, vector<8x1024xf32>
    %slice3A_1061 = vector.extract_strided_slice %select_n3A_1047 {offsets = [0, 1], sizes = [8, 1023], strides = [1, 1]} : vector<8x1024xi32> to vector<8x1023xi32>
    %slice3A_1062 = vector.extract_strided_slice %select_n3A_1047 {offsets = [0, 0], sizes = [8, 1], strides = [1, 1]} : vector<8x1024xi32> to vector<8x1xi32>
    %concatenate3A_1063 = tpu.concatenate %slice3A_1061, %slice3A_1062 in 1 : vector<8x1023xi32>, vector<8x1xi32> -> vector<8x1024xi32>
    %slice3A_1064 = vector.extract_strided_slice %select_n3A_1047 {offsets = [0, 1023], sizes = [8, 1], strides = [1, 1]} : vector<8x1024xi32> to vector<8x1xi32>
    %slice3A_1065 = vector.extract_strided_slice %select_n3A_1047 {offsets = [0, 0], sizes = [8, 1023], strides = [1, 1]} : vector<8x1024xi32> to vector<8x1023xi32>
    %concatenate3A_1066 = tpu.concatenate %slice3A_1064, %slice3A_1065 in 1 : vector<8x1xi32>, vector<8x1023xi32> -> vector<8x1024xi32>
    %select_n3A_1067 = arith.select %eq3A_1053, %concatenate3A_1063, %concatenate3A_1066 : vector<8x1024xi1>, vector<8x1024xi32>
    %and3A_1068 = arith.constant 128 : i32
    %and3A_1069 = vector.broadcast %and3A_1068 : i32 to vector<8x1024xi32>
    %and3A_1070 = arith.andi %iota3A, %and3A_1069 : vector<8x1024xi32>
    %eq3A_1071 = arith.constant 0 : i32
    %eq3A_1072 = vector.broadcast %eq3A_1071 : i32 to vector<8x1024xi32>
    %eq3A_1073 = arith.cmpi eq, %and3A_1070, %eq3A_1072 : vector<8x1024xi32>
    %lt3A_1074 = arith.cmpf olt, %select_n3A_1060, %select_n3A_1046 : vector<8x1024xf32>
    %eq3A_1075 = arith.cmpf oeq, %select_n3A_1060, %select_n3A_1046 : vector<8x1024xf32>
    %lt3A_1076 = arith.cmpi slt, %select_n3A_1067, %select_n3A_1047 : vector<8x1024xi32>
    %and3A_1077 = arith.andi %eq3A_1075, %lt3A_1076 : vector<8x1024xi1>
    %or3A_1078 = arith.ori %lt3A_1074, %and3A_1077 : vector<8x1024xi1>
    %eq3A_1079 = arith.xori %eq3A_1053, %eq3A_1073 : vector<8x1024xi1>
    %eq3A_1080 = arith.constant dense<true> : vector<8x1024xi1>
    %eq3A_1081 = arith.xori %eq3A_1079, %eq3A_1080 : vector<8x1024xi1>
    %eq3A_1082 = arith.xori %or3A_1078, %eq3A_1081 : vector<8x1024xi1>
    %eq3A_1083 = arith.constant dense<true> : vector<8x1024xi1>
    %eq3A_1084 = arith.xori %eq3A_1082, %eq3A_1083 : vector<8x1024xi1>
    %select_n3A_1085 = arith.select %eq3A_1084, %select_n3A_1060, %select_n3A_1046 : vector<8x1024xi1>, vector<8x1024xf32>
    %select_n3A_1086 = arith.select %eq3A_1084, %select_n3A_1067, %select_n3A_1047 : vector<8x1024xi1>, vector<8x1024xi32>
    %and3A_1087 = arith.constant 128 : i32
    %and3A_1088 = vector.broadcast %and3A_1087 : i32 to vector<8x1024xi32>
    %and3A_1089 = arith.andi %iota3A, %and3A_1088 : vector<8x1024xi32>
    %eq3A_1090 = arith.constant 0 : i32
    %eq3A_1091 = vector.broadcast %eq3A_1090 : i32 to vector<8x1024xi32>
    %eq3A_1092 = arith.cmpi eq, %and3A_1089, %eq3A_1091 : vector<8x1024xi32>
    %slice3A_1093 = vector.extract_strided_slice %select_n3A_1085 {offsets = [0, 128], sizes = [8, 896], strides = [1, 1]} : vector<8x1024xf32> to vector<8x896xf32>
    %slice3A_1094 = vector.extract_strided_slice %select_n3A_1085 {offsets = [0, 0], sizes = [8, 128], strides = [1, 1]} : vector<8x1024xf32> to vector<8x128xf32>
    %concatenate3A_1095 = tpu.concatenate %slice3A_1093, %slice3A_1094 in 1 : vector<8x896xf32>, vector<8x128xf32> -> vector<8x1024xf32>
    %slice3A_1096 = vector.extract_strided_slice %select_n3A_1085 {offsets = [0, 896], sizes = [8, 128], strides = [1, 1]} : vector<8x1024xf32> to vector<8x128xf32>
    %slice3A_1097 = vector.extract_strided_slice %select_n3A_1085 {offsets = [0, 0], sizes = [8, 896], strides = [1, 1]} : vector<8x1024xf32> to vector<8x896xf32>
    %concatenate3A_1098 = tpu.concatenate %slice3A_1096, %slice3A_1097 in 1 : vector<8x128xf32>, vector<8x896xf32> -> vector<8x1024xf32>
    %select_n3A_1099 = arith.select %eq3A_1092, %concatenate3A_1095, %concatenate3A_1098 : vector<8x1024xi1>, vector<8x1024xf32>
    %slice3A_1100 = vector.extract_strided_slice %select_n3A_1086 {offsets = [0, 128], sizes = [8, 896], strides = [1, 1]} : vector<8x1024xi32> to vector<8x896xi32>
    %slice3A_1101 = vector.extract_strided_slice %select_n3A_1086 {offsets = [0, 0], sizes = [8, 128], strides = [1, 1]} : vector<8x1024xi32> to vector<8x128xi32>
    %concatenate3A_1102 = tpu.concatenate %slice3A_1100, %slice3A_1101 in 1 : vector<8x896xi32>, vector<8x128xi32> -> vector<8x1024xi32>
    %slice3A_1103 = vector.extract_strided_slice %select_n3A_1086 {offsets = [0, 896], sizes = [8, 128], strides = [1, 1]} : vector<8x1024xi32> to vector<8x128xi32>
    %slice3A_1104 = vector.extract_strided_slice %select_n3A_1086 {offsets = [0, 0], sizes = [8, 896], strides = [1, 1]} : vector<8x1024xi32> to vector<8x896xi32>
    %concatenate3A_1105 = tpu.concatenate %slice3A_1103, %slice3A_1104 in 1 : vector<8x128xi32>, vector<8x896xi32> -> vector<8x1024xi32>
    %select_n3A_1106 = arith.select %eq3A_1092, %concatenate3A_1102, %concatenate3A_1105 : vector<8x1024xi1>, vector<8x1024xi32>
    %and3A_1107 = arith.constant 256 : i32
    %and3A_1108 = vector.broadcast %and3A_1107 : i32 to vector<8x1024xi32>
    %and3A_1109 = arith.andi %iota3A, %and3A_1108 : vector<8x1024xi32>
    %eq3A_1110 = arith.constant 0 : i32
    %eq3A_1111 = vector.broadcast %eq3A_1110 : i32 to vector<8x1024xi32>
    %eq3A_1112 = arith.cmpi eq, %and3A_1109, %eq3A_1111 : vector<8x1024xi32>
    %lt3A_1113 = arith.cmpf olt, %select_n3A_1099, %select_n3A_1085 : vector<8x1024xf32>
    %eq3A_1114 = arith.cmpf oeq, %select_n3A_1099, %select_n3A_1085 : vector<8x1024xf32>
    %lt3A_1115 = arith.cmpi slt, %select_n3A_1106, %select_n3A_1086 : vector<8x1024xi32>
    %and3A_1116 = arith.andi %eq3A_1114, %lt3A_1115 : vector<8x1024xi1>
    %or3A_1117 = arith.ori %lt3A_1113, %and3A_1116 : vector<8x1024xi1>
    %eq3A_1118 = arith.xori %eq3A_1092, %eq3A_1112 : vector<8x1024xi1>
    %eq3A_1119 = arith.constant dense<true> : vector<8x1024xi1>
    %eq3A_1120 = arith.xori %eq3A_1118, %eq3A_1119 : vector<8x1024xi1>
    %eq3A_1121 = arith.xori %or3A_1117, %eq3A_1120 : vector<8x1024xi1>
    %eq3A_1122 = arith.constant dense<true> : vector<8x1024xi1>
    %eq3A_1123 = arith.xori %eq3A_1121, %eq3A_1122 : vector<8x1024xi1>
    %select_n3A_1124 = arith.select %eq3A_1123, %select_n3A_1099, %select_n3A_1085 : vector<8x1024xi1>, vector<8x1024xf32>
    %select_n3A_1125 = arith.select %eq3A_1123, %select_n3A_1106, %select_n3A_1086 : vector<8x1024xi1>, vector<8x1024xi32>
    %and3A_1126 = arith.constant 64 : i32
    %and3A_1127 = vector.broadcast %and3A_1126 : i32 to vector<8x1024xi32>
    %and3A_1128 = arith.andi %iota3A, %and3A_1127 : vector<8x1024xi32>
    %eq3A_1129 = arith.constant 0 : i32
    %eq3A_1130 = vector.broadcast %eq3A_1129 : i32 to vector<8x1024xi32>
    %eq3A_1131 = arith.cmpi eq, %and3A_1128, %eq3A_1130 : vector<8x1024xi32>
    %slice3A_1132 = vector.extract_strided_slice %select_n3A_1124 {offsets = [0, 64], sizes = [8, 960], strides = [1, 1]} : vector<8x1024xf32> to vector<8x960xf32>
    %slice3A_1133 = vector.extract_strided_slice %select_n3A_1124 {offsets = [0, 0], sizes = [8, 64], strides = [1, 1]} : vector<8x1024xf32> to vector<8x64xf32>
    %concatenate3A_1134 = tpu.concatenate %slice3A_1132, %slice3A_1133 in 1 : vector<8x960xf32>, vector<8x64xf32> -> vector<8x1024xf32>
    %slice3A_1135 = vector.extract_strided_slice %select_n3A_1124 {offsets = [0, 960], sizes = [8, 64], strides = [1, 1]} : vector<8x1024xf32> to vector<8x64xf32>
    %slice3A_1136 = vector.extract_strided_slice %select_n3A_1124 {offsets = [0, 0], sizes = [8, 960], strides = [1, 1]} : vector<8x1024xf32> to vector<8x960xf32>
    %concatenate3A_1137 = tpu.concatenate %slice3A_1135, %slice3A_1136 in 1 : vector<8x64xf32>, vector<8x960xf32> -> vector<8x1024xf32>
    %select_n3A_1138 = arith.select %eq3A_1131, %concatenate3A_1134, %concatenate3A_1137 : vector<8x1024xi1>, vector<8x1024xf32>
    %slice3A_1139 = vector.extract_strided_slice %select_n3A_1125 {offsets = [0, 64], sizes = [8, 960], strides = [1, 1]} : vector<8x1024xi32> to vector<8x960xi32>
    %slice3A_1140 = vector.extract_strided_slice %select_n3A_1125 {offsets = [0, 0], sizes = [8, 64], strides = [1, 1]} : vector<8x1024xi32> to vector<8x64xi32>
    %concatenate3A_1141 = tpu.concatenate %slice3A_1139, %slice3A_1140 in 1 : vector<8x960xi32>, vector<8x64xi32> -> vector<8x1024xi32>
    %slice3A_1142 = vector.extract_strided_slice %select_n3A_1125 {offsets = [0, 960], sizes = [8, 64], strides = [1, 1]} : vector<8x1024xi32> to vector<8x64xi32>
    %slice3A_1143 = vector.extract_strided_slice %select_n3A_1125 {offsets = [0, 0], sizes = [8, 960], strides = [1, 1]} : vector<8x1024xi32> to vector<8x960xi32>
    %concatenate3A_1144 = tpu.concatenate %slice3A_1142, %slice3A_1143 in 1 : vector<8x64xi32>, vector<8x960xi32> -> vector<8x1024xi32>
    %select_n3A_1145 = arith.select %eq3A_1131, %concatenate3A_1141, %concatenate3A_1144 : vector<8x1024xi1>, vector<8x1024xi32>
    %and3A_1146 = arith.constant 256 : i32
    %and3A_1147 = vector.broadcast %and3A_1146 : i32 to vector<8x1024xi32>
    %and3A_1148 = arith.andi %iota3A, %and3A_1147 : vector<8x1024xi32>
    %eq3A_1149 = arith.constant 0 : i32
    %eq3A_1150 = vector.broadcast %eq3A_1149 : i32 to vector<8x1024xi32>
    %eq3A_1151 = arith.cmpi eq, %and3A_1148, %eq3A_1150 : vector<8x1024xi32>
    %lt3A_1152 = arith.cmpf olt, %select_n3A_1138, %select_n3A_1124 : vector<8x1024xf32>
    %eq3A_1153 = arith.cmpf oeq, %select_n3A_1138, %select_n3A_1124 : vector<8x1024xf32>
    %lt3A_1154 = arith.cmpi slt, %select_n3A_1145, %select_n3A_1125 : vector<8x1024xi32>
    %and3A_1155 = arith.andi %eq3A_1153, %lt3A_1154 : vector<8x1024xi1>
    %or3A_1156 = arith.ori %lt3A_1152, %and3A_1155 : vector<8x1024xi1>
    %eq3A_1157 = arith.xori %eq3A_1131, %eq3A_1151 : vector<8x1024xi1>
    %eq3A_1158 = arith.constant dense<true> : vector<8x1024xi1>
    %eq3A_1159 = arith.xori %eq3A_1157, %eq3A_1158 : vector<8x1024xi1>
    %eq3A_1160 = arith.xori %or3A_1156, %eq3A_1159 : vector<8x1024xi1>
    %eq3A_1161 = arith.constant dense<true> : vector<8x1024xi1>
    %eq3A_1162 = arith.xori %eq3A_1160, %eq3A_1161 : vector<8x1024xi1>
    %select_n3A_1163 = arith.select %eq3A_1162, %select_n3A_1138, %select_n3A_1124 : vector<8x1024xi1>, vector<8x1024xf32>
    %select_n3A_1164 = arith.select %eq3A_1162, %select_n3A_1145, %select_n3A_1125 : vector<8x1024xi1>, vector<8x1024xi32>
    %and3A_1165 = arith.constant 32 : i32
    %and3A_1166 = vector.broadcast %and3A_1165 : i32 to vector<8x1024xi32>
    %and3A_1167 = arith.andi %iota3A, %and3A_1166 : vector<8x1024xi32>
    %eq3A_1168 = arith.constant 0 : i32
    %eq3A_1169 = vector.broadcast %eq3A_1168 : i32 to vector<8x1024xi32>
    %eq3A_1170 = arith.cmpi eq, %and3A_1167, %eq3A_1169 : vector<8x1024xi32>
    %slice3A_1171 = vector.extract_strided_slice %select_n3A_1163 {offsets = [0, 32], sizes = [8, 992], strides = [1, 1]} : vector<8x1024xf32> to vector<8x992xf32>
    %slice3A_1172 = vector.extract_strided_slice %select_n3A_1163 {offsets = [0, 0], sizes = [8, 32], strides = [1, 1]} : vector<8x1024xf32> to vector<8x32xf32>
    %concatenate3A_1173 = tpu.concatenate %slice3A_1171, %slice3A_1172 in 1 : vector<8x992xf32>, vector<8x32xf32> -> vector<8x1024xf32>
    %slice3A_1174 = vector.extract_strided_slice %select_n3A_1163 {offsets = [0, 992], sizes = [8, 32], strides = [1, 1]} : vector<8x1024xf32> to vector<8x32xf32>
    %slice3A_1175 = vector.extract_strided_slice %select_n3A_1163 {offsets = [0, 0], sizes = [8, 992], strides = [1, 1]} : vector<8x1024xf32> to vector<8x992xf32>
    %concatenate3A_1176 = tpu.concatenate %slice3A_1174, %slice3A_1175 in 1 : vector<8x32xf32>, vector<8x992xf32> -> vector<8x1024xf32>
    %select_n3A_1177 = arith.select %eq3A_1170, %concatenate3A_1173, %concatenate3A_1176 : vector<8x1024xi1>, vector<8x1024xf32>
    %slice3A_1178 = vector.extract_strided_slice %select_n3A_1164 {offsets = [0, 32], sizes = [8, 992], strides = [1, 1]} : vector<8x1024xi32> to vector<8x992xi32>
    %slice3A_1179 = vector.extract_strided_slice %select_n3A_1164 {offsets = [0, 0], sizes = [8, 32], strides = [1, 1]} : vector<8x1024xi32> to vector<8x32xi32>
    %concatenate3A_1180 = tpu.concatenate %slice3A_1178, %slice3A_1179 in 1 : vector<8x992xi32>, vector<8x32xi32> -> vector<8x1024xi32>
    %slice3A_1181 = vector.extract_strided_slice %select_n3A_1164 {offsets = [0, 992], sizes = [8, 32], strides = [1, 1]} : vector<8x1024xi32> to vector<8x32xi32>
    %slice3A_1182 = vector.extract_strided_slice %select_n3A_1164 {offsets = [0, 0], sizes = [8, 992], strides = [1, 1]} : vector<8x1024xi32> to vector<8x992xi32>
    %concatenate3A_1183 = tpu.concatenate %slice3A_1181, %slice3A_1182 in 1 : vector<8x32xi32>, vector<8x992xi32> -> vector<8x1024xi32>
    %select_n3A_1184 = arith.select %eq3A_1170, %concatenate3A_1180, %concatenate3A_1183 : vector<8x1024xi1>, vector<8x1024xi32>
    %and3A_1185 = arith.constant 256 : i32
    %and3A_1186 = vector.broadcast %and3A_1185 : i32 to vector<8x1024xi32>
    %and3A_1187 = arith.andi %iota3A, %and3A_1186 : vector<8x1024xi32>
    %eq3A_1188 = arith.constant 0 : i32
    %eq3A_1189 = vector.broadcast %eq3A_1188 : i32 to vector<8x1024xi32>
    %eq3A_1190 = arith.cmpi eq, %and3A_1187, %eq3A_1189 : vector<8x1024xi32>
    %lt3A_1191 = arith.cmpf olt, %select_n3A_1177, %select_n3A_1163 : vector<8x1024xf32>
    %eq3A_1192 = arith.cmpf oeq, %select_n3A_1177, %select_n3A_1163 : vector<8x1024xf32>
    %lt3A_1193 = arith.cmpi slt, %select_n3A_1184, %select_n3A_1164 : vector<8x1024xi32>
    %and3A_1194 = arith.andi %eq3A_1192, %lt3A_1193 : vector<8x1024xi1>
    %or3A_1195 = arith.ori %lt3A_1191, %and3A_1194 : vector<8x1024xi1>
    %eq3A_1196 = arith.xori %eq3A_1170, %eq3A_1190 : vector<8x1024xi1>
    %eq3A_1197 = arith.constant dense<true> : vector<8x1024xi1>
    %eq3A_1198 = arith.xori %eq3A_1196, %eq3A_1197 : vector<8x1024xi1>
    %eq3A_1199 = arith.xori %or3A_1195, %eq3A_1198 : vector<8x1024xi1>
    %eq3A_1200 = arith.constant dense<true> : vector<8x1024xi1>
    %eq3A_1201 = arith.xori %eq3A_1199, %eq3A_1200 : vector<8x1024xi1>
    %select_n3A_1202 = arith.select %eq3A_1201, %select_n3A_1177, %select_n3A_1163 : vector<8x1024xi1>, vector<8x1024xf32>
    %select_n3A_1203 = arith.select %eq3A_1201, %select_n3A_1184, %select_n3A_1164 : vector<8x1024xi1>, vector<8x1024xi32>
    %and3A_1204 = arith.constant 16 : i32
    %and3A_1205 = vector.broadcast %and3A_1204 : i32 to vector<8x1024xi32>
    %and3A_1206 = arith.andi %iota3A, %and3A_1205 : vector<8x1024xi32>
    %eq3A_1207 = arith.constant 0 : i32
    %eq3A_1208 = vector.broadcast %eq3A_1207 : i32 to vector<8x1024xi32>
    %eq3A_1209 = arith.cmpi eq, %and3A_1206, %eq3A_1208 : vector<8x1024xi32>
    %slice3A_1210 = vector.extract_strided_slice %select_n3A_1202 {offsets = [0, 16], sizes = [8, 1008], strides = [1, 1]} : vector<8x1024xf32> to vector<8x1008xf32>
    %slice3A_1211 = vector.extract_strided_slice %select_n3A_1202 {offsets = [0, 0], sizes = [8, 16], strides = [1, 1]} : vector<8x1024xf32> to vector<8x16xf32>
    %concatenate3A_1212 = tpu.concatenate %slice3A_1210, %slice3A_1211 in 1 : vector<8x1008xf32>, vector<8x16xf32> -> vector<8x1024xf32>
    %slice3A_1213 = vector.extract_strided_slice %select_n3A_1202 {offsets = [0, 1008], sizes = [8, 16], strides = [1, 1]} : vector<8x1024xf32> to vector<8x16xf32>
    %slice3A_1214 = vector.extract_strided_slice %select_n3A_1202 {offsets = [0, 0], sizes = [8, 1008], strides = [1, 1]} : vector<8x1024xf32> to vector<8x1008xf32>
    %concatenate3A_1215 = tpu.concatenate %slice3A_1213, %slice3A_1214 in 1 : vector<8x16xf32>, vector<8x1008xf32> -> vector<8x1024xf32>
    %select_n3A_1216 = arith.select %eq3A_1209, %concatenate3A_1212, %concatenate3A_1215 : vector<8x1024xi1>, vector<8x1024xf32>
    %slice3A_1217 = vector.extract_strided_slice %select_n3A_1203 {offsets = [0, 16], sizes = [8, 1008], strides = [1, 1]} : vector<8x1024xi32> to vector<8x1008xi32>
    %slice3A_1218 = vector.extract_strided_slice %select_n3A_1203 {offsets = [0, 0], sizes = [8, 16], strides = [1, 1]} : vector<8x1024xi32> to vector<8x16xi32>
    %concatenate3A_1219 = tpu.concatenate %slice3A_1217, %slice3A_1218 in 1 : vector<8x1008xi32>, vector<8x16xi32> -> vector<8x1024xi32>
    %slice3A_1220 = vector.extract_strided_slice %select_n3A_1203 {offsets = [0, 1008], sizes = [8, 16], strides = [1, 1]} : vector<8x1024xi32> to vector<8x16xi32>
    %slice3A_1221 = vector.extract_strided_slice %select_n3A_1203 {offsets = [0, 0], sizes = [8, 1008], strides = [1, 1]} : vector<8x1024xi32> to vector<8x1008xi32>
    %concatenate3A_1222 = tpu.concatenate %slice3A_1220, %slice3A_1221 in 1 : vector<8x16xi32>, vector<8x1008xi32> -> vector<8x1024xi32>
    %select_n3A_1223 = arith.select %eq3A_1209, %concatenate3A_1219, %concatenate3A_1222 : vector<8x1024xi1>, vector<8x1024xi32>
    %and3A_1224 = arith.constant 256 : i32
    %and3A_1225 = vector.broadcast %and3A_1224 : i32 to vector<8x1024xi32>
    %and3A_1226 = arith.andi %iota3A, %and3A_1225 : vector<8x1024xi32>
    %eq3A_1227 = arith.constant 0 : i32
    %eq3A_1228 = vector.broadcast %eq3A_1227 : i32 to vector<8x1024xi32>
    %eq3A_1229 = arith.cmpi eq, %and3A_1226, %eq3A_1228 : vector<8x1024xi32>
    %lt3A_1230 = arith.cmpf olt, %select_n3A_1216, %select_n3A_1202 : vector<8x1024xf32>
    %eq3A_1231 = arith.cmpf oeq, %select_n3A_1216, %select_n3A_1202 : vector<8x1024xf32>
    %lt3A_1232 = arith.cmpi slt, %select_n3A_1223, %select_n3A_1203 : vector<8x1024xi32>
    %and3A_1233 = arith.andi %eq3A_1231, %lt3A_1232 : vector<8x1024xi1>
    %or3A_1234 = arith.ori %lt3A_1230, %and3A_1233 : vector<8x1024xi1>
    %eq3A_1235 = arith.xori %eq3A_1209, %eq3A_1229 : vector<8x1024xi1>
    %eq3A_1236 = arith.constant dense<true> : vector<8x1024xi1>
    %eq3A_1237 = arith.xori %eq3A_1235, %eq3A_1236 : vector<8x1024xi1>
    %eq3A_1238 = arith.xori %or3A_1234, %eq3A_1237 : vector<8x1024xi1>
    %eq3A_1239 = arith.constant dense<true> : vector<8x1024xi1>
    %eq3A_1240 = arith.xori %eq3A_1238, %eq3A_1239 : vector<8x1024xi1>
    %select_n3A_1241 = arith.select %eq3A_1240, %select_n3A_1216, %select_n3A_1202 : vector<8x1024xi1>, vector<8x1024xf32>
    %select_n3A_1242 = arith.select %eq3A_1240, %select_n3A_1223, %select_n3A_1203 : vector<8x1024xi1>, vector<8x1024xi32>
    %and3A_1243 = arith.constant 8 : i32
    %and3A_1244 = vector.broadcast %and3A_1243 : i32 to vector<8x1024xi32>
    %and3A_1245 = arith.andi %iota3A, %and3A_1244 : vector<8x1024xi32>
    %eq3A_1246 = arith.constant 0 : i32
    %eq3A_1247 = vector.broadcast %eq3A_1246 : i32 to vector<8x1024xi32>
    %eq3A_1248 = arith.cmpi eq, %and3A_1245, %eq3A_1247 : vector<8x1024xi32>
    %slice3A_1249 = vector.extract_strided_slice %select_n3A_1241 {offsets = [0, 8], sizes = [8, 1016], strides = [1, 1]} : vector<8x1024xf32> to vector<8x1016xf32>
    %slice3A_1250 = vector.extract_strided_slice %select_n3A_1241 {offsets = [0, 0], sizes = [8, 8], strides = [1, 1]} : vector<8x1024xf32> to vector<8x8xf32>
    %concatenate3A_1251 = tpu.concatenate %slice3A_1249, %slice3A_1250 in 1 : vector<8x1016xf32>, vector<8x8xf32> -> vector<8x1024xf32>
    %slice3A_1252 = vector.extract_strided_slice %select_n3A_1241 {offsets = [0, 1016], sizes = [8, 8], strides = [1, 1]} : vector<8x1024xf32> to vector<8x8xf32>
    %slice3A_1253 = vector.extract_strided_slice %select_n3A_1241 {offsets = [0, 0], sizes = [8, 1016], strides = [1, 1]} : vector<8x1024xf32> to vector<8x1016xf32>
    %concatenate3A_1254 = tpu.concatenate %slice3A_1252, %slice3A_1253 in 1 : vector<8x8xf32>, vector<8x1016xf32> -> vector<8x1024xf32>
    %select_n3A_1255 = arith.select %eq3A_1248, %concatenate3A_1251, %concatenate3A_1254 : vector<8x1024xi1>, vector<8x1024xf32>
    %slice3A_1256 = vector.extract_strided_slice %select_n3A_1242 {offsets = [0, 8], sizes = [8, 1016], strides = [1, 1]} : vector<8x1024xi32> to vector<8x1016xi32>
    %slice3A_1257 = vector.extract_strided_slice %select_n3A_1242 {offsets = [0, 0], sizes = [8, 8], strides = [1, 1]} : vector<8x1024xi32> to vector<8x8xi32>
    %concatenate3A_1258 = tpu.concatenate %slice3A_1256, %slice3A_1257 in 1 : vector<8x1016xi32>, vector<8x8xi32> -> vector<8x1024xi32>
    %slice3A_1259 = vector.extract_strided_slice %select_n3A_1242 {offsets = [0, 1016], sizes = [8, 8], strides = [1, 1]} : vector<8x1024xi32> to vector<8x8xi32>
    %slice3A_1260 = vector.extract_strided_slice %select_n3A_1242 {offsets = [0, 0], sizes = [8, 1016], strides = [1, 1]} : vector<8x1024xi32> to vector<8x1016xi32>
    %concatenate3A_1261 = tpu.concatenate %slice3A_1259, %slice3A_1260 in 1 : vector<8x8xi32>, vector<8x1016xi32> -> vector<8x1024xi32>
    %select_n3A_1262 = arith.select %eq3A_1248, %concatenate3A_1258, %concatenate3A_1261 : vector<8x1024xi1>, vector<8x1024xi32>
    %and3A_1263 = arith.constant 256 : i32
    %and3A_1264 = vector.broadcast %and3A_1263 : i32 to vector<8x1024xi32>
    %and3A_1265 = arith.andi %iota3A, %and3A_1264 : vector<8x1024xi32>
    %eq3A_1266 = arith.constant 0 : i32
    %eq3A_1267 = vector.broadcast %eq3A_1266 : i32 to vector<8x1024xi32>
    %eq3A_1268 = arith.cmpi eq, %and3A_1265, %eq3A_1267 : vector<8x1024xi32>
    %lt3A_1269 = arith.cmpf olt, %select_n3A_1255, %select_n3A_1241 : vector<8x1024xf32>
    %eq3A_1270 = arith.cmpf oeq, %select_n3A_1255, %select_n3A_1241 : vector<8x1024xf32>
    %lt3A_1271 = arith.cmpi slt, %select_n3A_1262, %select_n3A_1242 : vector<8x1024xi32>
    %and3A_1272 = arith.andi %eq3A_1270, %lt3A_1271 : vector<8x1024xi1>
    %or3A_1273 = arith.ori %lt3A_1269, %and3A_1272 : vector<8x1024xi1>
    %eq3A_1274 = arith.xori %eq3A_1248, %eq3A_1268 : vector<8x1024xi1>
    %eq3A_1275 = arith.constant dense<true> : vector<8x1024xi1>
    %eq3A_1276 = arith.xori %eq3A_1274, %eq3A_1275 : vector<8x1024xi1>
    %eq3A_1277 = arith.xori %or3A_1273, %eq3A_1276 : vector<8x1024xi1>
    %eq3A_1278 = arith.constant dense<true> : vector<8x1024xi1>
    %eq3A_1279 = arith.xori %eq3A_1277, %eq3A_1278 : vector<8x1024xi1>
    %select_n3A_1280 = arith.select %eq3A_1279, %select_n3A_1255, %select_n3A_1241 : vector<8x1024xi1>, vector<8x1024xf32>
    %select_n3A_1281 = arith.select %eq3A_1279, %select_n3A_1262, %select_n3A_1242 : vector<8x1024xi1>, vector<8x1024xi32>
    %and3A_1282 = arith.constant 4 : i32
    %and3A_1283 = vector.broadcast %and3A_1282 : i32 to vector<8x1024xi32>
    %and3A_1284 = arith.andi %iota3A, %and3A_1283 : vector<8x1024xi32>
    %eq3A_1285 = arith.constant 0 : i32
    %eq3A_1286 = vector.broadcast %eq3A_1285 : i32 to vector<8x1024xi32>
    %eq3A_1287 = arith.cmpi eq, %and3A_1284, %eq3A_1286 : vector<8x1024xi32>
    %slice3A_1288 = vector.extract_strided_slice %select_n3A_1280 {offsets = [0, 4], sizes = [8, 1020], strides = [1, 1]} : vector<8x1024xf32> to vector<8x1020xf32>
    %slice3A_1289 = vector.extract_strided_slice %select_n3A_1280 {offsets = [0, 0], sizes = [8, 4], strides = [1, 1]} : vector<8x1024xf32> to vector<8x4xf32>
    %concatenate3A_1290 = tpu.concatenate %slice3A_1288, %slice3A_1289 in 1 : vector<8x1020xf32>, vector<8x4xf32> -> vector<8x1024xf32>
    %slice3A_1291 = vector.extract_strided_slice %select_n3A_1280 {offsets = [0, 1020], sizes = [8, 4], strides = [1, 1]} : vector<8x1024xf32> to vector<8x4xf32>
    %slice3A_1292 = vector.extract_strided_slice %select_n3A_1280 {offsets = [0, 0], sizes = [8, 1020], strides = [1, 1]} : vector<8x1024xf32> to vector<8x1020xf32>
    %concatenate3A_1293 = tpu.concatenate %slice3A_1291, %slice3A_1292 in 1 : vector<8x4xf32>, vector<8x1020xf32> -> vector<8x1024xf32>
    %select_n3A_1294 = arith.select %eq3A_1287, %concatenate3A_1290, %concatenate3A_1293 : vector<8x1024xi1>, vector<8x1024xf32>
    %slice3A_1295 = vector.extract_strided_slice %select_n3A_1281 {offsets = [0, 4], sizes = [8, 1020], strides = [1, 1]} : vector<8x1024xi32> to vector<8x1020xi32>
    %slice3A_1296 = vector.extract_strided_slice %select_n3A_1281 {offsets = [0, 0], sizes = [8, 4], strides = [1, 1]} : vector<8x1024xi32> to vector<8x4xi32>
    %concatenate3A_1297 = tpu.concatenate %slice3A_1295, %slice3A_1296 in 1 : vector<8x1020xi32>, vector<8x4xi32> -> vector<8x1024xi32>
    %slice3A_1298 = vector.extract_strided_slice %select_n3A_1281 {offsets = [0, 1020], sizes = [8, 4], strides = [1, 1]} : vector<8x1024xi32> to vector<8x4xi32>
    %slice3A_1299 = vector.extract_strided_slice %select_n3A_1281 {offsets = [0, 0], sizes = [8, 1020], strides = [1, 1]} : vector<8x1024xi32> to vector<8x1020xi32>
    %concatenate3A_1300 = tpu.concatenate %slice3A_1298, %slice3A_1299 in 1 : vector<8x4xi32>, vector<8x1020xi32> -> vector<8x1024xi32>
    %select_n3A_1301 = arith.select %eq3A_1287, %concatenate3A_1297, %concatenate3A_1300 : vector<8x1024xi1>, vector<8x1024xi32>
    %and3A_1302 = arith.constant 256 : i32
    %and3A_1303 = vector.broadcast %and3A_1302 : i32 to vector<8x1024xi32>
    %and3A_1304 = arith.andi %iota3A, %and3A_1303 : vector<8x1024xi32>
    %eq3A_1305 = arith.constant 0 : i32
    %eq3A_1306 = vector.broadcast %eq3A_1305 : i32 to vector<8x1024xi32>
    %eq3A_1307 = arith.cmpi eq, %and3A_1304, %eq3A_1306 : vector<8x1024xi32>
    %lt3A_1308 = arith.cmpf olt, %select_n3A_1294, %select_n3A_1280 : vector<8x1024xf32>
    %eq3A_1309 = arith.cmpf oeq, %select_n3A_1294, %select_n3A_1280 : vector<8x1024xf32>
    %lt3A_1310 = arith.cmpi slt, %select_n3A_1301, %select_n3A_1281 : vector<8x1024xi32>
    %and3A_1311 = arith.andi %eq3A_1309, %lt3A_1310 : vector<8x1024xi1>
    %or3A_1312 = arith.ori %lt3A_1308, %and3A_1311 : vector<8x1024xi1>
    %eq3A_1313 = arith.xori %eq3A_1287, %eq3A_1307 : vector<8x1024xi1>
    %eq3A_1314 = arith.constant dense<true> : vector<8x1024xi1>
    %eq3A_1315 = arith.xori %eq3A_1313, %eq3A_1314 : vector<8x1024xi1>
    %eq3A_1316 = arith.xori %or3A_1312, %eq3A_1315 : vector<8x1024xi1>
    %eq3A_1317 = arith.constant dense<true> : vector<8x1024xi1>
    %eq3A_1318 = arith.xori %eq3A_1316, %eq3A_1317 : vector<8x1024xi1>
    %select_n3A_1319 = arith.select %eq3A_1318, %select_n3A_1294, %select_n3A_1280 : vector<8x1024xi1>, vector<8x1024xf32>
    %select_n3A_1320 = arith.select %eq3A_1318, %select_n3A_1301, %select_n3A_1281 : vector<8x1024xi1>, vector<8x1024xi32>
    %and3A_1321 = arith.constant 2 : i32
    %and3A_1322 = vector.broadcast %and3A_1321 : i32 to vector<8x1024xi32>
    %and3A_1323 = arith.andi %iota3A, %and3A_1322 : vector<8x1024xi32>
    %eq3A_1324 = arith.constant 0 : i32
    %eq3A_1325 = vector.broadcast %eq3A_1324 : i32 to vector<8x1024xi32>
    %eq3A_1326 = arith.cmpi eq, %and3A_1323, %eq3A_1325 : vector<8x1024xi32>
    %slice3A_1327 = vector.extract_strided_slice %select_n3A_1319 {offsets = [0, 2], sizes = [8, 1022], strides = [1, 1]} : vector<8x1024xf32> to vector<8x1022xf32>
    %slice3A_1328 = vector.extract_strided_slice %select_n3A_1319 {offsets = [0, 0], sizes = [8, 2], strides = [1, 1]} : vector<8x1024xf32> to vector<8x2xf32>
    %concatenate3A_1329 = tpu.concatenate %slice3A_1327, %slice3A_1328 in 1 : vector<8x1022xf32>, vector<8x2xf32> -> vector<8x1024xf32>
    %slice3A_1330 = vector.extract_strided_slice %select_n3A_1319 {offsets = [0, 1022], sizes = [8, 2], strides = [1, 1]} : vector<8x1024xf32> to vector<8x2xf32>
    %slice3A_1331 = vector.extract_strided_slice %select_n3A_1319 {offsets = [0, 0], sizes = [8, 1022], strides = [1, 1]} : vector<8x1024xf32> to vector<8x1022xf32>
    %concatenate3A_1332 = tpu.concatenate %slice3A_1330, %slice3A_1331 in 1 : vector<8x2xf32>, vector<8x1022xf32> -> vector<8x1024xf32>
    %select_n3A_1333 = arith.select %eq3A_1326, %concatenate3A_1329, %concatenate3A_1332 : vector<8x1024xi1>, vector<8x1024xf32>
    %slice3A_1334 = vector.extract_strided_slice %select_n3A_1320 {offsets = [0, 2], sizes = [8, 1022], strides = [1, 1]} : vector<8x1024xi32> to vector<8x1022xi32>
    %slice3A_1335 = vector.extract_strided_slice %select_n3A_1320 {offsets = [0, 0], sizes = [8, 2], strides = [1, 1]} : vector<8x1024xi32> to vector<8x2xi32>
    %concatenate3A_1336 = tpu.concatenate %slice3A_1334, %slice3A_1335 in 1 : vector<8x1022xi32>, vector<8x2xi32> -> vector<8x1024xi32>
    %slice3A_1337 = vector.extract_strided_slice %select_n3A_1320 {offsets = [0, 1022], sizes = [8, 2], strides = [1, 1]} : vector<8x1024xi32> to vector<8x2xi32>
    %slice3A_1338 = vector.extract_strided_slice %select_n3A_1320 {offsets = [0, 0], sizes = [8, 1022], strides = [1, 1]} : vector<8x1024xi32> to vector<8x1022xi32>
    %concatenate3A_1339 = tpu.concatenate %slice3A_1337, %slice3A_1338 in 1 : vector<8x2xi32>, vector<8x1022xi32> -> vector<8x1024xi32>
    %select_n3A_1340 = arith.select %eq3A_1326, %concatenate3A_1336, %concatenate3A_1339 : vector<8x1024xi1>, vector<8x1024xi32>
    %and3A_1341 = arith.constant 256 : i32
    %and3A_1342 = vector.broadcast %and3A_1341 : i32 to vector<8x1024xi32>
    %and3A_1343 = arith.andi %iota3A, %and3A_1342 : vector<8x1024xi32>
    %eq3A_1344 = arith.constant 0 : i32
    %eq3A_1345 = vector.broadcast %eq3A_1344 : i32 to vector<8x1024xi32>
    %eq3A_1346 = arith.cmpi eq, %and3A_1343, %eq3A_1345 : vector<8x1024xi32>
    %lt3A_1347 = arith.cmpf olt, %select_n3A_1333, %select_n3A_1319 : vector<8x1024xf32>
    %eq3A_1348 = arith.cmpf oeq, %select_n3A_1333, %select_n3A_1319 : vector<8x1024xf32>
    %lt3A_1349 = arith.cmpi slt, %select_n3A_1340, %select_n3A_1320 : vector<8x1024xi32>
    %and3A_1350 = arith.andi %eq3A_1348, %lt3A_1349 : vector<8x1024xi1>
    %or3A_1351 = arith.ori %lt3A_1347, %and3A_1350 : vector<8x1024xi1>
    %eq3A_1352 = arith.xori %eq3A_1326, %eq3A_1346 : vector<8x1024xi1>
    %eq3A_1353 = arith.constant dense<true> : vector<8x1024xi1>
    %eq3A_1354 = arith.xori %eq3A_1352, %eq3A_1353 : vector<8x1024xi1>
    %eq3A_1355 = arith.xori %or3A_1351, %eq3A_1354 : vector<8x1024xi1>
    %eq3A_1356 = arith.constant dense<true> : vector<8x1024xi1>
    %eq3A_1357 = arith.xori %eq3A_1355, %eq3A_1356 : vector<8x1024xi1>
    %select_n3A_1358 = arith.select %eq3A_1357, %select_n3A_1333, %select_n3A_1319 : vector<8x1024xi1>, vector<8x1024xf32>
    %select_n3A_1359 = arith.select %eq3A_1357, %select_n3A_1340, %select_n3A_1320 : vector<8x1024xi1>, vector<8x1024xi32>
    %and3A_1360 = arith.constant 1 : i32
    %and3A_1361 = vector.broadcast %and3A_1360 : i32 to vector<8x1024xi32>
    %and3A_1362 = arith.andi %iota3A, %and3A_1361 : vector<8x1024xi32>
    %eq3A_1363 = arith.constant 0 : i32
    %eq3A_1364 = vector.broadcast %eq3A_1363 : i32 to vector<8x1024xi32>
    %eq3A_1365 = arith.cmpi eq, %and3A_1362, %eq3A_1364 : vector<8x1024xi32>
    %slice3A_1366 = vector.extract_strided_slice %select_n3A_1358 {offsets = [0, 1], sizes = [8, 1023], strides = [1, 1]} : vector<8x1024xf32> to vector<8x1023xf32>
    %slice3A_1367 = vector.extract_strided_slice %select_n3A_1358 {offsets = [0, 0], sizes = [8, 1], strides = [1, 1]} : vector<8x1024xf32> to vector<8x1xf32>
    %concatenate3A_1368 = tpu.concatenate %slice3A_1366, %slice3A_1367 in 1 : vector<8x1023xf32>, vector<8x1xf32> -> vector<8x1024xf32>
    %slice3A_1369 = vector.extract_strided_slice %select_n3A_1358 {offsets = [0, 1023], sizes = [8, 1], strides = [1, 1]} : vector<8x1024xf32> to vector<8x1xf32>
    %slice3A_1370 = vector.extract_strided_slice %select_n3A_1358 {offsets = [0, 0], sizes = [8, 1023], strides = [1, 1]} : vector<8x1024xf32> to vector<8x1023xf32>
    %concatenate3A_1371 = tpu.concatenate %slice3A_1369, %slice3A_1370 in 1 : vector<8x1xf32>, vector<8x1023xf32> -> vector<8x1024xf32>
    %select_n3A_1372 = arith.select %eq3A_1365, %concatenate3A_1368, %concatenate3A_1371 : vector<8x1024xi1>, vector<8x1024xf32>
    %slice3A_1373 = vector.extract_strided_slice %select_n3A_1359 {offsets = [0, 1], sizes = [8, 1023], strides = [1, 1]} : vector<8x1024xi32> to vector<8x1023xi32>
    %slice3A_1374 = vector.extract_strided_slice %select_n3A_1359 {offsets = [0, 0], sizes = [8, 1], strides = [1, 1]} : vector<8x1024xi32> to vector<8x1xi32>
    %concatenate3A_1375 = tpu.concatenate %slice3A_1373, %slice3A_1374 in 1 : vector<8x1023xi32>, vector<8x1xi32> -> vector<8x1024xi32>
    %slice3A_1376 = vector.extract_strided_slice %select_n3A_1359 {offsets = [0, 1023], sizes = [8, 1], strides = [1, 1]} : vector<8x1024xi32> to vector<8x1xi32>
    %slice3A_1377 = vector.extract_strided_slice %select_n3A_1359 {offsets = [0, 0], sizes = [8, 1023], strides = [1, 1]} : vector<8x1024xi32> to vector<8x1023xi32>
    %concatenate3A_1378 = tpu.concatenate %slice3A_1376, %slice3A_1377 in 1 : vector<8x1xi32>, vector<8x1023xi32> -> vector<8x1024xi32>
    %select_n3A_1379 = arith.select %eq3A_1365, %concatenate3A_1375, %concatenate3A_1378 : vector<8x1024xi1>, vector<8x1024xi32>
    %and3A_1380 = arith.constant 256 : i32
    %and3A_1381 = vector.broadcast %and3A_1380 : i32 to vector<8x1024xi32>
    %and3A_1382 = arith.andi %iota3A, %and3A_1381 : vector<8x1024xi32>
    %eq3A_1383 = arith.constant 0 : i32
    %eq3A_1384 = vector.broadcast %eq3A_1383 : i32 to vector<8x1024xi32>
    %eq3A_1385 = arith.cmpi eq, %and3A_1382, %eq3A_1384 : vector<8x1024xi32>
    %lt3A_1386 = arith.cmpf olt, %select_n3A_1372, %select_n3A_1358 : vector<8x1024xf32>
    %eq3A_1387 = arith.cmpf oeq, %select_n3A_1372, %select_n3A_1358 : vector<8x1024xf32>
    %lt3A_1388 = arith.cmpi slt, %select_n3A_1379, %select_n3A_1359 : vector<8x1024xi32>
    %and3A_1389 = arith.andi %eq3A_1387, %lt3A_1388 : vector<8x1024xi1>
    %or3A_1390 = arith.ori %lt3A_1386, %and3A_1389 : vector<8x1024xi1>
    %eq3A_1391 = arith.xori %eq3A_1365, %eq3A_1385 : vector<8x1024xi1>
    %eq3A_1392 = arith.constant dense<true> : vector<8x1024xi1>
    %eq3A_1393 = arith.xori %eq3A_1391, %eq3A_1392 : vector<8x1024xi1>
    %eq3A_1394 = arith.xori %or3A_1390, %eq3A_1393 : vector<8x1024xi1>
    %eq3A_1395 = arith.constant dense<true> : vector<8x1024xi1>
    %eq3A_1396 = arith.xori %eq3A_1394, %eq3A_1395 : vector<8x1024xi1>
    %select_n3A_1397 = arith.select %eq3A_1396, %select_n3A_1372, %select_n3A_1358 : vector<8x1024xi1>, vector<8x1024xf32>
    %select_n3A_1398 = arith.select %eq3A_1396, %select_n3A_1379, %select_n3A_1359 : vector<8x1024xi1>, vector<8x1024xi32>
    %and3A_1399 = arith.constant 256 : i32
    %and3A_1400 = vector.broadcast %and3A_1399 : i32 to vector<8x1024xi32>
    %and3A_1401 = arith.andi %iota3A, %and3A_1400 : vector<8x1024xi32>
    %eq3A_1402 = arith.constant 0 : i32
    %eq3A_1403 = vector.broadcast %eq3A_1402 : i32 to vector<8x1024xi32>
    %eq3A_1404 = arith.cmpi eq, %and3A_1401, %eq3A_1403 : vector<8x1024xi32>
    %slice3A_1405 = vector.extract_strided_slice %select_n3A_1397 {offsets = [0, 256], sizes = [8, 768], strides = [1, 1]} : vector<8x1024xf32> to vector<8x768xf32>
    %slice3A_1406 = vector.extract_strided_slice %select_n3A_1397 {offsets = [0, 0], sizes = [8, 256], strides = [1, 1]} : vector<8x1024xf32> to vector<8x256xf32>
    %concatenate3A_1407 = tpu.concatenate %slice3A_1405, %slice3A_1406 in 1 : vector<8x768xf32>, vector<8x256xf32> -> vector<8x1024xf32>
    %slice3A_1408 = vector.extract_strided_slice %select_n3A_1397 {offsets = [0, 768], sizes = [8, 256], strides = [1, 1]} : vector<8x1024xf32> to vector<8x256xf32>
    %slice3A_1409 = vector.extract_strided_slice %select_n3A_1397 {offsets = [0, 0], sizes = [8, 768], strides = [1, 1]} : vector<8x1024xf32> to vector<8x768xf32>
    %concatenate3A_1410 = tpu.concatenate %slice3A_1408, %slice3A_1409 in 1 : vector<8x256xf32>, vector<8x768xf32> -> vector<8x1024xf32>
    %select_n3A_1411 = arith.select %eq3A_1404, %concatenate3A_1407, %concatenate3A_1410 : vector<8x1024xi1>, vector<8x1024xf32>
    %slice3A_1412 = vector.extract_strided_slice %select_n3A_1398 {offsets = [0, 256], sizes = [8, 768], strides = [1, 1]} : vector<8x1024xi32> to vector<8x768xi32>
    %slice3A_1413 = vector.extract_strided_slice %select_n3A_1398 {offsets = [0, 0], sizes = [8, 256], strides = [1, 1]} : vector<8x1024xi32> to vector<8x256xi32>
    %concatenate3A_1414 = tpu.concatenate %slice3A_1412, %slice3A_1413 in 1 : vector<8x768xi32>, vector<8x256xi32> -> vector<8x1024xi32>
    %slice3A_1415 = vector.extract_strided_slice %select_n3A_1398 {offsets = [0, 768], sizes = [8, 256], strides = [1, 1]} : vector<8x1024xi32> to vector<8x256xi32>
    %slice3A_1416 = vector.extract_strided_slice %select_n3A_1398 {offsets = [0, 0], sizes = [8, 768], strides = [1, 1]} : vector<8x1024xi32> to vector<8x768xi32>
    %concatenate3A_1417 = tpu.concatenate %slice3A_1415, %slice3A_1416 in 1 : vector<8x256xi32>, vector<8x768xi32> -> vector<8x1024xi32>
    %select_n3A_1418 = arith.select %eq3A_1404, %concatenate3A_1414, %concatenate3A_1417 : vector<8x1024xi1>, vector<8x1024xi32>
    %and3A_1419 = arith.constant 512 : i32
    %and3A_1420 = vector.broadcast %and3A_1419 : i32 to vector<8x1024xi32>
    %and3A_1421 = arith.andi %iota3A, %and3A_1420 : vector<8x1024xi32>
    %eq3A_1422 = arith.constant 0 : i32
    %eq3A_1423 = vector.broadcast %eq3A_1422 : i32 to vector<8x1024xi32>
    %eq3A_1424 = arith.cmpi eq, %and3A_1421, %eq3A_1423 : vector<8x1024xi32>
    %lt3A_1425 = arith.cmpf olt, %select_n3A_1411, %select_n3A_1397 : vector<8x1024xf32>
    %eq3A_1426 = arith.cmpf oeq, %select_n3A_1411, %select_n3A_1397 : vector<8x1024xf32>
    %lt3A_1427 = arith.cmpi slt, %select_n3A_1418, %select_n3A_1398 : vector<8x1024xi32>
    %and3A_1428 = arith.andi %eq3A_1426, %lt3A_1427 : vector<8x1024xi1>
    %or3A_1429 = arith.ori %lt3A_1425, %and3A_1428 : vector<8x1024xi1>
    %eq3A_1430 = arith.xori %eq3A_1404, %eq3A_1424 : vector<8x1024xi1>
    %eq3A_1431 = arith.constant dense<true> : vector<8x1024xi1>
    %eq3A_1432 = arith.xori %eq3A_1430, %eq3A_1431 : vector<8x1024xi1>
    %eq3A_1433 = arith.xori %or3A_1429, %eq3A_1432 : vector<8x1024xi1>
    %eq3A_1434 = arith.constant dense<true> : vector<8x1024xi1>
    %eq3A_1435 = arith.xori %eq3A_1433, %eq3A_1434 : vector<8x1024xi1>
    %select_n3A_1436 = arith.select %eq3A_1435, %select_n3A_1411, %select_n3A_1397 : vector<8x1024xi1>, vector<8x1024xf32>
    %select_n3A_1437 = arith.select %eq3A_1435, %select_n3A_1418, %select_n3A_1398 : vector<8x1024xi1>, vector<8x1024xi32>
    %and3A_1438 = arith.constant 128 : i32
    %and3A_1439 = vector.broadcast %and3A_1438 : i32 to vector<8x1024xi32>
    %and3A_1440 = arith.andi %iota3A, %and3A_1439 : vector<8x1024xi32>
    %eq3A_1441 = arith.constant 0 : i32
    %eq3A_1442 = vector.broadcast %eq3A_1441 : i32 to vector<8x1024xi32>
    %eq3A_1443 = arith.cmpi eq, %and3A_1440, %eq3A_1442 : vector<8x1024xi32>
    %slice3A_1444 = vector.extract_strided_slice %select_n3A_1436 {offsets = [0, 128], sizes = [8, 896], strides = [1, 1]} : vector<8x1024xf32> to vector<8x896xf32>
    %slice3A_1445 = vector.extract_strided_slice %select_n3A_1436 {offsets = [0, 0], sizes = [8, 128], strides = [1, 1]} : vector<8x1024xf32> to vector<8x128xf32>
    %concatenate3A_1446 = tpu.concatenate %slice3A_1444, %slice3A_1445 in 1 : vector<8x896xf32>, vector<8x128xf32> -> vector<8x1024xf32>
    %slice3A_1447 = vector.extract_strided_slice %select_n3A_1436 {offsets = [0, 896], sizes = [8, 128], strides = [1, 1]} : vector<8x1024xf32> to vector<8x128xf32>
    %slice3A_1448 = vector.extract_strided_slice %select_n3A_1436 {offsets = [0, 0], sizes = [8, 896], strides = [1, 1]} : vector<8x1024xf32> to vector<8x896xf32>
    %concatenate3A_1449 = tpu.concatenate %slice3A_1447, %slice3A_1448 in 1 : vector<8x128xf32>, vector<8x896xf32> -> vector<8x1024xf32>
    %select_n3A_1450 = arith.select %eq3A_1443, %concatenate3A_1446, %concatenate3A_1449 : vector<8x1024xi1>, vector<8x1024xf32>
    %slice3A_1451 = vector.extract_strided_slice %select_n3A_1437 {offsets = [0, 128], sizes = [8, 896], strides = [1, 1]} : vector<8x1024xi32> to vector<8x896xi32>
    %slice3A_1452 = vector.extract_strided_slice %select_n3A_1437 {offsets = [0, 0], sizes = [8, 128], strides = [1, 1]} : vector<8x1024xi32> to vector<8x128xi32>
    %concatenate3A_1453 = tpu.concatenate %slice3A_1451, %slice3A_1452 in 1 : vector<8x896xi32>, vector<8x128xi32> -> vector<8x1024xi32>
    %slice3A_1454 = vector.extract_strided_slice %select_n3A_1437 {offsets = [0, 896], sizes = [8, 128], strides = [1, 1]} : vector<8x1024xi32> to vector<8x128xi32>
    %slice3A_1455 = vector.extract_strided_slice %select_n3A_1437 {offsets = [0, 0], sizes = [8, 896], strides = [1, 1]} : vector<8x1024xi32> to vector<8x896xi32>
    %concatenate3A_1456 = tpu.concatenate %slice3A_1454, %slice3A_1455 in 1 : vector<8x128xi32>, vector<8x896xi32> -> vector<8x1024xi32>
    %select_n3A_1457 = arith.select %eq3A_1443, %concatenate3A_1453, %concatenate3A_1456 : vector<8x1024xi1>, vector<8x1024xi32>
    %and3A_1458 = arith.constant 512 : i32
    %and3A_1459 = vector.broadcast %and3A_1458 : i32 to vector<8x1024xi32>
    %and3A_1460 = arith.andi %iota3A, %and3A_1459 : vector<8x1024xi32>
    %eq3A_1461 = arith.constant 0 : i32
    %eq3A_1462 = vector.broadcast %eq3A_1461 : i32 to vector<8x1024xi32>
    %eq3A_1463 = arith.cmpi eq, %and3A_1460, %eq3A_1462 : vector<8x1024xi32>
    %lt3A_1464 = arith.cmpf olt, %select_n3A_1450, %select_n3A_1436 : vector<8x1024xf32>
    %eq3A_1465 = arith.cmpf oeq, %select_n3A_1450, %select_n3A_1436 : vector<8x1024xf32>
    %lt3A_1466 = arith.cmpi slt, %select_n3A_1457, %select_n3A_1437 : vector<8x1024xi32>
    %and3A_1467 = arith.andi %eq3A_1465, %lt3A_1466 : vector<8x1024xi1>
    %or3A_1468 = arith.ori %lt3A_1464, %and3A_1467 : vector<8x1024xi1>
    %eq3A_1469 = arith.xori %eq3A_1443, %eq3A_1463 : vector<8x1024xi1>
    %eq3A_1470 = arith.constant dense<true> : vector<8x1024xi1>
    %eq3A_1471 = arith.xori %eq3A_1469, %eq3A_1470 : vector<8x1024xi1>
    %eq3A_1472 = arith.xori %or3A_1468, %eq3A_1471 : vector<8x1024xi1>
    %eq3A_1473 = arith.constant dense<true> : vector<8x1024xi1>
    %eq3A_1474 = arith.xori %eq3A_1472, %eq3A_1473 : vector<8x1024xi1>
    %select_n3A_1475 = arith.select %eq3A_1474, %select_n3A_1450, %select_n3A_1436 : vector<8x1024xi1>, vector<8x1024xf32>
    %select_n3A_1476 = arith.select %eq3A_1474, %select_n3A_1457, %select_n3A_1437 : vector<8x1024xi1>, vector<8x1024xi32>
    %and3A_1477 = arith.constant 64 : i32
    %and3A_1478 = vector.broadcast %and3A_1477 : i32 to vector<8x1024xi32>
    %and3A_1479 = arith.andi %iota3A, %and3A_1478 : vector<8x1024xi32>
    %eq3A_1480 = arith.constant 0 : i32
    %eq3A_1481 = vector.broadcast %eq3A_1480 : i32 to vector<8x1024xi32>
    %eq3A_1482 = arith.cmpi eq, %and3A_1479, %eq3A_1481 : vector<8x1024xi32>
    %slice3A_1483 = vector.extract_strided_slice %select_n3A_1475 {offsets = [0, 64], sizes = [8, 960], strides = [1, 1]} : vector<8x1024xf32> to vector<8x960xf32>
    %slice3A_1484 = vector.extract_strided_slice %select_n3A_1475 {offsets = [0, 0], sizes = [8, 64], strides = [1, 1]} : vector<8x1024xf32> to vector<8x64xf32>
    %concatenate3A_1485 = tpu.concatenate %slice3A_1483, %slice3A_1484 in 1 : vector<8x960xf32>, vector<8x64xf32> -> vector<8x1024xf32>
    %slice3A_1486 = vector.extract_strided_slice %select_n3A_1475 {offsets = [0, 960], sizes = [8, 64], strides = [1, 1]} : vector<8x1024xf32> to vector<8x64xf32>
    %slice3A_1487 = vector.extract_strided_slice %select_n3A_1475 {offsets = [0, 0], sizes = [8, 960], strides = [1, 1]} : vector<8x1024xf32> to vector<8x960xf32>
    %concatenate3A_1488 = tpu.concatenate %slice3A_1486, %slice3A_1487 in 1 : vector<8x64xf32>, vector<8x960xf32> -> vector<8x1024xf32>
    %select_n3A_1489 = arith.select %eq3A_1482, %concatenate3A_1485, %concatenate3A_1488 : vector<8x1024xi1>, vector<8x1024xf32>
    %slice3A_1490 = vector.extract_strided_slice %select_n3A_1476 {offsets = [0, 64], sizes = [8, 960], strides = [1, 1]} : vector<8x1024xi32> to vector<8x960xi32>
    %slice3A_1491 = vector.extract_strided_slice %select_n3A_1476 {offsets = [0, 0], sizes = [8, 64], strides = [1, 1]} : vector<8x1024xi32> to vector<8x64xi32>
    %concatenate3A_1492 = tpu.concatenate %slice3A_1490, %slice3A_1491 in 1 : vector<8x960xi32>, vector<8x64xi32> -> vector<8x1024xi32>
    %slice3A_1493 = vector.extract_strided_slice %select_n3A_1476 {offsets = [0, 960], sizes = [8, 64], strides = [1, 1]} : vector<8x1024xi32> to vector<8x64xi32>
    %slice3A_1494 = vector.extract_strided_slice %select_n3A_1476 {offsets = [0, 0], sizes = [8, 960], strides = [1, 1]} : vector<8x1024xi32> to vector<8x960xi32>
    %concatenate3A_1495 = tpu.concatenate %slice3A_1493, %slice3A_1494 in 1 : vector<8x64xi32>, vector<8x960xi32> -> vector<8x1024xi32>
    %select_n3A_1496 = arith.select %eq3A_1482, %concatenate3A_1492, %concatenate3A_1495 : vector<8x1024xi1>, vector<8x1024xi32>
    %and3A_1497 = arith.constant 512 : i32
    %and3A_1498 = vector.broadcast %and3A_1497 : i32 to vector<8x1024xi32>
    %and3A_1499 = arith.andi %iota3A, %and3A_1498 : vector<8x1024xi32>
    %eq3A_1500 = arith.constant 0 : i32
    %eq3A_1501 = vector.broadcast %eq3A_1500 : i32 to vector<8x1024xi32>
    %eq3A_1502 = arith.cmpi eq, %and3A_1499, %eq3A_1501 : vector<8x1024xi32>
    %lt3A_1503 = arith.cmpf olt, %select_n3A_1489, %select_n3A_1475 : vector<8x1024xf32>
    %eq3A_1504 = arith.cmpf oeq, %select_n3A_1489, %select_n3A_1475 : vector<8x1024xf32>
    %lt3A_1505 = arith.cmpi slt, %select_n3A_1496, %select_n3A_1476 : vector<8x1024xi32>
    %and3A_1506 = arith.andi %eq3A_1504, %lt3A_1505 : vector<8x1024xi1>
    %or3A_1507 = arith.ori %lt3A_1503, %and3A_1506 : vector<8x1024xi1>
    %eq3A_1508 = arith.xori %eq3A_1482, %eq3A_1502 : vector<8x1024xi1>
    %eq3A_1509 = arith.constant dense<true> : vector<8x1024xi1>
    %eq3A_1510 = arith.xori %eq3A_1508, %eq3A_1509 : vector<8x1024xi1>
    %eq3A_1511 = arith.xori %or3A_1507, %eq3A_1510 : vector<8x1024xi1>
    %eq3A_1512 = arith.constant dense<true> : vector<8x1024xi1>
    %eq3A_1513 = arith.xori %eq3A_1511, %eq3A_1512 : vector<8x1024xi1>
    %select_n3A_1514 = arith.select %eq3A_1513, %select_n3A_1489, %select_n3A_1475 : vector<8x1024xi1>, vector<8x1024xf32>
    %select_n3A_1515 = arith.select %eq3A_1513, %select_n3A_1496, %select_n3A_1476 : vector<8x1024xi1>, vector<8x1024xi32>
    %and3A_1516 = arith.constant 32 : i32
    %and3A_1517 = vector.broadcast %and3A_1516 : i32 to vector<8x1024xi32>
    %and3A_1518 = arith.andi %iota3A, %and3A_1517 : vector<8x1024xi32>
    %eq3A_1519 = arith.constant 0 : i32
    %eq3A_1520 = vector.broadcast %eq3A_1519 : i32 to vector<8x1024xi32>
    %eq3A_1521 = arith.cmpi eq, %and3A_1518, %eq3A_1520 : vector<8x1024xi32>
    %slice3A_1522 = vector.extract_strided_slice %select_n3A_1514 {offsets = [0, 32], sizes = [8, 992], strides = [1, 1]} : vector<8x1024xf32> to vector<8x992xf32>
    %slice3A_1523 = vector.extract_strided_slice %select_n3A_1514 {offsets = [0, 0], sizes = [8, 32], strides = [1, 1]} : vector<8x1024xf32> to vector<8x32xf32>
    %concatenate3A_1524 = tpu.concatenate %slice3A_1522, %slice3A_1523 in 1 : vector<8x992xf32>, vector<8x32xf32> -> vector<8x1024xf32>
    %slice3A_1525 = vector.extract_strided_slice %select_n3A_1514 {offsets = [0, 992], sizes = [8, 32], strides = [1, 1]} : vector<8x1024xf32> to vector<8x32xf32>
    %slice3A_1526 = vector.extract_strided_slice %select_n3A_1514 {offsets = [0, 0], sizes = [8, 992], strides = [1, 1]} : vector<8x1024xf32> to vector<8x992xf32>
    %concatenate3A_1527 = tpu.concatenate %slice3A_1525, %slice3A_1526 in 1 : vector<8x32xf32>, vector<8x992xf32> -> vector<8x1024xf32>
    %select_n3A_1528 = arith.select %eq3A_1521, %concatenate3A_1524, %concatenate3A_1527 : vector<8x1024xi1>, vector<8x1024xf32>
    %slice3A_1529 = vector.extract_strided_slice %select_n3A_1515 {offsets = [0, 32], sizes = [8, 992], strides = [1, 1]} : vector<8x1024xi32> to vector<8x992xi32>
    %slice3A_1530 = vector.extract_strided_slice %select_n3A_1515 {offsets = [0, 0], sizes = [8, 32], strides = [1, 1]} : vector<8x1024xi32> to vector<8x32xi32>
    %concatenate3A_1531 = tpu.concatenate %slice3A_1529, %slice3A_1530 in 1 : vector<8x992xi32>, vector<8x32xi32> -> vector<8x1024xi32>
    %slice3A_1532 = vector.extract_strided_slice %select_n3A_1515 {offsets = [0, 992], sizes = [8, 32], strides = [1, 1]} : vector<8x1024xi32> to vector<8x32xi32>
    %slice3A_1533 = vector.extract_strided_slice %select_n3A_1515 {offsets = [0, 0], sizes = [8, 992], strides = [1, 1]} : vector<8x1024xi32> to vector<8x992xi32>
    %concatenate3A_1534 = tpu.concatenate %slice3A_1532, %slice3A_1533 in 1 : vector<8x32xi32>, vector<8x992xi32> -> vector<8x1024xi32>
    %select_n3A_1535 = arith.select %eq3A_1521, %concatenate3A_1531, %concatenate3A_1534 : vector<8x1024xi1>, vector<8x1024xi32>
    %and3A_1536 = arith.constant 512 : i32
    %and3A_1537 = vector.broadcast %and3A_1536 : i32 to vector<8x1024xi32>
    %and3A_1538 = arith.andi %iota3A, %and3A_1537 : vector<8x1024xi32>
    %eq3A_1539 = arith.constant 0 : i32
    %eq3A_1540 = vector.broadcast %eq3A_1539 : i32 to vector<8x1024xi32>
    %eq3A_1541 = arith.cmpi eq, %and3A_1538, %eq3A_1540 : vector<8x1024xi32>
    %lt3A_1542 = arith.cmpf olt, %select_n3A_1528, %select_n3A_1514 : vector<8x1024xf32>
    %eq3A_1543 = arith.cmpf oeq, %select_n3A_1528, %select_n3A_1514 : vector<8x1024xf32>
    %lt3A_1544 = arith.cmpi slt, %select_n3A_1535, %select_n3A_1515 : vector<8x1024xi32>
    %and3A_1545 = arith.andi %eq3A_1543, %lt3A_1544 : vector<8x1024xi1>
    %or3A_1546 = arith.ori %lt3A_1542, %and3A_1545 : vector<8x1024xi1>
    %eq3A_1547 = arith.xori %eq3A_1521, %eq3A_1541 : vector<8x1024xi1>
    %eq3A_1548 = arith.constant dense<true> : vector<8x1024xi1>
    %eq3A_1549 = arith.xori %eq3A_1547, %eq3A_1548 : vector<8x1024xi1>
    %eq3A_1550 = arith.xori %or3A_1546, %eq3A_1549 : vector<8x1024xi1>
    %eq3A_1551 = arith.constant dense<true> : vector<8x1024xi1>
    %eq3A_1552 = arith.xori %eq3A_1550, %eq3A_1551 : vector<8x1024xi1>
    %select_n3A_1553 = arith.select %eq3A_1552, %select_n3A_1528, %select_n3A_1514 : vector<8x1024xi1>, vector<8x1024xf32>
    %select_n3A_1554 = arith.select %eq3A_1552, %select_n3A_1535, %select_n3A_1515 : vector<8x1024xi1>, vector<8x1024xi32>
    %and3A_1555 = arith.constant 16 : i32
    %and3A_1556 = vector.broadcast %and3A_1555 : i32 to vector<8x1024xi32>
    %and3A_1557 = arith.andi %iota3A, %and3A_1556 : vector<8x1024xi32>
    %eq3A_1558 = arith.constant 0 : i32
    %eq3A_1559 = vector.broadcast %eq3A_1558 : i32 to vector<8x1024xi32>
    %eq3A_1560 = arith.cmpi eq, %and3A_1557, %eq3A_1559 : vector<8x1024xi32>
    %slice3A_1561 = vector.extract_strided_slice %select_n3A_1553 {offsets = [0, 16], sizes = [8, 1008], strides = [1, 1]} : vector<8x1024xf32> to vector<8x1008xf32>
    %slice3A_1562 = vector.extract_strided_slice %select_n3A_1553 {offsets = [0, 0], sizes = [8, 16], strides = [1, 1]} : vector<8x1024xf32> to vector<8x16xf32>
    %concatenate3A_1563 = tpu.concatenate %slice3A_1561, %slice3A_1562 in 1 : vector<8x1008xf32>, vector<8x16xf32> -> vector<8x1024xf32>
    %slice3A_1564 = vector.extract_strided_slice %select_n3A_1553 {offsets = [0, 1008], sizes = [8, 16], strides = [1, 1]} : vector<8x1024xf32> to vector<8x16xf32>
    %slice3A_1565 = vector.extract_strided_slice %select_n3A_1553 {offsets = [0, 0], sizes = [8, 1008], strides = [1, 1]} : vector<8x1024xf32> to vector<8x1008xf32>
    %concatenate3A_1566 = tpu.concatenate %slice3A_1564, %slice3A_1565 in 1 : vector<8x16xf32>, vector<8x1008xf32> -> vector<8x1024xf32>
    %select_n3A_1567 = arith.select %eq3A_1560, %concatenate3A_1563, %concatenate3A_1566 : vector<8x1024xi1>, vector<8x1024xf32>
    %slice3A_1568 = vector.extract_strided_slice %select_n3A_1554 {offsets = [0, 16], sizes = [8, 1008], strides = [1, 1]} : vector<8x1024xi32> to vector<8x1008xi32>
    %slice3A_1569 = vector.extract_strided_slice %select_n3A_1554 {offsets = [0, 0], sizes = [8, 16], strides = [1, 1]} : vector<8x1024xi32> to vector<8x16xi32>
    %concatenate3A_1570 = tpu.concatenate %slice3A_1568, %slice3A_1569 in 1 : vector<8x1008xi32>, vector<8x16xi32> -> vector<8x1024xi32>
    %slice3A_1571 = vector.extract_strided_slice %select_n3A_1554 {offsets = [0, 1008], sizes = [8, 16], strides = [1, 1]} : vector<8x1024xi32> to vector<8x16xi32>
    %slice3A_1572 = vector.extract_strided_slice %select_n3A_1554 {offsets = [0, 0], sizes = [8, 1008], strides = [1, 1]} : vector<8x1024xi32> to vector<8x1008xi32>
    %concatenate3A_1573 = tpu.concatenate %slice3A_1571, %slice3A_1572 in 1 : vector<8x16xi32>, vector<8x1008xi32> -> vector<8x1024xi32>
    %select_n3A_1574 = arith.select %eq3A_1560, %concatenate3A_1570, %concatenate3A_1573 : vector<8x1024xi1>, vector<8x1024xi32>
    %and3A_1575 = arith.constant 512 : i32
    %and3A_1576 = vector.broadcast %and3A_1575 : i32 to vector<8x1024xi32>
    %and3A_1577 = arith.andi %iota3A, %and3A_1576 : vector<8x1024xi32>
    %eq3A_1578 = arith.constant 0 : i32
    %eq3A_1579 = vector.broadcast %eq3A_1578 : i32 to vector<8x1024xi32>
    %eq3A_1580 = arith.cmpi eq, %and3A_1577, %eq3A_1579 : vector<8x1024xi32>
    %lt3A_1581 = arith.cmpf olt, %select_n3A_1567, %select_n3A_1553 : vector<8x1024xf32>
    %eq3A_1582 = arith.cmpf oeq, %select_n3A_1567, %select_n3A_1553 : vector<8x1024xf32>
    %lt3A_1583 = arith.cmpi slt, %select_n3A_1574, %select_n3A_1554 : vector<8x1024xi32>
    %and3A_1584 = arith.andi %eq3A_1582, %lt3A_1583 : vector<8x1024xi1>
    %or3A_1585 = arith.ori %lt3A_1581, %and3A_1584 : vector<8x1024xi1>
    %eq3A_1586 = arith.xori %eq3A_1560, %eq3A_1580 : vector<8x1024xi1>
    %eq3A_1587 = arith.constant dense<true> : vector<8x1024xi1>
    %eq3A_1588 = arith.xori %eq3A_1586, %eq3A_1587 : vector<8x1024xi1>
    %eq3A_1589 = arith.xori %or3A_1585, %eq3A_1588 : vector<8x1024xi1>
    %eq3A_1590 = arith.constant dense<true> : vector<8x1024xi1>
    %eq3A_1591 = arith.xori %eq3A_1589, %eq3A_1590 : vector<8x1024xi1>
    %select_n3A_1592 = arith.select %eq3A_1591, %select_n3A_1567, %select_n3A_1553 : vector<8x1024xi1>, vector<8x1024xf32>
    %select_n3A_1593 = arith.select %eq3A_1591, %select_n3A_1574, %select_n3A_1554 : vector<8x1024xi1>, vector<8x1024xi32>
    %and3A_1594 = arith.constant 8 : i32
    %and3A_1595 = vector.broadcast %and3A_1594 : i32 to vector<8x1024xi32>
    %and3A_1596 = arith.andi %iota3A, %and3A_1595 : vector<8x1024xi32>
    %eq3A_1597 = arith.constant 0 : i32
    %eq3A_1598 = vector.broadcast %eq3A_1597 : i32 to vector<8x1024xi32>
    %eq3A_1599 = arith.cmpi eq, %and3A_1596, %eq3A_1598 : vector<8x1024xi32>
    %slice3A_1600 = vector.extract_strided_slice %select_n3A_1592 {offsets = [0, 8], sizes = [8, 1016], strides = [1, 1]} : vector<8x1024xf32> to vector<8x1016xf32>
    %slice3A_1601 = vector.extract_strided_slice %select_n3A_1592 {offsets = [0, 0], sizes = [8, 8], strides = [1, 1]} : vector<8x1024xf32> to vector<8x8xf32>
    %concatenate3A_1602 = tpu.concatenate %slice3A_1600, %slice3A_1601 in 1 : vector<8x1016xf32>, vector<8x8xf32> -> vector<8x1024xf32>
    %slice3A_1603 = vector.extract_strided_slice %select_n3A_1592 {offsets = [0, 1016], sizes = [8, 8], strides = [1, 1]} : vector<8x1024xf32> to vector<8x8xf32>
    %slice3A_1604 = vector.extract_strided_slice %select_n3A_1592 {offsets = [0, 0], sizes = [8, 1016], strides = [1, 1]} : vector<8x1024xf32> to vector<8x1016xf32>
    %concatenate3A_1605 = tpu.concatenate %slice3A_1603, %slice3A_1604 in 1 : vector<8x8xf32>, vector<8x1016xf32> -> vector<8x1024xf32>
    %select_n3A_1606 = arith.select %eq3A_1599, %concatenate3A_1602, %concatenate3A_1605 : vector<8x1024xi1>, vector<8x1024xf32>
    %slice3A_1607 = vector.extract_strided_slice %select_n3A_1593 {offsets = [0, 8], sizes = [8, 1016], strides = [1, 1]} : vector<8x1024xi32> to vector<8x1016xi32>
    %slice3A_1608 = vector.extract_strided_slice %select_n3A_1593 {offsets = [0, 0], sizes = [8, 8], strides = [1, 1]} : vector<8x1024xi32> to vector<8x8xi32>
    %concatenate3A_1609 = tpu.concatenate %slice3A_1607, %slice3A_1608 in 1 : vector<8x1016xi32>, vector<8x8xi32> -> vector<8x1024xi32>
    %slice3A_1610 = vector.extract_strided_slice %select_n3A_1593 {offsets = [0, 1016], sizes = [8, 8], strides = [1, 1]} : vector<8x1024xi32> to vector<8x8xi32>
    %slice3A_1611 = vector.extract_strided_slice %select_n3A_1593 {offsets = [0, 0], sizes = [8, 1016], strides = [1, 1]} : vector<8x1024xi32> to vector<8x1016xi32>
    %concatenate3A_1612 = tpu.concatenate %slice3A_1610, %slice3A_1611 in 1 : vector<8x8xi32>, vector<8x1016xi32> -> vector<8x1024xi32>
    %select_n3A_1613 = arith.select %eq3A_1599, %concatenate3A_1609, %concatenate3A_1612 : vector<8x1024xi1>, vector<8x1024xi32>
    %and3A_1614 = arith.constant 512 : i32
    %and3A_1615 = vector.broadcast %and3A_1614 : i32 to vector<8x1024xi32>
    %and3A_1616 = arith.andi %iota3A, %and3A_1615 : vector<8x1024xi32>
    %eq3A_1617 = arith.constant 0 : i32
    %eq3A_1618 = vector.broadcast %eq3A_1617 : i32 to vector<8x1024xi32>
    %eq3A_1619 = arith.cmpi eq, %and3A_1616, %eq3A_1618 : vector<8x1024xi32>
    %lt3A_1620 = arith.cmpf olt, %select_n3A_1606, %select_n3A_1592 : vector<8x1024xf32>
    %eq3A_1621 = arith.cmpf oeq, %select_n3A_1606, %select_n3A_1592 : vector<8x1024xf32>
    %lt3A_1622 = arith.cmpi slt, %select_n3A_1613, %select_n3A_1593 : vector<8x1024xi32>
    %and3A_1623 = arith.andi %eq3A_1621, %lt3A_1622 : vector<8x1024xi1>
    %or3A_1624 = arith.ori %lt3A_1620, %and3A_1623 : vector<8x1024xi1>
    %eq3A_1625 = arith.xori %eq3A_1599, %eq3A_1619 : vector<8x1024xi1>
    %eq3A_1626 = arith.constant dense<true> : vector<8x1024xi1>
    %eq3A_1627 = arith.xori %eq3A_1625, %eq3A_1626 : vector<8x1024xi1>
    %eq3A_1628 = arith.xori %or3A_1624, %eq3A_1627 : vector<8x1024xi1>
    %eq3A_1629 = arith.constant dense<true> : vector<8x1024xi1>
    %eq3A_1630 = arith.xori %eq3A_1628, %eq3A_1629 : vector<8x1024xi1>
    %select_n3A_1631 = arith.select %eq3A_1630, %select_n3A_1606, %select_n3A_1592 : vector<8x1024xi1>, vector<8x1024xf32>
    %select_n3A_1632 = arith.select %eq3A_1630, %select_n3A_1613, %select_n3A_1593 : vector<8x1024xi1>, vector<8x1024xi32>
    %and3A_1633 = arith.constant 4 : i32
    %and3A_1634 = vector.broadcast %and3A_1633 : i32 to vector<8x1024xi32>
    %and3A_1635 = arith.andi %iota3A, %and3A_1634 : vector<8x1024xi32>
    %eq3A_1636 = arith.constant 0 : i32
    %eq3A_1637 = vector.broadcast %eq3A_1636 : i32 to vector<8x1024xi32>
    %eq3A_1638 = arith.cmpi eq, %and3A_1635, %eq3A_1637 : vector<8x1024xi32>
    %slice3A_1639 = vector.extract_strided_slice %select_n3A_1631 {offsets = [0, 4], sizes = [8, 1020], strides = [1, 1]} : vector<8x1024xf32> to vector<8x1020xf32>
    %slice3A_1640 = vector.extract_strided_slice %select_n3A_1631 {offsets = [0, 0], sizes = [8, 4], strides = [1, 1]} : vector<8x1024xf32> to vector<8x4xf32>
    %concatenate3A_1641 = tpu.concatenate %slice3A_1639, %slice3A_1640 in 1 : vector<8x1020xf32>, vector<8x4xf32> -> vector<8x1024xf32>
    %slice3A_1642 = vector.extract_strided_slice %select_n3A_1631 {offsets = [0, 1020], sizes = [8, 4], strides = [1, 1]} : vector<8x1024xf32> to vector<8x4xf32>
    %slice3A_1643 = vector.extract_strided_slice %select_n3A_1631 {offsets = [0, 0], sizes = [8, 1020], strides = [1, 1]} : vector<8x1024xf32> to vector<8x1020xf32>
    %concatenate3A_1644 = tpu.concatenate %slice3A_1642, %slice3A_1643 in 1 : vector<8x4xf32>, vector<8x1020xf32> -> vector<8x1024xf32>
    %select_n3A_1645 = arith.select %eq3A_1638, %concatenate3A_1641, %concatenate3A_1644 : vector<8x1024xi1>, vector<8x1024xf32>
    %slice3A_1646 = vector.extract_strided_slice %select_n3A_1632 {offsets = [0, 4], sizes = [8, 1020], strides = [1, 1]} : vector<8x1024xi32> to vector<8x1020xi32>
    %slice3A_1647 = vector.extract_strided_slice %select_n3A_1632 {offsets = [0, 0], sizes = [8, 4], strides = [1, 1]} : vector<8x1024xi32> to vector<8x4xi32>
    %concatenate3A_1648 = tpu.concatenate %slice3A_1646, %slice3A_1647 in 1 : vector<8x1020xi32>, vector<8x4xi32> -> vector<8x1024xi32>
    %slice3A_1649 = vector.extract_strided_slice %select_n3A_1632 {offsets = [0, 1020], sizes = [8, 4], strides = [1, 1]} : vector<8x1024xi32> to vector<8x4xi32>
    %slice3A_1650 = vector.extract_strided_slice %select_n3A_1632 {offsets = [0, 0], sizes = [8, 1020], strides = [1, 1]} : vector<8x1024xi32> to vector<8x1020xi32>
    %concatenate3A_1651 = tpu.concatenate %slice3A_1649, %slice3A_1650 in 1 : vector<8x4xi32>, vector<8x1020xi32> -> vector<8x1024xi32>
    %select_n3A_1652 = arith.select %eq3A_1638, %concatenate3A_1648, %concatenate3A_1651 : vector<8x1024xi1>, vector<8x1024xi32>
    %and3A_1653 = arith.constant 512 : i32
    %and3A_1654 = vector.broadcast %and3A_1653 : i32 to vector<8x1024xi32>
    %and3A_1655 = arith.andi %iota3A, %and3A_1654 : vector<8x1024xi32>
    %eq3A_1656 = arith.constant 0 : i32
    %eq3A_1657 = vector.broadcast %eq3A_1656 : i32 to vector<8x1024xi32>
    %eq3A_1658 = arith.cmpi eq, %and3A_1655, %eq3A_1657 : vector<8x1024xi32>
    %lt3A_1659 = arith.cmpf olt, %select_n3A_1645, %select_n3A_1631 : vector<8x1024xf32>
    %eq3A_1660 = arith.cmpf oeq, %select_n3A_1645, %select_n3A_1631 : vector<8x1024xf32>
    %lt3A_1661 = arith.cmpi slt, %select_n3A_1652, %select_n3A_1632 : vector<8x1024xi32>
    %and3A_1662 = arith.andi %eq3A_1660, %lt3A_1661 : vector<8x1024xi1>
    %or3A_1663 = arith.ori %lt3A_1659, %and3A_1662 : vector<8x1024xi1>
    %eq3A_1664 = arith.xori %eq3A_1638, %eq3A_1658 : vector<8x1024xi1>
    %eq3A_1665 = arith.constant dense<true> : vector<8x1024xi1>
    %eq3A_1666 = arith.xori %eq3A_1664, %eq3A_1665 : vector<8x1024xi1>
    %eq3A_1667 = arith.xori %or3A_1663, %eq3A_1666 : vector<8x1024xi1>
    %eq3A_1668 = arith.constant dense<true> : vector<8x1024xi1>
    %eq3A_1669 = arith.xori %eq3A_1667, %eq3A_1668 : vector<8x1024xi1>
    %select_n3A_1670 = arith.select %eq3A_1669, %select_n3A_1645, %select_n3A_1631 : vector<8x1024xi1>, vector<8x1024xf32>
    %select_n3A_1671 = arith.select %eq3A_1669, %select_n3A_1652, %select_n3A_1632 : vector<8x1024xi1>, vector<8x1024xi32>
    %and3A_1672 = arith.constant 2 : i32
    %and3A_1673 = vector.broadcast %and3A_1672 : i32 to vector<8x1024xi32>
    %and3A_1674 = arith.andi %iota3A, %and3A_1673 : vector<8x1024xi32>
    %eq3A_1675 = arith.constant 0 : i32
    %eq3A_1676 = vector.broadcast %eq3A_1675 : i32 to vector<8x1024xi32>
    %eq3A_1677 = arith.cmpi eq, %and3A_1674, %eq3A_1676 : vector<8x1024xi32>
    %slice3A_1678 = vector.extract_strided_slice %select_n3A_1670 {offsets = [0, 2], sizes = [8, 1022], strides = [1, 1]} : vector<8x1024xf32> to vector<8x1022xf32>
    %slice3A_1679 = vector.extract_strided_slice %select_n3A_1670 {offsets = [0, 0], sizes = [8, 2], strides = [1, 1]} : vector<8x1024xf32> to vector<8x2xf32>
    %concatenate3A_1680 = tpu.concatenate %slice3A_1678, %slice3A_1679 in 1 : vector<8x1022xf32>, vector<8x2xf32> -> vector<8x1024xf32>
    %slice3A_1681 = vector.extract_strided_slice %select_n3A_1670 {offsets = [0, 1022], sizes = [8, 2], strides = [1, 1]} : vector<8x1024xf32> to vector<8x2xf32>
    %slice3A_1682 = vector.extract_strided_slice %select_n3A_1670 {offsets = [0, 0], sizes = [8, 1022], strides = [1, 1]} : vector<8x1024xf32> to vector<8x1022xf32>
    %concatenate3A_1683 = tpu.concatenate %slice3A_1681, %slice3A_1682 in 1 : vector<8x2xf32>, vector<8x1022xf32> -> vector<8x1024xf32>
    %select_n3A_1684 = arith.select %eq3A_1677, %concatenate3A_1680, %concatenate3A_1683 : vector<8x1024xi1>, vector<8x1024xf32>
    %slice3A_1685 = vector.extract_strided_slice %select_n3A_1671 {offsets = [0, 2], sizes = [8, 1022], strides = [1, 1]} : vector<8x1024xi32> to vector<8x1022xi32>
    %slice3A_1686 = vector.extract_strided_slice %select_n3A_1671 {offsets = [0, 0], sizes = [8, 2], strides = [1, 1]} : vector<8x1024xi32> to vector<8x2xi32>
    %concatenate3A_1687 = tpu.concatenate %slice3A_1685, %slice3A_1686 in 1 : vector<8x1022xi32>, vector<8x2xi32> -> vector<8x1024xi32>
    %slice3A_1688 = vector.extract_strided_slice %select_n3A_1671 {offsets = [0, 1022], sizes = [8, 2], strides = [1, 1]} : vector<8x1024xi32> to vector<8x2xi32>
    %slice3A_1689 = vector.extract_strided_slice %select_n3A_1671 {offsets = [0, 0], sizes = [8, 1022], strides = [1, 1]} : vector<8x1024xi32> to vector<8x1022xi32>
    %concatenate3A_1690 = tpu.concatenate %slice3A_1688, %slice3A_1689 in 1 : vector<8x2xi32>, vector<8x1022xi32> -> vector<8x1024xi32>
    %select_n3A_1691 = arith.select %eq3A_1677, %concatenate3A_1687, %concatenate3A_1690 : vector<8x1024xi1>, vector<8x1024xi32>
    %and3A_1692 = arith.constant 512 : i32
    %and3A_1693 = vector.broadcast %and3A_1692 : i32 to vector<8x1024xi32>
    %and3A_1694 = arith.andi %iota3A, %and3A_1693 : vector<8x1024xi32>
    %eq3A_1695 = arith.constant 0 : i32
    %eq3A_1696 = vector.broadcast %eq3A_1695 : i32 to vector<8x1024xi32>
    %eq3A_1697 = arith.cmpi eq, %and3A_1694, %eq3A_1696 : vector<8x1024xi32>
    %lt3A_1698 = arith.cmpf olt, %select_n3A_1684, %select_n3A_1670 : vector<8x1024xf32>
    %eq3A_1699 = arith.cmpf oeq, %select_n3A_1684, %select_n3A_1670 : vector<8x1024xf32>
    %lt3A_1700 = arith.cmpi slt, %select_n3A_1691, %select_n3A_1671 : vector<8x1024xi32>
    %and3A_1701 = arith.andi %eq3A_1699, %lt3A_1700 : vector<8x1024xi1>
    %or3A_1702 = arith.ori %lt3A_1698, %and3A_1701 : vector<8x1024xi1>
    %eq3A_1703 = arith.xori %eq3A_1677, %eq3A_1697 : vector<8x1024xi1>
    %eq3A_1704 = arith.constant dense<true> : vector<8x1024xi1>
    %eq3A_1705 = arith.xori %eq3A_1703, %eq3A_1704 : vector<8x1024xi1>
    %eq3A_1706 = arith.xori %or3A_1702, %eq3A_1705 : vector<8x1024xi1>
    %eq3A_1707 = arith.constant dense<true> : vector<8x1024xi1>
    %eq3A_1708 = arith.xori %eq3A_1706, %eq3A_1707 : vector<8x1024xi1>
    %select_n3A_1709 = arith.select %eq3A_1708, %select_n3A_1684, %select_n3A_1670 : vector<8x1024xi1>, vector<8x1024xf32>
    %select_n3A_1710 = arith.select %eq3A_1708, %select_n3A_1691, %select_n3A_1671 : vector<8x1024xi1>, vector<8x1024xi32>
    %and3A_1711 = arith.constant 1 : i32
    %and3A_1712 = vector.broadcast %and3A_1711 : i32 to vector<8x1024xi32>
    %and3A_1713 = arith.andi %iota3A, %and3A_1712 : vector<8x1024xi32>
    %eq3A_1714 = arith.constant 0 : i32
    %eq3A_1715 = vector.broadcast %eq3A_1714 : i32 to vector<8x1024xi32>
    %eq3A_1716 = arith.cmpi eq, %and3A_1713, %eq3A_1715 : vector<8x1024xi32>
    %slice3A_1717 = vector.extract_strided_slice %select_n3A_1709 {offsets = [0, 1], sizes = [8, 1023], strides = [1, 1]} : vector<8x1024xf32> to vector<8x1023xf32>
    %slice3A_1718 = vector.extract_strided_slice %select_n3A_1709 {offsets = [0, 0], sizes = [8, 1], strides = [1, 1]} : vector<8x1024xf32> to vector<8x1xf32>
    %concatenate3A_1719 = tpu.concatenate %slice3A_1717, %slice3A_1718 in 1 : vector<8x1023xf32>, vector<8x1xf32> -> vector<8x1024xf32>
    %slice3A_1720 = vector.extract_strided_slice %select_n3A_1709 {offsets = [0, 1023], sizes = [8, 1], strides = [1, 1]} : vector<8x1024xf32> to vector<8x1xf32>
    %slice3A_1721 = vector.extract_strided_slice %select_n3A_1709 {offsets = [0, 0], sizes = [8, 1023], strides = [1, 1]} : vector<8x1024xf32> to vector<8x1023xf32>
    %concatenate3A_1722 = tpu.concatenate %slice3A_1720, %slice3A_1721 in 1 : vector<8x1xf32>, vector<8x1023xf32> -> vector<8x1024xf32>
    %select_n3A_1723 = arith.select %eq3A_1716, %concatenate3A_1719, %concatenate3A_1722 : vector<8x1024xi1>, vector<8x1024xf32>
    %slice3A_1724 = vector.extract_strided_slice %select_n3A_1710 {offsets = [0, 1], sizes = [8, 1023], strides = [1, 1]} : vector<8x1024xi32> to vector<8x1023xi32>
    %slice3A_1725 = vector.extract_strided_slice %select_n3A_1710 {offsets = [0, 0], sizes = [8, 1], strides = [1, 1]} : vector<8x1024xi32> to vector<8x1xi32>
    %concatenate3A_1726 = tpu.concatenate %slice3A_1724, %slice3A_1725 in 1 : vector<8x1023xi32>, vector<8x1xi32> -> vector<8x1024xi32>
    %slice3A_1727 = vector.extract_strided_slice %select_n3A_1710 {offsets = [0, 1023], sizes = [8, 1], strides = [1, 1]} : vector<8x1024xi32> to vector<8x1xi32>
    %slice3A_1728 = vector.extract_strided_slice %select_n3A_1710 {offsets = [0, 0], sizes = [8, 1023], strides = [1, 1]} : vector<8x1024xi32> to vector<8x1023xi32>
    %concatenate3A_1729 = tpu.concatenate %slice3A_1727, %slice3A_1728 in 1 : vector<8x1xi32>, vector<8x1023xi32> -> vector<8x1024xi32>
    %select_n3A_1730 = arith.select %eq3A_1716, %concatenate3A_1726, %concatenate3A_1729 : vector<8x1024xi1>, vector<8x1024xi32>
    %and3A_1731 = arith.constant 512 : i32
    %and3A_1732 = vector.broadcast %and3A_1731 : i32 to vector<8x1024xi32>
    %and3A_1733 = arith.andi %iota3A, %and3A_1732 : vector<8x1024xi32>
    %eq3A_1734 = arith.constant 0 : i32
    %eq3A_1735 = vector.broadcast %eq3A_1734 : i32 to vector<8x1024xi32>
    %eq3A_1736 = arith.cmpi eq, %and3A_1733, %eq3A_1735 : vector<8x1024xi32>
    %lt3A_1737 = arith.cmpf olt, %select_n3A_1723, %select_n3A_1709 : vector<8x1024xf32>
    %eq3A_1738 = arith.cmpf oeq, %select_n3A_1723, %select_n3A_1709 : vector<8x1024xf32>
    %lt3A_1739 = arith.cmpi slt, %select_n3A_1730, %select_n3A_1710 : vector<8x1024xi32>
    %and3A_1740 = arith.andi %eq3A_1738, %lt3A_1739 : vector<8x1024xi1>
    %or3A_1741 = arith.ori %lt3A_1737, %and3A_1740 : vector<8x1024xi1>
    %eq3A_1742 = arith.xori %eq3A_1716, %eq3A_1736 : vector<8x1024xi1>
    %eq3A_1743 = arith.constant dense<true> : vector<8x1024xi1>
    %eq3A_1744 = arith.xori %eq3A_1742, %eq3A_1743 : vector<8x1024xi1>
    %eq3A_1745 = arith.xori %or3A_1741, %eq3A_1744 : vector<8x1024xi1>
    %eq3A_1746 = arith.constant dense<true> : vector<8x1024xi1>
    %eq3A_1747 = arith.xori %eq3A_1745, %eq3A_1746 : vector<8x1024xi1>
    %select_n3A_1748 = arith.select %eq3A_1747, %select_n3A_1723, %select_n3A_1709 : vector<8x1024xi1>, vector<8x1024xf32>
    %select_n3A_1749 = arith.select %eq3A_1747, %select_n3A_1730, %select_n3A_1710 : vector<8x1024xi1>, vector<8x1024xi32>
    %and3A_1750 = arith.constant 512 : i32
    %and3A_1751 = vector.broadcast %and3A_1750 : i32 to vector<8x1024xi32>
    %and3A_1752 = arith.andi %iota3A, %and3A_1751 : vector<8x1024xi32>
    %eq3A_1753 = arith.constant 0 : i32
    %eq3A_1754 = vector.broadcast %eq3A_1753 : i32 to vector<8x1024xi32>
    %eq3A_1755 = arith.cmpi eq, %and3A_1752, %eq3A_1754 : vector<8x1024xi32>
    %slice3A_1756 = vector.extract_strided_slice %select_n3A_1748 {offsets = [0, 512], sizes = [8, 512], strides = [1, 1]} : vector<8x1024xf32> to vector<8x512xf32>
    %slice3A_1757 = vector.extract_strided_slice %select_n3A_1748 {offsets = [0, 0], sizes = [8, 512], strides = [1, 1]} : vector<8x1024xf32> to vector<8x512xf32>
    %concatenate3A_1758 = tpu.concatenate %slice3A_1756, %slice3A_1757 in 1 : vector<8x512xf32>, vector<8x512xf32> -> vector<8x1024xf32>
    %slice3A_1759 = vector.extract_strided_slice %select_n3A_1748 {offsets = [0, 512], sizes = [8, 512], strides = [1, 1]} : vector<8x1024xf32> to vector<8x512xf32>
    %slice3A_1760 = vector.extract_strided_slice %select_n3A_1748 {offsets = [0, 0], sizes = [8, 512], strides = [1, 1]} : vector<8x1024xf32> to vector<8x512xf32>
    %concatenate3A_1761 = tpu.concatenate %slice3A_1759, %slice3A_1760 in 1 : vector<8x512xf32>, vector<8x512xf32> -> vector<8x1024xf32>
    %select_n3A_1762 = arith.select %eq3A_1755, %concatenate3A_1758, %concatenate3A_1761 : vector<8x1024xi1>, vector<8x1024xf32>
    %slice3A_1763 = vector.extract_strided_slice %select_n3A_1749 {offsets = [0, 512], sizes = [8, 512], strides = [1, 1]} : vector<8x1024xi32> to vector<8x512xi32>
    %slice3A_1764 = vector.extract_strided_slice %select_n3A_1749 {offsets = [0, 0], sizes = [8, 512], strides = [1, 1]} : vector<8x1024xi32> to vector<8x512xi32>
    %concatenate3A_1765 = tpu.concatenate %slice3A_1763, %slice3A_1764 in 1 : vector<8x512xi32>, vector<8x512xi32> -> vector<8x1024xi32>
    %slice3A_1766 = vector.extract_strided_slice %select_n3A_1749 {offsets = [0, 512], sizes = [8, 512], strides = [1, 1]} : vector<8x1024xi32> to vector<8x512xi32>
    %slice3A_1767 = vector.extract_strided_slice %select_n3A_1749 {offsets = [0, 0], sizes = [8, 512], strides = [1, 1]} : vector<8x1024xi32> to vector<8x512xi32>
    %concatenate3A_1768 = tpu.concatenate %slice3A_1766, %slice3A_1767 in 1 : vector<8x512xi32>, vector<8x512xi32> -> vector<8x1024xi32>
    %select_n3A_1769 = arith.select %eq3A_1755, %concatenate3A_1765, %concatenate3A_1768 : vector<8x1024xi1>, vector<8x1024xi32>
    %and3A_1770 = arith.constant 1024 : i32
    %and3A_1771 = vector.broadcast %and3A_1770 : i32 to vector<8x1024xi32>
    %and3A_1772 = arith.andi %iota3A, %and3A_1771 : vector<8x1024xi32>
    %eq3A_1773 = arith.constant 0 : i32
    %eq3A_1774 = vector.broadcast %eq3A_1773 : i32 to vector<8x1024xi32>
    %eq3A_1775 = arith.cmpi eq, %and3A_1772, %eq3A_1774 : vector<8x1024xi32>
    %lt3A_1776 = arith.cmpf olt, %select_n3A_1762, %select_n3A_1748 : vector<8x1024xf32>
    %eq3A_1777 = arith.cmpf oeq, %select_n3A_1762, %select_n3A_1748 : vector<8x1024xf32>
    %lt3A_1778 = arith.cmpi slt, %select_n3A_1769, %select_n3A_1749 : vector<8x1024xi32>
    %and3A_1779 = arith.andi %eq3A_1777, %lt3A_1778 : vector<8x1024xi1>
    %or3A_1780 = arith.ori %lt3A_1776, %and3A_1779 : vector<8x1024xi1>
    %eq3A_1781 = arith.xori %eq3A_1755, %eq3A_1775 : vector<8x1024xi1>
    %eq3A_1782 = arith.constant dense<true> : vector<8x1024xi1>
    %eq3A_1783 = arith.xori %eq3A_1781, %eq3A_1782 : vector<8x1024xi1>
    %eq3A_1784 = arith.xori %or3A_1780, %eq3A_1783 : vector<8x1024xi1>
    %eq3A_1785 = arith.constant dense<true> : vector<8x1024xi1>
    %eq3A_1786 = arith.xori %eq3A_1784, %eq3A_1785 : vector<8x1024xi1>
    %select_n3A_1787 = arith.select %eq3A_1786, %select_n3A_1762, %select_n3A_1748 : vector<8x1024xi1>, vector<8x1024xf32>
    %select_n3A_1788 = arith.select %eq3A_1786, %select_n3A_1769, %select_n3A_1749 : vector<8x1024xi1>, vector<8x1024xi32>
    %and3A_1789 = arith.constant 256 : i32
    %and3A_1790 = vector.broadcast %and3A_1789 : i32 to vector<8x1024xi32>
    %and3A_1791 = arith.andi %iota3A, %and3A_1790 : vector<8x1024xi32>
    %eq3A_1792 = arith.constant 0 : i32
    %eq3A_1793 = vector.broadcast %eq3A_1792 : i32 to vector<8x1024xi32>
    %eq3A_1794 = arith.cmpi eq, %and3A_1791, %eq3A_1793 : vector<8x1024xi32>
    %slice3A_1795 = vector.extract_strided_slice %select_n3A_1787 {offsets = [0, 256], sizes = [8, 768], strides = [1, 1]} : vector<8x1024xf32> to vector<8x768xf32>
    %slice3A_1796 = vector.extract_strided_slice %select_n3A_1787 {offsets = [0, 0], sizes = [8, 256], strides = [1, 1]} : vector<8x1024xf32> to vector<8x256xf32>
    %concatenate3A_1797 = tpu.concatenate %slice3A_1795, %slice3A_1796 in 1 : vector<8x768xf32>, vector<8x256xf32> -> vector<8x1024xf32>
    %slice3A_1798 = vector.extract_strided_slice %select_n3A_1787 {offsets = [0, 768], sizes = [8, 256], strides = [1, 1]} : vector<8x1024xf32> to vector<8x256xf32>
    %slice3A_1799 = vector.extract_strided_slice %select_n3A_1787 {offsets = [0, 0], sizes = [8, 768], strides = [1, 1]} : vector<8x1024xf32> to vector<8x768xf32>
    %concatenate3A_1800 = tpu.concatenate %slice3A_1798, %slice3A_1799 in 1 : vector<8x256xf32>, vector<8x768xf32> -> vector<8x1024xf32>
    %select_n3A_1801 = arith.select %eq3A_1794, %concatenate3A_1797, %concatenate3A_1800 : vector<8x1024xi1>, vector<8x1024xf32>
    %slice3A_1802 = vector.extract_strided_slice %select_n3A_1788 {offsets = [0, 256], sizes = [8, 768], strides = [1, 1]} : vector<8x1024xi32> to vector<8x768xi32>
    %slice3A_1803 = vector.extract_strided_slice %select_n3A_1788 {offsets = [0, 0], sizes = [8, 256], strides = [1, 1]} : vector<8x1024xi32> to vector<8x256xi32>
    %concatenate3A_1804 = tpu.concatenate %slice3A_1802, %slice3A_1803 in 1 : vector<8x768xi32>, vector<8x256xi32> -> vector<8x1024xi32>
    %slice3A_1805 = vector.extract_strided_slice %select_n3A_1788 {offsets = [0, 768], sizes = [8, 256], strides = [1, 1]} : vector<8x1024xi32> to vector<8x256xi32>
    %slice3A_1806 = vector.extract_strided_slice %select_n3A_1788 {offsets = [0, 0], sizes = [8, 768], strides = [1, 1]} : vector<8x1024xi32> to vector<8x768xi32>
    %concatenate3A_1807 = tpu.concatenate %slice3A_1805, %slice3A_1806 in 1 : vector<8x256xi32>, vector<8x768xi32> -> vector<8x1024xi32>
    %select_n3A_1808 = arith.select %eq3A_1794, %concatenate3A_1804, %concatenate3A_1807 : vector<8x1024xi1>, vector<8x1024xi32>
    %and3A_1809 = arith.constant 1024 : i32
    %and3A_1810 = vector.broadcast %and3A_1809 : i32 to vector<8x1024xi32>
    %and3A_1811 = arith.andi %iota3A, %and3A_1810 : vector<8x1024xi32>
    %eq3A_1812 = arith.constant 0 : i32
    %eq3A_1813 = vector.broadcast %eq3A_1812 : i32 to vector<8x1024xi32>
    %eq3A_1814 = arith.cmpi eq, %and3A_1811, %eq3A_1813 : vector<8x1024xi32>
    %lt3A_1815 = arith.cmpf olt, %select_n3A_1801, %select_n3A_1787 : vector<8x1024xf32>
    %eq3A_1816 = arith.cmpf oeq, %select_n3A_1801, %select_n3A_1787 : vector<8x1024xf32>
    %lt3A_1817 = arith.cmpi slt, %select_n3A_1808, %select_n3A_1788 : vector<8x1024xi32>
    %and3A_1818 = arith.andi %eq3A_1816, %lt3A_1817 : vector<8x1024xi1>
    %or3A_1819 = arith.ori %lt3A_1815, %and3A_1818 : vector<8x1024xi1>
    %eq3A_1820 = arith.xori %eq3A_1794, %eq3A_1814 : vector<8x1024xi1>
    %eq3A_1821 = arith.constant dense<true> : vector<8x1024xi1>
    %eq3A_1822 = arith.xori %eq3A_1820, %eq3A_1821 : vector<8x1024xi1>
    %eq3A_1823 = arith.xori %or3A_1819, %eq3A_1822 : vector<8x1024xi1>
    %eq3A_1824 = arith.constant dense<true> : vector<8x1024xi1>
    %eq3A_1825 = arith.xori %eq3A_1823, %eq3A_1824 : vector<8x1024xi1>
    %select_n3A_1826 = arith.select %eq3A_1825, %select_n3A_1801, %select_n3A_1787 : vector<8x1024xi1>, vector<8x1024xf32>
    %select_n3A_1827 = arith.select %eq3A_1825, %select_n3A_1808, %select_n3A_1788 : vector<8x1024xi1>, vector<8x1024xi32>
    %and3A_1828 = arith.constant 128 : i32
    %and3A_1829 = vector.broadcast %and3A_1828 : i32 to vector<8x1024xi32>
    %and3A_1830 = arith.andi %iota3A, %and3A_1829 : vector<8x1024xi32>
    %eq3A_1831 = arith.constant 0 : i32
    %eq3A_1832 = vector.broadcast %eq3A_1831 : i32 to vector<8x1024xi32>
    %eq3A_1833 = arith.cmpi eq, %and3A_1830, %eq3A_1832 : vector<8x1024xi32>
    %slice3A_1834 = vector.extract_strided_slice %select_n3A_1826 {offsets = [0, 128], sizes = [8, 896], strides = [1, 1]} : vector<8x1024xf32> to vector<8x896xf32>
    %slice3A_1835 = vector.extract_strided_slice %select_n3A_1826 {offsets = [0, 0], sizes = [8, 128], strides = [1, 1]} : vector<8x1024xf32> to vector<8x128xf32>
    %concatenate3A_1836 = tpu.concatenate %slice3A_1834, %slice3A_1835 in 1 : vector<8x896xf32>, vector<8x128xf32> -> vector<8x1024xf32>
    %slice3A_1837 = vector.extract_strided_slice %select_n3A_1826 {offsets = [0, 896], sizes = [8, 128], strides = [1, 1]} : vector<8x1024xf32> to vector<8x128xf32>
    %slice3A_1838 = vector.extract_strided_slice %select_n3A_1826 {offsets = [0, 0], sizes = [8, 896], strides = [1, 1]} : vector<8x1024xf32> to vector<8x896xf32>
    %concatenate3A_1839 = tpu.concatenate %slice3A_1837, %slice3A_1838 in 1 : vector<8x128xf32>, vector<8x896xf32> -> vector<8x1024xf32>
    %select_n3A_1840 = arith.select %eq3A_1833, %concatenate3A_1836, %concatenate3A_1839 : vector<8x1024xi1>, vector<8x1024xf32>
    %slice3A_1841 = vector.extract_strided_slice %select_n3A_1827 {offsets = [0, 128], sizes = [8, 896], strides = [1, 1]} : vector<8x1024xi32> to vector<8x896xi32>
    %slice3A_1842 = vector.extract_strided_slice %select_n3A_1827 {offsets = [0, 0], sizes = [8, 128], strides = [1, 1]} : vector<8x1024xi32> to vector<8x128xi32>
    %concatenate3A_1843 = tpu.concatenate %slice3A_1841, %slice3A_1842 in 1 : vector<8x896xi32>, vector<8x128xi32> -> vector<8x1024xi32>
    %slice3A_1844 = vector.extract_strided_slice %select_n3A_1827 {offsets = [0, 896], sizes = [8, 128], strides = [1, 1]} : vector<8x1024xi32> to vector<8x128xi32>
    %slice3A_1845 = vector.extract_strided_slice %select_n3A_1827 {offsets = [0, 0], sizes = [8, 896], strides = [1, 1]} : vector<8x1024xi32> to vector<8x896xi32>
    %concatenate3A_1846 = tpu.concatenate %slice3A_1844, %slice3A_1845 in 1 : vector<8x128xi32>, vector<8x896xi32> -> vector<8x1024xi32>
    %select_n3A_1847 = arith.select %eq3A_1833, %concatenate3A_1843, %concatenate3A_1846 : vector<8x1024xi1>, vector<8x1024xi32>
    %and3A_1848 = arith.constant 1024 : i32
    %and3A_1849 = vector.broadcast %and3A_1848 : i32 to vector<8x1024xi32>
    %and3A_1850 = arith.andi %iota3A, %and3A_1849 : vector<8x1024xi32>
    %eq3A_1851 = arith.constant 0 : i32
    %eq3A_1852 = vector.broadcast %eq3A_1851 : i32 to vector<8x1024xi32>
    %eq3A_1853 = arith.cmpi eq, %and3A_1850, %eq3A_1852 : vector<8x1024xi32>
    %lt3A_1854 = arith.cmpf olt, %select_n3A_1840, %select_n3A_1826 : vector<8x1024xf32>
    %eq3A_1855 = arith.cmpf oeq, %select_n3A_1840, %select_n3A_1826 : vector<8x1024xf32>
    %lt3A_1856 = arith.cmpi slt, %select_n3A_1847, %select_n3A_1827 : vector<8x1024xi32>
    %and3A_1857 = arith.andi %eq3A_1855, %lt3A_1856 : vector<8x1024xi1>
    %or3A_1858 = arith.ori %lt3A_1854, %and3A_1857 : vector<8x1024xi1>
    %eq3A_1859 = arith.xori %eq3A_1833, %eq3A_1853 : vector<8x1024xi1>
    %eq3A_1860 = arith.constant dense<true> : vector<8x1024xi1>
    %eq3A_1861 = arith.xori %eq3A_1859, %eq3A_1860 : vector<8x1024xi1>
    %eq3A_1862 = arith.xori %or3A_1858, %eq3A_1861 : vector<8x1024xi1>
    %eq3A_1863 = arith.constant dense<true> : vector<8x1024xi1>
    %eq3A_1864 = arith.xori %eq3A_1862, %eq3A_1863 : vector<8x1024xi1>
    %select_n3A_1865 = arith.select %eq3A_1864, %select_n3A_1840, %select_n3A_1826 : vector<8x1024xi1>, vector<8x1024xf32>
    %select_n3A_1866 = arith.select %eq3A_1864, %select_n3A_1847, %select_n3A_1827 : vector<8x1024xi1>, vector<8x1024xi32>
    %and3A_1867 = arith.constant 64 : i32
    %and3A_1868 = vector.broadcast %and3A_1867 : i32 to vector<8x1024xi32>
    %and3A_1869 = arith.andi %iota3A, %and3A_1868 : vector<8x1024xi32>
    %eq3A_1870 = arith.constant 0 : i32
    %eq3A_1871 = vector.broadcast %eq3A_1870 : i32 to vector<8x1024xi32>
    %eq3A_1872 = arith.cmpi eq, %and3A_1869, %eq3A_1871 : vector<8x1024xi32>
    %slice3A_1873 = vector.extract_strided_slice %select_n3A_1865 {offsets = [0, 64], sizes = [8, 960], strides = [1, 1]} : vector<8x1024xf32> to vector<8x960xf32>
    %slice3A_1874 = vector.extract_strided_slice %select_n3A_1865 {offsets = [0, 0], sizes = [8, 64], strides = [1, 1]} : vector<8x1024xf32> to vector<8x64xf32>
    %concatenate3A_1875 = tpu.concatenate %slice3A_1873, %slice3A_1874 in 1 : vector<8x960xf32>, vector<8x64xf32> -> vector<8x1024xf32>
    %slice3A_1876 = vector.extract_strided_slice %select_n3A_1865 {offsets = [0, 960], sizes = [8, 64], strides = [1, 1]} : vector<8x1024xf32> to vector<8x64xf32>
    %slice3A_1877 = vector.extract_strided_slice %select_n3A_1865 {offsets = [0, 0], sizes = [8, 960], strides = [1, 1]} : vector<8x1024xf32> to vector<8x960xf32>
    %concatenate3A_1878 = tpu.concatenate %slice3A_1876, %slice3A_1877 in 1 : vector<8x64xf32>, vector<8x960xf32> -> vector<8x1024xf32>
    %select_n3A_1879 = arith.select %eq3A_1872, %concatenate3A_1875, %concatenate3A_1878 : vector<8x1024xi1>, vector<8x1024xf32>
    %slice3A_1880 = vector.extract_strided_slice %select_n3A_1866 {offsets = [0, 64], sizes = [8, 960], strides = [1, 1]} : vector<8x1024xi32> to vector<8x960xi32>
    %slice3A_1881 = vector.extract_strided_slice %select_n3A_1866 {offsets = [0, 0], sizes = [8, 64], strides = [1, 1]} : vector<8x1024xi32> to vector<8x64xi32>
    %concatenate3A_1882 = tpu.concatenate %slice3A_1880, %slice3A_1881 in 1 : vector<8x960xi32>, vector<8x64xi32> -> vector<8x1024xi32>
    %slice3A_1883 = vector.extract_strided_slice %select_n3A_1866 {offsets = [0, 960], sizes = [8, 64], strides = [1, 1]} : vector<8x1024xi32> to vector<8x64xi32>
    %slice3A_1884 = vector.extract_strided_slice %select_n3A_1866 {offsets = [0, 0], sizes = [8, 960], strides = [1, 1]} : vector<8x1024xi32> to vector<8x960xi32>
    %concatenate3A_1885 = tpu.concatenate %slice3A_1883, %slice3A_1884 in 1 : vector<8x64xi32>, vector<8x960xi32> -> vector<8x1024xi32>
    %select_n3A_1886 = arith.select %eq3A_1872, %concatenate3A_1882, %concatenate3A_1885 : vector<8x1024xi1>, vector<8x1024xi32>
    %and3A_1887 = arith.constant 1024 : i32
    %and3A_1888 = vector.broadcast %and3A_1887 : i32 to vector<8x1024xi32>
    %and3A_1889 = arith.andi %iota3A, %and3A_1888 : vector<8x1024xi32>
    %eq3A_1890 = arith.constant 0 : i32
    %eq3A_1891 = vector.broadcast %eq3A_1890 : i32 to vector<8x1024xi32>
    %eq3A_1892 = arith.cmpi eq, %and3A_1889, %eq3A_1891 : vector<8x1024xi32>
    %lt3A_1893 = arith.cmpf olt, %select_n3A_1879, %select_n3A_1865 : vector<8x1024xf32>
    %eq3A_1894 = arith.cmpf oeq, %select_n3A_1879, %select_n3A_1865 : vector<8x1024xf32>
    %lt3A_1895 = arith.cmpi slt, %select_n3A_1886, %select_n3A_1866 : vector<8x1024xi32>
    %and3A_1896 = arith.andi %eq3A_1894, %lt3A_1895 : vector<8x1024xi1>
    %or3A_1897 = arith.ori %lt3A_1893, %and3A_1896 : vector<8x1024xi1>
    %eq3A_1898 = arith.xori %eq3A_1872, %eq3A_1892 : vector<8x1024xi1>
    %eq3A_1899 = arith.constant dense<true> : vector<8x1024xi1>
    %eq3A_1900 = arith.xori %eq3A_1898, %eq3A_1899 : vector<8x1024xi1>
    %eq3A_1901 = arith.xori %or3A_1897, %eq3A_1900 : vector<8x1024xi1>
    %eq3A_1902 = arith.constant dense<true> : vector<8x1024xi1>
    %eq3A_1903 = arith.xori %eq3A_1901, %eq3A_1902 : vector<8x1024xi1>
    %select_n3A_1904 = arith.select %eq3A_1903, %select_n3A_1879, %select_n3A_1865 : vector<8x1024xi1>, vector<8x1024xf32>
    %select_n3A_1905 = arith.select %eq3A_1903, %select_n3A_1886, %select_n3A_1866 : vector<8x1024xi1>, vector<8x1024xi32>
    %and3A_1906 = arith.constant 32 : i32
    %and3A_1907 = vector.broadcast %and3A_1906 : i32 to vector<8x1024xi32>
    %and3A_1908 = arith.andi %iota3A, %and3A_1907 : vector<8x1024xi32>
    %eq3A_1909 = arith.constant 0 : i32
    %eq3A_1910 = vector.broadcast %eq3A_1909 : i32 to vector<8x1024xi32>
    %eq3A_1911 = arith.cmpi eq, %and3A_1908, %eq3A_1910 : vector<8x1024xi32>
    %slice3A_1912 = vector.extract_strided_slice %select_n3A_1904 {offsets = [0, 32], sizes = [8, 992], strides = [1, 1]} : vector<8x1024xf32> to vector<8x992xf32>
    %slice3A_1913 = vector.extract_strided_slice %select_n3A_1904 {offsets = [0, 0], sizes = [8, 32], strides = [1, 1]} : vector<8x1024xf32> to vector<8x32xf32>
    %concatenate3A_1914 = tpu.concatenate %slice3A_1912, %slice3A_1913 in 1 : vector<8x992xf32>, vector<8x32xf32> -> vector<8x1024xf32>
    %slice3A_1915 = vector.extract_strided_slice %select_n3A_1904 {offsets = [0, 992], sizes = [8, 32], strides = [1, 1]} : vector<8x1024xf32> to vector<8x32xf32>
    %slice3A_1916 = vector.extract_strided_slice %select_n3A_1904 {offsets = [0, 0], sizes = [8, 992], strides = [1, 1]} : vector<8x1024xf32> to vector<8x992xf32>
    %concatenate3A_1917 = tpu.concatenate %slice3A_1915, %slice3A_1916 in 1 : vector<8x32xf32>, vector<8x992xf32> -> vector<8x1024xf32>
    %select_n3A_1918 = arith.select %eq3A_1911, %concatenate3A_1914, %concatenate3A_1917 : vector<8x1024xi1>, vector<8x1024xf32>
    %slice3A_1919 = vector.extract_strided_slice %select_n3A_1905 {offsets = [0, 32], sizes = [8, 992], strides = [1, 1]} : vector<8x1024xi32> to vector<8x992xi32>
    %slice3A_1920 = vector.extract_strided_slice %select_n3A_1905 {offsets = [0, 0], sizes = [8, 32], strides = [1, 1]} : vector<8x1024xi32> to vector<8x32xi32>
    %concatenate3A_1921 = tpu.concatenate %slice3A_1919, %slice3A_1920 in 1 : vector<8x992xi32>, vector<8x32xi32> -> vector<8x1024xi32>
    %slice3A_1922 = vector.extract_strided_slice %select_n3A_1905 {offsets = [0, 992], sizes = [8, 32], strides = [1, 1]} : vector<8x1024xi32> to vector<8x32xi32>
    %slice3A_1923 = vector.extract_strided_slice %select_n3A_1905 {offsets = [0, 0], sizes = [8, 992], strides = [1, 1]} : vector<8x1024xi32> to vector<8x992xi32>
    %concatenate3A_1924 = tpu.concatenate %slice3A_1922, %slice3A_1923 in 1 : vector<8x32xi32>, vector<8x992xi32> -> vector<8x1024xi32>
    %select_n3A_1925 = arith.select %eq3A_1911, %concatenate3A_1921, %concatenate3A_1924 : vector<8x1024xi1>, vector<8x1024xi32>
    %and3A_1926 = arith.constant 1024 : i32
    %and3A_1927 = vector.broadcast %and3A_1926 : i32 to vector<8x1024xi32>
    %and3A_1928 = arith.andi %iota3A, %and3A_1927 : vector<8x1024xi32>
    %eq3A_1929 = arith.constant 0 : i32
    %eq3A_1930 = vector.broadcast %eq3A_1929 : i32 to vector<8x1024xi32>
    %eq3A_1931 = arith.cmpi eq, %and3A_1928, %eq3A_1930 : vector<8x1024xi32>
    %lt3A_1932 = arith.cmpf olt, %select_n3A_1918, %select_n3A_1904 : vector<8x1024xf32>
    %eq3A_1933 = arith.cmpf oeq, %select_n3A_1918, %select_n3A_1904 : vector<8x1024xf32>
    %lt3A_1934 = arith.cmpi slt, %select_n3A_1925, %select_n3A_1905 : vector<8x1024xi32>
    %and3A_1935 = arith.andi %eq3A_1933, %lt3A_1934 : vector<8x1024xi1>
    %or3A_1936 = arith.ori %lt3A_1932, %and3A_1935 : vector<8x1024xi1>
    %eq3A_1937 = arith.xori %eq3A_1911, %eq3A_1931 : vector<8x1024xi1>
    %eq3A_1938 = arith.constant dense<true> : vector<8x1024xi1>
    %eq3A_1939 = arith.xori %eq3A_1937, %eq3A_1938 : vector<8x1024xi1>
    %eq3A_1940 = arith.xori %or3A_1936, %eq3A_1939 : vector<8x1024xi1>
    %eq3A_1941 = arith.constant dense<true> : vector<8x1024xi1>
    %eq3A_1942 = arith.xori %eq3A_1940, %eq3A_1941 : vector<8x1024xi1>
    %select_n3A_1943 = arith.select %eq3A_1942, %select_n3A_1918, %select_n3A_1904 : vector<8x1024xi1>, vector<8x1024xf32>
    %select_n3A_1944 = arith.select %eq3A_1942, %select_n3A_1925, %select_n3A_1905 : vector<8x1024xi1>, vector<8x1024xi32>
    %and3A_1945 = arith.constant 16 : i32
    %and3A_1946 = vector.broadcast %and3A_1945 : i32 to vector<8x1024xi32>
    %and3A_1947 = arith.andi %iota3A, %and3A_1946 : vector<8x1024xi32>
    %eq3A_1948 = arith.constant 0 : i32
    %eq3A_1949 = vector.broadcast %eq3A_1948 : i32 to vector<8x1024xi32>
    %eq3A_1950 = arith.cmpi eq, %and3A_1947, %eq3A_1949 : vector<8x1024xi32>
    %slice3A_1951 = vector.extract_strided_slice %select_n3A_1943 {offsets = [0, 16], sizes = [8, 1008], strides = [1, 1]} : vector<8x1024xf32> to vector<8x1008xf32>
    %slice3A_1952 = vector.extract_strided_slice %select_n3A_1943 {offsets = [0, 0], sizes = [8, 16], strides = [1, 1]} : vector<8x1024xf32> to vector<8x16xf32>
    %concatenate3A_1953 = tpu.concatenate %slice3A_1951, %slice3A_1952 in 1 : vector<8x1008xf32>, vector<8x16xf32> -> vector<8x1024xf32>
    %slice3A_1954 = vector.extract_strided_slice %select_n3A_1943 {offsets = [0, 1008], sizes = [8, 16], strides = [1, 1]} : vector<8x1024xf32> to vector<8x16xf32>
    %slice3A_1955 = vector.extract_strided_slice %select_n3A_1943 {offsets = [0, 0], sizes = [8, 1008], strides = [1, 1]} : vector<8x1024xf32> to vector<8x1008xf32>
    %concatenate3A_1956 = tpu.concatenate %slice3A_1954, %slice3A_1955 in 1 : vector<8x16xf32>, vector<8x1008xf32> -> vector<8x1024xf32>
    %select_n3A_1957 = arith.select %eq3A_1950, %concatenate3A_1953, %concatenate3A_1956 : vector<8x1024xi1>, vector<8x1024xf32>
    %slice3A_1958 = vector.extract_strided_slice %select_n3A_1944 {offsets = [0, 16], sizes = [8, 1008], strides = [1, 1]} : vector<8x1024xi32> to vector<8x1008xi32>
    %slice3A_1959 = vector.extract_strided_slice %select_n3A_1944 {offsets = [0, 0], sizes = [8, 16], strides = [1, 1]} : vector<8x1024xi32> to vector<8x16xi32>
    %concatenate3A_1960 = tpu.concatenate %slice3A_1958, %slice3A_1959 in 1 : vector<8x1008xi32>, vector<8x16xi32> -> vector<8x1024xi32>
    %slice3A_1961 = vector.extract_strided_slice %select_n3A_1944 {offsets = [0, 1008], sizes = [8, 16], strides = [1, 1]} : vector<8x1024xi32> to vector<8x16xi32>
    %slice3A_1962 = vector.extract_strided_slice %select_n3A_1944 {offsets = [0, 0], sizes = [8, 1008], strides = [1, 1]} : vector<8x1024xi32> to vector<8x1008xi32>
    %concatenate3A_1963 = tpu.concatenate %slice3A_1961, %slice3A_1962 in 1 : vector<8x16xi32>, vector<8x1008xi32> -> vector<8x1024xi32>
    %select_n3A_1964 = arith.select %eq3A_1950, %concatenate3A_1960, %concatenate3A_1963 : vector<8x1024xi1>, vector<8x1024xi32>
    %and3A_1965 = arith.constant 1024 : i32
    %and3A_1966 = vector.broadcast %and3A_1965 : i32 to vector<8x1024xi32>
    %and3A_1967 = arith.andi %iota3A, %and3A_1966 : vector<8x1024xi32>
    %eq3A_1968 = arith.constant 0 : i32
    %eq3A_1969 = vector.broadcast %eq3A_1968 : i32 to vector<8x1024xi32>
    %eq3A_1970 = arith.cmpi eq, %and3A_1967, %eq3A_1969 : vector<8x1024xi32>
    %lt3A_1971 = arith.cmpf olt, %select_n3A_1957, %select_n3A_1943 : vector<8x1024xf32>
    %eq3A_1972 = arith.cmpf oeq, %select_n3A_1957, %select_n3A_1943 : vector<8x1024xf32>
    %lt3A_1973 = arith.cmpi slt, %select_n3A_1964, %select_n3A_1944 : vector<8x1024xi32>
    %and3A_1974 = arith.andi %eq3A_1972, %lt3A_1973 : vector<8x1024xi1>
    %or3A_1975 = arith.ori %lt3A_1971, %and3A_1974 : vector<8x1024xi1>
    %eq3A_1976 = arith.xori %eq3A_1950, %eq3A_1970 : vector<8x1024xi1>
    %eq3A_1977 = arith.constant dense<true> : vector<8x1024xi1>
    %eq3A_1978 = arith.xori %eq3A_1976, %eq3A_1977 : vector<8x1024xi1>
    %eq3A_1979 = arith.xori %or3A_1975, %eq3A_1978 : vector<8x1024xi1>
    %eq3A_1980 = arith.constant dense<true> : vector<8x1024xi1>
    %eq3A_1981 = arith.xori %eq3A_1979, %eq3A_1980 : vector<8x1024xi1>
    %select_n3A_1982 = arith.select %eq3A_1981, %select_n3A_1957, %select_n3A_1943 : vector<8x1024xi1>, vector<8x1024xf32>
    %select_n3A_1983 = arith.select %eq3A_1981, %select_n3A_1964, %select_n3A_1944 : vector<8x1024xi1>, vector<8x1024xi32>
    %and3A_1984 = arith.constant 8 : i32
    %and3A_1985 = vector.broadcast %and3A_1984 : i32 to vector<8x1024xi32>
    %and3A_1986 = arith.andi %iota3A, %and3A_1985 : vector<8x1024xi32>
    %eq3A_1987 = arith.constant 0 : i32
    %eq3A_1988 = vector.broadcast %eq3A_1987 : i32 to vector<8x1024xi32>
    %eq3A_1989 = arith.cmpi eq, %and3A_1986, %eq3A_1988 : vector<8x1024xi32>
    %slice3A_1990 = vector.extract_strided_slice %select_n3A_1982 {offsets = [0, 8], sizes = [8, 1016], strides = [1, 1]} : vector<8x1024xf32> to vector<8x1016xf32>
    %slice3A_1991 = vector.extract_strided_slice %select_n3A_1982 {offsets = [0, 0], sizes = [8, 8], strides = [1, 1]} : vector<8x1024xf32> to vector<8x8xf32>
    %concatenate3A_1992 = tpu.concatenate %slice3A_1990, %slice3A_1991 in 1 : vector<8x1016xf32>, vector<8x8xf32> -> vector<8x1024xf32>
    %slice3A_1993 = vector.extract_strided_slice %select_n3A_1982 {offsets = [0, 1016], sizes = [8, 8], strides = [1, 1]} : vector<8x1024xf32> to vector<8x8xf32>
    %slice3A_1994 = vector.extract_strided_slice %select_n3A_1982 {offsets = [0, 0], sizes = [8, 1016], strides = [1, 1]} : vector<8x1024xf32> to vector<8x1016xf32>
    %concatenate3A_1995 = tpu.concatenate %slice3A_1993, %slice3A_1994 in 1 : vector<8x8xf32>, vector<8x1016xf32> -> vector<8x1024xf32>
    %select_n3A_1996 = arith.select %eq3A_1989, %concatenate3A_1992, %concatenate3A_1995 : vector<8x1024xi1>, vector<8x1024xf32>
    %slice3A_1997 = vector.extract_strided_slice %select_n3A_1983 {offsets = [0, 8], sizes = [8, 1016], strides = [1, 1]} : vector<8x1024xi32> to vector<8x1016xi32>
    %slice3A_1998 = vector.extract_strided_slice %select_n3A_1983 {offsets = [0, 0], sizes = [8, 8], strides = [1, 1]} : vector<8x1024xi32> to vector<8x8xi32>
    %concatenate3A_1999 = tpu.concatenate %slice3A_1997, %slice3A_1998 in 1 : vector<8x1016xi32>, vector<8x8xi32> -> vector<8x1024xi32>
    %slice3A_2000 = vector.extract_strided_slice %select_n3A_1983 {offsets = [0, 1016], sizes = [8, 8], strides = [1, 1]} : vector<8x1024xi32> to vector<8x8xi32>
    %slice3A_2001 = vector.extract_strided_slice %select_n3A_1983 {offsets = [0, 0], sizes = [8, 1016], strides = [1, 1]} : vector<8x1024xi32> to vector<8x1016xi32>
    %concatenate3A_2002 = tpu.concatenate %slice3A_2000, %slice3A_2001 in 1 : vector<8x8xi32>, vector<8x1016xi32> -> vector<8x1024xi32>
    %select_n3A_2003 = arith.select %eq3A_1989, %concatenate3A_1999, %concatenate3A_2002 : vector<8x1024xi1>, vector<8x1024xi32>
    %and3A_2004 = arith.constant 1024 : i32
    %and3A_2005 = vector.broadcast %and3A_2004 : i32 to vector<8x1024xi32>
    %and3A_2006 = arith.andi %iota3A, %and3A_2005 : vector<8x1024xi32>
    %eq3A_2007 = arith.constant 0 : i32
    %eq3A_2008 = vector.broadcast %eq3A_2007 : i32 to vector<8x1024xi32>
    %eq3A_2009 = arith.cmpi eq, %and3A_2006, %eq3A_2008 : vector<8x1024xi32>
    %lt3A_2010 = arith.cmpf olt, %select_n3A_1996, %select_n3A_1982 : vector<8x1024xf32>
    %eq3A_2011 = arith.cmpf oeq, %select_n3A_1996, %select_n3A_1982 : vector<8x1024xf32>
    %lt3A_2012 = arith.cmpi slt, %select_n3A_2003, %select_n3A_1983 : vector<8x1024xi32>
    %and3A_2013 = arith.andi %eq3A_2011, %lt3A_2012 : vector<8x1024xi1>
    %or3A_2014 = arith.ori %lt3A_2010, %and3A_2013 : vector<8x1024xi1>
    %eq3A_2015 = arith.xori %eq3A_1989, %eq3A_2009 : vector<8x1024xi1>
    %eq3A_2016 = arith.constant dense<true> : vector<8x1024xi1>
    %eq3A_2017 = arith.xori %eq3A_2015, %eq3A_2016 : vector<8x1024xi1>
    %eq3A_2018 = arith.xori %or3A_2014, %eq3A_2017 : vector<8x1024xi1>
    %eq3A_2019 = arith.constant dense<true> : vector<8x1024xi1>
    %eq3A_2020 = arith.xori %eq3A_2018, %eq3A_2019 : vector<8x1024xi1>
    %select_n3A_2021 = arith.select %eq3A_2020, %select_n3A_1996, %select_n3A_1982 : vector<8x1024xi1>, vector<8x1024xf32>
    %select_n3A_2022 = arith.select %eq3A_2020, %select_n3A_2003, %select_n3A_1983 : vector<8x1024xi1>, vector<8x1024xi32>
    %and3A_2023 = arith.constant 4 : i32
    %and3A_2024 = vector.broadcast %and3A_2023 : i32 to vector<8x1024xi32>
    %and3A_2025 = arith.andi %iota3A, %and3A_2024 : vector<8x1024xi32>
    %eq3A_2026 = arith.constant 0 : i32
    %eq3A_2027 = vector.broadcast %eq3A_2026 : i32 to vector<8x1024xi32>
    %eq3A_2028 = arith.cmpi eq, %and3A_2025, %eq3A_2027 : vector<8x1024xi32>
    %slice3A_2029 = vector.extract_strided_slice %select_n3A_2021 {offsets = [0, 4], sizes = [8, 1020], strides = [1, 1]} : vector<8x1024xf32> to vector<8x1020xf32>
    %slice3A_2030 = vector.extract_strided_slice %select_n3A_2021 {offsets = [0, 0], sizes = [8, 4], strides = [1, 1]} : vector<8x1024xf32> to vector<8x4xf32>
    %concatenate3A_2031 = tpu.concatenate %slice3A_2029, %slice3A_2030 in 1 : vector<8x1020xf32>, vector<8x4xf32> -> vector<8x1024xf32>
    %slice3A_2032 = vector.extract_strided_slice %select_n3A_2021 {offsets = [0, 1020], sizes = [8, 4], strides = [1, 1]} : vector<8x1024xf32> to vector<8x4xf32>
    %slice3A_2033 = vector.extract_strided_slice %select_n3A_2021 {offsets = [0, 0], sizes = [8, 1020], strides = [1, 1]} : vector<8x1024xf32> to vector<8x1020xf32>
    %concatenate3A_2034 = tpu.concatenate %slice3A_2032, %slice3A_2033 in 1 : vector<8x4xf32>, vector<8x1020xf32> -> vector<8x1024xf32>
    %select_n3A_2035 = arith.select %eq3A_2028, %concatenate3A_2031, %concatenate3A_2034 : vector<8x1024xi1>, vector<8x1024xf32>
    %slice3A_2036 = vector.extract_strided_slice %select_n3A_2022 {offsets = [0, 4], sizes = [8, 1020], strides = [1, 1]} : vector<8x1024xi32> to vector<8x1020xi32>
    %slice3A_2037 = vector.extract_strided_slice %select_n3A_2022 {offsets = [0, 0], sizes = [8, 4], strides = [1, 1]} : vector<8x1024xi32> to vector<8x4xi32>
    %concatenate3A_2038 = tpu.concatenate %slice3A_2036, %slice3A_2037 in 1 : vector<8x1020xi32>, vector<8x4xi32> -> vector<8x1024xi32>
    %slice3A_2039 = vector.extract_strided_slice %select_n3A_2022 {offsets = [0, 1020], sizes = [8, 4], strides = [1, 1]} : vector<8x1024xi32> to vector<8x4xi32>
    %slice3A_2040 = vector.extract_strided_slice %select_n3A_2022 {offsets = [0, 0], sizes = [8, 1020], strides = [1, 1]} : vector<8x1024xi32> to vector<8x1020xi32>
    %concatenate3A_2041 = tpu.concatenate %slice3A_2039, %slice3A_2040 in 1 : vector<8x4xi32>, vector<8x1020xi32> -> vector<8x1024xi32>
    %select_n3A_2042 = arith.select %eq3A_2028, %concatenate3A_2038, %concatenate3A_2041 : vector<8x1024xi1>, vector<8x1024xi32>
    %and3A_2043 = arith.constant 1024 : i32
    %and3A_2044 = vector.broadcast %and3A_2043 : i32 to vector<8x1024xi32>
    %and3A_2045 = arith.andi %iota3A, %and3A_2044 : vector<8x1024xi32>
    %eq3A_2046 = arith.constant 0 : i32
    %eq3A_2047 = vector.broadcast %eq3A_2046 : i32 to vector<8x1024xi32>
    %eq3A_2048 = arith.cmpi eq, %and3A_2045, %eq3A_2047 : vector<8x1024xi32>
    %lt3A_2049 = arith.cmpf olt, %select_n3A_2035, %select_n3A_2021 : vector<8x1024xf32>
    %eq3A_2050 = arith.cmpf oeq, %select_n3A_2035, %select_n3A_2021 : vector<8x1024xf32>
    %lt3A_2051 = arith.cmpi slt, %select_n3A_2042, %select_n3A_2022 : vector<8x1024xi32>
    %and3A_2052 = arith.andi %eq3A_2050, %lt3A_2051 : vector<8x1024xi1>
    %or3A_2053 = arith.ori %lt3A_2049, %and3A_2052 : vector<8x1024xi1>
    %eq3A_2054 = arith.xori %eq3A_2028, %eq3A_2048 : vector<8x1024xi1>
    %eq3A_2055 = arith.constant dense<true> : vector<8x1024xi1>
    %eq3A_2056 = arith.xori %eq3A_2054, %eq3A_2055 : vector<8x1024xi1>
    %eq3A_2057 = arith.xori %or3A_2053, %eq3A_2056 : vector<8x1024xi1>
    %eq3A_2058 = arith.constant dense<true> : vector<8x1024xi1>
    %eq3A_2059 = arith.xori %eq3A_2057, %eq3A_2058 : vector<8x1024xi1>
    %select_n3A_2060 = arith.select %eq3A_2059, %select_n3A_2035, %select_n3A_2021 : vector<8x1024xi1>, vector<8x1024xf32>
    %select_n3A_2061 = arith.select %eq3A_2059, %select_n3A_2042, %select_n3A_2022 : vector<8x1024xi1>, vector<8x1024xi32>
    %and3A_2062 = arith.constant 2 : i32
    %and3A_2063 = vector.broadcast %and3A_2062 : i32 to vector<8x1024xi32>
    %and3A_2064 = arith.andi %iota3A, %and3A_2063 : vector<8x1024xi32>
    %eq3A_2065 = arith.constant 0 : i32
    %eq3A_2066 = vector.broadcast %eq3A_2065 : i32 to vector<8x1024xi32>
    %eq3A_2067 = arith.cmpi eq, %and3A_2064, %eq3A_2066 : vector<8x1024xi32>
    %slice3A_2068 = vector.extract_strided_slice %select_n3A_2060 {offsets = [0, 2], sizes = [8, 1022], strides = [1, 1]} : vector<8x1024xf32> to vector<8x1022xf32>
    %slice3A_2069 = vector.extract_strided_slice %select_n3A_2060 {offsets = [0, 0], sizes = [8, 2], strides = [1, 1]} : vector<8x1024xf32> to vector<8x2xf32>
    %concatenate3A_2070 = tpu.concatenate %slice3A_2068, %slice3A_2069 in 1 : vector<8x1022xf32>, vector<8x2xf32> -> vector<8x1024xf32>
    %slice3A_2071 = vector.extract_strided_slice %select_n3A_2060 {offsets = [0, 1022], sizes = [8, 2], strides = [1, 1]} : vector<8x1024xf32> to vector<8x2xf32>
    %slice3A_2072 = vector.extract_strided_slice %select_n3A_2060 {offsets = [0, 0], sizes = [8, 1022], strides = [1, 1]} : vector<8x1024xf32> to vector<8x1022xf32>
    %concatenate3A_2073 = tpu.concatenate %slice3A_2071, %slice3A_2072 in 1 : vector<8x2xf32>, vector<8x1022xf32> -> vector<8x1024xf32>
    %select_n3A_2074 = arith.select %eq3A_2067, %concatenate3A_2070, %concatenate3A_2073 : vector<8x1024xi1>, vector<8x1024xf32>
    %slice3A_2075 = vector.extract_strided_slice %select_n3A_2061 {offsets = [0, 2], sizes = [8, 1022], strides = [1, 1]} : vector<8x1024xi32> to vector<8x1022xi32>
    %slice3A_2076 = vector.extract_strided_slice %select_n3A_2061 {offsets = [0, 0], sizes = [8, 2], strides = [1, 1]} : vector<8x1024xi32> to vector<8x2xi32>
    %concatenate3A_2077 = tpu.concatenate %slice3A_2075, %slice3A_2076 in 1 : vector<8x1022xi32>, vector<8x2xi32> -> vector<8x1024xi32>
    %slice3A_2078 = vector.extract_strided_slice %select_n3A_2061 {offsets = [0, 1022], sizes = [8, 2], strides = [1, 1]} : vector<8x1024xi32> to vector<8x2xi32>
    %slice3A_2079 = vector.extract_strided_slice %select_n3A_2061 {offsets = [0, 0], sizes = [8, 1022], strides = [1, 1]} : vector<8x1024xi32> to vector<8x1022xi32>
    %concatenate3A_2080 = tpu.concatenate %slice3A_2078, %slice3A_2079 in 1 : vector<8x2xi32>, vector<8x1022xi32> -> vector<8x1024xi32>
    %select_n3A_2081 = arith.select %eq3A_2067, %concatenate3A_2077, %concatenate3A_2080 : vector<8x1024xi1>, vector<8x1024xi32>
    %and3A_2082 = arith.constant 1024 : i32
    %and3A_2083 = vector.broadcast %and3A_2082 : i32 to vector<8x1024xi32>
    %and3A_2084 = arith.andi %iota3A, %and3A_2083 : vector<8x1024xi32>
    %eq3A_2085 = arith.constant 0 : i32
    %eq3A_2086 = vector.broadcast %eq3A_2085 : i32 to vector<8x1024xi32>
    %eq3A_2087 = arith.cmpi eq, %and3A_2084, %eq3A_2086 : vector<8x1024xi32>
    %lt3A_2088 = arith.cmpf olt, %select_n3A_2074, %select_n3A_2060 : vector<8x1024xf32>
    %eq3A_2089 = arith.cmpf oeq, %select_n3A_2074, %select_n3A_2060 : vector<8x1024xf32>
    %lt3A_2090 = arith.cmpi slt, %select_n3A_2081, %select_n3A_2061 : vector<8x1024xi32>
    %and3A_2091 = arith.andi %eq3A_2089, %lt3A_2090 : vector<8x1024xi1>
    %or3A_2092 = arith.ori %lt3A_2088, %and3A_2091 : vector<8x1024xi1>
    %eq3A_2093 = arith.xori %eq3A_2067, %eq3A_2087 : vector<8x1024xi1>
    %eq3A_2094 = arith.constant dense<true> : vector<8x1024xi1>
    %eq3A_2095 = arith.xori %eq3A_2093, %eq3A_2094 : vector<8x1024xi1>
    %eq3A_2096 = arith.xori %or3A_2092, %eq3A_2095 : vector<8x1024xi1>
    %eq3A_2097 = arith.constant dense<true> : vector<8x1024xi1>
    %eq3A_2098 = arith.xori %eq3A_2096, %eq3A_2097 : vector<8x1024xi1>
    %select_n3A_2099 = arith.select %eq3A_2098, %select_n3A_2074, %select_n3A_2060 : vector<8x1024xi1>, vector<8x1024xf32>
    %select_n3A_2100 = arith.select %eq3A_2098, %select_n3A_2081, %select_n3A_2061 : vector<8x1024xi1>, vector<8x1024xi32>
    %and3A_2101 = arith.constant 1 : i32
    %and3A_2102 = vector.broadcast %and3A_2101 : i32 to vector<8x1024xi32>
    %and3A_2103 = arith.andi %iota3A, %and3A_2102 : vector<8x1024xi32>
    %eq3A_2104 = arith.constant 0 : i32
    %eq3A_2105 = vector.broadcast %eq3A_2104 : i32 to vector<8x1024xi32>
    %eq3A_2106 = arith.cmpi eq, %and3A_2103, %eq3A_2105 : vector<8x1024xi32>
    %slice3A_2107 = vector.extract_strided_slice %select_n3A_2099 {offsets = [0, 1], sizes = [8, 1023], strides = [1, 1]} : vector<8x1024xf32> to vector<8x1023xf32>
    %slice3A_2108 = vector.extract_strided_slice %select_n3A_2099 {offsets = [0, 0], sizes = [8, 1], strides = [1, 1]} : vector<8x1024xf32> to vector<8x1xf32>
    %concatenate3A_2109 = tpu.concatenate %slice3A_2107, %slice3A_2108 in 1 : vector<8x1023xf32>, vector<8x1xf32> -> vector<8x1024xf32>
    %slice3A_2110 = vector.extract_strided_slice %select_n3A_2099 {offsets = [0, 1023], sizes = [8, 1], strides = [1, 1]} : vector<8x1024xf32> to vector<8x1xf32>
    %slice3A_2111 = vector.extract_strided_slice %select_n3A_2099 {offsets = [0, 0], sizes = [8, 1023], strides = [1, 1]} : vector<8x1024xf32> to vector<8x1023xf32>
    %concatenate3A_2112 = tpu.concatenate %slice3A_2110, %slice3A_2111 in 1 : vector<8x1xf32>, vector<8x1023xf32> -> vector<8x1024xf32>
    %select_n3A_2113 = arith.select %eq3A_2106, %concatenate3A_2109, %concatenate3A_2112 : vector<8x1024xi1>, vector<8x1024xf32>
    %slice3A_2114 = vector.extract_strided_slice %select_n3A_2100 {offsets = [0, 1], sizes = [8, 1023], strides = [1, 1]} : vector<8x1024xi32> to vector<8x1023xi32>
    %slice3A_2115 = vector.extract_strided_slice %select_n3A_2100 {offsets = [0, 0], sizes = [8, 1], strides = [1, 1]} : vector<8x1024xi32> to vector<8x1xi32>
    %concatenate3A_2116 = tpu.concatenate %slice3A_2114, %slice3A_2115 in 1 : vector<8x1023xi32>, vector<8x1xi32> -> vector<8x1024xi32>
    %slice3A_2117 = vector.extract_strided_slice %select_n3A_2100 {offsets = [0, 1023], sizes = [8, 1], strides = [1, 1]} : vector<8x1024xi32> to vector<8x1xi32>
    %slice3A_2118 = vector.extract_strided_slice %select_n3A_2100 {offsets = [0, 0], sizes = [8, 1023], strides = [1, 1]} : vector<8x1024xi32> to vector<8x1023xi32>
    %concatenate3A_2119 = tpu.concatenate %slice3A_2117, %slice3A_2118 in 1 : vector<8x1xi32>, vector<8x1023xi32> -> vector<8x1024xi32>
    %select_n3A_2120 = arith.select %eq3A_2106, %concatenate3A_2116, %concatenate3A_2119 : vector<8x1024xi1>, vector<8x1024xi32>
    %and3A_2121 = arith.constant 1024 : i32
    %and3A_2122 = vector.broadcast %and3A_2121 : i32 to vector<8x1024xi32>
    %and3A_2123 = arith.andi %iota3A, %and3A_2122 : vector<8x1024xi32>
    %eq3A_2124 = arith.constant 0 : i32
    %eq3A_2125 = vector.broadcast %eq3A_2124 : i32 to vector<8x1024xi32>
    %eq3A_2126 = arith.cmpi eq, %and3A_2123, %eq3A_2125 : vector<8x1024xi32>
    %lt3A_2127 = arith.cmpf olt, %select_n3A_2113, %select_n3A_2099 : vector<8x1024xf32>
    %eq3A_2128 = arith.cmpf oeq, %select_n3A_2113, %select_n3A_2099 : vector<8x1024xf32>
    %lt3A_2129 = arith.cmpi slt, %select_n3A_2120, %select_n3A_2100 : vector<8x1024xi32>
    %and3A_2130 = arith.andi %eq3A_2128, %lt3A_2129 : vector<8x1024xi1>
    %or3A_2131 = arith.ori %lt3A_2127, %and3A_2130 : vector<8x1024xi1>
    %eq3A_2132 = arith.xori %eq3A_2106, %eq3A_2126 : vector<8x1024xi1>
    %eq3A_2133 = arith.constant dense<true> : vector<8x1024xi1>
    %eq3A_2134 = arith.xori %eq3A_2132, %eq3A_2133 : vector<8x1024xi1>
    %eq3A_2135 = arith.xori %or3A_2131, %eq3A_2134 : vector<8x1024xi1>
    %eq3A_2136 = arith.constant dense<true> : vector<8x1024xi1>
    %eq3A_2137 = arith.xori %eq3A_2135, %eq3A_2136 : vector<8x1024xi1>
    %select_n3A_2138 = arith.select %eq3A_2137, %select_n3A_2120, %select_n3A_2100 : vector<8x1024xi1>, vector<8x1024xi32>
    %swap3A = arith.constant 0 : index
    %swap3A_2139 = arith.constant 0 : index
    %swap3A_2140 = vector.load %arg1[%swap3A, %swap3A_2139] : memref<8x1024xi32, #tpu.memory_space<vmem>>, vector<8x1024xi32>
    tpu.vector_store %arg1[%swap3A, %swap3A_2139], %select_n3A_2138 {strides = array<i32>} : memref<8x1024xi32, #tpu.memory_space<vmem>>, vector<8x1024xi32>,
    return
  }
}

module attributes {stable_mosaic.version = 14 : i64} {
  func.func @_permute_body(%arg0: i32, %arg1: memref<2048x1xi32, #tpu.memory_space<vmem>>, %arg2: memref<1024x64xf32, #tpu.memory_space<vmem>>, %arg3: memref<2048x64xf32, #tpu.memory_space<vmem>>) attributes {dimension_semantics = [#tpu.dimension_semantics<parallel>], iteration_bounds = array<i64: 4>, scalar_prefetch = 0 : i64, scratch_operands = 0 : i64, tpu.core_type = #tpu.core_type<tc>, window_params = [{transform_indices = @transform_0, window_bounds = array<i64: 2048, 1>}, {pipeline_mode = #tpu.pipeline_mode<synchronous>, transform_indices = @transform_1, window_bounds = array<i64: 1024, 64>}, {transform_indices = @transform_2, window_bounds = array<i64: 2048, 64>}]} {
    %iota3A = tpu.iota {dimensions = array<i32: 1>} : vector<2048x1024xi32>
    %get3A = arith.constant 0 : index
    %get3A_0 = arith.constant 0 : index
    %get3A_1 = vector.load %arg1[%get3A, %get3A_0] : memref<2048x1xi32, #tpu.memory_space<vmem>>, vector<2048x1xi32>
    %eq3A = vector.broadcast %get3A_1 : vector<2048x1xi32> to vector<2048x1024xi32>
    %eq3A_2 = arith.cmpi eq, %iota3A, %eq3A : vector<2048x1024xi32>
    %convert_element_type3A = arith.extui %eq3A_2 : vector<2048x1024xi1> to vector<2048x1024xi32>
    %convert_element_type3A_3 = arith.sitofp %convert_element_type3A : vector<2048x1024xi32> to vector<2048x1024xf32>
    %get3A_4 = arith.constant 0 : index
    %get3A_5 = arith.constant 0 : index
    %get3A_6 = vector.load %arg2[%get3A_4, %get3A_5] : memref<1024x64xf32, #tpu.memory_space<vmem>>, vector<1024x64xf32>
    %dot_general3A = arith.constant dense<0.000000e+00> : vector<2048x64xf32>
    %dot_general3A_7 = tpu.matmul %convert_element_type3A_3, %get3A_6, %dot_general3A {dimension_numbers = #tpu.dot_dimension_numbers<[1], [0], [0], [1], [0, 0, 1, 1], [], []>, transpose_lhs_hint = false} : vector<2048x1024xf32>, vector<1024x64xf32>, vector<2048x64xf32> -> vector<2048x64xf32>
    %swap3A = arith.constant 0 : index
    %swap3A_8 = arith.constant 0 : index
    %swap3A_9 = vector.load %arg3[%swap3A, %swap3A_8] : memref<2048x64xf32, #tpu.memory_space<vmem>>, vector<2048x64xf32>
    tpu.vector_store %arg3[%swap3A, %swap3A_8], %dot_general3A_7 {strides = array<i32>} : memref<2048x64xf32, #tpu.memory_space<vmem>>, vector<2048x64xf32>,
    return
  }
  func.func @transform_0(%arg0: i32) -> (i32, i32) {
    %c0_i32 = arith.constant 0 : i32
    %c0_i32_0 = arith.constant 0 : i32
    return %arg0, %c0_i32 : i32, i32
  }
  func.func @transform_1(%arg0: i32) -> (i32, i32) {
    %c0_i32 = arith.constant 0 : i32
    %c0_i32_0 = arith.constant 0 : i32
    %c0_i32_1 = arith.constant 0 : i32
    return %c0_i32, %c0_i32_0 : i32, i32
  }
  func.func @transform_2(%arg0: i32) -> (i32, i32) {
    %c0_i32 = arith.constant 0 : i32
    %c0_i32_0 = arith.constant 0 : i32
    return %arg0, %c0_i32 : i32, i32
  }
}

</mosaic_0001>

<sc_bundles>
// kernel: kernel.5.cloned.1.call-start
scs
__scs_entry_jumppad:
0x0: {  	(pc) =	sbr.rel $0x88, $3  }
0x1: {  	(tag) =	ssettag $0x0;
	lr =	simm.s32 $0x1  }
0x2: {  	[smem:$0x3F9F] =	sst lr;
	_ =	strace $0xD0000000  }
0x3: {  	_ = 	snop  }
0x4: {  	_ = 	snop  }
0x5: {  	_ = 	snop  }
0x6: {  	_ = 	snop  }
0x7: {  	_ = 	snop  }
__scs_overlays_trampoline_lowered:
0x8: {  	[smem:$0x3FAE] =	sst s0  }
0x9: {  	[smem:$0x3FAF] =	sst s1  }
0xa: {  	[smem:$0x3FB0] =	sst s2  }
0xb: {  	[smem:$0x3FB1] =	sst s3  }
0xc: {  	[smem:$0x3FB2] =	sst s4  }
0xd: {  	[smem:$0x3FB3] =	sst s5  }
0xe: {  	[smem:$0x3FB4] =	sst s6  }
0xf: {  	[smem:$0x3FB5] =	sst s7  }
0x10: {  	[smem:$0x3FB6] =	sst s8  }
0x11: {  	[smem:$0x3FB7] =	sst s9;
	s0 =	simm.s32 @!p0 $0x0  }
0x12: {  	s1 =	sld [smem:$0x3F9D];
	s0 =	simm.s32 @p0 $0x1  }
0x13: {  	[smem:$0x3FB8] =	sst s0;
	s0 =	simm.s32 @!p1 $0x0  }
0x14: {  	s2 =	sld [smem:$0x3F9C];
	s0 =	simm.s32 @p1 $0x1  }
0x15: {  	[smem:$0x3FB9] =	sst s0;
	s0 =	simm.s32 @!p2 $0x0  }
0x16: {  	s3 =	sld [smem:$0x3FDB];
	s0 =	simm.s32 @p2 $0x1  }
0x17: {  	s4 =	simm.s32 $0x1BF5;
	[smem:$0x3FBB] =	sst s0  }
0x18: {  	s0 =	sld [smem:$0x3F9E];
	_ =	swait.ge [sflag:s4], $0x0  }
0x19: {  	s7 =	sld [smem:$0x3F9F]  }
0x1a: {  	s8 =	sadd.s32 $0xFFFFE003, lr  }
0x1b: {  	s9 =	sadd.s32 $0xFFFFFEF7, lr;
	s5 =	simm.s32 $0xFFFFFFFF;
	p2 =	slt.u32 s8, $0xFFFFF086  }
0x1c: {  	p1 =	slt.u32 s9, $0xF7A;
	s5 =	simm.s32 @!p2 $0x0  }
0x1d: {  	s5 =	simm.s32 @p1 $0x1;
	p0 =	seq.s32 s7, s2  }
0x1e: {  	s7 =	smul.u32 @!p0 $0xF7A, s2;
	p2 =	seq.s32 @!p0 s5, $0x0  }
0x1f: {  	s9 =	smul.u32 $0xF7A, s1;
	s8 =	simm.s32 @!p0 $0x1BF5;
	p2 =	por !p2, p0  }
0x20: {  	[sflag:s8] =	ssyncset.s32 @!p0 $0xFFFFF086;
	s6 =	sadd.s32 @!p0 s3, s7;
	s7 =	simm.s32 @!p0 $0x108  }
0x21: {  	s3 =	sadd.s32 s3, s9;
	s6 =	sadd.s32 @!p0 $0x88, s6;
	s7 =	simm.s32 @p2 $0x1082  }
0x22: {  	[simem:s7], [sflag:s8] =	dma.local @!p0 [hbm:s6], $0xF7A  }
0x23: {  	s9 =	sor.u32 $0xD0000000, s2;
	s6 =	simm.s32 $0x108;
	_ =	swait.ge @!p0 [sflag:s8], $0x0  }
0x24: {  	s3 =	sadd.s32 $0x88, s3;
	s6 =	simm.s32 @!p1 $0x1082;
	[sflag:s4] =	ssyncset.s32 $0xFFFFF086  }
0x25: {  	[simem:s6], [sflag:s4] =	dma.local [hbm:s3], $0xF7A  }
0x26: {  	[smem:$0x3F9F] =	sst s1;
	(tag) =	ssettag s2;
	_ =	strace s9  }
0x27: {  	s1 =	sld [smem:$0x3FAF]  }
0x28: {  	s2 =	sld [smem:$0x3FB0]  }
0x29: {  	s4 =	sld [smem:$0x3FB2]  }
0x2a: {  	p0 =	seq.s32 s5, $0x0;
	s5 =	sld [smem:$0x3FB3]  }
0x2b: {  	s6 =	sld [smem:$0x3FB4]  }
0x2c: {  	s7 =	sld [smem:$0x3FB5]  }
0x2d: {  	s3 =	simm.s32 $0x108;
	s8 =	sld [smem:$0x3FB6]  }
0x2e: {  	s3 =	simm.s32 @!p0 $0x1082;
	s9 =	sld [smem:$0x3FB7]  }
0x2f: {  	lr =	sadd.s32 s0, s3;
	s0 =	sld [smem:$0x3FAE]  }
0x30: {  	s3 =	sld [smem:$0x3FB1]  }
0x31: {  	[smem:$0x3FBA] =	sst s10  }
0x32: {  	s10 =	sld [smem:$0x3FB8];
	_ =	sdelay $0x3  }
0x33: {  	p0 =	seq.s32 s10, $0x1;
	s10 =	sld [smem:$0x3FBA];
	_ =	sdelay $0x3  }
0x34: {  	[smem:$0x3FBA] =	sst s10  }
0x35: {  	s10 =	sld [smem:$0x3FB9];
	_ =	sdelay $0x3  }
0x36: {  	p1 =	seq.s32 s10, $0x1;
	s10 =	sld [smem:$0x3FBA];
	_ =	sdelay $0x3  }
0x37: {  	[smem:$0x3FBA] =	sst s10  }
0x38: {  	s10 =	sld [smem:$0x3FBB]  }
0x39: {  	_ = 	snop;
	(pc) =	sbr.ind lr, $3  }
0x3a: {  	_ = 	snop  }
0x3b: {  	_ = 	snop  }
0x3c: {  	p2 =	seq.s32 s10, $0x1;
	s10 =	sld [smem:$0x3FBA]  }
0x3d: {  	_ =	shalt  }
0x3e: {  	_ =	shalt  }
0x3f: {  	_ =	shalt  }
0x40: {  	_ =	shalt  }
0x41: {  	_ =	shalt  }
0x42: {  	_ =	shalt  }
0x43: {  	_ =	shalt  }
0x44: {  	_ =	shalt  }
0x45: {  	_ =	shalt  }
0x46: {  	_ =	shalt  }
0x47: {  	_ =	shalt  }
0x48: {  	_ =	shalt  }
0x49: {  	_ =	shalt  }
0x4a: {  	_ =	shalt  }
0x4b: {  	_ =	shalt  }
0x4c: {  	_ =	shalt  }
0x4d: {  	_ =	shalt  }
0x4e: {  	_ =	shalt  }
0x4f: {  	_ =	shalt  }
0x50: {  	_ =	shalt  }
0x51: {  	_ =	shalt  }
0x52: {  	_ =	shalt  }
0x53: {  	_ =	shalt  }
0x54: {  	_ =	shalt  }
0x55: {  	_ =	shalt  }
0x56: {  	_ =	shalt  }
0x57: {  	_ =	shalt  }
0x58: {  	_ =	shalt  }
0x59: {  	_ =	shalt  }
0x5a: {  	_ =	shalt  }
0x5b: {  	_ =	shalt  }
0x5c: {  	_ =	shalt  }
0x5d: {  	_ =	shalt  }
0x5e: {  	_ =	shalt  }
0x5f: {  	_ =	shalt  }
0x60: {  	_ =	shalt  }
0x61: {  	_ =	shalt  }
0x62: {  	_ =	shalt  }
0x63: {  	_ =	shalt  }
0x64: {  	_ =	shalt  }
0x65: {  	_ =	shalt  }
0x66: {  	_ =	shalt  }
0x67: {  	_ =	shalt  }
0x68: {  	_ =	shalt  }
0x69: {  	_ =	shalt  }
0x6a: {  	_ =	shalt  }
0x6b: {  	_ =	shalt  }
0x6c: {  	_ =	shalt  }
0x6d: {  	_ =	shalt  }
0x6e: {  	_ =	shalt  }
0x6f: {  	_ =	shalt  }
0x70: {  	_ =	shalt  }
0x71: {  	_ =	shalt  }
0x72: {  	_ =	shalt  }
0x73: {  	_ =	shalt  }
0x74: {  	_ =	shalt  }
0x75: {  	_ =	shalt  }
0x76: {  	_ =	shalt  }
0x77: {  	_ =	shalt  }
0x78: {  	_ =	shalt  }
0x79: {  	_ =	shalt  }
0x7a: {  	_ =	shalt  }
0x7b: {  	_ =	shalt  }
0x7c: {  	_ =	shalt  }
0x7d: {  	_ =	shalt  }
0x7e: {  	_ =	shalt  }
0x7f: {  	_ =	shalt  }
0x80: {  	_ =	shalt  }
0x81: {  	_ =	shalt  }
0x82: {  	_ =	shalt  }
0x83: {  	_ =	shalt  }
0x84: {  	_ =	shalt  }
0x85: {  	_ =	shalt  }
0x86: {  	_ =	shalt  }
0x87: {  	_ =	shalt  }
.Lfunc_end0:
.L_simem_size_0:
called_computation_lowered:
.L_overlay_start_0:
0x88: {  	s2 =	sld [smem:$0x3FD9]  }
0x89: {  	s3 =	sld [smem:$0x3FFE];
	_ =	sdelay $0x1  }
0x8a: {  	s1 =	srdreg.scid  }
0x8b: {  	s0 =	sand.u32 $0x1, s1  }
0x8c: {  	s17 =	sshll.u32 s0, $0xA;
	s2 =	sadd.s32 s3, s2  }
0x8d: {  	s2 =	sadd.s32 s2, s17  }
0x8e: {  	[smem:$0x3FC6] =	sst s2  }
0x8f: {  	_ = 	snop  }
0x90: {  	s2 =	sld [smem:$0x3FD0];
	(tm) =	ssettm $0x1  }
0x91: {  	s18 =	sld [smem:$0x3FFB];
	_ =	sdelay $0x3  }
0x92: {  	_ =	strace s18  }
0x93: {  	s3 =	sld [smem:$0x3FFC];
	_ =	sdelay $0x3  }
0x94: {  	_ =	strace s3  }
0x95: {  	s3 =	sld [smem:$0x3FFD];
	_ =	sdelay $0x3  }
0x96: {  	_ =	strace s3  }
0x97: {  	_ =	strace $0x8FFFFFFF  }
0x98: {  	s19 =	sld [smem:$0x3FDB];
	_ =	sdelay $0x1  }
0x99: {  	s4 =	simm.s32 $_scs_section_size  }
0x9a: {  	s5 =	simm.s32 $_size__tile_overlayer_lowered;
	s6 =	simm.s32 $_tile_overlayer_lowered  }
0x9b: {  	s22 =	simm.s32 $0x1BFF;
	s21 =	sshll.u32 s6, $0x1;
	s3 =	sadd.s32 s4, s19  }
0x9c: {  	s7 =	simm.s32 $0x0;
	s20 =	sshll.u32 s5, $0x1;
	s5 =	sadd.s32 s21, s3  }
0x9d: {  	[timem:s7], [sflag:s22] =	dma.local [hbm:s5], s20  }
0x9e: {  	_ =	swait.ge [sflag:s22], s20  }
0x9f: {  	s4 =	ssub.s32 $0x0, s20;
	[sflag:s22] =	ssyncset.done $0x0  }
0xa0: {  	[sflag:s22] =	ssyncadd.s32 s4;
	_ =	sdelay $0x1  }
0xa1: {  	s23 =	simm.s32 $0x1B8B  }
0xa2: {  	_ =	swait.ge [sflag:s23], $0x1  }
0xa3: {  	[sflag:s23] =	ssyncset.done $0x0  }
0xa4: {  	s25 =	simm.s32 $0x1B8E;
	s24 =	sld [smem:$0x3FFE];
	[sflag:s23] =	ssyncadd.s32 $0xFFFFFFFF  }
0xa5: {  	s26 =	simm.s32 $execute0_lowered;
	[smem:$0x3FD2] =	sst s25  }
0xa6: {  	s5 =	sshll.u32 s26, $0x1;
	_ =	strace $0x80000046;
	[dreg:$0x1] =	wrdreg $0xFFFFFFFF  }
0xa7: {  	s28 =	simm.s32 $_size_execute0_lowered;
	s3 =	sadd.s32 s3, s5;
	[dreg:$0x0] =	wrdreg $0x0  }
0xa8: {  	s5 =	sshll.u32 s28, $0x1;
	[dreg:$0x2] =	wrdreg s3  }
0xa9: {  	[dreg:$0x3] =	wrdreg s5  }
0xaa: {  	[dreg:$0x4] =	wrdreg $0xC0  }
0xab: {  	_ =	task [dreg:s7], $0x5FFFF  }
0xac: {  	[dreg:$0x1] =	wrdreg $0xFFFFFFFF  }
0xad: {  	[dreg:$0x0] =	wrdreg $0x60  }
0xae: {  	[dreg:$0x2] =	wrdreg s24  }
0xaf: {  	[dreg:$0x3] =	wrdreg s2  }
0xb0: {  	[dreg:$0x4] =	wrdreg $0x9  }
0xb1: {  	_ =	task.clear_ibuf [dreg:s7], $0x5FFFF;
	_ =	strace $0x90000046  }
0xb2: {  	s29 =	simm.s32 $0x9;
	_ =	strace $0x8000004F  }
0xb3: {  	_ =	swait.ge [sflag:s29], $0x1  }
0xb4: {  	[sflag:s29] =	ssyncadd.s32 $0xFFFFFFFF  }
0xb5: {  	_ =	strace $0x9000004F  }
0xb6: {  	_ =	sfence  }
0xb7: {  	s30 =	sld [smem:$0x0];
	_ =	sdelay $0x2  }
0xb8: {  	s31 =	sshll.u32 s1, $0xD;
	s1 =	sshrl.u32 s1, $0x2  }
0xb9: {  	s3 =	sand.u32 $0x4000, s31;
	s1 =	sadd.s32 s1, s30  }
0xba: {  	s0 =	sor.u32 s3, s0;
	s1 =	sshll.u32 s1, $0x11  }
0xbb: {  	s0 =	sor.u32 s1, s0  }
0xbc: {  	s0 =	sadd.s32 $0x8F2B, s0  }
0xbd: {  	[sflag:s0] =	ssyncadd.remote.s32 $0x1  }
0xbe: {  	_ =	sfence.sel $0xFFFF  }
0xbf: {  	[dreg:$0x0] =	wrdreg $0xFFFFFFFF;
	(pc) =	sbr.abs _section_cstart, $3  }
0xc0: {  	[dreg:$0x1] =	wrdreg $0xFFFFFFFF  }
0xc1: {  	_ =	task.clear_ibuf [dreg:s7], $0x2FFFF;
	_ =	strace $0x9FFFFFFF  }
0xc2: {  	(tm) =	ssettm $0x7FFFFFFF  }
0xc3: {  	_ =	shalt  }
tec
execute0_lowered:
.L_overlay_start_1:
0x0: {  	(tag) =	ssettag $0x1  }
0x1: {  	s0 =	srdreg.scid  }
0x2: {  	s10 =	sand.u32 $0x1, s0  }
0x3: {  	s1 =	stileid.u32;
	s3 =	sshll.u32 s10, $0x4  }
0x4: {  	s3 =	sor.u32 s1, s3  }
0x5: {  	p0 =	sgt.u32 s3, $0x7  }
.Ltmp0:
0x6: {  	_ = 	snop;
	(pc) =	sbr.rel @p0 .LBB2_4-.Ltmp0, $4  }
0x7: {  	s5 =	rddreg [dreg:$0x0]  }
0x8: {  	s9 =	rddreg [dreg:$0x1];
	s2 =	simm.s32 $0x0  }
0x9: {  	[smem:$0x7FF] =	sst s2  }
0xa: {  	s0 =	rddreg [dreg:$0x2];
	_ =	strace $0x80000047  }
0xb: {  	s11 =	smin.u32 s3, $0x8  }
0xc: {  	s3 =	sshll.u32 s11, $0x4  }
0xd: {  	_ =	strace $0x80000048;
	s3 =	sadd.s32 s5, s3  }
0xe: {  	[tilespmem:s2], [sflag:$0x1] =	stream.linear.gather [hbm4b:s3+s2], $0x80, $0x200038;
	[tilespmem:$0x8100] =	vst v63  }
0xf: {  	_ =	strace $0x90000048  }
0x10: {  	s4 =	simm.s32 $0x1;
	_ =	strace $0x8000004A  }
0x11: {  	_ =	swait.ge [sflag:s4], $0x80  }
0x12: {  	[sflag:s4] =	ssyncset.done $0x0  }
0x13: {  	[sflag:s4] =	ssyncadd.s32 $0xFFFFFF80  }
0x14: {  	s6 =	simm.s32 $0x80;
	s7 =	simm.s32 $0x100;
	_ =	strace $0x9000004A  }
0x15: {  	s8 =	simm.s32 $0x5;
	s5 =	sadd.s32 $0x200, s5;
	_ =	strace $0x8000004B  }
0x16: {  	[tilespmem:s7], [sflag:$0x5] =	stream.indirect.gather [hbm4b:s5+s6], $0x80, s2, s6, $0x2000b8;
	[tilespmem:$0x8100] =	vst v63  }
0x17: {  	s10 =	ssub.s32 $0x2, s10;
	_ =	swait.ge [sflag:s8], $0x4000  }
0x18: {  	s11 =	sshll.u32 s11, $0xB;
	s31 =	sshrl.u32 s10, $0x1;
	[sflag:s8] =	ssyncset.done $0x0  }
0x19: {  	s9 =	sadd.s32 s9, s11;
	s11 =	ssub.s32 s10, s31;
	[sflag:s8] =	ssyncadd.s32 $0xFFFFC000  }
0x1a: {  	s11 =	smax.u32 s11, $0x1;
	_ =	strace $0x9000004B  }
0x1b: {  	p0 =	sne.s32 s11, $0x1;
	_ =	strace $0x8000004C  }
0x1c: {  	[hbm4b:s9+s2] =	stream.linear.scatter [tilespmem:s7], [sflag:$0x3], $0x4000, $0x200038;
	[tilespmem:$0x8100] =	vst v63  }
.Ltmp1:
0x1d: {  	_ =	strace $0x9000004C;
	(pc) =	sbr.rel @!p0 .LBB2_3-.Ltmp1, $4  }
0x1e: {  	s10 =	simm.s32 $0x3;
	_ =	strace $0x8000004E  }
0x1f: {  	_ =	swait.ge [sflag:s10], $0x4000  }
0x20: {  	[sflag:s10] =	ssyncset.done $0x0  }
0x21: {  	s11 =	sadd.s32 $0xFFFFFFFF, s11;
	[sflag:s10] =	ssyncadd.s32 $0xFFFFC000  }
.LBB2_2:
0x22: {  	p0 =	sne.s32 s11, $0x1;
	s11 =	sadd.s32 $0xFFFFFFFF, s11;
	_ =	strace $0x9000004E  }
0x23: {  	_ =	strace $0x80000048  }
0x24: {  	[tilespmem:s2], [sflag:$0x1] =	stream.linear.gather [hbm4b:s3+s2], $0x80, $0x200038;
	[tilespmem:$0x8100] =	vst v63  }
0x25: {  	_ =	strace $0x90000048  }
0x26: {  	_ =	strace $0x8000004A  }
0x27: {  	_ =	swait.ge [sflag:s4], $0x80  }
0x28: {  	[sflag:s4] =	ssyncset.done $0x0  }
0x29: {  	[sflag:s4] =	ssyncadd.s32 $0xFFFFFF80  }
0x2a: {  	_ =	strace $0x9000004A  }
0x2b: {  	_ =	strace $0x8000004B  }
0x2c: {  	[tilespmem:s7], [sflag:$0x5] =	stream.indirect.gather [hbm4b:s5+s6], $0x80, s2, s6, $0x2000b8;
	[tilespmem:$0x8100] =	vst v63  }
0x2d: {  	_ =	swait.ge [sflag:s8], $0x4000  }
0x2e: {  	[sflag:s8] =	ssyncset.done $0x0  }
0x2f: {  	[sflag:s8] =	ssyncadd.s32 $0xFFFFC000  }
0x30: {  	_ =	strace $0x9000004B  }
0x31: {  	_ =	strace $0x8000004C  }
0x32: {  	[hbm4b:s9+s2] =	stream.linear.scatter [tilespmem:s7], [sflag:$0x3], $0x4000, $0x200038;
	[tilespmem:$0x8100] =	vst v63  }
.Ltmp2:
0x33: {  	_ =	strace $0x9000004C;
	(pc) =	sbr.rel @p0 .LBB2_2-.Ltmp2, $4  }
0x34: {  	_ =	strace $0x8000004E  }
0x35: {  	_ =	swait.ge [sflag:s10], $0x4000  }
0x36: {  	[sflag:s10] =	ssyncset.done $0x0  }
0x37: {  	[sflag:s10] =	ssyncadd.s32 $0xFFFFC000  }
.LBB2_3:
0x38: {  	_ =	strace $0x9000004E  }
.LBB2_4:
0x39: {  	_ =	sfence.sel $0x180000  }
0x3a: {  	[bflag:$0x0] =	sbarrier.arrive $0xFFFF  }
0x3b: {  	p0 =	sne.s32 s1, $0x0;
	_ =	strace $0x90000047  }
0x3c: {  	s0 =	sadd.s32 @!p0 $0x100000, s0;
	[bflag:$0x2] =	sbarrier.arrive $0xFFFF  }
0x3d: {  	[sflag:s0] =	ssyncadd.tile.s32 @!p0 $0x1;
	_ =	shalt  }
.Lfunc_end2:
_tile_overlayer_lowered:
.L_overlay_start_2:
0x3e: {  	(tag) =	ssettag $0x2  }
0x3f: {  	s0 =	rddreg [dreg:$0x0];
	s2 =	stileid.u32  }
0x40: {  	s1 =	rddreg [dreg:$0x1];
	p0 =	sne.s32 s2, $0x0  }
0x41: {  	s3 =	rddreg [dreg:$0x2];
	[bflag:$0x3] =	sbarrier.arrive $0xFFFF;
	s2 =	simm.s32 @!p0 $0x1C01  }
0x42: {  	[timem:s3], [sflag:s2] =	dma.local @!p0 [hbm:s0], s1  }
0x43: {  	s0 =	simm.s32 @!p0 $0x1  }
0x44: {  	_ =	swait.ge @!p0 [sflag:s0], s1  }
0x45: {  	s1 =	ssub.s32 @!p0 $0x0, s1;
	[sflag:s0] =	ssyncset.done @!p0 $0x0  }
0x46: {  	[sflag:s0] =	ssyncadd.s32 @!p0 s1  }
0x47: {  	[bflag:$0x3] =	sbarrier.arrive $0xFFFF  }
0x48: {  	_ =	shalt  }

</sc_bundles>
